<compile_context>
chip_gen: v7x
topology: tpu7x:2x2x1
jax: 0.10.2.dev20260603
libtpu: 0.0.44.dev20260713+nightly
codegen_flags: <defaults>
</compile_context>

<pallas_src>
import jax
import jax.numpy as jnp
from jax import lax
from jax.experimental import pallas as pl
from jax.experimental.pallas import tpu as pltpu
from jax.experimental.pallas import tpu_sc as plsc

N = 10000
E = 320000
NF = 128
EF = 16
GF = 200
DP = 256
SW = 64
NSL = DP // SW
NC = 2
NS = 16
NW = NC * NS
EPW = E // NW
KB = 400
NBLK = EPW // KB

_MESH = plsc.VectorSubcoreMesh(core_axis_name="c", subcore_axis_name="s")
_SC_PARAMS = pltpu.CompilerParams(needs_layout_passes=False,
                                  use_tc_tiling_on_sc=False)


def _loop(n, body):
    def f(i, c):
        body(i)
        return c
    lax.fori_loop(0, n, f, 0)


def _leaky(x):
    return jnp.maximum(x, 0.01 * x)


def _pad2(w, rows, cols):
    return jnp.zeros((rows, cols), jnp.float32).at[: w.shape[0], : w.shape[1]].set(w)


def _pad_row(b, cols):
    return jnp.zeros((1, cols), jnp.float32).at[0, : b.shape[0]].set(b)



def _sc_gather_body(table, srci, out, idx_v, rows_v, sem):
    wid = lax.axis_index("s") * NC + lax.axis_index("c")
    base = wid * EPW

    def blk(i):
        e0 = base + i * KB
        pltpu.sync_copy(srci.at[pl.ds(e0, KB)], idx_v)
        pltpu.async_copy(table.at[idx_v], rows_v, sem).wait()
        pltpu.sync_copy(rows_v, out.at[pl.ds(e0, KB)])

    _loop(NBLK, blk)


_sc_gather = pl.kernel(
    _sc_gather_body,
    compiler_params=_SC_PARAMS,
    out_type=jax.ShapeDtypeStruct((E, DP), jnp.float32),
    mesh=_MESH,
    scratch_types=[
        pltpu.VMEM((KB,), jnp.int32),
        pltpu.VMEM((KB, DP), jnp.float32),
        pltpu.SemaphoreType.DMA,
    ],
)


def _sc_seg_body(nscal, t_h, tabs_h, idxs_h, u_h, spart_h, tab_v, acc_v,
                 ii_v, tv_v, u_v):
    wid = lax.axis_index("s") * NC + lax.axis_index("c")
    base = wid * EPW

    for k in range(nscal):
        pltpu.sync_copy(tabs_h[k], tab_v.at[k])

    def z(i):
        acc_v[pl.ds(i * 16, 16)] = jnp.zeros((16,), jnp.float32)

    _loop(N // 16, z)

    def blk(i):
        e0 = base + i * KB
        for k in range(nscal):
            pltpu.sync_copy(idxs_h[k].at[pl.ds(e0, KB)], ii_v.at[k])
        if t_h is not None:
            pltpu.sync_copy(t_h.at[pl.ds(e0, KB)], tv_v)

        def grp(j):
            sl = pl.ds(j * 16, 16)
            idx0 = ii_v[0, sl]
            x = plsc.load_gather(tab_v.at[0], [idx0])
            for k in range(1, nscal):
                x = x + plsc.load_gather(tab_v.at[k], [ii_v[k, sl]])
            if t_h is not None:
                x = x + tv_v[sl]
            u = jnp.exp(jnp.maximum(x, 0.01 * x))
            u_v[sl] = u
            plsc.addupdate_scatter(acc_v, [idx0], u)

        _loop(KB // 16, grp)
        pltpu.sync_copy(u_v, u_h.at[pl.ds(e0, KB)])

    _loop(NBLK, blk)
    pltpu.sync_copy(acc_v, spart_h.at[wid])


def _make_sc_seg(nscal, with_t):
    def body(*refs):
        i = 0
        t_h = refs[i] if with_t else None
        i += 1 if with_t else 0
        tabs_h = refs[i:i + nscal]; i += nscal
        idxs_h = refs[i:i + nscal]; i += nscal
        u_h, spart_h, tab_v, acc_v, ii_v, tv_v, u_v = refs[i:]
        _sc_seg_body(nscal, t_h, tabs_h, idxs_h, u_h, spart_h, tab_v, acc_v,
                     ii_v, tv_v, u_v)

    return pl.kernel(
        body,
        compiler_params=_SC_PARAMS,
        out_type=(
            jax.ShapeDtypeStruct((E,), jnp.float32),
            jax.ShapeDtypeStruct((NW, N), jnp.float32),
        ),
        mesh=_MESH,
        scratch_types=[
            pltpu.VMEM((nscal, N), jnp.float32),
            pltpu.VMEM((N,), jnp.float32),
            pltpu.VMEM((nscal, KB), jnp.int32),
            pltpu.VMEM((KB,), jnp.float32),
            pltpu.VMEM((KB,), jnp.float32),
        ],
    )


_sc_seg1 = _make_sc_seg(1, True)
_sc_seg2 = _make_sc_seg(2, False)


def _edge_attn(u_v, r_v, di_v, a_v):
    def grp(j):
        sl = pl.ds(j * 16, 16)
        rg = plsc.load_gather(r_v, [di_v[sl]])
        a_v[sl] = u_v[sl] * rg

    _loop(KB // 16, grp)


def _sc_attn_body(u_h, r_h, dsti_h, a_h, r_v, di_v, u_v, a_v):
    wid = lax.axis_index("s") * NC + lax.axis_index("c")
    base = wid * EPW
    pltpu.sync_copy(r_h, r_v)

    def blk(i):
        e0 = base + i * KB
        pltpu.sync_copy(dsti_h.at[pl.ds(e0, KB)], di_v)
        pltpu.sync_copy(u_h.at[pl.ds(e0, KB)], u_v)
        _edge_attn(u_v, r_v, di_v, a_v)
        pltpu.sync_copy(a_v, a_h.at[pl.ds(e0, KB)])

    _loop(NBLK, blk)


_sc_attn = pl.kernel(
    _sc_attn_body,
    compiler_params=_SC_PARAMS,
    out_type=jax.ShapeDtypeStruct((E,), jnp.float32),
    mesh=_MESH,
    scratch_types=[
        pltpu.VMEM((N,), jnp.float32),
        pltpu.VMEM((KB,), jnp.int32),
        pltpu.VMEM((KB,), jnp.float32),
        pltpu.VMEM((KB,), jnp.float32),
    ],
)


def _scaled_scatter(rows_v, a_v, di_v, acc_sh):
    def sca(e):
        ab = plsc.load_gather(a_v, [jnp.full((16,), e, jnp.int32)])

        def col(j):
            sl = pl.ds(j * 16, 16)
            rows_v[e, sl] = rows_v[e, sl] * ab

        _loop(SW // 16, col)

    _loop(KB, sca)
    pltpu.sync_copy(rows_v, acc_sh.at[di_v], add=True)


def _make_sc_rowscat_lin(off):
    def body(rows_h, dsti_h, zero_h, out_h, di_v, rows_v, acc_sh, sem):
        c = lax.axis_index("c")
        s = lax.axis_index("s")
        wid = s * NC + c
        base = wid * EPW

        @pl.when(s == 0)
        def _():
            pltpu.sync_copy(zero_h, acc_sh)

        plsc.subcore_barrier()

        def blk(i):
            e0 = base + i * KB
            pltpu.sync_copy(dsti_h.at[pl.ds(e0, KB)], di_v)
            pltpu.sync_copy(rows_h.at[pl.ds(e0, KB), pl.ds(off, SW)], rows_v)
            pltpu.sync_copy(rows_v, acc_sh.at[di_v], add=True)

        _loop(NBLK, blk)
        plsc.subcore_barrier()

        @pl.when(s == 0)
        def _():
            pltpu.sync_copy(acc_sh, out_h.at[c])

    return pl.kernel(
        body,
        compiler_params=_SC_PARAMS,
        out_type=jax.ShapeDtypeStruct((NC, N, SW), jnp.float32),
        mesh=_MESH,
        scratch_types=[
            pltpu.VMEM((KB,), jnp.int32),
            pltpu.VMEM((KB, SW), jnp.float32),
            pltpu.VMEM_SHARED((N, SW), jnp.float32),
            pltpu.SemaphoreType.DMA,
        ],
    )


_sc_rowscat_lin = [_make_sc_rowscat_lin(k * SW) for k in range(NSL)]


def _sc_rowscat_gat_body(tab_h, a_h, srci_h, dsti_h, zero_h, out_h,
                         si_v, di_v, a_v, rows_v, acc_sh, sem):
    c = lax.axis_index("c")
    s = lax.axis_index("s")
    wid = s * NC + c
    base = wid * EPW

    @pl.when(s == 0)
    def _():
        pltpu.sync_copy(zero_h, acc_sh)

    plsc.subcore_barrier()

    def blk(i):
        e0 = base + i * KB
        pltpu.sync_copy(srci_h.at[pl.ds(e0, KB)], si_v)
        pltpu.sync_copy(dsti_h.at[pl.ds(e0, KB)], di_v)
        pltpu.sync_copy(a_h.at[pl.ds(e0, KB)], a_v)
        pltpu.async_copy(tab_h.at[si_v], rows_v, sem).wait()
        _scaled_scatter(rows_v, a_v, di_v, acc_sh)

    _loop(NBLK, blk)
    plsc.subcore_barrier()

    @pl.when(s == 0)
    def _():
        pltpu.sync_copy(acc_sh, out_h.at[c])


_sc_rowscat_gat = pl.kernel(
    _sc_rowscat_gat_body,
    compiler_params=_SC_PARAMS,
    out_type=jax.ShapeDtypeStruct((NC, N, SW), jnp.float32),
    mesh=_MESH,
    scratch_types=[
        pltpu.VMEM((KB,), jnp.int32),
        pltpu.VMEM((KB,), jnp.int32),
        pltpu.VMEM((KB,), jnp.float32),
        pltpu.VMEM((KB, SW), jnp.float32),
        pltpu.VMEM_SHARED((N, SW), jnp.float32),
        pltpu.SemaphoreType.DMA,
    ],
)



def _rowdot(a, w):
    return jnp.sum(a * w[...].reshape(1, -1), axis=1, keepdims=True)


def _dot(a, b):
    return jnp.dot(a, b, preferred_element_type=jnp.float32,
                   precision=lax.Precision.HIGHEST)


def _tc_prep_nodes_body(nf, wpnT, bpn, a1T, wq, b2, hv_o, p_o, qd_o):
    x = nf[...]
    hv = _leaky(_dot(x, wpnT[...]) + bpn[...])
    hv_o[...] = hv
    p_o[...] = _dot(x, a1T[...])
    qd_o[...] = _rowdot(hv, wq) + b2[...]


def _tc_prep_edges_body(ef, b1T, bpe1, out):
    out[...] = _dot(ef[...], b1T[...]) + bpe1[...]


def _tc_scale_body(he1, a, out):
    out[...] = he1[...] * a[...]


def _tc_logits_body(g, ep, w2, he1_o, t_o):
    he1 = _leaky(g[...] + ep[...])
    he1_o[...] = he1
    t_o[...] = _rowdot(he1, w2)


def _tc_recip_body(spart, r_o, s1_o):
    s = jnp.sum(spart[...], axis=0, keepdims=True)
    r = 1.0 / (s + 1e-16)
    r_o[...] = r
    s1_o[...] = s * r


def _elu(x):
    return jnp.where(x > 0, x, jnp.exp(x) - 1.0)


def _tc_mid_body(sp0, sp1, sp2, sp3, s1, hv, wetT, betp,
                 wir, wiz, winn, bir, biz, binn,
                 whr, whz, whn, bhr, bhz, bhn,
                 wpd, bpd, wps, w2k0, w2k1, w2k2, w2k3, b2k,
                 h_o, pd_o, ps_o, hvp0_o, hvp1_o, hvp2_o, hvp3_o):
    wet = wetT[...]
    c = betp[...] * s1[...]
    for k, spk in enumerate((sp0, sp1, sp2, sp3)):
        v = spk[...]
        c = c + _dot(v[0] + v[1], wet[k * SW:(k + 1) * SW, :])
    ctx = _elu(c)
    hvv = hv[...]
    r = jax.nn.sigmoid(_dot(ctx, wir[...]) + bir[...]
                       + _dot(hvv, whr[...]) + bhr[...])
    z = jax.nn.sigmoid(_dot(ctx, wiz[...]) + biz[...]
                       + _dot(hvv, whz[...]) + bhz[...])
    n = jnp.tanh(_dot(ctx, winn[...]) + binn[...]
                 + r * (_dot(hvv, whn[...]) + bhn[...]))
    h = jax.nn.relu((1.0 - z) * n + z * hvv)
    h_o[...] = h
    pd_o[...] = _rowdot(h, wpd) + bpd[...]
    ps_o[...] = _rowdot(h, wps)
    b2kv = b2k[...]
    hvp0_o[...] = _dot(h, w2k0[...]) + b2kv[:, 0 * SW:1 * SW]
    hvp1_o[...] = _dot(h, w2k1[...]) + b2kv[:, 1 * SW:2 * SW]
    hvp2_o[...] = _dot(h, w2k2[...]) + b2kv[:, 2 * SW:3 * SW]
    hvp3_o[...] = _dot(h, w2k3[...]) + b2kv[:, 3 * SW:4 * SW]


def _tc_gru2_body(c20, c21, c22, c23, h, wih_r, wih_z, wih_n, bir, biz, binn,
                  whr, whz, whn, bhr, bhz, bhn, h2_o):
    hv = h[...]
    wr = wih_r[...]
    wz = wih_z[...]
    wn = wih_n[...]
    gr = bir[...] + _dot(hv, whr[...]) + bhr[...]
    gz = biz[...] + _dot(hv, whz[...]) + bhz[...]
    gnh = _dot(hv, whn[...]) + bhn[...]
    gn = binn[...]
    for k, ck in enumerate((c20, c21, c22, c23)):
        v = ck[...]
        ek = _elu(v[0] + v[1])
        gr = gr + _dot(ek, wr[k * SW:(k + 1) * SW, :])
        gz = gz + _dot(ek, wz[k * SW:(k + 1) * SW, :])
        gn = gn + _dot(ek, wn[k * SW:(k + 1) * SW, :])
    r = jax.nn.sigmoid(gr)
    z = jax.nn.sigmoid(gz)
    n = jnp.tanh(gn + r * gnh)
    h2_o[...] = jax.nn.relu((1.0 - z) * n + z * hv)


def _tc_norm_body(h2, h, gam, bet, out_o):
    h2v = h2[...]
    mu = jnp.mean(h2v, axis=0, keepdims=True)
    var = jnp.mean((h2v - mu) ** 2, axis=0, keepdims=True)
    h2n = (h2v - mu) / jnp.sqrt(var + 1e-5) * gam[...] + bet[...]
    out_o[...] = (h[...] + h2n)[:, :GF]


def _call_full(body, out_shapes):
    return pl.pallas_call(body, out_shape=out_shapes)



def kernel(node_feats, edge_feats, edge_index, Wpn, bpn, Wpe1, bpe1, Wpe2,
           bpe2, Wet, bet, Wih1, bih1, Whh1, bhh1, Wpe_l, bpe_l, Wpn2, bpn2,
           Wih2, bih2, Whh2, bhh2, gamma, beta):
    f32 = jnp.float32
    src = edge_index[0].astype(jnp.int32)
    dst = edge_index[1].astype(jnp.int32)

    wpnT = _pad2(Wpn.T, NF, DP)
    bpn_p = _pad_row(bpn, DP)
    a1T = _pad2(Wpe1[:, :NF].T, NF, DP)
    b1T = _pad2(Wpe1[:, NF:].T, EF, DP)
    bpe1_p = _pad_row(bpe1, DP)
    wq = _pad2(Wpe2[0, :GF][:, None], DP, 1)
    b2 = bpe2.reshape(1, 1).astype(f32)
    w2p = _pad2(Wpe2[0, GF:][:, None], DP, 1)
    wetT = _pad2(Wet.T, DP, DP)
    bet_p = _pad_row(bet, DP)

    def gru_weights(Wih, bih, Whh, bhh):
        ws = [_pad2(Wih[g * GF:(g + 1) * GF].T, DP, DP) for g in range(3)]
        bs = [_pad_row(bih[g * GF:(g + 1) * GF], DP) for g in range(3)]
        whs = [_pad2(Whh[g * GF:(g + 1) * GF].T, DP, DP) for g in range(3)]
        bhs = [_pad_row(bhh[g * GF:(g + 1) * GF], DP) for g in range(3)]
        return ws, bs, whs, bhs

    wi1, bi1, wh1, bh1 = gru_weights(Wih1, bih1, Whh1, bhh1)
    wi2, bi2, wh2, bh2 = gru_weights(Wih2, bih2, Whh2, bhh2)
    wpd = _pad2(Wpe_l[0, :GF][:, None], DP, 1)
    bpd = bpe_l.reshape(1, 1).astype(f32)
    wps = _pad2(Wpe_l[0, GF:][:, None], DP, 1)
    wpn2T = _pad2(Wpn2.T, DP, DP)
    bpn2_p = _pad_row(bpn2, DP)
    gam_p = _pad_row(gamma, DP)
    beta_p = _pad_row(beta, DP)
    zero_sl = jnp.zeros((N, SW), f32)

    BN1 = 2000

    def _row1(i):
        return (i, 0)

    def _rep1(i):
        return (0, 0)

    hv_new, P, qd2 = pl.pallas_call(
        _tc_prep_nodes_body,
        grid=(N // BN1,),
        in_specs=[pl.BlockSpec((BN1, NF), _row1),
                  pl.BlockSpec((NF, DP), _rep1),
                  pl.BlockSpec((1, DP), _rep1),
                  pl.BlockSpec((NF, DP), _rep1),
                  pl.BlockSpec((DP, 1), _rep1),
                  pl.BlockSpec((1, 1), _rep1)],
        out_specs=(pl.BlockSpec((BN1, DP), _row1),
                   pl.BlockSpec((BN1, DP), _row1),
                   pl.BlockSpec((BN1, 1), _row1)),
        out_shape=(jax.ShapeDtypeStruct((N, DP), f32),
                   jax.ShapeDtypeStruct((N, DP), f32),
                   jax.ShapeDtypeStruct((N, 1), f32)),
    )(node_feats, wpnT, bpn_p, a1T, wq, b2)

    BE = 4000
    epb = pl.pallas_call(
        _tc_prep_edges_body,
        grid=(E // BE,),
        in_specs=[pl.BlockSpec((BE, EF), lambda i: (i, 0)),
                  pl.BlockSpec((EF, DP), lambda i: (0, 0)),
                  pl.BlockSpec((1, DP), lambda i: (0, 0))],
        out_specs=pl.BlockSpec((BE, DP), lambda i: (i, 0)),
        out_shape=jax.ShapeDtypeStruct((E, DP), f32),
    )(edge_feats, b1T, bpe1_p)

    G = _sc_gather(P, src)

    BE2 = 2000
    he1, t2 = pl.pallas_call(
        _tc_logits_body,
        grid=(E // BE2,),
        in_specs=[pl.BlockSpec((BE2, DP), lambda i: (i, 0)),
                  pl.BlockSpec((BE2, DP), lambda i: (i, 0)),
                  pl.BlockSpec((DP, 1), lambda i: (0, 0))],
        out_specs=(pl.BlockSpec((BE2, DP), lambda i: (i, 0)),
                   pl.BlockSpec((BE2, 1), lambda i: (i, 0))),
        out_shape=(jax.ShapeDtypeStruct((E, DP), f32),
                   jax.ShapeDtypeStruct((E, 1), f32)),
    )(G, epb, w2p)

    u, spart = _sc_seg1(t2.reshape(E), qd2.reshape(N), dst)

    r1n, s11n = _call_full(
        _tc_recip_body,
        (jax.ShapeDtypeStruct((1, N), f32),
         jax.ShapeDtypeStruct((1, N), f32)),
    )(spart)
    r_vec = r1n.reshape(N)

    a1 = _sc_attn(u, r_vec, dst)
    BE2b = 2000
    he1a = pl.pallas_call(
        _tc_scale_body,
        grid=(E // BE2b,),
        in_specs=[pl.BlockSpec((BE2b, DP), lambda i: (i, 0)),
                  pl.BlockSpec((BE2b, 1), lambda i: (i, 0))],
        out_specs=pl.BlockSpec((BE2b, DP), lambda i: (i, 0)),
        out_shape=jax.ShapeDtypeStruct((E, DP), f32),
    )(he1, a1.reshape(E, 1))
    s_parts = [_sc_rowscat_lin[k](he1a, dst, zero_sl) for k in range(NSL)]

    BN = 1000

    def _row(i):
        return (i, 0)

    def _rep2(i):
        return (0, 0)

    def _sp3(i):
        return (0, i, 0)

    _w = lambda shape: pl.BlockSpec(shape, _rep2)
    h, pd2, ps2, hvp0, hvp1, hvp2, hvp3 = pl.pallas_call(
        _tc_mid_body,
        grid=(N // BN,),
        in_specs=[pl.BlockSpec((NC, BN, SW), _sp3),
                  pl.BlockSpec((NC, BN, SW), _sp3),
                  pl.BlockSpec((NC, BN, SW), _sp3),
                  pl.BlockSpec((NC, BN, SW), _sp3),
                  pl.BlockSpec((BN, 1), _row),
                  pl.BlockSpec((BN, DP), _row),
                  _w((DP, DP)), _w((1, DP)),
                  _w((DP, DP)), _w((DP, DP)), _w((DP, DP)),
                  _w((1, DP)), _w((1, DP)), _w((1, DP)),
                  _w((DP, DP)), _w((DP, DP)), _w((DP, DP)),
                  _w((1, DP)), _w((1, DP)), _w((1, DP)),
                  _w((DP, 1)), _w((1, 1)), _w((DP, 1)),
                  _w((DP, SW)), _w((DP, SW)), _w((DP, SW)), _w((DP, SW)),
                  _w((1, DP))],
        out_specs=(pl.BlockSpec((BN, DP), _row),
                   pl.BlockSpec((BN, 1), _row),
                   pl.BlockSpec((BN, 1), _row),
                   pl.BlockSpec((BN, SW), _row),
                   pl.BlockSpec((BN, SW), _row),
                   pl.BlockSpec((BN, SW), _row),
                   pl.BlockSpec((BN, SW), _row)),
        out_shape=(jax.ShapeDtypeStruct((N, DP), f32),
                   jax.ShapeDtypeStruct((N, 1), f32),
                   jax.ShapeDtypeStruct((N, 1), f32),
                   jax.ShapeDtypeStruct((N, SW), f32),
                   jax.ShapeDtypeStruct((N, SW), f32),
                   jax.ShapeDtypeStruct((N, SW), f32),
                   jax.ShapeDtypeStruct((N, SW), f32)),
    )(s_parts[0], s_parts[1], s_parts[2], s_parts[3],
      s11n.reshape(N, 1), hv_new, wetT, bet_p,
      wi1[0], wi1[1], wi1[2], bi1[0], bi1[1], bi1[2],
      wh1[0], wh1[1], wh1[2], bh1[0], bh1[1], bh1[2],
      wpd, bpd, wps,
      wpn2T[:, 0 * SW:1 * SW], wpn2T[:, 1 * SW:2 * SW],
      wpn2T[:, 2 * SW:3 * SW], wpn2T[:, 3 * SW:4 * SW], bpn2_p)

    u2, spart2 = _sc_seg2(pd2.reshape(N), ps2.reshape(N), dst, src)

    r21n, _unused = _call_full(
        _tc_recip_body,
        (jax.ShapeDtypeStruct((1, N), f32),
         jax.ShapeDtypeStruct((1, N), f32)),
    )(spart2)
    r2_vec = r21n.reshape(N)

    a2 = _sc_attn(u2, r2_vec, dst)
    hvps = [hvp0, hvp1, hvp2, hvp3]
    c_parts = [_sc_rowscat_gat(hvps[k], a2, src, dst, zero_sl)
               for k in range(NSL)]

    h2 = pl.pallas_call(
        _tc_gru2_body,
        grid=(N // BN,),
        in_specs=[pl.BlockSpec((NC, BN, SW), _sp3),
                  pl.BlockSpec((NC, BN, SW), _sp3),
                  pl.BlockSpec((NC, BN, SW), _sp3),
                  pl.BlockSpec((NC, BN, SW), _sp3),
                  pl.BlockSpec((BN, DP), _row),
                  _w((DP, DP)), _w((DP, DP)), _w((DP, DP)),
                  _w((1, DP)), _w((1, DP)), _w((1, DP)),
                  _w((DP, DP)), _w((DP, DP)), _w((DP, DP)),
                  _w((1, DP)), _w((1, DP)), _w((1, DP))],
        out_specs=pl.BlockSpec((BN, DP), _row),
        out_shape=jax.ShapeDtypeStruct((N, DP), f32),
    )(c_parts[0], c_parts[1], c_parts[2], c_parts[3], h,
      wi2[0], wi2[1], wi2[2], bi2[0], bi2[1], bi2[2],
      wh2[0], wh2[1], wh2[2], bh2[0], bh2[1], bh2[2])

    out = _call_full(
        _tc_norm_body,
        jax.ShapeDtypeStruct((N, GF), f32),
    )(h2, h, gam_p, beta_p)
    return out

# --- scband reference (transcript-rebuilt; emitter-appended) ---
"""Pipeline reference for scband-dtipredictor-v4-6373731467767 (READ-ONLY COPY).

The authoritative reference and input builder live on the scoring server;
editing this copy changes nothing except your own understanding.
"""

import jax, jax.numpy as jnp
import numpy as np

N = 10000
E = 320000
NF = 128
EF = 16
GF = 200

def _leaky(x):
    return jax.nn.leaky_relu(x, 0.01)

def _edge_softmax(logits, dst, n):
    m = jax.ops.segment_max(logits, dst, num_segments=n)
    m = jnp.where(jnp.isfinite(m), m, 0.0)
    e = jnp.exp(logits - m[dst])
    s = jax.ops.segment_sum(e, dst, num_segments=n)
    return e / (s[dst] + 1e-16)

def _gru(x, h, Wih, bih, Whh, bhh):
    gi = x @ Wih.T + bih
    gh = h @ Whh.T + bhh
    ir, iz, inn = jnp.split(gi, 3, axis=1)
    hr, hz, hn = jnp.split(gh, 3, axis=1)
    r = jax.nn.sigmoid(ir + hr)
    z = jax.nn.sigmoid(iz + hz)
    nn_ = jnp.tanh(inn + r * hn)
    return (1.0 - z) * nn_ + z * h

def _forward(node_feats, edge_feats, Wpn, bpn, Wpe1, bpe1, Wpe2, bpe2, Wet, bet, Wih1, bih1, Whh1, bhh1, Wpe_l, bpe_l, Wpn2, bpn2, Wih2, bih2, Whh2, bhh2, gamma, beta, edge_index):
    src = edge_index[0]
    dst = edge_index[1]
    n = node_feats.shape[0]
    # GetContext
    hv_new = _leaky(node_feats @ Wpn.T + bpn)
    he1 = _leaky(jnp.concatenate([node_feats[src], edge_feats], axis=1) @ Wpe1.T + bpe1)
    he2 = jnp.concatenate([hv_new[dst], he1], axis=1)
    logits = _leaky(he2 @ Wpe2.T + bpe2)
    a = _edge_softmax(logits, dst, n)
    e = a * (he1 @ Wet.T + bet)
    c = jax.ops.segment_sum(e, dst, num_segments=n)
    context = jax.nn.elu(c)
    h = jax.nn.relu(_gru(context, hv_new, Wih1, bih1, Whh1, bhh1))
    sum_feats = h
    # GNNLayer (num_layers=2 -> one extra layer)
    he = jnp.concatenate([h[dst], h[src]], axis=1)
    logits2 = _leaky(he @ Wpe_l.T + bpe_l)
    a2 = _edge_softmax(logits2, dst, n)
    hv_proj = h @ Wpn2.T + bpn2
    m = hv_proj[src] * a2
    c2 = jax.ops.segment_sum(m, dst, num_segments=n)
    ctx2 = jax.nn.elu(c2)
    h2 = jax.nn.relu(_gru(ctx2, h, Wih2, bih2, Whh2, bhh2))
    mu = h2.mean(axis=0)
    var = h2.var(axis=0)
    h2 = (h2 - mu) / jnp.sqrt(var + 1e-5) * gamma + beta
    return sum_feats + h2

def setup_inputs(seed: int = 0) -> dict:
    key = jax.random.key(seed)
    ks = jax.random.split(key, 24)
    def w(k, shape, fan_in):
        return (jax.random.normal(k, shape) * (1.0 / np.sqrt(fan_in))).astype(jnp.float32)
    inp = {}
    inp['node_feats'] = jax.random.normal(ks[0], (N, NF), dtype=jnp.float32)
    inp['edge_feats'] = jax.random.normal(ks[1], (E, EF), dtype=jnp.float32)
    inp['edge_index'] = jax.random.randint(ks[2], (2, E), 0, N)
    inp['Wpn'] = w(ks[3], (GF, NF), NF)
    inp['bpn'] = jnp.zeros((GF,), jnp.float32)
    inp['Wpe1'] = w(ks[4], (GF, NF + EF), NF + EF)
    inp['bpe1'] = jnp.zeros((GF,), jnp.float32)
    inp['Wpe2'] = w(ks[5], (1, 2 * GF), 2 * GF)
    inp['bpe2'] = jnp.zeros((1,), jnp.float32)
    inp['Wet'] = w(ks[6], (GF, GF), GF)
    inp['bet'] = jnp.zeros((GF,), jnp.float32)
    inp['Wih1'] = w(ks[7], (3 * GF, GF), GF)
    inp['bih1'] = jnp.zeros((3 * GF,), jnp.float32)
    inp['Whh1'] = w(ks[8], (3 * GF, GF), GF)
    inp['bhh1'] = jnp.zeros((3 * GF,), jnp.float32)
    inp['Wpe_l'] = w(ks[9], (1, 2 * GF), 2 * GF)
    inp['bpe_l'] = jnp.zeros((1,), jnp.float32)
    inp['Wpn2'] = w(ks[10], (GF, GF), GF)
    inp['bpn2'] = jnp.zeros((GF,), jnp.float32)
    inp['Wih2'] = w(ks[11], (3 * GF, GF), GF)
    inp['bih2'] = jnp.zeros((3 * GF,), jnp.float32)
    inp['Whh2'] = w(ks[12], (3 * GF, GF), GF)
    inp['bhh2'] = jnp.zeros((3 * GF,), jnp.float32)
    inp['gamma'] = jnp.ones((GF,), jnp.float32)
    inp['beta'] = jnp.zeros((GF,), jnp.float32)
    return inp

def reference(node_feats, edge_feats, edge_index, Wpn, bpn, Wpe1, bpe1, Wpe2, bpe2, Wet, bet, Wih1, bih1, Whh1, bhh1, Wpe_l, bpe_l, Wpn2, bpn2, Wih2, bih2, Whh2, bhh2, gamma, beta):
    return _forward(node_feats, edge_feats, Wpn, bpn, Wpe1, bpe1, Wpe2, bpe2, Wet, bet, Wih1, bih1, Whh1, bhh1, Wpe_l, bpe_l, Wpn2, bpn2, Wih2, bih2, Whh2, bhh2, gamma, beta, edge_index)

if __name__ == "__main__":
    import jax
    _d = setup_inputs()
    print(jax.jit(kernel)(*tuple(_d.values())))

</pallas_src>

<mosaic_0001>
#map = affine_map<(d0, d1) -> (0)>
#map1 = affine_map<(d0, d1) -> (0, 0)>
module attributes {stable_mosaic.version = 14 : i64} {
  func.func @body(%arg0: i32, %arg1: i32, %arg2: memref<320000xf32, #tpu.memory_space<hbm>>, %arg3: memref<10000xf32, #tpu.memory_space<hbm>>, %arg4: memref<320000xi32, #tpu.memory_space<hbm>>, %arg5: memref<320000xf32, #tpu.memory_space<hbm>>, %arg6: memref<32x10000xf32, #tpu.memory_space<hbm>>, %arg7: memref<1x10000xf32, #tpu.memory_space<vmem>>, %arg8: memref<10000xf32, #tpu.memory_space<vmem>>, %arg9: memref<1x400xi32, #tpu.memory_space<vmem>>, %arg10: memref<400xf32, #tpu.memory_space<vmem>>, %arg11: memref<400xf32, #tpu.memory_space<vmem>>) attributes {dimension_semantics = [#tpu.dimension_semantics<core_parallel>, #tpu.dimension_semantics<subcore_parallel>], iteration_bounds = array<i64: 2, 16>, scalar_prefetch = 0 : i64, scratch_operands = 5 : i64, tpu.core_type = #tpu.core_type<sc_vector_subcore>, window_params = [{transform_indices = #map}, {transform_indices = #map}, {transform_indices = #map}, {transform_indices = #map}, {transform_indices = #map1}]} {
    %mul3A = arith.constant 2 : i32
    %mul3A_0 = arith.muli %arg1, %mul3A : i32
    %add3A = arith.addi %mul3A_0, %arg0 : i32
    %mul3A_1 = arith.constant 10000 : i32
    %mul3A_2 = arith.muli %add3A, %mul3A_1 : i32
    %run_scoped3A = arith.constant 0 : i32
    "tpu.region"() ({
      %run_scoped3A_14 = tpu.sem_alloc : memref<!tpu.dma_semaphore, #tpu.memory_space<semaphore_mem>>
      %dma_start3A = arith.constant 0 : i32
      %dma_start3A_15 = tpu.memref_slice %arg7[%run_scoped3A, %dma_start3A] : memref<1x10000xf32, #tpu.memory_space<vmem>> -> memref<1x10000xf32, #tpu.memory_space<vmem>>
      %dma_start3A_16 = tpu.memref_squeeze %dma_start3A_15 : memref<1x10000xf32, #tpu.memory_space<vmem>> -> memref<10000xf32, #tpu.memory_space<vmem>>
      %dma_start3A_17 = arith.constant 0 : i32
      %dma_start3A_18 = tpu.memref_slice %arg7[%run_scoped3A, %dma_start3A_17] : memref<1x10000xf32, #tpu.memory_space<vmem>> -> memref<1x10000xf32, #tpu.memory_space<vmem>>
      %dma_start3A_19 = tpu.memref_squeeze %dma_start3A_18 : memref<1x10000xf32, #tpu.memory_space<vmem>> -> memref<10000xf32, #tpu.memory_space<vmem>>
      tpu.enqueue_dma source(%arg3 : memref<10000xf32, #tpu.memory_space<hbm>>) target(%dma_start3A_19 : memref<10000xf32, #tpu.memory_space<vmem>>) target_semaphore(%run_scoped3A_14 : memref<!tpu.dma_semaphore, #tpu.memory_space<semaphore_mem>>)
      %dma_wait3A = arith.constant 0 : i32
      %dma_wait3A_20 = tpu.memref_slice %arg7[%run_scoped3A, %dma_wait3A] : memref<1x10000xf32, #tpu.memory_space<vmem>> -> memref<1x10000xf32, #tpu.memory_space<vmem>>
      %dma_wait3A_21 = tpu.memref_squeeze %dma_wait3A_20 : memref<1x10000xf32, #tpu.memory_space<vmem>> -> memref<10000xf32, #tpu.memory_space<vmem>>
      %dma_wait3A_22 = arith.constant 0 : i32
      %dma_wait3A_23 = tpu.memref_slice %arg7[%run_scoped3A, %dma_wait3A_22] : memref<1x10000xf32, #tpu.memory_space<vmem>> -> memref<1x10000xf32, #tpu.memory_space<vmem>>
      %dma_wait3A_24 = tpu.memref_squeeze %dma_wait3A_23 : memref<1x10000xf32, #tpu.memory_space<vmem>> -> memref<10000xf32, #tpu.memory_space<vmem>>
      tpu.wait_dma2 semaphore(%run_scoped3A_14 : memref<!tpu.dma_semaphore, #tpu.memory_space<semaphore_mem>>) src(%arg3 : memref<10000xf32, #tpu.memory_space<hbm>>) dst(%dma_wait3A_24 : memref<10000xf32, #tpu.memory_space<vmem>>)
      tpu.yield
    }) : () -> ()
    %scan3A = arith.constant 0 : i32
    %scan3A_3 = arith.constant 0 : i32
    %scan3A_4 = arith.constant 625 : i32
    %scan3A_5 = arith.addi %scan3A_3, %scan3A_4 : i32
    %scan3A_6 = arith.constant 1 : i32
    scf.for %scan3A_14 = %scan3A_3 to %scan3A_5 step %scan3A_6  : i32 {
      %broadcast_in_dim3A = arith.constant 0.000000e+00 : f32
      %broadcast_in_dim3A_15 = vector.broadcast %broadcast_in_dim3A : f32 to vector<16xf32>
      %mul3A_16 = arith.constant 16 : i32
      %mul3A_17 = arith.muli %scan3A_14, %mul3A_16 : i32
      %swap3A = arith.index_cast %mul3A_17 : i32 to index
      %swap3A_18 = tpu.vector_load %arg8[%swap3A] {strides = array<i32>} : memref<10000xf32, #tpu.memory_space<vmem>>, vector<16xf32>,
      tpu.vector_store %arg8[%swap3A], %broadcast_in_dim3A_15 {strides = array<i32>} : memref<10000xf32, #tpu.memory_space<vmem>>, vector<16xf32>,
    }
    %scan3A_7 = arith.constant 625 : i32
    %scan3A_8 = arith.constant 0 : i32
    %scan3A_9 = arith.constant 0 : i32
    %scan3A_10 = arith.constant 25 : i32
    %scan3A_11 = arith.addi %scan3A_9, %scan3A_10 : i32
    %scan3A_12 = arith.constant 1 : i32
    scf.for %scan3A_14 = %scan3A_9 to %scan3A_11 step %scan3A_12  : i32 {
      %mul3A_15 = arith.constant 400 : i32
      %mul3A_16 = arith.muli %scan3A_14, %mul3A_15 : i32
      %add3A_17 = arith.addi %mul3A_2, %mul3A_16 : i32
      %run_scoped3A_18 = arith.constant 0 : i32
      "tpu.region"() ({
        %run_scoped3A_25 = tpu.sem_alloc : memref<!tpu.dma_semaphore, #tpu.memory_space<semaphore_mem>>
        %dma_start3A = arith.constant 0 : i32
        %dma_start3A_26 = tpu.memref_slice %arg9[%run_scoped3A_18, %dma_start3A] : memref<1x400xi32, #tpu.memory_space<vmem>> -> memref<1x400xi32, #tpu.memory_space<vmem>>
        %dma_start3A_27 = tpu.memref_squeeze %dma_start3A_26 : memref<1x400xi32, #tpu.memory_space<vmem>> -> memref<400xi32, #tpu.memory_space<vmem>>
        %dma_start3A_28 = tpu.memref_slice %arg4[%add3A_17] : memref<320000xi32, #tpu.memory_space<hbm>> -> memref<400xi32, #tpu.memory_space<hbm>>
        %dma_start3A_29 = arith.constant 0 : i32
        %dma_start3A_30 = tpu.memref_slice %arg9[%run_scoped3A_18, %dma_start3A_29] : memref<1x400xi32, #tpu.memory_space<vmem>> -> memref<1x400xi32, #tpu.memory_space<vmem>>
        %dma_start3A_31 = tpu.memref_squeeze %dma_start3A_30 : memref<1x400xi32, #tpu.memory_space<vmem>> -> memref<400xi32, #tpu.memory_space<vmem>>
        %dma_start3A_32 = tpu.memref_slice %arg4[%add3A_17] : memref<320000xi32, #tpu.memory_space<hbm>> -> memref<400xi32, #tpu.memory_space<hbm>>
        tpu.enqueue_dma source(%dma_start3A_32 : memref<400xi32, #tpu.memory_space<hbm>>) target(%dma_start3A_31 : memref<400xi32, #tpu.memory_space<vmem>>) target_semaphore(%run_scoped3A_25 : memref<!tpu.dma_semaphore, #tpu.memory_space<semaphore_mem>>)
        %dma_wait3A = arith.constant 0 : i32
        %dma_wait3A_33 = tpu.memref_slice %arg9[%run_scoped3A_18, %dma_wait3A] : memref<1x400xi32, #tpu.memory_space<vmem>> -> memref<1x400xi32, #tpu.memory_space<vmem>>
        %dma_wait3A_34 = tpu.memref_squeeze %dma_wait3A_33 : memref<1x400xi32, #tpu.memory_space<vmem>> -> memref<400xi32, #tpu.memory_space<vmem>>
        %dma_wait3A_35 = tpu.memref_slice %arg4[%add3A_17] : memref<320000xi32, #tpu.memory_space<hbm>> -> memref<400xi32, #tpu.memory_space<hbm>>
        %dma_wait3A_36 = arith.constant 0 : i32
        %dma_wait3A_37 = tpu.memref_slice %arg9[%run_scoped3A_18, %dma_wait3A_36] : memref<1x400xi32, #tpu.memory_space<vmem>> -> memref<1x400xi32, #tpu.memory_space<vmem>>
        %dma_wait3A_38 = tpu.memref_squeeze %dma_wait3A_37 : memref<1x400xi32, #tpu.memory_space<vmem>> -> memref<400xi32, #tpu.memory_space<vmem>>
        %dma_wait3A_39 = tpu.memref_slice %arg4[%add3A_17] : memref<320000xi32, #tpu.memory_space<hbm>> -> memref<400xi32, #tpu.memory_space<hbm>>
        tpu.wait_dma2 semaphore(%run_scoped3A_25 : memref<!tpu.dma_semaphore, #tpu.memory_space<semaphore_mem>>) src(%dma_wait3A_39 : memref<400xi32, #tpu.memory_space<hbm>>) dst(%dma_wait3A_38 : memref<400xi32, #tpu.memory_space<vmem>>)
        tpu.yield
      }) : () -> ()
      "tpu.region"() ({
        %run_scoped3A_25 = tpu.sem_alloc : memref<!tpu.dma_semaphore, #tpu.memory_space<semaphore_mem>>
        %dma_start3A = tpu.memref_slice %arg2[%add3A_17] : memref<320000xf32, #tpu.memory_space<hbm>> -> memref<400xf32, #tpu.memory_space<hbm>>
        %dma_start3A_26 = tpu.memref_slice %arg2[%add3A_17] : memref<320000xf32, #tpu.memory_space<hbm>> -> memref<400xf32, #tpu.memory_space<hbm>>
        tpu.enqueue_dma source(%dma_start3A_26 : memref<400xf32, #tpu.memory_space<hbm>>) target(%arg10 : memref<400xf32, #tpu.memory_space<vmem>>) target_semaphore(%run_scoped3A_25 : memref<!tpu.dma_semaphore, #tpu.memory_space<semaphore_mem>>)
        %dma_wait3A = tpu.memref_slice %arg2[%add3A_17] : memref<320000xf32, #tpu.memory_space<hbm>> -> memref<400xf32, #tpu.memory_space<hbm>>
        %dma_wait3A_27 = tpu.memref_slice %arg2[%add3A_17] : memref<320000xf32, #tpu.memory_space<hbm>> -> memref<400xf32, #tpu.memory_space<hbm>>
        tpu.wait_dma2 semaphore(%run_scoped3A_25 : memref<!tpu.dma_semaphore, #tpu.memory_space<semaphore_mem>>) src(%dma_wait3A_27 : memref<400xf32, #tpu.memory_space<hbm>>) dst(%arg10 : memref<400xf32, #tpu.memory_space<vmem>>)
        tpu.yield
      }) : () -> ()
      %scan3A_19 = arith.constant 0 : i32
      %scan3A_20 = arith.constant 0 : i32
      %scan3A_21 = arith.constant 25 : i32
      %scan3A_22 = arith.addi %scan3A_20, %scan3A_21 : i32
      %scan3A_23 = arith.constant 1 : i32
      scf.for %scan3A_25 = %scan3A_20 to %scan3A_22 step %scan3A_23  : i32 {
        %mul3A_26 = arith.constant 16 : i32
        %mul3A_27 = arith.muli %scan3A_25, %mul3A_26 : i32
        %get3A = arith.constant 0 : i32
        %get3A_28 = arith.index_cast %get3A : i32 to index
        %get3A_29 = arith.index_cast %mul3A_27 : i32 to index
        %get3A_30 = tpu.vector_load %arg9[%get3A_28, %get3A_29] {strides = array<i32>} : memref<1x400xi32, #tpu.memory_space<vmem>>, vector<16xi32>,
        %gather3A = arith.constant 0 : i32
        %gather3A_31 = arith.constant 0 : i32
        %gather3A_32 = tpu.memref_slice %arg7[%gather3A, %gather3A_31] : memref<1x10000xf32, #tpu.memory_space<vmem>> -> memref<1x10000xf32, #tpu.memory_space<vmem>>
        %gather3A_33 = tpu.memref_squeeze %gather3A_32 : memref<1x10000xf32, #tpu.memory_space<vmem>> -> memref<10000xf32, #tpu.memory_space<vmem>>
        %gather3A_34 = tpu.vector_load_idx %gather3A_33[%get3A_30] : memref<10000xf32, #tpu.memory_space<vmem>>[vector<16xi32>], vector<16xf32>,
        %get3A_35 = arith.index_cast %mul3A_27 : i32 to index
        %get3A_36 = tpu.vector_load %arg10[%get3A_35] {strides = array<i32>} : memref<400xf32, #tpu.memory_space<vmem>>, vector<16xf32>,
        %add3A_37 = arith.addf %gather3A_34, %get3A_36 : vector<16xf32>
        %mul3A_38 = arith.constant 0.00999999977 : f32
        %mul3A_39 = vector.broadcast %mul3A_38 : f32 to vector<16xf32>
        %mul3A_40 = arith.mulf %mul3A_39, %add3A_37 : vector<16xf32>
        %max3A = arith.maximumf %add3A_37, %mul3A_40 : vector<16xf32>
        %exp3A = math.exp %max3A : vector<16xf32>
        %swap3A = arith.index_cast %mul3A_27 : i32 to index
        %swap3A_41 = tpu.vector_load %arg11[%swap3A] {strides = array<i32>} : memref<400xf32, #tpu.memory_space<vmem>>, vector<16xf32>,
        tpu.vector_store %arg11[%swap3A], %exp3A {strides = array<i32>} : memref<400xf32, #tpu.memory_space<vmem>>, vector<16xf32>,
        tpu.vector_store_idx %arg8[%get3A_30], %exp3A {add = true} : memref<10000xf32, #tpu.memory_space<vmem>>[vector<16xi32>], vector<16xf32>,
      }
      %scan3A_24 = arith.constant 25 : i32
      "tpu.region"() ({
        %run_scoped3A_25 = tpu.sem_alloc : memref<!tpu.dma_semaphore, #tpu.memory_space<semaphore_mem>>
        %dma_start3A = tpu.memref_slice %arg5[%add3A_17] : memref<320000xf32, #tpu.memory_space<hbm>> -> memref<400xf32, #tpu.memory_space<hbm>>
        %dma_start3A_26 = tpu.memref_slice %arg5[%add3A_17] : memref<320000xf32, #tpu.memory_space<hbm>> -> memref<400xf32, #tpu.memory_space<hbm>>
        tpu.enqueue_dma source(%arg11 : memref<400xf32, #tpu.memory_space<vmem>>) target(%dma_start3A_26 : memref<400xf32, #tpu.memory_space<hbm>>) target_semaphore(%run_scoped3A_25 : memref<!tpu.dma_semaphore, #tpu.memory_space<semaphore_mem>>)
        %dma_wait3A = tpu.memref_slice %arg5[%add3A_17] : memref<320000xf32, #tpu.memory_space<hbm>> -> memref<400xf32, #tpu.memory_space<hbm>>
        %dma_wait3A_27 = tpu.memref_slice %arg5[%add3A_17] : memref<320000xf32, #tpu.memory_space<hbm>> -> memref<400xf32, #tpu.memory_space<hbm>>
        tpu.wait_dma2 semaphore(%run_scoped3A_25 : memref<!tpu.dma_semaphore, #tpu.memory_space<semaphore_mem>>) src(%arg11 : memref<400xf32, #tpu.memory_space<vmem>>) dst(%dma_wait3A_27 : memref<400xf32, #tpu.memory_space<hbm>>)
        tpu.yield
      }) : () -> ()
    }
    %scan3A_13 = arith.constant 25 : i32
    "tpu.region"() ({
      %run_scoped3A_14 = tpu.sem_alloc : memref<!tpu.dma_semaphore, #tpu.memory_space<semaphore_mem>>
      %dma_start3A = arith.constant 0 : i32
      %dma_start3A_15 = tpu.memref_slice %arg6[%add3A, %dma_start3A] : memref<32x10000xf32, #tpu.memory_space<hbm>> -> memref<1x10000xf32, #tpu.memory_space<hbm>>
      %dma_start3A_16 = tpu.memref_squeeze %dma_start3A_15 : memref<1x10000xf32, #tpu.memory_space<hbm>> -> memref<10000xf32, #tpu.memory_space<hbm>>
      %dma_start3A_17 = arith.constant 0 : i32
      %dma_start3A_18 = tpu.memref_slice %arg6[%add3A, %dma_start3A_17] : memref<32x10000xf32, #tpu.memory_space<hbm>> -> memref<1x10000xf32, #tpu.memory_space<hbm>>
      %dma_start3A_19 = tpu.memref_squeeze %dma_start3A_18 : memref<1x10000xf32, #tpu.memory_space<hbm>> -> memref<10000xf32, #tpu.memory_space<hbm>>
      tpu.enqueue_dma source(%arg8 : memref<10000xf32, #tpu.memory_space<vmem>>) target(%dma_start3A_19 : memref<10000xf32, #tpu.memory_space<hbm>>) target_semaphore(%run_scoped3A_14 : memref<!tpu.dma_semaphore, #tpu.memory_space<semaphore_mem>>)
      %dma_wait3A = arith.constant 0 : i32
      %dma_wait3A_20 = tpu.memref_slice %arg6[%add3A, %dma_wait3A] : memref<32x10000xf32, #tpu.memory_space<hbm>> -> memref<1x10000xf32, #tpu.memory_space<hbm>>
      %dma_wait3A_21 = tpu.memref_squeeze %dma_wait3A_20 : memref<1x10000xf32, #tpu.memory_space<hbm>> -> memref<10000xf32, #tpu.memory_space<hbm>>
      %dma_wait3A_22 = arith.constant 0 : i32
      %dma_wait3A_23 = tpu.memref_slice %arg6[%add3A, %dma_wait3A_22] : memref<32x10000xf32, #tpu.memory_space<hbm>> -> memref<1x10000xf32, #tpu.memory_space<hbm>>
      %dma_wait3A_24 = tpu.memref_squeeze %dma_wait3A_23 : memref<1x10000xf32, #tpu.memory_space<hbm>> -> memref<10000xf32, #tpu.memory_space<hbm>>
      tpu.wait_dma2 semaphore(%run_scoped3A_14 : memref<!tpu.dma_semaphore, #tpu.memory_space<semaphore_mem>>) src(%arg8 : memref<10000xf32, #tpu.memory_space<vmem>>) dst(%dma_wait3A_24 : memref<10000xf32, #tpu.memory_space<hbm>>)
      tpu.yield
    }) : () -> ()
    return
  }
}

#map = affine_map<(d0, d1) -> (0, 0)>
#map1 = affine_map<(d0, d1) -> (0)>
module attributes {stable_mosaic.version = 14 : i64} {
  func.func @_sc_gather_body(%arg0: i32, %arg1: i32, %arg2: memref<10000x256xf32, #tpu.memory_space<hbm>>, %arg3: memref<320000xi32, #tpu.memory_space<hbm>>, %arg4: memref<320000x256xf32, #tpu.memory_space<hbm>>, %arg5: memref<400xi32, #tpu.memory_space<vmem>>, %arg6: memref<400x256xf32, #tpu.memory_space<vmem>>, %arg7: memref<!tpu.dma_semaphore, #tpu.memory_space<semaphore_mem>>) attributes {dimension_semantics = [#tpu.dimension_semantics<core_parallel>, #tpu.dimension_semantics<subcore_parallel>], iteration_bounds = array<i64: 2, 16>, scalar_prefetch = 0 : i64, scratch_operands = 3 : i64, tpu.core_type = #tpu.core_type<sc_vector_subcore>, window_params = [{transform_indices = #map}, {transform_indices = #map1}, {transform_indices = #map}]} {
    %mul3A = arith.constant 2 : i32
    %mul3A_0 = arith.muli %arg1, %mul3A : i32
    %add3A = arith.addi %mul3A_0, %arg0 : i32
    %mul3A_1 = arith.constant 10000 : i32
    %mul3A_2 = arith.muli %add3A, %mul3A_1 : i32
    %scan3A = arith.constant 0 : i32
    %scan3A_3 = arith.constant 0 : i32
    %scan3A_4 = arith.constant 25 : i32
    %scan3A_5 = arith.addi %scan3A_3, %scan3A_4 : i32
    %scan3A_6 = arith.constant 1 : i32
    scf.for %scan3A_8 = %scan3A_3 to %scan3A_5 step %scan3A_6  : i32 {
      %mul3A_9 = arith.constant 400 : i32
      %mul3A_10 = arith.muli %scan3A_8, %mul3A_9 : i32
      %add3A_11 = arith.addi %mul3A_2, %mul3A_10 : i32
      "tpu.region"() ({
        %run_scoped3A = tpu.sem_alloc : memref<!tpu.dma_semaphore, #tpu.memory_space<semaphore_mem>>
        %dma_start3A_16 = tpu.memref_slice %arg3[%add3A_11] : memref<320000xi32, #tpu.memory_space<hbm>> -> memref<400xi32, #tpu.memory_space<hbm>>
        %dma_start3A_17 = tpu.memref_slice %arg3[%add3A_11] : memref<320000xi32, #tpu.memory_space<hbm>> -> memref<400xi32, #tpu.memory_space<hbm>>
        tpu.enqueue_dma source(%dma_start3A_17 : memref<400xi32, #tpu.memory_space<hbm>>) target(%arg5 : memref<400xi32, #tpu.memory_space<vmem>>) target_semaphore(%run_scoped3A : memref<!tpu.dma_semaphore, #tpu.memory_space<semaphore_mem>>)
        %dma_wait3A_18 = tpu.memref_slice %arg3[%add3A_11] : memref<320000xi32, #tpu.memory_space<hbm>> -> memref<400xi32, #tpu.memory_space<hbm>>
        %dma_wait3A_19 = tpu.memref_slice %arg3[%add3A_11] : memref<320000xi32, #tpu.memory_space<hbm>> -> memref<400xi32, #tpu.memory_space<hbm>>
        tpu.wait_dma2 semaphore(%run_scoped3A : memref<!tpu.dma_semaphore, #tpu.memory_space<semaphore_mem>>) src(%dma_wait3A_19 : memref<400xi32, #tpu.memory_space<hbm>>) dst(%arg5 : memref<400xi32, #tpu.memory_space<vmem>>)
        tpu.yield
      }) : () -> ()
      %dma_start3A = arith.constant 0 : i32
      %dma_start3A_12 = arith.constant 0 : i32
      %dma_start3A_13 = tpu.memref_slice %arg2[%dma_start3A, %dma_start3A_12] : memref<10000x256xf32, #tpu.memory_space<hbm>> -> memref<10000x256xf32, #tpu.memory_space<hbm>>
      tpu.enqueue_indirect_dma source(%dma_start3A_13 : memref<10000x256xf32, #tpu.memory_space<hbm>>) target(%arg6 : memref<400x256xf32, #tpu.memory_space<vmem>>) offsets(%arg5 : memref<400xi32, #tpu.memory_space<vmem>>) semaphore(%arg7 : memref<!tpu.dma_semaphore, #tpu.memory_space<semaphore_mem>>)
      %dma_wait3A = arith.constant 0 : i32
      %dma_wait3A_14 = arith.constant 0 : i32
      %dma_wait3A_15 = tpu.memref_slice %arg2[%dma_wait3A, %dma_wait3A_14] : memref<10000x256xf32, #tpu.memory_space<hbm>> -> memref<10000x256xf32, #tpu.memory_space<hbm>>
      tpu.wait_indirect_dma semaphore(%arg7 : memref<!tpu.dma_semaphore, #tpu.memory_space<semaphore_mem>>) src(%dma_wait3A_15 : memref<10000x256xf32, #tpu.memory_space<hbm>>) dst(%arg6 : memref<400x256xf32, #tpu.memory_space<vmem>>)
      "tpu.region"() ({
        %run_scoped3A = tpu.sem_alloc : memref<!tpu.dma_semaphore, #tpu.memory_space<semaphore_mem>>
        %dma_start3A_16 = arith.constant 0 : i32
        %dma_start3A_17 = tpu.memref_slice %arg4[%add3A_11, %dma_start3A_16] : memref<320000x256xf32, #tpu.memory_space<hbm>> -> memref<400x256xf32, #tpu.memory_space<hbm>>
        %dma_start3A_18 = arith.constant 0 : i32
        %dma_start3A_19 = tpu.memref_slice %arg4[%add3A_11, %dma_start3A_18] : memref<320000x256xf32, #tpu.memory_space<hbm>> -> memref<400x256xf32, #tpu.memory_space<hbm>>
        tpu.enqueue_dma source(%arg6 : memref<400x256xf32, #tpu.memory_space<vmem>>) target(%dma_start3A_19 : memref<400x256xf32, #tpu.memory_space<hbm>>) target_semaphore(%run_scoped3A : memref<!tpu.dma_semaphore, #tpu.memory_space<semaphore_mem>>)
        %dma_wait3A_20 = arith.constant 0 : i32
        %dma_wait3A_21 = tpu.memref_slice %arg4[%add3A_11, %dma_wait3A_20] : memref<320000x256xf32, #tpu.memory_space<hbm>> -> memref<400x256xf32, #tpu.memory_space<hbm>>
        %dma_wait3A_22 = arith.constant 0 : i32
        %dma_wait3A_23 = tpu.memref_slice %arg4[%add3A_11, %dma_wait3A_22] : memref<320000x256xf32, #tpu.memory_space<hbm>> -> memref<400x256xf32, #tpu.memory_space<hbm>>
        tpu.wait_dma2 semaphore(%run_scoped3A : memref<!tpu.dma_semaphore, #tpu.memory_space<semaphore_mem>>) src(%arg6 : memref<400x256xf32, #tpu.memory_space<vmem>>) dst(%dma_wait3A_23 : memref<400x256xf32, #tpu.memory_space<hbm>>)
        tpu.yield
      }) : () -> ()
    }
    %scan3A_7 = arith.constant 25 : i32
    return
  }
}

#map = affine_map<(d0, d1) -> (0)>
module attributes {stable_mosaic.version = 14 : i64} {
  func.func @_sc_attn_body(%arg0: i32, %arg1: i32, %arg2: memref<320000xf32, #tpu.memory_space<hbm>>, %arg3: memref<10000xf32, #tpu.memory_space<hbm>>, %arg4: memref<320000xi32, #tpu.memory_space<hbm>>, %arg5: memref<320000xf32, #tpu.memory_space<hbm>>, %arg6: memref<10000xf32, #tpu.memory_space<vmem>>, %arg7: memref<400xi32, #tpu.memory_space<vmem>>, %arg8: memref<400xf32, #tpu.memory_space<vmem>>, %arg9: memref<400xf32, #tpu.memory_space<vmem>>) attributes {dimension_semantics = [#tpu.dimension_semantics<core_parallel>, #tpu.dimension_semantics<subcore_parallel>], iteration_bounds = array<i64: 2, 16>, scalar_prefetch = 0 : i64, scratch_operands = 4 : i64, tpu.core_type = #tpu.core_type<sc_vector_subcore>, window_params = [{transform_indices = #map}, {transform_indices = #map}, {transform_indices = #map}, {transform_indices = #map}]} {
    %mul3A = arith.constant 2 : i32
    %mul3A_0 = arith.muli %arg1, %mul3A : i32
    %add3A = arith.addi %mul3A_0, %arg0 : i32
    %mul3A_1 = arith.constant 10000 : i32
    %mul3A_2 = arith.muli %add3A, %mul3A_1 : i32
    "tpu.region"() ({
      %run_scoped3A = tpu.sem_alloc : memref<!tpu.dma_semaphore, #tpu.memory_space<semaphore_mem>>
      tpu.enqueue_dma source(%arg3 : memref<10000xf32, #tpu.memory_space<hbm>>) target(%arg6 : memref<10000xf32, #tpu.memory_space<vmem>>) target_semaphore(%run_scoped3A : memref<!tpu.dma_semaphore, #tpu.memory_space<semaphore_mem>>)
      tpu.wait_dma2 semaphore(%run_scoped3A : memref<!tpu.dma_semaphore, #tpu.memory_space<semaphore_mem>>) src(%arg3 : memref<10000xf32, #tpu.memory_space<hbm>>) dst(%arg6 : memref<10000xf32, #tpu.memory_space<vmem>>)
      tpu.yield
    }) : () -> ()
    %scan3A = arith.constant 0 : i32
    %scan3A_3 = arith.constant 0 : i32
    %scan3A_4 = arith.constant 25 : i32
    %scan3A_5 = arith.addi %scan3A_3, %scan3A_4 : i32
    %scan3A_6 = arith.constant 1 : i32
    scf.for %scan3A_8 = %scan3A_3 to %scan3A_5 step %scan3A_6  : i32 {
      %mul3A_9 = arith.constant 400 : i32
      %mul3A_10 = arith.muli %scan3A_8, %mul3A_9 : i32
      %add3A_11 = arith.addi %mul3A_2, %mul3A_10 : i32
      "tpu.region"() ({
        %run_scoped3A = tpu.sem_alloc : memref<!tpu.dma_semaphore, #tpu.memory_space<semaphore_mem>>
        %dma_start3A = tpu.memref_slice %arg4[%add3A_11] : memref<320000xi32, #tpu.memory_space<hbm>> -> memref<400xi32, #tpu.memory_space<hbm>>
        %dma_start3A_18 = tpu.memref_slice %arg4[%add3A_11] : memref<320000xi32, #tpu.memory_space<hbm>> -> memref<400xi32, #tpu.memory_space<hbm>>
        tpu.enqueue_dma source(%dma_start3A_18 : memref<400xi32, #tpu.memory_space<hbm>>) target(%arg7 : memref<400xi32, #tpu.memory_space<vmem>>) target_semaphore(%run_scoped3A : memref<!tpu.dma_semaphore, #tpu.memory_space<semaphore_mem>>)
        %dma_wait3A = tpu.memref_slice %arg4[%add3A_11] : memref<320000xi32, #tpu.memory_space<hbm>> -> memref<400xi32, #tpu.memory_space<hbm>>
        %dma_wait3A_19 = tpu.memref_slice %arg4[%add3A_11] : memref<320000xi32, #tpu.memory_space<hbm>> -> memref<400xi32, #tpu.memory_space<hbm>>
        tpu.wait_dma2 semaphore(%run_scoped3A : memref<!tpu.dma_semaphore, #tpu.memory_space<semaphore_mem>>) src(%dma_wait3A_19 : memref<400xi32, #tpu.memory_space<hbm>>) dst(%arg7 : memref<400xi32, #tpu.memory_space<vmem>>)
        tpu.yield
      }) : () -> ()
      "tpu.region"() ({
        %run_scoped3A = tpu.sem_alloc : memref<!tpu.dma_semaphore, #tpu.memory_space<semaphore_mem>>
        %dma_start3A = tpu.memref_slice %arg2[%add3A_11] : memref<320000xf32, #tpu.memory_space<hbm>> -> memref<400xf32, #tpu.memory_space<hbm>>
        %dma_start3A_18 = tpu.memref_slice %arg2[%add3A_11] : memref<320000xf32, #tpu.memory_space<hbm>> -> memref<400xf32, #tpu.memory_space<hbm>>
        tpu.enqueue_dma source(%dma_start3A_18 : memref<400xf32, #tpu.memory_space<hbm>>) target(%arg8 : memref<400xf32, #tpu.memory_space<vmem>>) target_semaphore(%run_scoped3A : memref<!tpu.dma_semaphore, #tpu.memory_space<semaphore_mem>>)
        %dma_wait3A = tpu.memref_slice %arg2[%add3A_11] : memref<320000xf32, #tpu.memory_space<hbm>> -> memref<400xf32, #tpu.memory_space<hbm>>
        %dma_wait3A_19 = tpu.memref_slice %arg2[%add3A_11] : memref<320000xf32, #tpu.memory_space<hbm>> -> memref<400xf32, #tpu.memory_space<hbm>>
        tpu.wait_dma2 semaphore(%run_scoped3A : memref<!tpu.dma_semaphore, #tpu.memory_space<semaphore_mem>>) src(%dma_wait3A_19 : memref<400xf32, #tpu.memory_space<hbm>>) dst(%arg8 : memref<400xf32, #tpu.memory_space<vmem>>)
        tpu.yield
      }) : () -> ()
      %scan3A_12 = arith.constant 0 : i32
      %scan3A_13 = arith.constant 0 : i32
      %scan3A_14 = arith.constant 25 : i32
      %scan3A_15 = arith.addi %scan3A_13, %scan3A_14 : i32
      %scan3A_16 = arith.constant 1 : i32
      scf.for %scan3A_18 = %scan3A_13 to %scan3A_15 step %scan3A_16  : i32 {
        %mul3A_19 = arith.constant 16 : i32
        %mul3A_20 = arith.muli %scan3A_18, %mul3A_19 : i32
        %get3A = arith.index_cast %mul3A_20 : i32 to index
        %get3A_21 = tpu.vector_load %arg7[%get3A] {strides = array<i32>} : memref<400xi32, #tpu.memory_space<vmem>>, vector<16xi32>,
        %gather3A = tpu.vector_load_idx %arg6[%get3A_21] : memref<10000xf32, #tpu.memory_space<vmem>>[vector<16xi32>], vector<16xf32>,
        %get3A_22 = arith.index_cast %mul3A_20 : i32 to index
        %get3A_23 = tpu.vector_load %arg8[%get3A_22] {strides = array<i32>} : memref<400xf32, #tpu.memory_space<vmem>>, vector<16xf32>,
        %mul3A_24 = arith.mulf %get3A_23, %gather3A : vector<16xf32>
        %swap3A = arith.index_cast %mul3A_20 : i32 to index
        %swap3A_25 = tpu.vector_load %arg9[%swap3A] {strides = array<i32>} : memref<400xf32, #tpu.memory_space<vmem>>, vector<16xf32>,
        tpu.vector_store %arg9[%swap3A], %mul3A_24 {strides = array<i32>} : memref<400xf32, #tpu.memory_space<vmem>>, vector<16xf32>,
      }
      %scan3A_17 = arith.constant 25 : i32
      "tpu.region"() ({
        %run_scoped3A = tpu.sem_alloc : memref<!tpu.dma_semaphore, #tpu.memory_space<semaphore_mem>>
        %dma_start3A = tpu.memref_slice %arg5[%add3A_11] : memref<320000xf32, #tpu.memory_space<hbm>> -> memref<400xf32, #tpu.memory_space<hbm>>
        %dma_start3A_18 = tpu.memref_slice %arg5[%add3A_11] : memref<320000xf32, #tpu.memory_space<hbm>> -> memref<400xf32, #tpu.memory_space<hbm>>
        tpu.enqueue_dma source(%arg9 : memref<400xf32, #tpu.memory_space<vmem>>) target(%dma_start3A_18 : memref<400xf32, #tpu.memory_space<hbm>>) target_semaphore(%run_scoped3A : memref<!tpu.dma_semaphore, #tpu.memory_space<semaphore_mem>>)
        %dma_wait3A = tpu.memref_slice %arg5[%add3A_11] : memref<320000xf32, #tpu.memory_space<hbm>> -> memref<400xf32, #tpu.memory_space<hbm>>
        %dma_wait3A_19 = tpu.memref_slice %arg5[%add3A_11] : memref<320000xf32, #tpu.memory_space<hbm>> -> memref<400xf32, #tpu.memory_space<hbm>>
        tpu.wait_dma2 semaphore(%run_scoped3A : memref<!tpu.dma_semaphore, #tpu.memory_space<semaphore_mem>>) src(%arg9 : memref<400xf32, #tpu.memory_space<vmem>>) dst(%dma_wait3A_19 : memref<400xf32, #tpu.memory_space<hbm>>)
        tpu.yield
      }) : () -> ()
    }
    %scan3A_7 = arith.constant 25 : i32
    return
  }
}

#map = affine_map<(d0, d1) -> (0, 0)>
#map1 = affine_map<(d0, d1) -> (0)>
#map2 = affine_map<(d0, d1) -> (0, 0, 0)>
module attributes {stable_mosaic.version = 14 : i64} {
  func.func @body(%arg0: i32, %arg1: i32, %arg2: memref<320000x256xf32, #tpu.memory_space<hbm>>, %arg3: memref<320000xi32, #tpu.memory_space<hbm>>, %arg4: memref<10000x64xf32, #tpu.memory_space<hbm>>, %arg5: memref<2x10000x64xf32, #tpu.memory_space<hbm>>, %arg6: memref<400xi32, #tpu.memory_space<vmem>>, %arg7: memref<400x64xf32, #tpu.memory_space<vmem>>, %arg8: memref<10000x64xf32, #tpu.memory_space<vmem_shared>>, %arg9: memref<!tpu.dma_semaphore, #tpu.memory_space<semaphore_mem>>) attributes {dimension_semantics = [#tpu.dimension_semantics<core_parallel>, #tpu.dimension_semantics<subcore_parallel>], iteration_bounds = array<i64: 2, 16>, scalar_prefetch = 0 : i64, scratch_operands = 4 : i64, tpu.core_type = #tpu.core_type<sc_vector_subcore>, window_params = [{transform_indices = #map}, {transform_indices = #map1}, {transform_indices = #map}, {transform_indices = #map2}]} {
    %mul3A = arith.constant 2 : i32
    %mul3A_0 = arith.muli %arg1, %mul3A : i32
    %add3A = arith.addi %mul3A_0, %arg0 : i32
    %mul3A_1 = arith.constant 10000 : i32
    %mul3A_2 = arith.muli %add3A, %mul3A_1 : i32
    %eq3A = arith.constant 0 : i32
    %eq3A_3 = arith.cmpi eq, %arg1, %eq3A : i32
    %convert_element_type3A = arith.extui %eq3A_3 : i1 to i32
    %cond3A = arith.constant 0 : i32
    %cond3A_4 = arith.cmpi ne, %convert_element_type3A, %cond3A : i32
    scf.if %cond3A_4 {
      "tpu.region"() ({
        %run_scoped3A = tpu.sem_alloc : memref<!tpu.dma_semaphore, #tpu.memory_space<semaphore_mem>>
        tpu.enqueue_dma source(%arg4 : memref<10000x64xf32, #tpu.memory_space<hbm>>) target(%arg8 : memref<10000x64xf32, #tpu.memory_space<vmem_shared>>) target_semaphore(%run_scoped3A : memref<!tpu.dma_semaphore, #tpu.memory_space<semaphore_mem>>)
        tpu.wait_dma2 semaphore(%run_scoped3A : memref<!tpu.dma_semaphore, #tpu.memory_space<semaphore_mem>>) src(%arg4 : memref<10000x64xf32, #tpu.memory_space<hbm>>) dst(%arg8 : memref<10000x64xf32, #tpu.memory_space<vmem_shared>>)
        tpu.yield
      }) : () -> ()
    } else {
    }
    %barrier3A = arith.constant 0 : index
    tpu.barrier barrier_id(%barrier3A)
    %scan3A = arith.constant 0 : i32
    %scan3A_5 = arith.constant 0 : i32
    %scan3A_6 = arith.constant 25 : i32
    %scan3A_7 = arith.addi %scan3A_5, %scan3A_6 : i32
    %scan3A_8 = arith.constant 1 : i32
    scf.for %scan3A_16 = %scan3A_5 to %scan3A_7 step %scan3A_8  : i32 {
      %mul3A_17 = arith.constant 400 : i32
      %mul3A_18 = arith.muli %scan3A_16, %mul3A_17 : i32
      %add3A_19 = arith.addi %mul3A_2, %mul3A_18 : i32
      "tpu.region"() ({
        %run_scoped3A = tpu.sem_alloc : memref<!tpu.dma_semaphore, #tpu.memory_space<semaphore_mem>>
        %dma_start3A = tpu.memref_slice %arg3[%add3A_19] : memref<320000xi32, #tpu.memory_space<hbm>> -> memref<400xi32, #tpu.memory_space<hbm>>
        %dma_start3A_20 = tpu.memref_slice %arg3[%add3A_19] : memref<320000xi32, #tpu.memory_space<hbm>> -> memref<400xi32, #tpu.memory_space<hbm>>
        tpu.enqueue_dma source(%dma_start3A_20 : memref<400xi32, #tpu.memory_space<hbm>>) target(%arg6 : memref<400xi32, #tpu.memory_space<vmem>>) target_semaphore(%run_scoped3A : memref<!tpu.dma_semaphore, #tpu.memory_space<semaphore_mem>>)
        %dma_wait3A = tpu.memref_slice %arg3[%add3A_19] : memref<320000xi32, #tpu.memory_space<hbm>> -> memref<400xi32, #tpu.memory_space<hbm>>
        %dma_wait3A_21 = tpu.memref_slice %arg3[%add3A_19] : memref<320000xi32, #tpu.memory_space<hbm>> -> memref<400xi32, #tpu.memory_space<hbm>>
        tpu.wait_dma2 semaphore(%run_scoped3A : memref<!tpu.dma_semaphore, #tpu.memory_space<semaphore_mem>>) src(%dma_wait3A_21 : memref<400xi32, #tpu.memory_space<hbm>>) dst(%arg6 : memref<400xi32, #tpu.memory_space<vmem>>)
        tpu.yield
      }) : () -> ()
      "tpu.region"() ({
        %run_scoped3A = tpu.sem_alloc : memref<!tpu.dma_semaphore, #tpu.memory_space<semaphore_mem>>
        %dma_start3A = arith.constant 192 : i32
        %dma_start3A_20 = tpu.memref_slice %arg2[%add3A_19, %dma_start3A] : memref<320000x256xf32, #tpu.memory_space<hbm>> -> memref<400x64xf32, #tpu.memory_space<hbm>>
        %dma_start3A_21 = arith.constant 192 : i32
        %dma_start3A_22 = tpu.memref_slice %arg2[%add3A_19, %dma_start3A_21] : memref<320000x256xf32, #tpu.memory_space<hbm>> -> memref<400x64xf32, #tpu.memory_space<hbm>>
        tpu.enqueue_dma source(%dma_start3A_22 : memref<400x64xf32, #tpu.memory_space<hbm>>) target(%arg7 : memref<400x64xf32, #tpu.memory_space<vmem>>) target_semaphore(%run_scoped3A : memref<!tpu.dma_semaphore, #tpu.memory_space<semaphore_mem>>)
        %dma_wait3A = arith.constant 192 : i32
        %dma_wait3A_23 = tpu.memref_slice %arg2[%add3A_19, %dma_wait3A] : memref<320000x256xf32, #tpu.memory_space<hbm>> -> memref<400x64xf32, #tpu.memory_space<hbm>>
        %dma_wait3A_24 = arith.constant 192 : i32
        %dma_wait3A_25 = tpu.memref_slice %arg2[%add3A_19, %dma_wait3A_24] : memref<320000x256xf32, #tpu.memory_space<hbm>> -> memref<400x64xf32, #tpu.memory_space<hbm>>
        tpu.wait_dma2 semaphore(%run_scoped3A : memref<!tpu.dma_semaphore, #tpu.memory_space<semaphore_mem>>) src(%dma_wait3A_25 : memref<400x64xf32, #tpu.memory_space<hbm>>) dst(%arg7 : memref<400x64xf32, #tpu.memory_space<vmem>>)
        tpu.yield
      }) : () -> ()
      "tpu.region"() ({
        %run_scoped3A = tpu.sem_alloc : memref<!tpu.dma_semaphore, #tpu.memory_space<semaphore_mem>>
        %dma_start3A = arith.constant 0 : i32
        %dma_start3A_20 = arith.constant 0 : i32
        %dma_start3A_21 = tpu.memref_slice %arg8[%dma_start3A, %dma_start3A_20] : memref<10000x64xf32, #tpu.memory_space<vmem_shared>> -> memref<10000x64xf32, #tpu.memory_space<vmem_shared>>
        tpu.enqueue_indirect_dma source(%arg7 : memref<400x64xf32, #tpu.memory_space<vmem>>) target(%dma_start3A_21 : memref<10000x64xf32, #tpu.memory_space<vmem_shared>>) offsets(%arg6 : memref<400xi32, #tpu.memory_space<vmem>>) semaphore(%run_scoped3A : memref<!tpu.dma_semaphore, #tpu.memory_space<semaphore_mem>>) {add = true}
        %dma_wait3A = arith.constant 0 : i32
        %dma_wait3A_22 = arith.constant 0 : i32
        %dma_wait3A_23 = tpu.memref_slice %arg8[%dma_wait3A, %dma_wait3A_22] : memref<10000x64xf32, #tpu.memory_space<vmem_shared>> -> memref<10000x64xf32, #tpu.memory_space<vmem_shared>>
        tpu.wait_indirect_dma semaphore(%run_scoped3A : memref<!tpu.dma_semaphore, #tpu.memory_space<semaphore_mem>>) src(%arg7 : memref<400x64xf32, #tpu.memory_space<vmem>>) dst(%dma_wait3A_23 : memref<10000x64xf32, #tpu.memory_space<vmem_shared>>)
        tpu.yield
      }) : () -> ()
    }
    %scan3A_9 = arith.constant 25 : i32
    %barrier3A_10 = arith.constant 0 : index
    tpu.barrier barrier_id(%barrier3A_10)
    %eq3A_11 = arith.constant 0 : i32
    %eq3A_12 = arith.cmpi eq, %arg1, %eq3A_11 : i32
    %convert_element_type3A_13 = arith.extui %eq3A_12 : i1 to i32
    %cond3A_14 = arith.constant 0 : i32
    %cond3A_15 = arith.cmpi ne, %convert_element_type3A_13, %cond3A_14 : i32
    scf.if %cond3A_15 {
      "tpu.region"() ({
        %run_scoped3A = tpu.sem_alloc : memref<!tpu.dma_semaphore, #tpu.memory_space<semaphore_mem>>
        %dma_start3A = arith.constant 0 : i32
        %dma_start3A_16 = arith.constant 0 : i32
        %dma_start3A_17 = tpu.memref_slice %arg5[%arg0, %dma_start3A, %dma_start3A_16] : memref<2x10000x64xf32, #tpu.memory_space<hbm>> -> memref<1x10000x64xf32, #tpu.memory_space<hbm>>
        %dma_start3A_18 = tpu.memref_squeeze %dma_start3A_17 : memref<1x10000x64xf32, #tpu.memory_space<hbm>> -> memref<10000x64xf32, #tpu.memory_space<hbm>>
        tpu.enqueue_dma source(%arg8 : memref<10000x64xf32, #tpu.memory_space<vmem_shared>>) target(%dma_start3A_18 : memref<10000x64xf32, #tpu.memory_space<hbm>>) target_semaphore(%run_scoped3A : memref<!tpu.dma_semaphore, #tpu.memory_space<semaphore_mem>>)
        %dma_wait3A = arith.constant 0 : i32
        %dma_wait3A_19 = arith.constant 0 : i32
        %dma_wait3A_20 = tpu.memref_slice %arg5[%arg0, %dma_wait3A, %dma_wait3A_19] : memref<2x10000x64xf32, #tpu.memory_space<hbm>> -> memref<1x10000x64xf32, #tpu.memory_space<hbm>>
        %dma_wait3A_21 = tpu.memref_squeeze %dma_wait3A_20 : memref<1x10000x64xf32, #tpu.memory_space<hbm>> -> memref<10000x64xf32, #tpu.memory_space<hbm>>
        tpu.wait_dma2 semaphore(%run_scoped3A : memref<!tpu.dma_semaphore, #tpu.memory_space<semaphore_mem>>) src(%arg8 : memref<10000x64xf32, #tpu.memory_space<vmem_shared>>) dst(%dma_wait3A_21 : memref<10000x64xf32, #tpu.memory_space<hbm>>)
        tpu.yield
      }) : () -> ()
    } else {
    }
    return
  }
}

#map = affine_map<(d0, d1) -> (0, 0)>
#map1 = affine_map<(d0, d1) -> (0)>
#map2 = affine_map<(d0, d1) -> (0, 0, 0)>
module attributes {stable_mosaic.version = 14 : i64} {
  func.func @body(%arg0: i32, %arg1: i32, %arg2: memref<320000x256xf32, #tpu.memory_space<hbm>>, %arg3: memref<320000xi32, #tpu.memory_space<hbm>>, %arg4: memref<10000x64xf32, #tpu.memory_space<hbm>>, %arg5: memref<2x10000x64xf32, #tpu.memory_space<hbm>>, %arg6: memref<400xi32, #tpu.memory_space<vmem>>, %arg7: memref<400x64xf32, #tpu.memory_space<vmem>>, %arg8: memref<10000x64xf32, #tpu.memory_space<vmem_shared>>, %arg9: memref<!tpu.dma_semaphore, #tpu.memory_space<semaphore_mem>>) attributes {dimension_semantics = [#tpu.dimension_semantics<core_parallel>, #tpu.dimension_semantics<subcore_parallel>], iteration_bounds = array<i64: 2, 16>, scalar_prefetch = 0 : i64, scratch_operands = 4 : i64, tpu.core_type = #tpu.core_type<sc_vector_subcore>, window_params = [{transform_indices = #map}, {transform_indices = #map1}, {transform_indices = #map}, {transform_indices = #map2}]} {
    %mul3A = arith.constant 2 : i32
    %mul3A_0 = arith.muli %arg1, %mul3A : i32
    %add3A = arith.addi %mul3A_0, %arg0 : i32
    %mul3A_1 = arith.constant 10000 : i32
    %mul3A_2 = arith.muli %add3A, %mul3A_1 : i32
    %eq3A = arith.constant 0 : i32
    %eq3A_3 = arith.cmpi eq, %arg1, %eq3A : i32
    %convert_element_type3A = arith.extui %eq3A_3 : i1 to i32
    %cond3A = arith.constant 0 : i32
    %cond3A_4 = arith.cmpi ne, %convert_element_type3A, %cond3A : i32
    scf.if %cond3A_4 {
      "tpu.region"() ({
        %run_scoped3A = tpu.sem_alloc : memref<!tpu.dma_semaphore, #tpu.memory_space<semaphore_mem>>
        tpu.enqueue_dma source(%arg4 : memref<10000x64xf32, #tpu.memory_space<hbm>>) target(%arg8 : memref<10000x64xf32, #tpu.memory_space<vmem_shared>>) target_semaphore(%run_scoped3A : memref<!tpu.dma_semaphore, #tpu.memory_space<semaphore_mem>>)
        tpu.wait_dma2 semaphore(%run_scoped3A : memref<!tpu.dma_semaphore, #tpu.memory_space<semaphore_mem>>) src(%arg4 : memref<10000x64xf32, #tpu.memory_space<hbm>>) dst(%arg8 : memref<10000x64xf32, #tpu.memory_space<vmem_shared>>)
        tpu.yield
      }) : () -> ()
    } else {
    }
    %barrier3A = arith.constant 0 : index
    tpu.barrier barrier_id(%barrier3A)
    %scan3A = arith.constant 0 : i32
    %scan3A_5 = arith.constant 0 : i32
    %scan3A_6 = arith.constant 25 : i32
    %scan3A_7 = arith.addi %scan3A_5, %scan3A_6 : i32
    %scan3A_8 = arith.constant 1 : i32
    scf.for %scan3A_16 = %scan3A_5 to %scan3A_7 step %scan3A_8  : i32 {
      %mul3A_17 = arith.constant 400 : i32
      %mul3A_18 = arith.muli %scan3A_16, %mul3A_17 : i32
      %add3A_19 = arith.addi %mul3A_2, %mul3A_18 : i32
      "tpu.region"() ({
        %run_scoped3A = tpu.sem_alloc : memref<!tpu.dma_semaphore, #tpu.memory_space<semaphore_mem>>
        %dma_start3A = tpu.memref_slice %arg3[%add3A_19] : memref<320000xi32, #tpu.memory_space<hbm>> -> memref<400xi32, #tpu.memory_space<hbm>>
        %dma_start3A_20 = tpu.memref_slice %arg3[%add3A_19] : memref<320000xi32, #tpu.memory_space<hbm>> -> memref<400xi32, #tpu.memory_space<hbm>>
        tpu.enqueue_dma source(%dma_start3A_20 : memref<400xi32, #tpu.memory_space<hbm>>) target(%arg6 : memref<400xi32, #tpu.memory_space<vmem>>) target_semaphore(%run_scoped3A : memref<!tpu.dma_semaphore, #tpu.memory_space<semaphore_mem>>)
        %dma_wait3A = tpu.memref_slice %arg3[%add3A_19] : memref<320000xi32, #tpu.memory_space<hbm>> -> memref<400xi32, #tpu.memory_space<hbm>>
        %dma_wait3A_21 = tpu.memref_slice %arg3[%add3A_19] : memref<320000xi32, #tpu.memory_space<hbm>> -> memref<400xi32, #tpu.memory_space<hbm>>
        tpu.wait_dma2 semaphore(%run_scoped3A : memref<!tpu.dma_semaphore, #tpu.memory_space<semaphore_mem>>) src(%dma_wait3A_21 : memref<400xi32, #tpu.memory_space<hbm>>) dst(%arg6 : memref<400xi32, #tpu.memory_space<vmem>>)
        tpu.yield
      }) : () -> ()
      "tpu.region"() ({
        %run_scoped3A = tpu.sem_alloc : memref<!tpu.dma_semaphore, #tpu.memory_space<semaphore_mem>>
        %dma_start3A = arith.constant 128 : i32
        %dma_start3A_20 = tpu.memref_slice %arg2[%add3A_19, %dma_start3A] : memref<320000x256xf32, #tpu.memory_space<hbm>> -> memref<400x64xf32, #tpu.memory_space<hbm>>
        %dma_start3A_21 = arith.constant 128 : i32
        %dma_start3A_22 = tpu.memref_slice %arg2[%add3A_19, %dma_start3A_21] : memref<320000x256xf32, #tpu.memory_space<hbm>> -> memref<400x64xf32, #tpu.memory_space<hbm>>
        tpu.enqueue_dma source(%dma_start3A_22 : memref<400x64xf32, #tpu.memory_space<hbm>>) target(%arg7 : memref<400x64xf32, #tpu.memory_space<vmem>>) target_semaphore(%run_scoped3A : memref<!tpu.dma_semaphore, #tpu.memory_space<semaphore_mem>>)
        %dma_wait3A = arith.constant 128 : i32
        %dma_wait3A_23 = tpu.memref_slice %arg2[%add3A_19, %dma_wait3A] : memref<320000x256xf32, #tpu.memory_space<hbm>> -> memref<400x64xf32, #tpu.memory_space<hbm>>
        %dma_wait3A_24 = arith.constant 128 : i32
        %dma_wait3A_25 = tpu.memref_slice %arg2[%add3A_19, %dma_wait3A_24] : memref<320000x256xf32, #tpu.memory_space<hbm>> -> memref<400x64xf32, #tpu.memory_space<hbm>>
        tpu.wait_dma2 semaphore(%run_scoped3A : memref<!tpu.dma_semaphore, #tpu.memory_space<semaphore_mem>>) src(%dma_wait3A_25 : memref<400x64xf32, #tpu.memory_space<hbm>>) dst(%arg7 : memref<400x64xf32, #tpu.memory_space<vmem>>)
        tpu.yield
      }) : () -> ()
      "tpu.region"() ({
        %run_scoped3A = tpu.sem_alloc : memref<!tpu.dma_semaphore, #tpu.memory_space<semaphore_mem>>
        %dma_start3A = arith.constant 0 : i32
        %dma_start3A_20 = arith.constant 0 : i32
        %dma_start3A_21 = tpu.memref_slice %arg8[%dma_start3A, %dma_start3A_20] : memref<10000x64xf32, #tpu.memory_space<vmem_shared>> -> memref<10000x64xf32, #tpu.memory_space<vmem_shared>>
        tpu.enqueue_indirect_dma source(%arg7 : memref<400x64xf32, #tpu.memory_space<vmem>>) target(%dma_start3A_21 : memref<10000x64xf32, #tpu.memory_space<vmem_shared>>) offsets(%arg6 : memref<400xi32, #tpu.memory_space<vmem>>) semaphore(%run_scoped3A : memref<!tpu.dma_semaphore, #tpu.memory_space<semaphore_mem>>) {add = true}
        %dma_wait3A = arith.constant 0 : i32
        %dma_wait3A_22 = arith.constant 0 : i32
        %dma_wait3A_23 = tpu.memref_slice %arg8[%dma_wait3A, %dma_wait3A_22] : memref<10000x64xf32, #tpu.memory_space<vmem_shared>> -> memref<10000x64xf32, #tpu.memory_space<vmem_shared>>
        tpu.wait_indirect_dma semaphore(%run_scoped3A : memref<!tpu.dma_semaphore, #tpu.memory_space<semaphore_mem>>) src(%arg7 : memref<400x64xf32, #tpu.memory_space<vmem>>) dst(%dma_wait3A_23 : memref<10000x64xf32, #tpu.memory_space<vmem_shared>>)
        tpu.yield
      }) : () -> ()
    }
    %scan3A_9 = arith.constant 25 : i32
    %barrier3A_10 = arith.constant 0 : index
    tpu.barrier barrier_id(%barrier3A_10)
    %eq3A_11 = arith.constant 0 : i32
    %eq3A_12 = arith.cmpi eq, %arg1, %eq3A_11 : i32
    %convert_element_type3A_13 = arith.extui %eq3A_12 : i1 to i32
    %cond3A_14 = arith.constant 0 : i32
    %cond3A_15 = arith.cmpi ne, %convert_element_type3A_13, %cond3A_14 : i32
    scf.if %cond3A_15 {
      "tpu.region"() ({
        %run_scoped3A = tpu.sem_alloc : memref<!tpu.dma_semaphore, #tpu.memory_space<semaphore_mem>>
        %dma_start3A = arith.constant 0 : i32
        %dma_start3A_16 = arith.constant 0 : i32
        %dma_start3A_17 = tpu.memref_slice %arg5[%arg0, %dma_start3A, %dma_start3A_16] : memref<2x10000x64xf32, #tpu.memory_space<hbm>> -> memref<1x10000x64xf32, #tpu.memory_space<hbm>>
        %dma_start3A_18 = tpu.memref_squeeze %dma_start3A_17 : memref<1x10000x64xf32, #tpu.memory_space<hbm>> -> memref<10000x64xf32, #tpu.memory_space<hbm>>
        tpu.enqueue_dma source(%arg8 : memref<10000x64xf32, #tpu.memory_space<vmem_shared>>) target(%dma_start3A_18 : memref<10000x64xf32, #tpu.memory_space<hbm>>) target_semaphore(%run_scoped3A : memref<!tpu.dma_semaphore, #tpu.memory_space<semaphore_mem>>)
        %dma_wait3A = arith.constant 0 : i32
        %dma_wait3A_19 = arith.constant 0 : i32
        %dma_wait3A_20 = tpu.memref_slice %arg5[%arg0, %dma_wait3A, %dma_wait3A_19] : memref<2x10000x64xf32, #tpu.memory_space<hbm>> -> memref<1x10000x64xf32, #tpu.memory_space<hbm>>
        %dma_wait3A_21 = tpu.memref_squeeze %dma_wait3A_20 : memref<1x10000x64xf32, #tpu.memory_space<hbm>> -> memref<10000x64xf32, #tpu.memory_space<hbm>>
        tpu.wait_dma2 semaphore(%run_scoped3A : memref<!tpu.dma_semaphore, #tpu.memory_space<semaphore_mem>>) src(%arg8 : memref<10000x64xf32, #tpu.memory_space<vmem_shared>>) dst(%dma_wait3A_21 : memref<10000x64xf32, #tpu.memory_space<hbm>>)
        tpu.yield
      }) : () -> ()
    } else {
    }
    return
  }
}

#map = affine_map<(d0, d1) -> (0, 0)>
#map1 = affine_map<(d0, d1) -> (0)>
#map2 = affine_map<(d0, d1) -> (0, 0, 0)>
module attributes {stable_mosaic.version = 14 : i64} {
  func.func @body(%arg0: i32, %arg1: i32, %arg2: memref<320000x256xf32, #tpu.memory_space<hbm>>, %arg3: memref<320000xi32, #tpu.memory_space<hbm>>, %arg4: memref<10000x64xf32, #tpu.memory_space<hbm>>, %arg5: memref<2x10000x64xf32, #tpu.memory_space<hbm>>, %arg6: memref<400xi32, #tpu.memory_space<vmem>>, %arg7: memref<400x64xf32, #tpu.memory_space<vmem>>, %arg8: memref<10000x64xf32, #tpu.memory_space<vmem_shared>>, %arg9: memref<!tpu.dma_semaphore, #tpu.memory_space<semaphore_mem>>) attributes {dimension_semantics = [#tpu.dimension_semantics<core_parallel>, #tpu.dimension_semantics<subcore_parallel>], iteration_bounds = array<i64: 2, 16>, scalar_prefetch = 0 : i64, scratch_operands = 4 : i64, tpu.core_type = #tpu.core_type<sc_vector_subcore>, window_params = [{transform_indices = #map}, {transform_indices = #map1}, {transform_indices = #map}, {transform_indices = #map2}]} {
    %mul3A = arith.constant 2 : i32
    %mul3A_0 = arith.muli %arg1, %mul3A : i32
    %add3A = arith.addi %mul3A_0, %arg0 : i32
    %mul3A_1 = arith.constant 10000 : i32
    %mul3A_2 = arith.muli %add3A, %mul3A_1 : i32
    %eq3A = arith.constant 0 : i32
    %eq3A_3 = arith.cmpi eq, %arg1, %eq3A : i32
    %convert_element_type3A = arith.extui %eq3A_3 : i1 to i32
    %cond3A = arith.constant 0 : i32
    %cond3A_4 = arith.cmpi ne, %convert_element_type3A, %cond3A : i32
    scf.if %cond3A_4 {
      "tpu.region"() ({
        %run_scoped3A = tpu.sem_alloc : memref<!tpu.dma_semaphore, #tpu.memory_space<semaphore_mem>>
        tpu.enqueue_dma source(%arg4 : memref<10000x64xf32, #tpu.memory_space<hbm>>) target(%arg8 : memref<10000x64xf32, #tpu.memory_space<vmem_shared>>) target_semaphore(%run_scoped3A : memref<!tpu.dma_semaphore, #tpu.memory_space<semaphore_mem>>)
        tpu.wait_dma2 semaphore(%run_scoped3A : memref<!tpu.dma_semaphore, #tpu.memory_space<semaphore_mem>>) src(%arg4 : memref<10000x64xf32, #tpu.memory_space<hbm>>) dst(%arg8 : memref<10000x64xf32, #tpu.memory_space<vmem_shared>>)
        tpu.yield
      }) : () -> ()
    } else {
    }
    %barrier3A = arith.constant 0 : index
    tpu.barrier barrier_id(%barrier3A)
    %scan3A = arith.constant 0 : i32
    %scan3A_5 = arith.constant 0 : i32
    %scan3A_6 = arith.constant 25 : i32
    %scan3A_7 = arith.addi %scan3A_5, %scan3A_6 : i32
    %scan3A_8 = arith.constant 1 : i32
    scf.for %scan3A_16 = %scan3A_5 to %scan3A_7 step %scan3A_8  : i32 {
      %mul3A_17 = arith.constant 400 : i32
      %mul3A_18 = arith.muli %scan3A_16, %mul3A_17 : i32
      %add3A_19 = arith.addi %mul3A_2, %mul3A_18 : i32
      "tpu.region"() ({
        %run_scoped3A = tpu.sem_alloc : memref<!tpu.dma_semaphore, #tpu.memory_space<semaphore_mem>>
        %dma_start3A = tpu.memref_slice %arg3[%add3A_19] : memref<320000xi32, #tpu.memory_space<hbm>> -> memref<400xi32, #tpu.memory_space<hbm>>
        %dma_start3A_20 = tpu.memref_slice %arg3[%add3A_19] : memref<320000xi32, #tpu.memory_space<hbm>> -> memref<400xi32, #tpu.memory_space<hbm>>
        tpu.enqueue_dma source(%dma_start3A_20 : memref<400xi32, #tpu.memory_space<hbm>>) target(%arg6 : memref<400xi32, #tpu.memory_space<vmem>>) target_semaphore(%run_scoped3A : memref<!tpu.dma_semaphore, #tpu.memory_space<semaphore_mem>>)
        %dma_wait3A = tpu.memref_slice %arg3[%add3A_19] : memref<320000xi32, #tpu.memory_space<hbm>> -> memref<400xi32, #tpu.memory_space<hbm>>
        %dma_wait3A_21 = tpu.memref_slice %arg3[%add3A_19] : memref<320000xi32, #tpu.memory_space<hbm>> -> memref<400xi32, #tpu.memory_space<hbm>>
        tpu.wait_dma2 semaphore(%run_scoped3A : memref<!tpu.dma_semaphore, #tpu.memory_space<semaphore_mem>>) src(%dma_wait3A_21 : memref<400xi32, #tpu.memory_space<hbm>>) dst(%arg6 : memref<400xi32, #tpu.memory_space<vmem>>)
        tpu.yield
      }) : () -> ()
      "tpu.region"() ({
        %run_scoped3A = tpu.sem_alloc : memref<!tpu.dma_semaphore, #tpu.memory_space<semaphore_mem>>
        %dma_start3A = arith.constant 64 : i32
        %dma_start3A_20 = tpu.memref_slice %arg2[%add3A_19, %dma_start3A] : memref<320000x256xf32, #tpu.memory_space<hbm>> -> memref<400x64xf32, #tpu.memory_space<hbm>>
        %dma_start3A_21 = arith.constant 64 : i32
        %dma_start3A_22 = tpu.memref_slice %arg2[%add3A_19, %dma_start3A_21] : memref<320000x256xf32, #tpu.memory_space<hbm>> -> memref<400x64xf32, #tpu.memory_space<hbm>>
        tpu.enqueue_dma source(%dma_start3A_22 : memref<400x64xf32, #tpu.memory_space<hbm>>) target(%arg7 : memref<400x64xf32, #tpu.memory_space<vmem>>) target_semaphore(%run_scoped3A : memref<!tpu.dma_semaphore, #tpu.memory_space<semaphore_mem>>)
        %dma_wait3A = arith.constant 64 : i32
        %dma_wait3A_23 = tpu.memref_slice %arg2[%add3A_19, %dma_wait3A] : memref<320000x256xf32, #tpu.memory_space<hbm>> -> memref<400x64xf32, #tpu.memory_space<hbm>>
        %dma_wait3A_24 = arith.constant 64 : i32
        %dma_wait3A_25 = tpu.memref_slice %arg2[%add3A_19, %dma_wait3A_24] : memref<320000x256xf32, #tpu.memory_space<hbm>> -> memref<400x64xf32, #tpu.memory_space<hbm>>
        tpu.wait_dma2 semaphore(%run_scoped3A : memref<!tpu.dma_semaphore, #tpu.memory_space<semaphore_mem>>) src(%dma_wait3A_25 : memref<400x64xf32, #tpu.memory_space<hbm>>) dst(%arg7 : memref<400x64xf32, #tpu.memory_space<vmem>>)
        tpu.yield
      }) : () -> ()
      "tpu.region"() ({
        %run_scoped3A = tpu.sem_alloc : memref<!tpu.dma_semaphore, #tpu.memory_space<semaphore_mem>>
        %dma_start3A = arith.constant 0 : i32
        %dma_start3A_20 = arith.constant 0 : i32
        %dma_start3A_21 = tpu.memref_slice %arg8[%dma_start3A, %dma_start3A_20] : memref<10000x64xf32, #tpu.memory_space<vmem_shared>> -> memref<10000x64xf32, #tpu.memory_space<vmem_shared>>
        tpu.enqueue_indirect_dma source(%arg7 : memref<400x64xf32, #tpu.memory_space<vmem>>) target(%dma_start3A_21 : memref<10000x64xf32, #tpu.memory_space<vmem_shared>>) offsets(%arg6 : memref<400xi32, #tpu.memory_space<vmem>>) semaphore(%run_scoped3A : memref<!tpu.dma_semaphore, #tpu.memory_space<semaphore_mem>>) {add = true}
        %dma_wait3A = arith.constant 0 : i32
        %dma_wait3A_22 = arith.constant 0 : i32
        %dma_wait3A_23 = tpu.memref_slice %arg8[%dma_wait3A, %dma_wait3A_22] : memref<10000x64xf32, #tpu.memory_space<vmem_shared>> -> memref<10000x64xf32, #tpu.memory_space<vmem_shared>>
        tpu.wait_indirect_dma semaphore(%run_scoped3A : memref<!tpu.dma_semaphore, #tpu.memory_space<semaphore_mem>>) src(%arg7 : memref<400x64xf32, #tpu.memory_space<vmem>>) dst(%dma_wait3A_23 : memref<10000x64xf32, #tpu.memory_space<vmem_shared>>)
        tpu.yield
      }) : () -> ()
    }
    %scan3A_9 = arith.constant 25 : i32
    %barrier3A_10 = arith.constant 0 : index
    tpu.barrier barrier_id(%barrier3A_10)
    %eq3A_11 = arith.constant 0 : i32
    %eq3A_12 = arith.cmpi eq, %arg1, %eq3A_11 : i32
    %convert_element_type3A_13 = arith.extui %eq3A_12 : i1 to i32
    %cond3A_14 = arith.constant 0 : i32
    %cond3A_15 = arith.cmpi ne, %convert_element_type3A_13, %cond3A_14 : i32
    scf.if %cond3A_15 {
      "tpu.region"() ({
        %run_scoped3A = tpu.sem_alloc : memref<!tpu.dma_semaphore, #tpu.memory_space<semaphore_mem>>
        %dma_start3A = arith.constant 0 : i32
        %dma_start3A_16 = arith.constant 0 : i32
        %dma_start3A_17 = tpu.memref_slice %arg5[%arg0, %dma_start3A, %dma_start3A_16] : memref<2x10000x64xf32, #tpu.memory_space<hbm>> -> memref<1x10000x64xf32, #tpu.memory_space<hbm>>
        %dma_start3A_18 = tpu.memref_squeeze %dma_start3A_17 : memref<1x10000x64xf32, #tpu.memory_space<hbm>> -> memref<10000x64xf32, #tpu.memory_space<hbm>>
        tpu.enqueue_dma source(%arg8 : memref<10000x64xf32, #tpu.memory_space<vmem_shared>>) target(%dma_start3A_18 : memref<10000x64xf32, #tpu.memory_space<hbm>>) target_semaphore(%run_scoped3A : memref<!tpu.dma_semaphore, #tpu.memory_space<semaphore_mem>>)
        %dma_wait3A = arith.constant 0 : i32
        %dma_wait3A_19 = arith.constant 0 : i32
        %dma_wait3A_20 = tpu.memref_slice %arg5[%arg0, %dma_wait3A, %dma_wait3A_19] : memref<2x10000x64xf32, #tpu.memory_space<hbm>> -> memref<1x10000x64xf32, #tpu.memory_space<hbm>>
        %dma_wait3A_21 = tpu.memref_squeeze %dma_wait3A_20 : memref<1x10000x64xf32, #tpu.memory_space<hbm>> -> memref<10000x64xf32, #tpu.memory_space<hbm>>
        tpu.wait_dma2 semaphore(%run_scoped3A : memref<!tpu.dma_semaphore, #tpu.memory_space<semaphore_mem>>) src(%arg8 : memref<10000x64xf32, #tpu.memory_space<vmem_shared>>) dst(%dma_wait3A_21 : memref<10000x64xf32, #tpu.memory_space<hbm>>)
        tpu.yield
      }) : () -> ()
    } else {
    }
    return
  }
}

#map = affine_map<(d0, d1) -> (0, 0)>
#map1 = affine_map<(d0, d1) -> (0)>
#map2 = affine_map<(d0, d1) -> (0, 0, 0)>
module attributes {stable_mosaic.version = 14 : i64} {
  func.func @body(%arg0: i32, %arg1: i32, %arg2: memref<320000x256xf32, #tpu.memory_space<hbm>>, %arg3: memref<320000xi32, #tpu.memory_space<hbm>>, %arg4: memref<10000x64xf32, #tpu.memory_space<hbm>>, %arg5: memref<2x10000x64xf32, #tpu.memory_space<hbm>>, %arg6: memref<400xi32, #tpu.memory_space<vmem>>, %arg7: memref<400x64xf32, #tpu.memory_space<vmem>>, %arg8: memref<10000x64xf32, #tpu.memory_space<vmem_shared>>, %arg9: memref<!tpu.dma_semaphore, #tpu.memory_space<semaphore_mem>>) attributes {dimension_semantics = [#tpu.dimension_semantics<core_parallel>, #tpu.dimension_semantics<subcore_parallel>], iteration_bounds = array<i64: 2, 16>, scalar_prefetch = 0 : i64, scratch_operands = 4 : i64, tpu.core_type = #tpu.core_type<sc_vector_subcore>, window_params = [{transform_indices = #map}, {transform_indices = #map1}, {transform_indices = #map}, {transform_indices = #map2}]} {
    %mul3A = arith.constant 2 : i32
    %mul3A_0 = arith.muli %arg1, %mul3A : i32
    %add3A = arith.addi %mul3A_0, %arg0 : i32
    %mul3A_1 = arith.constant 10000 : i32
    %mul3A_2 = arith.muli %add3A, %mul3A_1 : i32
    %eq3A = arith.constant 0 : i32
    %eq3A_3 = arith.cmpi eq, %arg1, %eq3A : i32
    %convert_element_type3A = arith.extui %eq3A_3 : i1 to i32
    %cond3A = arith.constant 0 : i32
    %cond3A_4 = arith.cmpi ne, %convert_element_type3A, %cond3A : i32
    scf.if %cond3A_4 {
      "tpu.region"() ({
        %run_scoped3A = tpu.sem_alloc : memref<!tpu.dma_semaphore, #tpu.memory_space<semaphore_mem>>
        tpu.enqueue_dma source(%arg4 : memref<10000x64xf32, #tpu.memory_space<hbm>>) target(%arg8 : memref<10000x64xf32, #tpu.memory_space<vmem_shared>>) target_semaphore(%run_scoped3A : memref<!tpu.dma_semaphore, #tpu.memory_space<semaphore_mem>>)
        tpu.wait_dma2 semaphore(%run_scoped3A : memref<!tpu.dma_semaphore, #tpu.memory_space<semaphore_mem>>) src(%arg4 : memref<10000x64xf32, #tpu.memory_space<hbm>>) dst(%arg8 : memref<10000x64xf32, #tpu.memory_space<vmem_shared>>)
        tpu.yield
      }) : () -> ()
    } else {
    }
    %barrier3A = arith.constant 0 : index
    tpu.barrier barrier_id(%barrier3A)
    %scan3A = arith.constant 0 : i32
    %scan3A_5 = arith.constant 0 : i32
    %scan3A_6 = arith.constant 25 : i32
    %scan3A_7 = arith.addi %scan3A_5, %scan3A_6 : i32
    %scan3A_8 = arith.constant 1 : i32
    scf.for %scan3A_16 = %scan3A_5 to %scan3A_7 step %scan3A_8  : i32 {
      %mul3A_17 = arith.constant 400 : i32
      %mul3A_18 = arith.muli %scan3A_16, %mul3A_17 : i32
      %add3A_19 = arith.addi %mul3A_2, %mul3A_18 : i32
      "tpu.region"() ({
        %run_scoped3A = tpu.sem_alloc : memref<!tpu.dma_semaphore, #tpu.memory_space<semaphore_mem>>
        %dma_start3A = tpu.memref_slice %arg3[%add3A_19] : memref<320000xi32, #tpu.memory_space<hbm>> -> memref<400xi32, #tpu.memory_space<hbm>>
        %dma_start3A_20 = tpu.memref_slice %arg3[%add3A_19] : memref<320000xi32, #tpu.memory_space<hbm>> -> memref<400xi32, #tpu.memory_space<hbm>>
        tpu.enqueue_dma source(%dma_start3A_20 : memref<400xi32, #tpu.memory_space<hbm>>) target(%arg6 : memref<400xi32, #tpu.memory_space<vmem>>) target_semaphore(%run_scoped3A : memref<!tpu.dma_semaphore, #tpu.memory_space<semaphore_mem>>)
        %dma_wait3A = tpu.memref_slice %arg3[%add3A_19] : memref<320000xi32, #tpu.memory_space<hbm>> -> memref<400xi32, #tpu.memory_space<hbm>>
        %dma_wait3A_21 = tpu.memref_slice %arg3[%add3A_19] : memref<320000xi32, #tpu.memory_space<hbm>> -> memref<400xi32, #tpu.memory_space<hbm>>
        tpu.wait_dma2 semaphore(%run_scoped3A : memref<!tpu.dma_semaphore, #tpu.memory_space<semaphore_mem>>) src(%dma_wait3A_21 : memref<400xi32, #tpu.memory_space<hbm>>) dst(%arg6 : memref<400xi32, #tpu.memory_space<vmem>>)
        tpu.yield
      }) : () -> ()
      "tpu.region"() ({
        %run_scoped3A = tpu.sem_alloc : memref<!tpu.dma_semaphore, #tpu.memory_space<semaphore_mem>>
        %dma_start3A = arith.constant 0 : i32
        %dma_start3A_20 = tpu.memref_slice %arg2[%add3A_19, %dma_start3A] : memref<320000x256xf32, #tpu.memory_space<hbm>> -> memref<400x64xf32, #tpu.memory_space<hbm>>
        %dma_start3A_21 = arith.constant 0 : i32
        %dma_start3A_22 = tpu.memref_slice %arg2[%add3A_19, %dma_start3A_21] : memref<320000x256xf32, #tpu.memory_space<hbm>> -> memref<400x64xf32, #tpu.memory_space<hbm>>
        tpu.enqueue_dma source(%dma_start3A_22 : memref<400x64xf32, #tpu.memory_space<hbm>>) target(%arg7 : memref<400x64xf32, #tpu.memory_space<vmem>>) target_semaphore(%run_scoped3A : memref<!tpu.dma_semaphore, #tpu.memory_space<semaphore_mem>>)
        %dma_wait3A = arith.constant 0 : i32
        %dma_wait3A_23 = tpu.memref_slice %arg2[%add3A_19, %dma_wait3A] : memref<320000x256xf32, #tpu.memory_space<hbm>> -> memref<400x64xf32, #tpu.memory_space<hbm>>
        %dma_wait3A_24 = arith.constant 0 : i32
        %dma_wait3A_25 = tpu.memref_slice %arg2[%add3A_19, %dma_wait3A_24] : memref<320000x256xf32, #tpu.memory_space<hbm>> -> memref<400x64xf32, #tpu.memory_space<hbm>>
        tpu.wait_dma2 semaphore(%run_scoped3A : memref<!tpu.dma_semaphore, #tpu.memory_space<semaphore_mem>>) src(%dma_wait3A_25 : memref<400x64xf32, #tpu.memory_space<hbm>>) dst(%arg7 : memref<400x64xf32, #tpu.memory_space<vmem>>)
        tpu.yield
      }) : () -> ()
      "tpu.region"() ({
        %run_scoped3A = tpu.sem_alloc : memref<!tpu.dma_semaphore, #tpu.memory_space<semaphore_mem>>
        %dma_start3A = arith.constant 0 : i32
        %dma_start3A_20 = arith.constant 0 : i32
        %dma_start3A_21 = tpu.memref_slice %arg8[%dma_start3A, %dma_start3A_20] : memref<10000x64xf32, #tpu.memory_space<vmem_shared>> -> memref<10000x64xf32, #tpu.memory_space<vmem_shared>>
        tpu.enqueue_indirect_dma source(%arg7 : memref<400x64xf32, #tpu.memory_space<vmem>>) target(%dma_start3A_21 : memref<10000x64xf32, #tpu.memory_space<vmem_shared>>) offsets(%arg6 : memref<400xi32, #tpu.memory_space<vmem>>) semaphore(%run_scoped3A : memref<!tpu.dma_semaphore, #tpu.memory_space<semaphore_mem>>) {add = true}
        %dma_wait3A = arith.constant 0 : i32
        %dma_wait3A_22 = arith.constant 0 : i32
        %dma_wait3A_23 = tpu.memref_slice %arg8[%dma_wait3A, %dma_wait3A_22] : memref<10000x64xf32, #tpu.memory_space<vmem_shared>> -> memref<10000x64xf32, #tpu.memory_space<vmem_shared>>
        tpu.wait_indirect_dma semaphore(%run_scoped3A : memref<!tpu.dma_semaphore, #tpu.memory_space<semaphore_mem>>) src(%arg7 : memref<400x64xf32, #tpu.memory_space<vmem>>) dst(%dma_wait3A_23 : memref<10000x64xf32, #tpu.memory_space<vmem_shared>>)
        tpu.yield
      }) : () -> ()
    }
    %scan3A_9 = arith.constant 25 : i32
    %barrier3A_10 = arith.constant 0 : index
    tpu.barrier barrier_id(%barrier3A_10)
    %eq3A_11 = arith.constant 0 : i32
    %eq3A_12 = arith.cmpi eq, %arg1, %eq3A_11 : i32
    %convert_element_type3A_13 = arith.extui %eq3A_12 : i1 to i32
    %cond3A_14 = arith.constant 0 : i32
    %cond3A_15 = arith.cmpi ne, %convert_element_type3A_13, %cond3A_14 : i32
    scf.if %cond3A_15 {
      "tpu.region"() ({
        %run_scoped3A = tpu.sem_alloc : memref<!tpu.dma_semaphore, #tpu.memory_space<semaphore_mem>>
        %dma_start3A = arith.constant 0 : i32
        %dma_start3A_16 = arith.constant 0 : i32
        %dma_start3A_17 = tpu.memref_slice %arg5[%arg0, %dma_start3A, %dma_start3A_16] : memref<2x10000x64xf32, #tpu.memory_space<hbm>> -> memref<1x10000x64xf32, #tpu.memory_space<hbm>>
        %dma_start3A_18 = tpu.memref_squeeze %dma_start3A_17 : memref<1x10000x64xf32, #tpu.memory_space<hbm>> -> memref<10000x64xf32, #tpu.memory_space<hbm>>
        tpu.enqueue_dma source(%arg8 : memref<10000x64xf32, #tpu.memory_space<vmem_shared>>) target(%dma_start3A_18 : memref<10000x64xf32, #tpu.memory_space<hbm>>) target_semaphore(%run_scoped3A : memref<!tpu.dma_semaphore, #tpu.memory_space<semaphore_mem>>)
        %dma_wait3A = arith.constant 0 : i32
        %dma_wait3A_19 = arith.constant 0 : i32
        %dma_wait3A_20 = tpu.memref_slice %arg5[%arg0, %dma_wait3A, %dma_wait3A_19] : memref<2x10000x64xf32, #tpu.memory_space<hbm>> -> memref<1x10000x64xf32, #tpu.memory_space<hbm>>
        %dma_wait3A_21 = tpu.memref_squeeze %dma_wait3A_20 : memref<1x10000x64xf32, #tpu.memory_space<hbm>> -> memref<10000x64xf32, #tpu.memory_space<hbm>>
        tpu.wait_dma2 semaphore(%run_scoped3A : memref<!tpu.dma_semaphore, #tpu.memory_space<semaphore_mem>>) src(%arg8 : memref<10000x64xf32, #tpu.memory_space<vmem_shared>>) dst(%dma_wait3A_21 : memref<10000x64xf32, #tpu.memory_space<hbm>>)
        tpu.yield
      }) : () -> ()
    } else {
    }
    return
  }
}

#map = affine_map<(d0, d1) -> (0)>
#map1 = affine_map<(d0, d1) -> (0, 0)>
module attributes {stable_mosaic.version = 14 : i64} {
  func.func @body(%arg0: i32, %arg1: i32, %arg2: memref<10000xf32, #tpu.memory_space<hbm>>, %arg3: memref<10000xf32, #tpu.memory_space<hbm>>, %arg4: memref<320000xi32, #tpu.memory_space<hbm>>, %arg5: memref<320000xi32, #tpu.memory_space<hbm>>, %arg6: memref<320000xf32, #tpu.memory_space<hbm>>, %arg7: memref<32x10000xf32, #tpu.memory_space<hbm>>, %arg8: memref<2x10000xf32, #tpu.memory_space<vmem>>, %arg9: memref<10000xf32, #tpu.memory_space<vmem>>, %arg10: memref<2x400xi32, #tpu.memory_space<vmem>>, %arg11: memref<400xf32, #tpu.memory_space<vmem>>, %arg12: memref<400xf32, #tpu.memory_space<vmem>>) attributes {dimension_semantics = [#tpu.dimension_semantics<core_parallel>, #tpu.dimension_semantics<subcore_parallel>], iteration_bounds = array<i64: 2, 16>, scalar_prefetch = 0 : i64, scratch_operands = 5 : i64, tpu.core_type = #tpu.core_type<sc_vector_subcore>, window_params = [{transform_indices = #map}, {transform_indices = #map}, {transform_indices = #map}, {transform_indices = #map}, {transform_indices = #map}, {transform_indices = #map1}]} {
    %mul3A = arith.constant 2 : i32
    %mul3A_0 = arith.muli %arg1, %mul3A : i32
    %add3A = arith.addi %mul3A_0, %arg0 : i32
    %mul3A_1 = arith.constant 10000 : i32
    %mul3A_2 = arith.muli %add3A, %mul3A_1 : i32
    %run_scoped3A = arith.constant 0 : i32
    "tpu.region"() ({
      %run_scoped3A_15 = tpu.sem_alloc : memref<!tpu.dma_semaphore, #tpu.memory_space<semaphore_mem>>
      %dma_start3A = arith.constant 0 : i32
      %dma_start3A_16 = tpu.memref_slice %arg8[%run_scoped3A, %dma_start3A] : memref<2x10000xf32, #tpu.memory_space<vmem>> -> memref<1x10000xf32, #tpu.memory_space<vmem>>
      %dma_start3A_17 = tpu.memref_squeeze %dma_start3A_16 : memref<1x10000xf32, #tpu.memory_space<vmem>> -> memref<10000xf32, #tpu.memory_space<vmem>>
      %dma_start3A_18 = arith.constant 0 : i32
      %dma_start3A_19 = tpu.memref_slice %arg8[%run_scoped3A, %dma_start3A_18] : memref<2x10000xf32, #tpu.memory_space<vmem>> -> memref<1x10000xf32, #tpu.memory_space<vmem>>
      %dma_start3A_20 = tpu.memref_squeeze %dma_start3A_19 : memref<1x10000xf32, #tpu.memory_space<vmem>> -> memref<10000xf32, #tpu.memory_space<vmem>>
      tpu.enqueue_dma source(%arg2 : memref<10000xf32, #tpu.memory_space<hbm>>) target(%dma_start3A_20 : memref<10000xf32, #tpu.memory_space<vmem>>) target_semaphore(%run_scoped3A_15 : memref<!tpu.dma_semaphore, #tpu.memory_space<semaphore_mem>>)
      %dma_wait3A = arith.constant 0 : i32
      %dma_wait3A_21 = tpu.memref_slice %arg8[%run_scoped3A, %dma_wait3A] : memref<2x10000xf32, #tpu.memory_space<vmem>> -> memref<1x10000xf32, #tpu.memory_space<vmem>>
      %dma_wait3A_22 = tpu.memref_squeeze %dma_wait3A_21 : memref<1x10000xf32, #tpu.memory_space<vmem>> -> memref<10000xf32, #tpu.memory_space<vmem>>
      %dma_wait3A_23 = arith.constant 0 : i32
      %dma_wait3A_24 = tpu.memref_slice %arg8[%run_scoped3A, %dma_wait3A_23] : memref<2x10000xf32, #tpu.memory_space<vmem>> -> memref<1x10000xf32, #tpu.memory_space<vmem>>
      %dma_wait3A_25 = tpu.memref_squeeze %dma_wait3A_24 : memref<1x10000xf32, #tpu.memory_space<vmem>> -> memref<10000xf32, #tpu.memory_space<vmem>>
      tpu.wait_dma2 semaphore(%run_scoped3A_15 : memref<!tpu.dma_semaphore, #tpu.memory_space<semaphore_mem>>) src(%arg2 : memref<10000xf32, #tpu.memory_space<hbm>>) dst(%dma_wait3A_25 : memref<10000xf32, #tpu.memory_space<vmem>>)
      tpu.yield
    }) : () -> ()
    %run_scoped3A_3 = arith.constant 1 : i32
    "tpu.region"() ({
      %run_scoped3A_15 = tpu.sem_alloc : memref<!tpu.dma_semaphore, #tpu.memory_space<semaphore_mem>>
      %dma_start3A = arith.constant 0 : i32
      %dma_start3A_16 = tpu.memref_slice %arg8[%run_scoped3A_3, %dma_start3A] : memref<2x10000xf32, #tpu.memory_space<vmem>> -> memref<1x10000xf32, #tpu.memory_space<vmem>>
      %dma_start3A_17 = tpu.memref_squeeze %dma_start3A_16 : memref<1x10000xf32, #tpu.memory_space<vmem>> -> memref<10000xf32, #tpu.memory_space<vmem>>
      %dma_start3A_18 = arith.constant 0 : i32
      %dma_start3A_19 = tpu.memref_slice %arg8[%run_scoped3A_3, %dma_start3A_18] : memref<2x10000xf32, #tpu.memory_space<vmem>> -> memref<1x10000xf32, #tpu.memory_space<vmem>>
      %dma_start3A_20 = tpu.memref_squeeze %dma_start3A_19 : memref<1x10000xf32, #tpu.memory_space<vmem>> -> memref<10000xf32, #tpu.memory_space<vmem>>
      tpu.enqueue_dma source(%arg3 : memref<10000xf32, #tpu.memory_space<hbm>>) target(%dma_start3A_20 : memref<10000xf32, #tpu.memory_space<vmem>>) target_semaphore(%run_scoped3A_15 : memref<!tpu.dma_semaphore, #tpu.memory_space<semaphore_mem>>)
      %dma_wait3A = arith.constant 0 : i32
      %dma_wait3A_21 = tpu.memref_slice %arg8[%run_scoped3A_3, %dma_wait3A] : memref<2x10000xf32, #tpu.memory_space<vmem>> -> memref<1x10000xf32, #tpu.memory_space<vmem>>
      %dma_wait3A_22 = tpu.memref_squeeze %dma_wait3A_21 : memref<1x10000xf32, #tpu.memory_space<vmem>> -> memref<10000xf32, #tpu.memory_space<vmem>>
      %dma_wait3A_23 = arith.constant 0 : i32
      %dma_wait3A_24 = tpu.memref_slice %arg8[%run_scoped3A_3, %dma_wait3A_23] : memref<2x10000xf32, #tpu.memory_space<vmem>> -> memref<1x10000xf32, #tpu.memory_space<vmem>>
      %dma_wait3A_25 = tpu.memref_squeeze %dma_wait3A_24 : memref<1x10000xf32, #tpu.memory_space<vmem>> -> memref<10000xf32, #tpu.memory_space<vmem>>
      tpu.wait_dma2 semaphore(%run_scoped3A_15 : memref<!tpu.dma_semaphore, #tpu.memory_space<semaphore_mem>>) src(%arg3 : memref<10000xf32, #tpu.memory_space<hbm>>) dst(%dma_wait3A_25 : memref<10000xf32, #tpu.memory_space<vmem>>)
      tpu.yield
    }) : () -> ()
    %scan3A = arith.constant 0 : i32
    %scan3A_4 = arith.constant 0 : i32
    %scan3A_5 = arith.constant 625 : i32
    %scan3A_6 = arith.addi %scan3A_4, %scan3A_5 : i32
    %scan3A_7 = arith.constant 1 : i32
    scf.for %scan3A_15 = %scan3A_4 to %scan3A_6 step %scan3A_7  : i32 {
      %broadcast_in_dim3A = arith.constant 0.000000e+00 : f32
      %broadcast_in_dim3A_16 = vector.broadcast %broadcast_in_dim3A : f32 to vector<16xf32>
      %mul3A_17 = arith.constant 16 : i32
      %mul3A_18 = arith.muli %scan3A_15, %mul3A_17 : i32
      %swap3A = arith.index_cast %mul3A_18 : i32 to index
      %swap3A_19 = tpu.vector_load %arg9[%swap3A] {strides = array<i32>} : memref<10000xf32, #tpu.memory_space<vmem>>, vector<16xf32>,
      tpu.vector_store %arg9[%swap3A], %broadcast_in_dim3A_16 {strides = array<i32>} : memref<10000xf32, #tpu.memory_space<vmem>>, vector<16xf32>,
    }
    %scan3A_8 = arith.constant 625 : i32
    %scan3A_9 = arith.constant 0 : i32
    %scan3A_10 = arith.constant 0 : i32
    %scan3A_11 = arith.constant 25 : i32
    %scan3A_12 = arith.addi %scan3A_10, %scan3A_11 : i32
    %scan3A_13 = arith.constant 1 : i32
    scf.for %scan3A_15 = %scan3A_10 to %scan3A_12 step %scan3A_13  : i32 {
      %mul3A_16 = arith.constant 400 : i32
      %mul3A_17 = arith.muli %scan3A_15, %mul3A_16 : i32
      %add3A_18 = arith.addi %mul3A_2, %mul3A_17 : i32
      %run_scoped3A_19 = arith.constant 0 : i32
      "tpu.region"() ({
        %run_scoped3A_27 = tpu.sem_alloc : memref<!tpu.dma_semaphore, #tpu.memory_space<semaphore_mem>>
        %dma_start3A = arith.constant 0 : i32
        %dma_start3A_28 = tpu.memref_slice %arg10[%run_scoped3A_19, %dma_start3A] : memref<2x400xi32, #tpu.memory_space<vmem>> -> memref<1x400xi32, #tpu.memory_space<vmem>>
        %dma_start3A_29 = tpu.memref_squeeze %dma_start3A_28 : memref<1x400xi32, #tpu.memory_space<vmem>> -> memref<400xi32, #tpu.memory_space<vmem>>
        %dma_start3A_30 = tpu.memref_slice %arg4[%add3A_18] : memref<320000xi32, #tpu.memory_space<hbm>> -> memref<400xi32, #tpu.memory_space<hbm>>
        %dma_start3A_31 = arith.constant 0 : i32
        %dma_start3A_32 = tpu.memref_slice %arg10[%run_scoped3A_19, %dma_start3A_31] : memref<2x400xi32, #tpu.memory_space<vmem>> -> memref<1x400xi32, #tpu.memory_space<vmem>>
        %dma_start3A_33 = tpu.memref_squeeze %dma_start3A_32 : memref<1x400xi32, #tpu.memory_space<vmem>> -> memref<400xi32, #tpu.memory_space<vmem>>
        %dma_start3A_34 = tpu.memref_slice %arg4[%add3A_18] : memref<320000xi32, #tpu.memory_space<hbm>> -> memref<400xi32, #tpu.memory_space<hbm>>
        tpu.enqueue_dma source(%dma_start3A_34 : memref<400xi32, #tpu.memory_space<hbm>>) target(%dma_start3A_33 : memref<400xi32, #tpu.memory_space<vmem>>) target_semaphore(%run_scoped3A_27 : memref<!tpu.dma_semaphore, #tpu.memory_space<semaphore_mem>>)
        %dma_wait3A = arith.constant 0 : i32
        %dma_wait3A_35 = tpu.memref_slice %arg10[%run_scoped3A_19, %dma_wait3A] : memref<2x400xi32, #tpu.memory_space<vmem>> -> memref<1x400xi32, #tpu.memory_space<vmem>>
        %dma_wait3A_36 = tpu.memref_squeeze %dma_wait3A_35 : memref<1x400xi32, #tpu.memory_space<vmem>> -> memref<400xi32, #tpu.memory_space<vmem>>
        %dma_wait3A_37 = tpu.memref_slice %arg4[%add3A_18] : memref<320000xi32, #tpu.memory_space<hbm>> -> memref<400xi32, #tpu.memory_space<hbm>>
        %dma_wait3A_38 = arith.constant 0 : i32
        %dma_wait3A_39 = tpu.memref_slice %arg10[%run_scoped3A_19, %dma_wait3A_38] : memref<2x400xi32, #tpu.memory_space<vmem>> -> memref<1x400xi32, #tpu.memory_space<vmem>>
        %dma_wait3A_40 = tpu.memref_squeeze %dma_wait3A_39 : memref<1x400xi32, #tpu.memory_space<vmem>> -> memref<400xi32, #tpu.memory_space<vmem>>
        %dma_wait3A_41 = tpu.memref_slice %arg4[%add3A_18] : memref<320000xi32, #tpu.memory_space<hbm>> -> memref<400xi32, #tpu.memory_space<hbm>>
        tpu.wait_dma2 semaphore(%run_scoped3A_27 : memref<!tpu.dma_semaphore, #tpu.memory_space<semaphore_mem>>) src(%dma_wait3A_41 : memref<400xi32, #tpu.memory_space<hbm>>) dst(%dma_wait3A_40 : memref<400xi32, #tpu.memory_space<vmem>>)
        tpu.yield
      }) : () -> ()
      %run_scoped3A_20 = arith.constant 1 : i32
      "tpu.region"() ({
        %run_scoped3A_27 = tpu.sem_alloc : memref<!tpu.dma_semaphore, #tpu.memory_space<semaphore_mem>>
        %dma_start3A = arith.constant 0 : i32
        %dma_start3A_28 = tpu.memref_slice %arg10[%run_scoped3A_20, %dma_start3A] : memref<2x400xi32, #tpu.memory_space<vmem>> -> memref<1x400xi32, #tpu.memory_space<vmem>>
        %dma_start3A_29 = tpu.memref_squeeze %dma_start3A_28 : memref<1x400xi32, #tpu.memory_space<vmem>> -> memref<400xi32, #tpu.memory_space<vmem>>
        %dma_start3A_30 = tpu.memref_slice %arg5[%add3A_18] : memref<320000xi32, #tpu.memory_space<hbm>> -> memref<400xi32, #tpu.memory_space<hbm>>
        %dma_start3A_31 = arith.constant 0 : i32
        %dma_start3A_32 = tpu.memref_slice %arg10[%run_scoped3A_20, %dma_start3A_31] : memref<2x400xi32, #tpu.memory_space<vmem>> -> memref<1x400xi32, #tpu.memory_space<vmem>>
        %dma_start3A_33 = tpu.memref_squeeze %dma_start3A_32 : memref<1x400xi32, #tpu.memory_space<vmem>> -> memref<400xi32, #tpu.memory_space<vmem>>
        %dma_start3A_34 = tpu.memref_slice %arg5[%add3A_18] : memref<320000xi32, #tpu.memory_space<hbm>> -> memref<400xi32, #tpu.memory_space<hbm>>
        tpu.enqueue_dma source(%dma_start3A_34 : memref<400xi32, #tpu.memory_space<hbm>>) target(%dma_start3A_33 : memref<400xi32, #tpu.memory_space<vmem>>) target_semaphore(%run_scoped3A_27 : memref<!tpu.dma_semaphore, #tpu.memory_space<semaphore_mem>>)
        %dma_wait3A = arith.constant 0 : i32
        %dma_wait3A_35 = tpu.memref_slice %arg10[%run_scoped3A_20, %dma_wait3A] : memref<2x400xi32, #tpu.memory_space<vmem>> -> memref<1x400xi32, #tpu.memory_space<vmem>>
        %dma_wait3A_36 = tpu.memref_squeeze %dma_wait3A_35 : memref<1x400xi32, #tpu.memory_space<vmem>> -> memref<400xi32, #tpu.memory_space<vmem>>
        %dma_wait3A_37 = tpu.memref_slice %arg5[%add3A_18] : memref<320000xi32, #tpu.memory_space<hbm>> -> memref<400xi32, #tpu.memory_space<hbm>>
        %dma_wait3A_38 = arith.constant 0 : i32
        %dma_wait3A_39 = tpu.memref_slice %arg10[%run_scoped3A_20, %dma_wait3A_38] : memref<2x400xi32, #tpu.memory_space<vmem>> -> memref<1x400xi32, #tpu.memory_space<vmem>>
        %dma_wait3A_40 = tpu.memref_squeeze %dma_wait3A_39 : memref<1x400xi32, #tpu.memory_space<vmem>> -> memref<400xi32, #tpu.memory_space<vmem>>
        %dma_wait3A_41 = tpu.memref_slice %arg5[%add3A_18] : memref<320000xi32, #tpu.memory_space<hbm>> -> memref<400xi32, #tpu.memory_space<hbm>>
        tpu.wait_dma2 semaphore(%run_scoped3A_27 : memref<!tpu.dma_semaphore, #tpu.memory_space<semaphore_mem>>) src(%dma_wait3A_41 : memref<400xi32, #tpu.memory_space<hbm>>) dst(%dma_wait3A_40 : memref<400xi32, #tpu.memory_space<vmem>>)
        tpu.yield
      }) : () -> ()
      %scan3A_21 = arith.constant 0 : i32
      %scan3A_22 = arith.constant 0 : i32
      %scan3A_23 = arith.constant 25 : i32
      %scan3A_24 = arith.addi %scan3A_22, %scan3A_23 : i32
      %scan3A_25 = arith.constant 1 : i32
      scf.for %scan3A_27 = %scan3A_22 to %scan3A_24 step %scan3A_25  : i32 {
        %mul3A_28 = arith.constant 16 : i32
        %mul3A_29 = arith.muli %scan3A_27, %mul3A_28 : i32
        %get3A = arith.constant 0 : i32
        %get3A_30 = arith.index_cast %get3A : i32 to index
        %get3A_31 = arith.index_cast %mul3A_29 : i32 to index
        %get3A_32 = tpu.vector_load %arg10[%get3A_30, %get3A_31] {strides = array<i32>} : memref<2x400xi32, #tpu.memory_space<vmem>>, vector<16xi32>,
        %gather3A = arith.constant 0 : i32
        %gather3A_33 = arith.constant 0 : i32
        %gather3A_34 = tpu.memref_slice %arg8[%gather3A, %gather3A_33] : memref<2x10000xf32, #tpu.memory_space<vmem>> -> memref<1x10000xf32, #tpu.memory_space<vmem>>
        %gather3A_35 = tpu.memref_squeeze %gather3A_34 : memref<1x10000xf32, #tpu.memory_space<vmem>> -> memref<10000xf32, #tpu.memory_space<vmem>>
        %gather3A_36 = tpu.vector_load_idx %gather3A_35[%get3A_32] : memref<10000xf32, #tpu.memory_space<vmem>>[vector<16xi32>], vector<16xf32>,
        %get3A_37 = arith.constant 1 : i32
        %get3A_38 = arith.index_cast %get3A_37 : i32 to index
        %get3A_39 = arith.index_cast %mul3A_29 : i32 to index
        %get3A_40 = tpu.vector_load %arg10[%get3A_38, %get3A_39] {strides = array<i32>} : memref<2x400xi32, #tpu.memory_space<vmem>>, vector<16xi32>,
        %gather3A_41 = arith.constant 1 : i32
        %gather3A_42 = arith.constant 0 : i32
        %gather3A_43 = tpu.memref_slice %arg8[%gather3A_41, %gather3A_42] : memref<2x10000xf32, #tpu.memory_space<vmem>> -> memref<1x10000xf32, #tpu.memory_space<vmem>>
        %gather3A_44 = tpu.memref_squeeze %gather3A_43 : memref<1x10000xf32, #tpu.memory_space<vmem>> -> memref<10000xf32, #tpu.memory_space<vmem>>
        %gather3A_45 = tpu.vector_load_idx %gather3A_44[%get3A_40] : memref<10000xf32, #tpu.memory_space<vmem>>[vector<16xi32>], vector<16xf32>,
        %add3A_46 = arith.addf %gather3A_36, %gather3A_45 : vector<16xf32>
        %mul3A_47 = arith.constant 0.00999999977 : f32
        %mul3A_48 = vector.broadcast %mul3A_47 : f32 to vector<16xf32>
        %mul3A_49 = arith.mulf %mul3A_48, %add3A_46 : vector<16xf32>
        %max3A = arith.maximumf %add3A_46, %mul3A_49 : vector<16xf32>
        %exp3A = math.exp %max3A : vector<16xf32>
        %swap3A = arith.index_cast %mul3A_29 : i32 to index
        %swap3A_50 = tpu.vector_load %arg12[%swap3A] {strides = array<i32>} : memref<400xf32, #tpu.memory_space<vmem>>, vector<16xf32>,
        tpu.vector_store %arg12[%swap3A], %exp3A {strides = array<i32>} : memref<400xf32, #tpu.memory_space<vmem>>, vector<16xf32>,
        tpu.vector_store_idx %arg9[%get3A_32], %exp3A {add = true} : memref<10000xf32, #tpu.memory_space<vmem>>[vector<16xi32>], vector<16xf32>,
      }
      %scan3A_26 = arith.constant 25 : i32
      "tpu.region"() ({
        %run_scoped3A_27 = tpu.sem_alloc : memref<!tpu.dma_semaphore, #tpu.memory_space<semaphore_mem>>
        %dma_start3A = tpu.memref_slice %arg6[%add3A_18] : memref<320000xf32, #tpu.memory_space<hbm>> -> memref<400xf32, #tpu.memory_space<hbm>>
        %dma_start3A_28 = tpu.memref_slice %arg6[%add3A_18] : memref<320000xf32, #tpu.memory_space<hbm>> -> memref<400xf32, #tpu.memory_space<hbm>>
        tpu.enqueue_dma source(%arg12 : memref<400xf32, #tpu.memory_space<vmem>>) target(%dma_start3A_28 : memref<400xf32, #tpu.memory_space<hbm>>) target_semaphore(%run_scoped3A_27 : memref<!tpu.dma_semaphore, #tpu.memory_space<semaphore_mem>>)
        %dma_wait3A = tpu.memref_slice %arg6[%add3A_18] : memref<320000xf32, #tpu.memory_space<hbm>> -> memref<400xf32, #tpu.memory_space<hbm>>
        %dma_wait3A_29 = tpu.memref_slice %arg6[%add3A_18] : memref<320000xf32, #tpu.memory_space<hbm>> -> memref<400xf32, #tpu.memory_space<hbm>>
        tpu.wait_dma2 semaphore(%run_scoped3A_27 : memref<!tpu.dma_semaphore, #tpu.memory_space<semaphore_mem>>) src(%arg12 : memref<400xf32, #tpu.memory_space<vmem>>) dst(%dma_wait3A_29 : memref<400xf32, #tpu.memory_space<hbm>>)
        tpu.yield
      }) : () -> ()
    }
    %scan3A_14 = arith.constant 25 : i32
    "tpu.region"() ({
      %run_scoped3A_15 = tpu.sem_alloc : memref<!tpu.dma_semaphore, #tpu.memory_space<semaphore_mem>>
      %dma_start3A = arith.constant 0 : i32
      %dma_start3A_16 = tpu.memref_slice %arg7[%add3A, %dma_start3A] : memref<32x10000xf32, #tpu.memory_space<hbm>> -> memref<1x10000xf32, #tpu.memory_space<hbm>>
      %dma_start3A_17 = tpu.memref_squeeze %dma_start3A_16 : memref<1x10000xf32, #tpu.memory_space<hbm>> -> memref<10000xf32, #tpu.memory_space<hbm>>
      %dma_start3A_18 = arith.constant 0 : i32
      %dma_start3A_19 = tpu.memref_slice %arg7[%add3A, %dma_start3A_18] : memref<32x10000xf32, #tpu.memory_space<hbm>> -> memref<1x10000xf32, #tpu.memory_space<hbm>>
      %dma_start3A_20 = tpu.memref_squeeze %dma_start3A_19 : memref<1x10000xf32, #tpu.memory_space<hbm>> -> memref<10000xf32, #tpu.memory_space<hbm>>
      tpu.enqueue_dma source(%arg9 : memref<10000xf32, #tpu.memory_space<vmem>>) target(%dma_start3A_20 : memref<10000xf32, #tpu.memory_space<hbm>>) target_semaphore(%run_scoped3A_15 : memref<!tpu.dma_semaphore, #tpu.memory_space<semaphore_mem>>)
      %dma_wait3A = arith.constant 0 : i32
      %dma_wait3A_21 = tpu.memref_slice %arg7[%add3A, %dma_wait3A] : memref<32x10000xf32, #tpu.memory_space<hbm>> -> memref<1x10000xf32, #tpu.memory_space<hbm>>
      %dma_wait3A_22 = tpu.memref_squeeze %dma_wait3A_21 : memref<1x10000xf32, #tpu.memory_space<hbm>> -> memref<10000xf32, #tpu.memory_space<hbm>>
      %dma_wait3A_23 = arith.constant 0 : i32
      %dma_wait3A_24 = tpu.memref_slice %arg7[%add3A, %dma_wait3A_23] : memref<32x10000xf32, #tpu.memory_space<hbm>> -> memref<1x10000xf32, #tpu.memory_space<hbm>>
      %dma_wait3A_25 = tpu.memref_squeeze %dma_wait3A_24 : memref<1x10000xf32, #tpu.memory_space<hbm>> -> memref<10000xf32, #tpu.memory_space<hbm>>
      tpu.wait_dma2 semaphore(%run_scoped3A_15 : memref<!tpu.dma_semaphore, #tpu.memory_space<semaphore_mem>>) src(%arg9 : memref<10000xf32, #tpu.memory_space<vmem>>) dst(%dma_wait3A_25 : memref<10000xf32, #tpu.memory_space<hbm>>)
      tpu.yield
    }) : () -> ()
    return
  }
}

#map = affine_map<(d0, d1) -> (0)>
module attributes {stable_mosaic.version = 14 : i64} {
  func.func @_sc_attn_body(%arg0: i32, %arg1: i32, %arg2: memref<320000xf32, #tpu.memory_space<hbm>>, %arg3: memref<10000xf32, #tpu.memory_space<hbm>>, %arg4: memref<320000xi32, #tpu.memory_space<hbm>>, %arg5: memref<320000xf32, #tpu.memory_space<hbm>>, %arg6: memref<10000xf32, #tpu.memory_space<vmem>>, %arg7: memref<400xi32, #tpu.memory_space<vmem>>, %arg8: memref<400xf32, #tpu.memory_space<vmem>>, %arg9: memref<400xf32, #tpu.memory_space<vmem>>) attributes {dimension_semantics = [#tpu.dimension_semantics<core_parallel>, #tpu.dimension_semantics<subcore_parallel>], iteration_bounds = array<i64: 2, 16>, scalar_prefetch = 0 : i64, scratch_operands = 4 : i64, tpu.core_type = #tpu.core_type<sc_vector_subcore>, window_params = [{transform_indices = #map}, {transform_indices = #map}, {transform_indices = #map}, {transform_indices = #map}]} {
    %mul3A = arith.constant 2 : i32
    %mul3A_0 = arith.muli %arg1, %mul3A : i32
    %add3A = arith.addi %mul3A_0, %arg0 : i32
    %mul3A_1 = arith.constant 10000 : i32
    %mul3A_2 = arith.muli %add3A, %mul3A_1 : i32
    "tpu.region"() ({
      %run_scoped3A = tpu.sem_alloc : memref<!tpu.dma_semaphore, #tpu.memory_space<semaphore_mem>>
      tpu.enqueue_dma source(%arg3 : memref<10000xf32, #tpu.memory_space<hbm>>) target(%arg6 : memref<10000xf32, #tpu.memory_space<vmem>>) target_semaphore(%run_scoped3A : memref<!tpu.dma_semaphore, #tpu.memory_space<semaphore_mem>>)
      tpu.wait_dma2 semaphore(%run_scoped3A : memref<!tpu.dma_semaphore, #tpu.memory_space<semaphore_mem>>) src(%arg3 : memref<10000xf32, #tpu.memory_space<hbm>>) dst(%arg6 : memref<10000xf32, #tpu.memory_space<vmem>>)
      tpu.yield
    }) : () -> ()
    %scan3A = arith.constant 0 : i32
    %scan3A_3 = arith.constant 0 : i32
    %scan3A_4 = arith.constant 25 : i32
    %scan3A_5 = arith.addi %scan3A_3, %scan3A_4 : i32
    %scan3A_6 = arith.constant 1 : i32
    scf.for %scan3A_8 = %scan3A_3 to %scan3A_5 step %scan3A_6  : i32 {
      %mul3A_9 = arith.constant 400 : i32
      %mul3A_10 = arith.muli %scan3A_8, %mul3A_9 : i32
      %add3A_11 = arith.addi %mul3A_2, %mul3A_10 : i32
      "tpu.region"() ({
        %run_scoped3A = tpu.sem_alloc : memref<!tpu.dma_semaphore, #tpu.memory_space<semaphore_mem>>
        %dma_start3A = tpu.memref_slice %arg4[%add3A_11] : memref<320000xi32, #tpu.memory_space<hbm>> -> memref<400xi32, #tpu.memory_space<hbm>>
        %dma_start3A_18 = tpu.memref_slice %arg4[%add3A_11] : memref<320000xi32, #tpu.memory_space<hbm>> -> memref<400xi32, #tpu.memory_space<hbm>>
        tpu.enqueue_dma source(%dma_start3A_18 : memref<400xi32, #tpu.memory_space<hbm>>) target(%arg7 : memref<400xi32, #tpu.memory_space<vmem>>) target_semaphore(%run_scoped3A : memref<!tpu.dma_semaphore, #tpu.memory_space<semaphore_mem>>)
        %dma_wait3A = tpu.memref_slice %arg4[%add3A_11] : memref<320000xi32, #tpu.memory_space<hbm>> -> memref<400xi32, #tpu.memory_space<hbm>>
        %dma_wait3A_19 = tpu.memref_slice %arg4[%add3A_11] : memref<320000xi32, #tpu.memory_space<hbm>> -> memref<400xi32, #tpu.memory_space<hbm>>
        tpu.wait_dma2 semaphore(%run_scoped3A : memref<!tpu.dma_semaphore, #tpu.memory_space<semaphore_mem>>) src(%dma_wait3A_19 : memref<400xi32, #tpu.memory_space<hbm>>) dst(%arg7 : memref<400xi32, #tpu.memory_space<vmem>>)
        tpu.yield
      }) : () -> ()
      "tpu.region"() ({
        %run_scoped3A = tpu.sem_alloc : memref<!tpu.dma_semaphore, #tpu.memory_space<semaphore_mem>>
        %dma_start3A = tpu.memref_slice %arg2[%add3A_11] : memref<320000xf32, #tpu.memory_space<hbm>> -> memref<400xf32, #tpu.memory_space<hbm>>
        %dma_start3A_18 = tpu.memref_slice %arg2[%add3A_11] : memref<320000xf32, #tpu.memory_space<hbm>> -> memref<400xf32, #tpu.memory_space<hbm>>
        tpu.enqueue_dma source(%dma_start3A_18 : memref<400xf32, #tpu.memory_space<hbm>>) target(%arg8 : memref<400xf32, #tpu.memory_space<vmem>>) target_semaphore(%run_scoped3A : memref<!tpu.dma_semaphore, #tpu.memory_space<semaphore_mem>>)
        %dma_wait3A = tpu.memref_slice %arg2[%add3A_11] : memref<320000xf32, #tpu.memory_space<hbm>> -> memref<400xf32, #tpu.memory_space<hbm>>
        %dma_wait3A_19 = tpu.memref_slice %arg2[%add3A_11] : memref<320000xf32, #tpu.memory_space<hbm>> -> memref<400xf32, #tpu.memory_space<hbm>>
        tpu.wait_dma2 semaphore(%run_scoped3A : memref<!tpu.dma_semaphore, #tpu.memory_space<semaphore_mem>>) src(%dma_wait3A_19 : memref<400xf32, #tpu.memory_space<hbm>>) dst(%arg8 : memref<400xf32, #tpu.memory_space<vmem>>)
        tpu.yield
      }) : () -> ()
      %scan3A_12 = arith.constant 0 : i32
      %scan3A_13 = arith.constant 0 : i32
      %scan3A_14 = arith.constant 25 : i32
      %scan3A_15 = arith.addi %scan3A_13, %scan3A_14 : i32
      %scan3A_16 = arith.constant 1 : i32
      scf.for %scan3A_18 = %scan3A_13 to %scan3A_15 step %scan3A_16  : i32 {
        %mul3A_19 = arith.constant 16 : i32
        %mul3A_20 = arith.muli %scan3A_18, %mul3A_19 : i32
        %get3A = arith.index_cast %mul3A_20 : i32 to index
        %get3A_21 = tpu.vector_load %arg7[%get3A] {strides = array<i32>} : memref<400xi32, #tpu.memory_space<vmem>>, vector<16xi32>,
        %gather3A = tpu.vector_load_idx %arg6[%get3A_21] : memref<10000xf32, #tpu.memory_space<vmem>>[vector<16xi32>], vector<16xf32>,
        %get3A_22 = arith.index_cast %mul3A_20 : i32 to index
        %get3A_23 = tpu.vector_load %arg8[%get3A_22] {strides = array<i32>} : memref<400xf32, #tpu.memory_space<vmem>>, vector<16xf32>,
        %mul3A_24 = arith.mulf %get3A_23, %gather3A : vector<16xf32>
        %swap3A = arith.index_cast %mul3A_20 : i32 to index
        %swap3A_25 = tpu.vector_load %arg9[%swap3A] {strides = array<i32>} : memref<400xf32, #tpu.memory_space<vmem>>, vector<16xf32>,
        tpu.vector_store %arg9[%swap3A], %mul3A_24 {strides = array<i32>} : memref<400xf32, #tpu.memory_space<vmem>>, vector<16xf32>,
      }
      %scan3A_17 = arith.constant 25 : i32
      "tpu.region"() ({
        %run_scoped3A = tpu.sem_alloc : memref<!tpu.dma_semaphore, #tpu.memory_space<semaphore_mem>>
        %dma_start3A = tpu.memref_slice %arg5[%add3A_11] : memref<320000xf32, #tpu.memory_space<hbm>> -> memref<400xf32, #tpu.memory_space<hbm>>
        %dma_start3A_18 = tpu.memref_slice %arg5[%add3A_11] : memref<320000xf32, #tpu.memory_space<hbm>> -> memref<400xf32, #tpu.memory_space<hbm>>
        tpu.enqueue_dma source(%arg9 : memref<400xf32, #tpu.memory_space<vmem>>) target(%dma_start3A_18 : memref<400xf32, #tpu.memory_space<hbm>>) target_semaphore(%run_scoped3A : memref<!tpu.dma_semaphore, #tpu.memory_space<semaphore_mem>>)
        %dma_wait3A = tpu.memref_slice %arg5[%add3A_11] : memref<320000xf32, #tpu.memory_space<hbm>> -> memref<400xf32, #tpu.memory_space<hbm>>
        %dma_wait3A_19 = tpu.memref_slice %arg5[%add3A_11] : memref<320000xf32, #tpu.memory_space<hbm>> -> memref<400xf32, #tpu.memory_space<hbm>>
        tpu.wait_dma2 semaphore(%run_scoped3A : memref<!tpu.dma_semaphore, #tpu.memory_space<semaphore_mem>>) src(%arg9 : memref<400xf32, #tpu.memory_space<vmem>>) dst(%dma_wait3A_19 : memref<400xf32, #tpu.memory_space<hbm>>)
        tpu.yield
      }) : () -> ()
    }
    %scan3A_7 = arith.constant 25 : i32
    return
  }
}

#map = affine_map<(d0, d1) -> (0, 0)>
#map1 = affine_map<(d0, d1) -> (0)>
#map2 = affine_map<(d0, d1) -> (0, 0, 0)>
module attributes {stable_mosaic.version = 14 : i64} {
  func.func @_sc_rowscat_gat_body(%arg0: i32, %arg1: i32, %arg2: memref<10000x64xf32, #tpu.memory_space<hbm>>, %arg3: memref<320000xf32, #tpu.memory_space<hbm>>, %arg4: memref<320000xi32, #tpu.memory_space<hbm>>, %arg5: memref<320000xi32, #tpu.memory_space<hbm>>, %arg6: memref<10000x64xf32, #tpu.memory_space<hbm>>, %arg7: memref<2x10000x64xf32, #tpu.memory_space<hbm>>, %arg8: memref<400xi32, #tpu.memory_space<vmem>>, %arg9: memref<400xi32, #tpu.memory_space<vmem>>, %arg10: memref<400xf32, #tpu.memory_space<vmem>>, %arg11: memref<400x64xf32, #tpu.memory_space<vmem>>, %arg12: memref<10000x64xf32, #tpu.memory_space<vmem_shared>>, %arg13: memref<!tpu.dma_semaphore, #tpu.memory_space<semaphore_mem>>) attributes {dimension_semantics = [#tpu.dimension_semantics<core_parallel>, #tpu.dimension_semantics<subcore_parallel>], iteration_bounds = array<i64: 2, 16>, scalar_prefetch = 0 : i64, scratch_operands = 6 : i64, tpu.core_type = #tpu.core_type<sc_vector_subcore>, window_params = [{transform_indices = #map}, {transform_indices = #map1}, {transform_indices = #map1}, {transform_indices = #map1}, {transform_indices = #map}, {transform_indices = #map2}]} {
    %mul3A = arith.constant 2 : i32
    %mul3A_0 = arith.muli %arg1, %mul3A : i32
    %add3A = arith.addi %mul3A_0, %arg0 : i32
    %mul3A_1 = arith.constant 10000 : i32
    %mul3A_2 = arith.muli %add3A, %mul3A_1 : i32
    %eq3A = arith.constant 0 : i32
    %eq3A_3 = arith.cmpi eq, %arg1, %eq3A : i32
    %convert_element_type3A = arith.extui %eq3A_3 : i1 to i32
    %cond3A = arith.constant 0 : i32
    %cond3A_4 = arith.cmpi ne, %convert_element_type3A, %cond3A : i32
    scf.if %cond3A_4 {
      "tpu.region"() ({
        %run_scoped3A = tpu.sem_alloc : memref<!tpu.dma_semaphore, #tpu.memory_space<semaphore_mem>>
        tpu.enqueue_dma source(%arg6 : memref<10000x64xf32, #tpu.memory_space<hbm>>) target(%arg12 : memref<10000x64xf32, #tpu.memory_space<vmem_shared>>) target_semaphore(%run_scoped3A : memref<!tpu.dma_semaphore, #tpu.memory_space<semaphore_mem>>)
        tpu.wait_dma2 semaphore(%run_scoped3A : memref<!tpu.dma_semaphore, #tpu.memory_space<semaphore_mem>>) src(%arg6 : memref<10000x64xf32, #tpu.memory_space<hbm>>) dst(%arg12 : memref<10000x64xf32, #tpu.memory_space<vmem_shared>>)
        tpu.yield
      }) : () -> ()
    } else {
    }
    %barrier3A = arith.constant 0 : index
    tpu.barrier barrier_id(%barrier3A)
    %scan3A = arith.constant 0 : i32
    %scan3A_5 = arith.constant 0 : i32
    %scan3A_6 = arith.constant 25 : i32
    %scan3A_7 = arith.addi %scan3A_5, %scan3A_6 : i32
    %scan3A_8 = arith.constant 1 : i32
    scf.for %scan3A_16 = %scan3A_5 to %scan3A_7 step %scan3A_8  : i32 {
      %mul3A_17 = arith.constant 400 : i32
      %mul3A_18 = arith.muli %scan3A_16, %mul3A_17 : i32
      %add3A_19 = arith.addi %mul3A_2, %mul3A_18 : i32
      "tpu.region"() ({
        %run_scoped3A = tpu.sem_alloc : memref<!tpu.dma_semaphore, #tpu.memory_space<semaphore_mem>>
        %dma_start3A_30 = tpu.memref_slice %arg4[%add3A_19] : memref<320000xi32, #tpu.memory_space<hbm>> -> memref<400xi32, #tpu.memory_space<hbm>>
        %dma_start3A_31 = tpu.memref_slice %arg4[%add3A_19] : memref<320000xi32, #tpu.memory_space<hbm>> -> memref<400xi32, #tpu.memory_space<hbm>>
        tpu.enqueue_dma source(%dma_start3A_31 : memref<400xi32, #tpu.memory_space<hbm>>) target(%arg8 : memref<400xi32, #tpu.memory_space<vmem>>) target_semaphore(%run_scoped3A : memref<!tpu.dma_semaphore, #tpu.memory_space<semaphore_mem>>)
        %dma_wait3A_32 = tpu.memref_slice %arg4[%add3A_19] : memref<320000xi32, #tpu.memory_space<hbm>> -> memref<400xi32, #tpu.memory_space<hbm>>
        %dma_wait3A_33 = tpu.memref_slice %arg4[%add3A_19] : memref<320000xi32, #tpu.memory_space<hbm>> -> memref<400xi32, #tpu.memory_space<hbm>>
        tpu.wait_dma2 semaphore(%run_scoped3A : memref<!tpu.dma_semaphore, #tpu.memory_space<semaphore_mem>>) src(%dma_wait3A_33 : memref<400xi32, #tpu.memory_space<hbm>>) dst(%arg8 : memref<400xi32, #tpu.memory_space<vmem>>)
        tpu.yield
      }) : () -> ()
      "tpu.region"() ({
        %run_scoped3A = tpu.sem_alloc : memref<!tpu.dma_semaphore, #tpu.memory_space<semaphore_mem>>
        %dma_start3A_30 = tpu.memref_slice %arg5[%add3A_19] : memref<320000xi32, #tpu.memory_space<hbm>> -> memref<400xi32, #tpu.memory_space<hbm>>
        %dma_start3A_31 = tpu.memref_slice %arg5[%add3A_19] : memref<320000xi32, #tpu.memory_space<hbm>> -> memref<400xi32, #tpu.memory_space<hbm>>
        tpu.enqueue_dma source(%dma_start3A_31 : memref<400xi32, #tpu.memory_space<hbm>>) target(%arg9 : memref<400xi32, #tpu.memory_space<vmem>>) target_semaphore(%run_scoped3A : memref<!tpu.dma_semaphore, #tpu.memory_space<semaphore_mem>>)
        %dma_wait3A_32 = tpu.memref_slice %arg5[%add3A_19] : memref<320000xi32, #tpu.memory_space<hbm>> -> memref<400xi32, #tpu.memory_space<hbm>>
        %dma_wait3A_33 = tpu.memref_slice %arg5[%add3A_19] : memref<320000xi32, #tpu.memory_space<hbm>> -> memref<400xi32, #tpu.memory_space<hbm>>
        tpu.wait_dma2 semaphore(%run_scoped3A : memref<!tpu.dma_semaphore, #tpu.memory_space<semaphore_mem>>) src(%dma_wait3A_33 : memref<400xi32, #tpu.memory_space<hbm>>) dst(%arg9 : memref<400xi32, #tpu.memory_space<vmem>>)
        tpu.yield
      }) : () -> ()
      "tpu.region"() ({
        %run_scoped3A = tpu.sem_alloc : memref<!tpu.dma_semaphore, #tpu.memory_space<semaphore_mem>>
        %dma_start3A_30 = tpu.memref_slice %arg3[%add3A_19] : memref<320000xf32, #tpu.memory_space<hbm>> -> memref<400xf32, #tpu.memory_space<hbm>>
        %dma_start3A_31 = tpu.memref_slice %arg3[%add3A_19] : memref<320000xf32, #tpu.memory_space<hbm>> -> memref<400xf32, #tpu.memory_space<hbm>>
        tpu.enqueue_dma source(%dma_start3A_31 : memref<400xf32, #tpu.memory_space<hbm>>) target(%arg10 : memref<400xf32, #tpu.memory_space<vmem>>) target_semaphore(%run_scoped3A : memref<!tpu.dma_semaphore, #tpu.memory_space<semaphore_mem>>)
        %dma_wait3A_32 = tpu.memref_slice %arg3[%add3A_19] : memref<320000xf32, #tpu.memory_space<hbm>> -> memref<400xf32, #tpu.memory_space<hbm>>
        %dma_wait3A_33 = tpu.memref_slice %arg3[%add3A_19] : memref<320000xf32, #tpu.memory_space<hbm>> -> memref<400xf32, #tpu.memory_space<hbm>>
        tpu.wait_dma2 semaphore(%run_scoped3A : memref<!tpu.dma_semaphore, #tpu.memory_space<semaphore_mem>>) src(%dma_wait3A_33 : memref<400xf32, #tpu.memory_space<hbm>>) dst(%arg10 : memref<400xf32, #tpu.memory_space<vmem>>)
        tpu.yield
      }) : () -> ()
      %dma_start3A = arith.constant 0 : i32
      %dma_start3A_20 = arith.constant 0 : i32
      %dma_start3A_21 = tpu.memref_slice %arg2[%dma_start3A, %dma_start3A_20] : memref<10000x64xf32, #tpu.memory_space<hbm>> -> memref<10000x64xf32, #tpu.memory_space<hbm>>
      tpu.enqueue_indirect_dma source(%dma_start3A_21 : memref<10000x64xf32, #tpu.memory_space<hbm>>) target(%arg11 : memref<400x64xf32, #tpu.memory_space<vmem>>) offsets(%arg8 : memref<400xi32, #tpu.memory_space<vmem>>) semaphore(%arg13 : memref<!tpu.dma_semaphore, #tpu.memory_space<semaphore_mem>>)
      %dma_wait3A = arith.constant 0 : i32
      %dma_wait3A_22 = arith.constant 0 : i32
      %dma_wait3A_23 = tpu.memref_slice %arg2[%dma_wait3A, %dma_wait3A_22] : memref<10000x64xf32, #tpu.memory_space<hbm>> -> memref<10000x64xf32, #tpu.memory_space<hbm>>
      tpu.wait_indirect_dma semaphore(%arg13 : memref<!tpu.dma_semaphore, #tpu.memory_space<semaphore_mem>>) src(%dma_wait3A_23 : memref<10000x64xf32, #tpu.memory_space<hbm>>) dst(%arg11 : memref<400x64xf32, #tpu.memory_space<vmem>>)
      %scan3A_24 = arith.constant 0 : i32
      %scan3A_25 = arith.constant 0 : i32
      %scan3A_26 = arith.constant 400 : i32
      %scan3A_27 = arith.addi %scan3A_25, %scan3A_26 : i32
      %scan3A_28 = arith.constant 1 : i32
      scf.for %scan3A_30 = %scan3A_25 to %scan3A_27 step %scan3A_28  : i32 {
        %broadcast_in_dim3A = vector.broadcast %scan3A_30 : i32 to vector<16xi32>
        %gather3A = tpu.vector_load_idx %arg10[%broadcast_in_dim3A] : memref<400xf32, #tpu.memory_space<vmem>>[vector<16xi32>], vector<16xf32>,
        %scan3A_31 = arith.constant 0 : i32
        %scan3A_32 = arith.constant 0 : i32
        %scan3A_33 = arith.constant 4 : i32
        %scan3A_34 = arith.addi %scan3A_32, %scan3A_33 : i32
        %scan3A_35 = arith.constant 1 : i32
        scf.for %scan3A_37 = %scan3A_32 to %scan3A_34 step %scan3A_35  : i32 {
          %mul3A_38 = arith.constant 16 : i32
          %mul3A_39 = arith.muli %scan3A_37, %mul3A_38 : i32
          %get3A = arith.index_cast %scan3A_30 : i32 to index
          %get3A_40 = arith.index_cast %mul3A_39 : i32 to index
          %get3A_41 = tpu.vector_load %arg11[%get3A, %get3A_40] {strides = array<i32>} : memref<400x64xf32, #tpu.memory_space<vmem>>, vector<16xf32>,
          %mul3A_42 = arith.mulf %get3A_41, %gather3A : vector<16xf32>
          %swap3A = arith.index_cast %scan3A_30 : i32 to index
          %swap3A_43 = arith.index_cast %mul3A_39 : i32 to index
          %swap3A_44 = tpu.vector_load %arg11[%swap3A, %swap3A_43] {strides = array<i32>} : memref<400x64xf32, #tpu.memory_space<vmem>>, vector<16xf32>,
          tpu.vector_store %arg11[%swap3A, %swap3A_43], %mul3A_42 {strides = array<i32>} : memref<400x64xf32, #tpu.memory_space<vmem>>, vector<16xf32>,
        }
        %scan3A_36 = arith.constant 4 : i32
      }
      %scan3A_29 = arith.constant 400 : i32
      "tpu.region"() ({
        %run_scoped3A = tpu.sem_alloc : memref<!tpu.dma_semaphore, #tpu.memory_space<semaphore_mem>>
        %dma_start3A_30 = arith.constant 0 : i32
        %dma_start3A_31 = arith.constant 0 : i32
        %dma_start3A_32 = tpu.memref_slice %arg12[%dma_start3A_30, %dma_start3A_31] : memref<10000x64xf32, #tpu.memory_space<vmem_shared>> -> memref<10000x64xf32, #tpu.memory_space<vmem_shared>>
        tpu.enqueue_indirect_dma source(%arg11 : memref<400x64xf32, #tpu.memory_space<vmem>>) target(%dma_start3A_32 : memref<10000x64xf32, #tpu.memory_space<vmem_shared>>) offsets(%arg9 : memref<400xi32, #tpu.memory_space<vmem>>) semaphore(%run_scoped3A : memref<!tpu.dma_semaphore, #tpu.memory_space<semaphore_mem>>) {add = true}
        %dma_wait3A_33 = arith.constant 0 : i32
        %dma_wait3A_34 = arith.constant 0 : i32
        %dma_wait3A_35 = tpu.memref_slice %arg12[%dma_wait3A_33, %dma_wait3A_34] : memref<10000x64xf32, #tpu.memory_space<vmem_shared>> -> memref<10000x64xf32, #tpu.memory_space<vmem_shared>>
        tpu.wait_indirect_dma semaphore(%run_scoped3A : memref<!tpu.dma_semaphore, #tpu.memory_space<semaphore_mem>>) src(%arg11 : memref<400x64xf32, #tpu.memory_space<vmem>>) dst(%dma_wait3A_35 : memref<10000x64xf32, #tpu.memory_space<vmem_shared>>)
        tpu.yield
      }) : () -> ()
    }
    %scan3A_9 = arith.constant 25 : i32
    %barrier3A_10 = arith.constant 0 : index
    tpu.barrier barrier_id(%barrier3A_10)
    %eq3A_11 = arith.constant 0 : i32
    %eq3A_12 = arith.cmpi eq, %arg1, %eq3A_11 : i32
    %convert_element_type3A_13 = arith.extui %eq3A_12 : i1 to i32
    %cond3A_14 = arith.constant 0 : i32
    %cond3A_15 = arith.cmpi ne, %convert_element_type3A_13, %cond3A_14 : i32
    scf.if %cond3A_15 {
      "tpu.region"() ({
        %run_scoped3A = tpu.sem_alloc : memref<!tpu.dma_semaphore, #tpu.memory_space<semaphore_mem>>
        %dma_start3A = arith.constant 0 : i32
        %dma_start3A_16 = arith.constant 0 : i32
        %dma_start3A_17 = tpu.memref_slice %arg7[%arg0, %dma_start3A, %dma_start3A_16] : memref<2x10000x64xf32, #tpu.memory_space<hbm>> -> memref<1x10000x64xf32, #tpu.memory_space<hbm>>
        %dma_start3A_18 = tpu.memref_squeeze %dma_start3A_17 : memref<1x10000x64xf32, #tpu.memory_space<hbm>> -> memref<10000x64xf32, #tpu.memory_space<hbm>>
        tpu.enqueue_dma source(%arg12 : memref<10000x64xf32, #tpu.memory_space<vmem_shared>>) target(%dma_start3A_18 : memref<10000x64xf32, #tpu.memory_space<hbm>>) target_semaphore(%run_scoped3A : memref<!tpu.dma_semaphore, #tpu.memory_space<semaphore_mem>>)
        %dma_wait3A = arith.constant 0 : i32
        %dma_wait3A_19 = arith.constant 0 : i32
        %dma_wait3A_20 = tpu.memref_slice %arg7[%arg0, %dma_wait3A, %dma_wait3A_19] : memref<2x10000x64xf32, #tpu.memory_space<hbm>> -> memref<1x10000x64xf32, #tpu.memory_space<hbm>>
        %dma_wait3A_21 = tpu.memref_squeeze %dma_wait3A_20 : memref<1x10000x64xf32, #tpu.memory_space<hbm>> -> memref<10000x64xf32, #tpu.memory_space<hbm>>
        tpu.wait_dma2 semaphore(%run_scoped3A : memref<!tpu.dma_semaphore, #tpu.memory_space<semaphore_mem>>) src(%arg12 : memref<10000x64xf32, #tpu.memory_space<vmem_shared>>) dst(%dma_wait3A_21 : memref<10000x64xf32, #tpu.memory_space<hbm>>)
        tpu.yield
      }) : () -> ()
    } else {
    }
    return
  }
}

#map = affine_map<(d0, d1) -> (0, 0)>
#map1 = affine_map<(d0, d1) -> (0)>
#map2 = affine_map<(d0, d1) -> (0, 0, 0)>
module attributes {stable_mosaic.version = 14 : i64} {
  func.func @_sc_rowscat_gat_body(%arg0: i32, %arg1: i32, %arg2: memref<10000x64xf32, #tpu.memory_space<hbm>>, %arg3: memref<320000xf32, #tpu.memory_space<hbm>>, %arg4: memref<320000xi32, #tpu.memory_space<hbm>>, %arg5: memref<320000xi32, #tpu.memory_space<hbm>>, %arg6: memref<10000x64xf32, #tpu.memory_space<hbm>>, %arg7: memref<2x10000x64xf32, #tpu.memory_space<hbm>>, %arg8: memref<400xi32, #tpu.memory_space<vmem>>, %arg9: memref<400xi32, #tpu.memory_space<vmem>>, %arg10: memref<400xf32, #tpu.memory_space<vmem>>, %arg11: memref<400x64xf32, #tpu.memory_space<vmem>>, %arg12: memref<10000x64xf32, #tpu.memory_space<vmem_shared>>, %arg13: memref<!tpu.dma_semaphore, #tpu.memory_space<semaphore_mem>>) attributes {dimension_semantics = [#tpu.dimension_semantics<core_parallel>, #tpu.dimension_semantics<subcore_parallel>], iteration_bounds = array<i64: 2, 16>, scalar_prefetch = 0 : i64, scratch_operands = 6 : i64, tpu.core_type = #tpu.core_type<sc_vector_subcore>, window_params = [{transform_indices = #map}, {transform_indices = #map1}, {transform_indices = #map1}, {transform_indices = #map1}, {transform_indices = #map}, {transform_indices = #map2}]} {
    %mul3A = arith.constant 2 : i32
    %mul3A_0 = arith.muli %arg1, %mul3A : i32
    %add3A = arith.addi %mul3A_0, %arg0 : i32
    %mul3A_1 = arith.constant 10000 : i32
    %mul3A_2 = arith.muli %add3A, %mul3A_1 : i32
    %eq3A = arith.constant 0 : i32
    %eq3A_3 = arith.cmpi eq, %arg1, %eq3A : i32
    %convert_element_type3A = arith.extui %eq3A_3 : i1 to i32
    %cond3A = arith.constant 0 : i32
    %cond3A_4 = arith.cmpi ne, %convert_element_type3A, %cond3A : i32
    scf.if %cond3A_4 {
      "tpu.region"() ({
        %run_scoped3A = tpu.sem_alloc : memref<!tpu.dma_semaphore, #tpu.memory_space<semaphore_mem>>
        tpu.enqueue_dma source(%arg6 : memref<10000x64xf32, #tpu.memory_space<hbm>>) target(%arg12 : memref<10000x64xf32, #tpu.memory_space<vmem_shared>>) target_semaphore(%run_scoped3A : memref<!tpu.dma_semaphore, #tpu.memory_space<semaphore_mem>>)
        tpu.wait_dma2 semaphore(%run_scoped3A : memref<!tpu.dma_semaphore, #tpu.memory_space<semaphore_mem>>) src(%arg6 : memref<10000x64xf32, #tpu.memory_space<hbm>>) dst(%arg12 : memref<10000x64xf32, #tpu.memory_space<vmem_shared>>)
        tpu.yield
      }) : () -> ()
    } else {
    }
    %barrier3A = arith.constant 0 : index
    tpu.barrier barrier_id(%barrier3A)
    %scan3A = arith.constant 0 : i32
    %scan3A_5 = arith.constant 0 : i32
    %scan3A_6 = arith.constant 25 : i32
    %scan3A_7 = arith.addi %scan3A_5, %scan3A_6 : i32
    %scan3A_8 = arith.constant 1 : i32
    scf.for %scan3A_16 = %scan3A_5 to %scan3A_7 step %scan3A_8  : i32 {
      %mul3A_17 = arith.constant 400 : i32
      %mul3A_18 = arith.muli %scan3A_16, %mul3A_17 : i32
      %add3A_19 = arith.addi %mul3A_2, %mul3A_18 : i32
      "tpu.region"() ({
        %run_scoped3A = tpu.sem_alloc : memref<!tpu.dma_semaphore, #tpu.memory_space<semaphore_mem>>
        %dma_start3A_30 = tpu.memref_slice %arg4[%add3A_19] : memref<320000xi32, #tpu.memory_space<hbm>> -> memref<400xi32, #tpu.memory_space<hbm>>
        %dma_start3A_31 = tpu.memref_slice %arg4[%add3A_19] : memref<320000xi32, #tpu.memory_space<hbm>> -> memref<400xi32, #tpu.memory_space<hbm>>
        tpu.enqueue_dma source(%dma_start3A_31 : memref<400xi32, #tpu.memory_space<hbm>>) target(%arg8 : memref<400xi32, #tpu.memory_space<vmem>>) target_semaphore(%run_scoped3A : memref<!tpu.dma_semaphore, #tpu.memory_space<semaphore_mem>>)
        %dma_wait3A_32 = tpu.memref_slice %arg4[%add3A_19] : memref<320000xi32, #tpu.memory_space<hbm>> -> memref<400xi32, #tpu.memory_space<hbm>>
        %dma_wait3A_33 = tpu.memref_slice %arg4[%add3A_19] : memref<320000xi32, #tpu.memory_space<hbm>> -> memref<400xi32, #tpu.memory_space<hbm>>
        tpu.wait_dma2 semaphore(%run_scoped3A : memref<!tpu.dma_semaphore, #tpu.memory_space<semaphore_mem>>) src(%dma_wait3A_33 : memref<400xi32, #tpu.memory_space<hbm>>) dst(%arg8 : memref<400xi32, #tpu.memory_space<vmem>>)
        tpu.yield
      }) : () -> ()
      "tpu.region"() ({
        %run_scoped3A = tpu.sem_alloc : memref<!tpu.dma_semaphore, #tpu.memory_space<semaphore_mem>>
        %dma_start3A_30 = tpu.memref_slice %arg5[%add3A_19] : memref<320000xi32, #tpu.memory_space<hbm>> -> memref<400xi32, #tpu.memory_space<hbm>>
        %dma_start3A_31 = tpu.memref_slice %arg5[%add3A_19] : memref<320000xi32, #tpu.memory_space<hbm>> -> memref<400xi32, #tpu.memory_space<hbm>>
        tpu.enqueue_dma source(%dma_start3A_31 : memref<400xi32, #tpu.memory_space<hbm>>) target(%arg9 : memref<400xi32, #tpu.memory_space<vmem>>) target_semaphore(%run_scoped3A : memref<!tpu.dma_semaphore, #tpu.memory_space<semaphore_mem>>)
        %dma_wait3A_32 = tpu.memref_slice %arg5[%add3A_19] : memref<320000xi32, #tpu.memory_space<hbm>> -> memref<400xi32, #tpu.memory_space<hbm>>
        %dma_wait3A_33 = tpu.memref_slice %arg5[%add3A_19] : memref<320000xi32, #tpu.memory_space<hbm>> -> memref<400xi32, #tpu.memory_space<hbm>>
        tpu.wait_dma2 semaphore(%run_scoped3A : memref<!tpu.dma_semaphore, #tpu.memory_space<semaphore_mem>>) src(%dma_wait3A_33 : memref<400xi32, #tpu.memory_space<hbm>>) dst(%arg9 : memref<400xi32, #tpu.memory_space<vmem>>)
        tpu.yield
      }) : () -> ()
      "tpu.region"() ({
        %run_scoped3A = tpu.sem_alloc : memref<!tpu.dma_semaphore, #tpu.memory_space<semaphore_mem>>
        %dma_start3A_30 = tpu.memref_slice %arg3[%add3A_19] : memref<320000xf32, #tpu.memory_space<hbm>> -> memref<400xf32, #tpu.memory_space<hbm>>
        %dma_start3A_31 = tpu.memref_slice %arg3[%add3A_19] : memref<320000xf32, #tpu.memory_space<hbm>> -> memref<400xf32, #tpu.memory_space<hbm>>
        tpu.enqueue_dma source(%dma_start3A_31 : memref<400xf32, #tpu.memory_space<hbm>>) target(%arg10 : memref<400xf32, #tpu.memory_space<vmem>>) target_semaphore(%run_scoped3A : memref<!tpu.dma_semaphore, #tpu.memory_space<semaphore_mem>>)
        %dma_wait3A_32 = tpu.memref_slice %arg3[%add3A_19] : memref<320000xf32, #tpu.memory_space<hbm>> -> memref<400xf32, #tpu.memory_space<hbm>>
        %dma_wait3A_33 = tpu.memref_slice %arg3[%add3A_19] : memref<320000xf32, #tpu.memory_space<hbm>> -> memref<400xf32, #tpu.memory_space<hbm>>
        tpu.wait_dma2 semaphore(%run_scoped3A : memref<!tpu.dma_semaphore, #tpu.memory_space<semaphore_mem>>) src(%dma_wait3A_33 : memref<400xf32, #tpu.memory_space<hbm>>) dst(%arg10 : memref<400xf32, #tpu.memory_space<vmem>>)
        tpu.yield
      }) : () -> ()
      %dma_start3A = arith.constant 0 : i32
      %dma_start3A_20 = arith.constant 0 : i32
      %dma_start3A_21 = tpu.memref_slice %arg2[%dma_start3A, %dma_start3A_20] : memref<10000x64xf32, #tpu.memory_space<hbm>> -> memref<10000x64xf32, #tpu.memory_space<hbm>>
      tpu.enqueue_indirect_dma source(%dma_start3A_21 : memref<10000x64xf32, #tpu.memory_space<hbm>>) target(%arg11 : memref<400x64xf32, #tpu.memory_space<vmem>>) offsets(%arg8 : memref<400xi32, #tpu.memory_space<vmem>>) semaphore(%arg13 : memref<!tpu.dma_semaphore, #tpu.memory_space<semaphore_mem>>)
      %dma_wait3A = arith.constant 0 : i32
      %dma_wait3A_22 = arith.constant 0 : i32
      %dma_wait3A_23 = tpu.memref_slice %arg2[%dma_wait3A, %dma_wait3A_22] : memref<10000x64xf32, #tpu.memory_space<hbm>> -> memref<10000x64xf32, #tpu.memory_space<hbm>>
      tpu.wait_indirect_dma semaphore(%arg13 : memref<!tpu.dma_semaphore, #tpu.memory_space<semaphore_mem>>) src(%dma_wait3A_23 : memref<10000x64xf32, #tpu.memory_space<hbm>>) dst(%arg11 : memref<400x64xf32, #tpu.memory_space<vmem>>)
      %scan3A_24 = arith.constant 0 : i32
      %scan3A_25 = arith.constant 0 : i32
      %scan3A_26 = arith.constant 400 : i32
      %scan3A_27 = arith.addi %scan3A_25, %scan3A_26 : i32
      %scan3A_28 = arith.constant 1 : i32
      scf.for %scan3A_30 = %scan3A_25 to %scan3A_27 step %scan3A_28  : i32 {
        %broadcast_in_dim3A = vector.broadcast %scan3A_30 : i32 to vector<16xi32>
        %gather3A = tpu.vector_load_idx %arg10[%broadcast_in_dim3A] : memref<400xf32, #tpu.memory_space<vmem>>[vector<16xi32>], vector<16xf32>,
        %scan3A_31 = arith.constant 0 : i32
        %scan3A_32 = arith.constant 0 : i32
        %scan3A_33 = arith.constant 4 : i32
        %scan3A_34 = arith.addi %scan3A_32, %scan3A_33 : i32
        %scan3A_35 = arith.constant 1 : i32
        scf.for %scan3A_37 = %scan3A_32 to %scan3A_34 step %scan3A_35  : i32 {
          %mul3A_38 = arith.constant 16 : i32
          %mul3A_39 = arith.muli %scan3A_37, %mul3A_38 : i32
          %get3A = arith.index_cast %scan3A_30 : i32 to index
          %get3A_40 = arith.index_cast %mul3A_39 : i32 to index
          %get3A_41 = tpu.vector_load %arg11[%get3A, %get3A_40] {strides = array<i32>} : memref<400x64xf32, #tpu.memory_space<vmem>>, vector<16xf32>,
          %mul3A_42 = arith.mulf %get3A_41, %gather3A : vector<16xf32>
          %swap3A = arith.index_cast %scan3A_30 : i32 to index
          %swap3A_43 = arith.index_cast %mul3A_39 : i32 to index
          %swap3A_44 = tpu.vector_load %arg11[%swap3A, %swap3A_43] {strides = array<i32>} : memref<400x64xf32, #tpu.memory_space<vmem>>, vector<16xf32>,
          tpu.vector_store %arg11[%swap3A, %swap3A_43], %mul3A_42 {strides = array<i32>} : memref<400x64xf32, #tpu.memory_space<vmem>>, vector<16xf32>,
        }
        %scan3A_36 = arith.constant 4 : i32
      }
      %scan3A_29 = arith.constant 400 : i32
      "tpu.region"() ({
        %run_scoped3A = tpu.sem_alloc : memref<!tpu.dma_semaphore, #tpu.memory_space<semaphore_mem>>
        %dma_start3A_30 = arith.constant 0 : i32
        %dma_start3A_31 = arith.constant 0 : i32
        %dma_start3A_32 = tpu.memref_slice %arg12[%dma_start3A_30, %dma_start3A_31] : memref<10000x64xf32, #tpu.memory_space<vmem_shared>> -> memref<10000x64xf32, #tpu.memory_space<vmem_shared>>
        tpu.enqueue_indirect_dma source(%arg11 : memref<400x64xf32, #tpu.memory_space<vmem>>) target(%dma_start3A_32 : memref<10000x64xf32, #tpu.memory_space<vmem_shared>>) offsets(%arg9 : memref<400xi32, #tpu.memory_space<vmem>>) semaphore(%run_scoped3A : memref<!tpu.dma_semaphore, #tpu.memory_space<semaphore_mem>>) {add = true}
        %dma_wait3A_33 = arith.constant 0 : i32
        %dma_wait3A_34 = arith.constant 0 : i32
        %dma_wait3A_35 = tpu.memref_slice %arg12[%dma_wait3A_33, %dma_wait3A_34] : memref<10000x64xf32, #tpu.memory_space<vmem_shared>> -> memref<10000x64xf32, #tpu.memory_space<vmem_shared>>
        tpu.wait_indirect_dma semaphore(%run_scoped3A : memref<!tpu.dma_semaphore, #tpu.memory_space<semaphore_mem>>) src(%arg11 : memref<400x64xf32, #tpu.memory_space<vmem>>) dst(%dma_wait3A_35 : memref<10000x64xf32, #tpu.memory_space<vmem_shared>>)
        tpu.yield
      }) : () -> ()
    }
    %scan3A_9 = arith.constant 25 : i32
    %barrier3A_10 = arith.constant 0 : index
    tpu.barrier barrier_id(%barrier3A_10)
    %eq3A_11 = arith.constant 0 : i32
    %eq3A_12 = arith.cmpi eq, %arg1, %eq3A_11 : i32
    %convert_element_type3A_13 = arith.extui %eq3A_12 : i1 to i32
    %cond3A_14 = arith.constant 0 : i32
    %cond3A_15 = arith.cmpi ne, %convert_element_type3A_13, %cond3A_14 : i32
    scf.if %cond3A_15 {
      "tpu.region"() ({
        %run_scoped3A = tpu.sem_alloc : memref<!tpu.dma_semaphore, #tpu.memory_space<semaphore_mem>>
        %dma_start3A = arith.constant 0 : i32
        %dma_start3A_16 = arith.constant 0 : i32
        %dma_start3A_17 = tpu.memref_slice %arg7[%arg0, %dma_start3A, %dma_start3A_16] : memref<2x10000x64xf32, #tpu.memory_space<hbm>> -> memref<1x10000x64xf32, #tpu.memory_space<hbm>>
        %dma_start3A_18 = tpu.memref_squeeze %dma_start3A_17 : memref<1x10000x64xf32, #tpu.memory_space<hbm>> -> memref<10000x64xf32, #tpu.memory_space<hbm>>
        tpu.enqueue_dma source(%arg12 : memref<10000x64xf32, #tpu.memory_space<vmem_shared>>) target(%dma_start3A_18 : memref<10000x64xf32, #tpu.memory_space<hbm>>) target_semaphore(%run_scoped3A : memref<!tpu.dma_semaphore, #tpu.memory_space<semaphore_mem>>)
        %dma_wait3A = arith.constant 0 : i32
        %dma_wait3A_19 = arith.constant 0 : i32
        %dma_wait3A_20 = tpu.memref_slice %arg7[%arg0, %dma_wait3A, %dma_wait3A_19] : memref<2x10000x64xf32, #tpu.memory_space<hbm>> -> memref<1x10000x64xf32, #tpu.memory_space<hbm>>
        %dma_wait3A_21 = tpu.memref_squeeze %dma_wait3A_20 : memref<1x10000x64xf32, #tpu.memory_space<hbm>> -> memref<10000x64xf32, #tpu.memory_space<hbm>>
        tpu.wait_dma2 semaphore(%run_scoped3A : memref<!tpu.dma_semaphore, #tpu.memory_space<semaphore_mem>>) src(%arg12 : memref<10000x64xf32, #tpu.memory_space<vmem_shared>>) dst(%dma_wait3A_21 : memref<10000x64xf32, #tpu.memory_space<hbm>>)
        tpu.yield
      }) : () -> ()
    } else {
    }
    return
  }
}

#map = affine_map<(d0, d1) -> (0, 0)>
#map1 = affine_map<(d0, d1) -> (0)>
#map2 = affine_map<(d0, d1) -> (0, 0, 0)>
module attributes {stable_mosaic.version = 14 : i64} {
  func.func @_sc_rowscat_gat_body(%arg0: i32, %arg1: i32, %arg2: memref<10000x64xf32, #tpu.memory_space<hbm>>, %arg3: memref<320000xf32, #tpu.memory_space<hbm>>, %arg4: memref<320000xi32, #tpu.memory_space<hbm>>, %arg5: memref<320000xi32, #tpu.memory_space<hbm>>, %arg6: memref<10000x64xf32, #tpu.memory_space<hbm>>, %arg7: memref<2x10000x64xf32, #tpu.memory_space<hbm>>, %arg8: memref<400xi32, #tpu.memory_space<vmem>>, %arg9: memref<400xi32, #tpu.memory_space<vmem>>, %arg10: memref<400xf32, #tpu.memory_space<vmem>>, %arg11: memref<400x64xf32, #tpu.memory_space<vmem>>, %arg12: memref<10000x64xf32, #tpu.memory_space<vmem_shared>>, %arg13: memref<!tpu.dma_semaphore, #tpu.memory_space<semaphore_mem>>) attributes {dimension_semantics = [#tpu.dimension_semantics<core_parallel>, #tpu.dimension_semantics<subcore_parallel>], iteration_bounds = array<i64: 2, 16>, scalar_prefetch = 0 : i64, scratch_operands = 6 : i64, tpu.core_type = #tpu.core_type<sc_vector_subcore>, window_params = [{transform_indices = #map}, {transform_indices = #map1}, {transform_indices = #map1}, {transform_indices = #map1}, {transform_indices = #map}, {transform_indices = #map2}]} {
    %mul3A = arith.constant 2 : i32
    %mul3A_0 = arith.muli %arg1, %mul3A : i32
    %add3A = arith.addi %mul3A_0, %arg0 : i32
    %mul3A_1 = arith.constant 10000 : i32
    %mul3A_2 = arith.muli %add3A, %mul3A_1 : i32
    %eq3A = arith.constant 0 : i32
    %eq3A_3 = arith.cmpi eq, %arg1, %eq3A : i32
    %convert_element_type3A = arith.extui %eq3A_3 : i1 to i32
    %cond3A = arith.constant 0 : i32
    %cond3A_4 = arith.cmpi ne, %convert_element_type3A, %cond3A : i32
    scf.if %cond3A_4 {
      "tpu.region"() ({
        %run_scoped3A = tpu.sem_alloc : memref<!tpu.dma_semaphore, #tpu.memory_space<semaphore_mem>>
        tpu.enqueue_dma source(%arg6 : memref<10000x64xf32, #tpu.memory_space<hbm>>) target(%arg12 : memref<10000x64xf32, #tpu.memory_space<vmem_shared>>) target_semaphore(%run_scoped3A : memref<!tpu.dma_semaphore, #tpu.memory_space<semaphore_mem>>)
        tpu.wait_dma2 semaphore(%run_scoped3A : memref<!tpu.dma_semaphore, #tpu.memory_space<semaphore_mem>>) src(%arg6 : memref<10000x64xf32, #tpu.memory_space<hbm>>) dst(%arg12 : memref<10000x64xf32, #tpu.memory_space<vmem_shared>>)
        tpu.yield
      }) : () -> ()
    } else {
    }
    %barrier3A = arith.constant 0 : index
    tpu.barrier barrier_id(%barrier3A)
    %scan3A = arith.constant 0 : i32
    %scan3A_5 = arith.constant 0 : i32
    %scan3A_6 = arith.constant 25 : i32
    %scan3A_7 = arith.addi %scan3A_5, %scan3A_6 : i32
    %scan3A_8 = arith.constant 1 : i32
    scf.for %scan3A_16 = %scan3A_5 to %scan3A_7 step %scan3A_8  : i32 {
      %mul3A_17 = arith.constant 400 : i32
      %mul3A_18 = arith.muli %scan3A_16, %mul3A_17 : i32
      %add3A_19 = arith.addi %mul3A_2, %mul3A_18 : i32
      "tpu.region"() ({
        %run_scoped3A = tpu.sem_alloc : memref<!tpu.dma_semaphore, #tpu.memory_space<semaphore_mem>>
        %dma_start3A_30 = tpu.memref_slice %arg4[%add3A_19] : memref<320000xi32, #tpu.memory_space<hbm>> -> memref<400xi32, #tpu.memory_space<hbm>>
        %dma_start3A_31 = tpu.memref_slice %arg4[%add3A_19] : memref<320000xi32, #tpu.memory_space<hbm>> -> memref<400xi32, #tpu.memory_space<hbm>>
        tpu.enqueue_dma source(%dma_start3A_31 : memref<400xi32, #tpu.memory_space<hbm>>) target(%arg8 : memref<400xi32, #tpu.memory_space<vmem>>) target_semaphore(%run_scoped3A : memref<!tpu.dma_semaphore, #tpu.memory_space<semaphore_mem>>)
        %dma_wait3A_32 = tpu.memref_slice %arg4[%add3A_19] : memref<320000xi32, #tpu.memory_space<hbm>> -> memref<400xi32, #tpu.memory_space<hbm>>
        %dma_wait3A_33 = tpu.memref_slice %arg4[%add3A_19] : memref<320000xi32, #tpu.memory_space<hbm>> -> memref<400xi32, #tpu.memory_space<hbm>>
        tpu.wait_dma2 semaphore(%run_scoped3A : memref<!tpu.dma_semaphore, #tpu.memory_space<semaphore_mem>>) src(%dma_wait3A_33 : memref<400xi32, #tpu.memory_space<hbm>>) dst(%arg8 : memref<400xi32, #tpu.memory_space<vmem>>)
        tpu.yield
      }) : () -> ()
      "tpu.region"() ({
        %run_scoped3A = tpu.sem_alloc : memref<!tpu.dma_semaphore, #tpu.memory_space<semaphore_mem>>
        %dma_start3A_30 = tpu.memref_slice %arg5[%add3A_19] : memref<320000xi32, #tpu.memory_space<hbm>> -> memref<400xi32, #tpu.memory_space<hbm>>
        %dma_start3A_31 = tpu.memref_slice %arg5[%add3A_19] : memref<320000xi32, #tpu.memory_space<hbm>> -> memref<400xi32, #tpu.memory_space<hbm>>
        tpu.enqueue_dma source(%dma_start3A_31 : memref<400xi32, #tpu.memory_space<hbm>>) target(%arg9 : memref<400xi32, #tpu.memory_space<vmem>>) target_semaphore(%run_scoped3A : memref<!tpu.dma_semaphore, #tpu.memory_space<semaphore_mem>>)
        %dma_wait3A_32 = tpu.memref_slice %arg5[%add3A_19] : memref<320000xi32, #tpu.memory_space<hbm>> -> memref<400xi32, #tpu.memory_space<hbm>>
        %dma_wait3A_33 = tpu.memref_slice %arg5[%add3A_19] : memref<320000xi32, #tpu.memory_space<hbm>> -> memref<400xi32, #tpu.memory_space<hbm>>
        tpu.wait_dma2 semaphore(%run_scoped3A : memref<!tpu.dma_semaphore, #tpu.memory_space<semaphore_mem>>) src(%dma_wait3A_33 : memref<400xi32, #tpu.memory_space<hbm>>) dst(%arg9 : memref<400xi32, #tpu.memory_space<vmem>>)
        tpu.yield
      }) : () -> ()
      "tpu.region"() ({
        %run_scoped3A = tpu.sem_alloc : memref<!tpu.dma_semaphore, #tpu.memory_space<semaphore_mem>>
        %dma_start3A_30 = tpu.memref_slice %arg3[%add3A_19] : memref<320000xf32, #tpu.memory_space<hbm>> -> memref<400xf32, #tpu.memory_space<hbm>>
        %dma_start3A_31 = tpu.memref_slice %arg3[%add3A_19] : memref<320000xf32, #tpu.memory_space<hbm>> -> memref<400xf32, #tpu.memory_space<hbm>>
        tpu.enqueue_dma source(%dma_start3A_31 : memref<400xf32, #tpu.memory_space<hbm>>) target(%arg10 : memref<400xf32, #tpu.memory_space<vmem>>) target_semaphore(%run_scoped3A : memref<!tpu.dma_semaphore, #tpu.memory_space<semaphore_mem>>)
        %dma_wait3A_32 = tpu.memref_slice %arg3[%add3A_19] : memref<320000xf32, #tpu.memory_space<hbm>> -> memref<400xf32, #tpu.memory_space<hbm>>
        %dma_wait3A_33 = tpu.memref_slice %arg3[%add3A_19] : memref<320000xf32, #tpu.memory_space<hbm>> -> memref<400xf32, #tpu.memory_space<hbm>>
        tpu.wait_dma2 semaphore(%run_scoped3A : memref<!tpu.dma_semaphore, #tpu.memory_space<semaphore_mem>>) src(%dma_wait3A_33 : memref<400xf32, #tpu.memory_space<hbm>>) dst(%arg10 : memref<400xf32, #tpu.memory_space<vmem>>)
        tpu.yield
      }) : () -> ()
      %dma_start3A = arith.constant 0 : i32
      %dma_start3A_20 = arith.constant 0 : i32
      %dma_start3A_21 = tpu.memref_slice %arg2[%dma_start3A, %dma_start3A_20] : memref<10000x64xf32, #tpu.memory_space<hbm>> -> memref<10000x64xf32, #tpu.memory_space<hbm>>
      tpu.enqueue_indirect_dma source(%dma_start3A_21 : memref<10000x64xf32, #tpu.memory_space<hbm>>) target(%arg11 : memref<400x64xf32, #tpu.memory_space<vmem>>) offsets(%arg8 : memref<400xi32, #tpu.memory_space<vmem>>) semaphore(%arg13 : memref<!tpu.dma_semaphore, #tpu.memory_space<semaphore_mem>>)
      %dma_wait3A = arith.constant 0 : i32
      %dma_wait3A_22 = arith.constant 0 : i32
      %dma_wait3A_23 = tpu.memref_slice %arg2[%dma_wait3A, %dma_wait3A_22] : memref<10000x64xf32, #tpu.memory_space<hbm>> -> memref<10000x64xf32, #tpu.memory_space<hbm>>
      tpu.wait_indirect_dma semaphore(%arg13 : memref<!tpu.dma_semaphore, #tpu.memory_space<semaphore_mem>>) src(%dma_wait3A_23 : memref<10000x64xf32, #tpu.memory_space<hbm>>) dst(%arg11 : memref<400x64xf32, #tpu.memory_space<vmem>>)
      %scan3A_24 = arith.constant 0 : i32
      %scan3A_25 = arith.constant 0 : i32
      %scan3A_26 = arith.constant 400 : i32
      %scan3A_27 = arith.addi %scan3A_25, %scan3A_26 : i32
      %scan3A_28 = arith.constant 1 : i32
      scf.for %scan3A_30 = %scan3A_25 to %scan3A_27 step %scan3A_28  : i32 {
        %broadcast_in_dim3A = vector.broadcast %scan3A_30 : i32 to vector<16xi32>
        %gather3A = tpu.vector_load_idx %arg10[%broadcast_in_dim3A] : memref<400xf32, #tpu.memory_space<vmem>>[vector<16xi32>], vector<16xf32>,
        %scan3A_31 = arith.constant 0 : i32
        %scan3A_32 = arith.constant 0 : i32
        %scan3A_33 = arith.constant 4 : i32
        %scan3A_34 = arith.addi %scan3A_32, %scan3A_33 : i32
        %scan3A_35 = arith.constant 1 : i32
        scf.for %scan3A_37 = %scan3A_32 to %scan3A_34 step %scan3A_35  : i32 {
          %mul3A_38 = arith.constant 16 : i32
          %mul3A_39 = arith.muli %scan3A_37, %mul3A_38 : i32
          %get3A = arith.index_cast %scan3A_30 : i32 to index
          %get3A_40 = arith.index_cast %mul3A_39 : i32 to index
          %get3A_41 = tpu.vector_load %arg11[%get3A, %get3A_40] {strides = array<i32>} : memref<400x64xf32, #tpu.memory_space<vmem>>, vector<16xf32>,
          %mul3A_42 = arith.mulf %get3A_41, %gather3A : vector<16xf32>
          %swap3A = arith.index_cast %scan3A_30 : i32 to index
          %swap3A_43 = arith.index_cast %mul3A_39 : i32 to index
          %swap3A_44 = tpu.vector_load %arg11[%swap3A, %swap3A_43] {strides = array<i32>} : memref<400x64xf32, #tpu.memory_space<vmem>>, vector<16xf32>,
          tpu.vector_store %arg11[%swap3A, %swap3A_43], %mul3A_42 {strides = array<i32>} : memref<400x64xf32, #tpu.memory_space<vmem>>, vector<16xf32>,
        }
        %scan3A_36 = arith.constant 4 : i32
      }
      %scan3A_29 = arith.constant 400 : i32
      "tpu.region"() ({
        %run_scoped3A = tpu.sem_alloc : memref<!tpu.dma_semaphore, #tpu.memory_space<semaphore_mem>>
        %dma_start3A_30 = arith.constant 0 : i32
        %dma_start3A_31 = arith.constant 0 : i32
        %dma_start3A_32 = tpu.memref_slice %arg12[%dma_start3A_30, %dma_start3A_31] : memref<10000x64xf32, #tpu.memory_space<vmem_shared>> -> memref<10000x64xf32, #tpu.memory_space<vmem_shared>>
        tpu.enqueue_indirect_dma source(%arg11 : memref<400x64xf32, #tpu.memory_space<vmem>>) target(%dma_start3A_32 : memref<10000x64xf32, #tpu.memory_space<vmem_shared>>) offsets(%arg9 : memref<400xi32, #tpu.memory_space<vmem>>) semaphore(%run_scoped3A : memref<!tpu.dma_semaphore, #tpu.memory_space<semaphore_mem>>) {add = true}
        %dma_wait3A_33 = arith.constant 0 : i32
        %dma_wait3A_34 = arith.constant 0 : i32
        %dma_wait3A_35 = tpu.memref_slice %arg12[%dma_wait3A_33, %dma_wait3A_34] : memref<10000x64xf32, #tpu.memory_space<vmem_shared>> -> memref<10000x64xf32, #tpu.memory_space<vmem_shared>>
        tpu.wait_indirect_dma semaphore(%run_scoped3A : memref<!tpu.dma_semaphore, #tpu.memory_space<semaphore_mem>>) src(%arg11 : memref<400x64xf32, #tpu.memory_space<vmem>>) dst(%dma_wait3A_35 : memref<10000x64xf32, #tpu.memory_space<vmem_shared>>)
        tpu.yield
      }) : () -> ()
    }
    %scan3A_9 = arith.constant 25 : i32
    %barrier3A_10 = arith.constant 0 : index
    tpu.barrier barrier_id(%barrier3A_10)
    %eq3A_11 = arith.constant 0 : i32
    %eq3A_12 = arith.cmpi eq, %arg1, %eq3A_11 : i32
    %convert_element_type3A_13 = arith.extui %eq3A_12 : i1 to i32
    %cond3A_14 = arith.constant 0 : i32
    %cond3A_15 = arith.cmpi ne, %convert_element_type3A_13, %cond3A_14 : i32
    scf.if %cond3A_15 {
      "tpu.region"() ({
        %run_scoped3A = tpu.sem_alloc : memref<!tpu.dma_semaphore, #tpu.memory_space<semaphore_mem>>
        %dma_start3A = arith.constant 0 : i32
        %dma_start3A_16 = arith.constant 0 : i32
        %dma_start3A_17 = tpu.memref_slice %arg7[%arg0, %dma_start3A, %dma_start3A_16] : memref<2x10000x64xf32, #tpu.memory_space<hbm>> -> memref<1x10000x64xf32, #tpu.memory_space<hbm>>
        %dma_start3A_18 = tpu.memref_squeeze %dma_start3A_17 : memref<1x10000x64xf32, #tpu.memory_space<hbm>> -> memref<10000x64xf32, #tpu.memory_space<hbm>>
        tpu.enqueue_dma source(%arg12 : memref<10000x64xf32, #tpu.memory_space<vmem_shared>>) target(%dma_start3A_18 : memref<10000x64xf32, #tpu.memory_space<hbm>>) target_semaphore(%run_scoped3A : memref<!tpu.dma_semaphore, #tpu.memory_space<semaphore_mem>>)
        %dma_wait3A = arith.constant 0 : i32
        %dma_wait3A_19 = arith.constant 0 : i32
        %dma_wait3A_20 = tpu.memref_slice %arg7[%arg0, %dma_wait3A, %dma_wait3A_19] : memref<2x10000x64xf32, #tpu.memory_space<hbm>> -> memref<1x10000x64xf32, #tpu.memory_space<hbm>>
        %dma_wait3A_21 = tpu.memref_squeeze %dma_wait3A_20 : memref<1x10000x64xf32, #tpu.memory_space<hbm>> -> memref<10000x64xf32, #tpu.memory_space<hbm>>
        tpu.wait_dma2 semaphore(%run_scoped3A : memref<!tpu.dma_semaphore, #tpu.memory_space<semaphore_mem>>) src(%arg12 : memref<10000x64xf32, #tpu.memory_space<vmem_shared>>) dst(%dma_wait3A_21 : memref<10000x64xf32, #tpu.memory_space<hbm>>)
        tpu.yield
      }) : () -> ()
    } else {
    }
    return
  }
}

#map = affine_map<(d0, d1) -> (0, 0)>
#map1 = affine_map<(d0, d1) -> (0)>
#map2 = affine_map<(d0, d1) -> (0, 0, 0)>
module attributes {stable_mosaic.version = 14 : i64} {
  func.func @_sc_rowscat_gat_body(%arg0: i32, %arg1: i32, %arg2: memref<10000x64xf32, #tpu.memory_space<hbm>>, %arg3: memref<320000xf32, #tpu.memory_space<hbm>>, %arg4: memref<320000xi32, #tpu.memory_space<hbm>>, %arg5: memref<320000xi32, #tpu.memory_space<hbm>>, %arg6: memref<10000x64xf32, #tpu.memory_space<hbm>>, %arg7: memref<2x10000x64xf32, #tpu.memory_space<hbm>>, %arg8: memref<400xi32, #tpu.memory_space<vmem>>, %arg9: memref<400xi32, #tpu.memory_space<vmem>>, %arg10: memref<400xf32, #tpu.memory_space<vmem>>, %arg11: memref<400x64xf32, #tpu.memory_space<vmem>>, %arg12: memref<10000x64xf32, #tpu.memory_space<vmem_shared>>, %arg13: memref<!tpu.dma_semaphore, #tpu.memory_space<semaphore_mem>>) attributes {dimension_semantics = [#tpu.dimension_semantics<core_parallel>, #tpu.dimension_semantics<subcore_parallel>], iteration_bounds = array<i64: 2, 16>, scalar_prefetch = 0 : i64, scratch_operands = 6 : i64, tpu.core_type = #tpu.core_type<sc_vector_subcore>, window_params = [{transform_indices = #map}, {transform_indices = #map1}, {transform_indices = #map1}, {transform_indices = #map1}, {transform_indices = #map}, {transform_indices = #map2}]} {
    %mul3A = arith.constant 2 : i32
    %mul3A_0 = arith.muli %arg1, %mul3A : i32
    %add3A = arith.addi %mul3A_0, %arg0 : i32
    %mul3A_1 = arith.constant 10000 : i32
    %mul3A_2 = arith.muli %add3A, %mul3A_1 : i32
    %eq3A = arith.constant 0 : i32
    %eq3A_3 = arith.cmpi eq, %arg1, %eq3A : i32
    %convert_element_type3A = arith.extui %eq3A_3 : i1 to i32
    %cond3A = arith.constant 0 : i32
    %cond3A_4 = arith.cmpi ne, %convert_element_type3A, %cond3A : i32
    scf.if %cond3A_4 {
      "tpu.region"() ({
        %run_scoped3A = tpu.sem_alloc : memref<!tpu.dma_semaphore, #tpu.memory_space<semaphore_mem>>
        tpu.enqueue_dma source(%arg6 : memref<10000x64xf32, #tpu.memory_space<hbm>>) target(%arg12 : memref<10000x64xf32, #tpu.memory_space<vmem_shared>>) target_semaphore(%run_scoped3A : memref<!tpu.dma_semaphore, #tpu.memory_space<semaphore_mem>>)
        tpu.wait_dma2 semaphore(%run_scoped3A : memref<!tpu.dma_semaphore, #tpu.memory_space<semaphore_mem>>) src(%arg6 : memref<10000x64xf32, #tpu.memory_space<hbm>>) dst(%arg12 : memref<10000x64xf32, #tpu.memory_space<vmem_shared>>)
        tpu.yield
      }) : () -> ()
    } else {
    }
    %barrier3A = arith.constant 0 : index
    tpu.barrier barrier_id(%barrier3A)
    %scan3A = arith.constant 0 : i32
    %scan3A_5 = arith.constant 0 : i32
    %scan3A_6 = arith.constant 25 : i32
    %scan3A_7 = arith.addi %scan3A_5, %scan3A_6 : i32
    %scan3A_8 = arith.constant 1 : i32
    scf.for %scan3A_16 = %scan3A_5 to %scan3A_7 step %scan3A_8  : i32 {
      %mul3A_17 = arith.constant 400 : i32
      %mul3A_18 = arith.muli %scan3A_16, %mul3A_17 : i32
      %add3A_19 = arith.addi %mul3A_2, %mul3A_18 : i32
      "tpu.region"() ({
        %run_scoped3A = tpu.sem_alloc : memref<!tpu.dma_semaphore, #tpu.memory_space<semaphore_mem>>
        %dma_start3A_30 = tpu.memref_slice %arg4[%add3A_19] : memref<320000xi32, #tpu.memory_space<hbm>> -> memref<400xi32, #tpu.memory_space<hbm>>
        %dma_start3A_31 = tpu.memref_slice %arg4[%add3A_19] : memref<320000xi32, #tpu.memory_space<hbm>> -> memref<400xi32, #tpu.memory_space<hbm>>
        tpu.enqueue_dma source(%dma_start3A_31 : memref<400xi32, #tpu.memory_space<hbm>>) target(%arg8 : memref<400xi32, #tpu.memory_space<vmem>>) target_semaphore(%run_scoped3A : memref<!tpu.dma_semaphore, #tpu.memory_space<semaphore_mem>>)
        %dma_wait3A_32 = tpu.memref_slice %arg4[%add3A_19] : memref<320000xi32, #tpu.memory_space<hbm>> -> memref<400xi32, #tpu.memory_space<hbm>>
        %dma_wait3A_33 = tpu.memref_slice %arg4[%add3A_19] : memref<320000xi32, #tpu.memory_space<hbm>> -> memref<400xi32, #tpu.memory_space<hbm>>
        tpu.wait_dma2 semaphore(%run_scoped3A : memref<!tpu.dma_semaphore, #tpu.memory_space<semaphore_mem>>) src(%dma_wait3A_33 : memref<400xi32, #tpu.memory_space<hbm>>) dst(%arg8 : memref<400xi32, #tpu.memory_space<vmem>>)
        tpu.yield
      }) : () -> ()
      "tpu.region"() ({
        %run_scoped3A = tpu.sem_alloc : memref<!tpu.dma_semaphore, #tpu.memory_space<semaphore_mem>>
        %dma_start3A_30 = tpu.memref_slice %arg5[%add3A_19] : memref<320000xi32, #tpu.memory_space<hbm>> -> memref<400xi32, #tpu.memory_space<hbm>>
        %dma_start3A_31 = tpu.memref_slice %arg5[%add3A_19] : memref<320000xi32, #tpu.memory_space<hbm>> -> memref<400xi32, #tpu.memory_space<hbm>>
        tpu.enqueue_dma source(%dma_start3A_31 : memref<400xi32, #tpu.memory_space<hbm>>) target(%arg9 : memref<400xi32, #tpu.memory_space<vmem>>) target_semaphore(%run_scoped3A : memref<!tpu.dma_semaphore, #tpu.memory_space<semaphore_mem>>)
        %dma_wait3A_32 = tpu.memref_slice %arg5[%add3A_19] : memref<320000xi32, #tpu.memory_space<hbm>> -> memref<400xi32, #tpu.memory_space<hbm>>
        %dma_wait3A_33 = tpu.memref_slice %arg5[%add3A_19] : memref<320000xi32, #tpu.memory_space<hbm>> -> memref<400xi32, #tpu.memory_space<hbm>>
        tpu.wait_dma2 semaphore(%run_scoped3A : memref<!tpu.dma_semaphore, #tpu.memory_space<semaphore_mem>>) src(%dma_wait3A_33 : memref<400xi32, #tpu.memory_space<hbm>>) dst(%arg9 : memref<400xi32, #tpu.memory_space<vmem>>)
        tpu.yield
      }) : () -> ()
      "tpu.region"() ({
        %run_scoped3A = tpu.sem_alloc : memref<!tpu.dma_semaphore, #tpu.memory_space<semaphore_mem>>
        %dma_start3A_30 = tpu.memref_slice %arg3[%add3A_19] : memref<320000xf32, #tpu.memory_space<hbm>> -> memref<400xf32, #tpu.memory_space<hbm>>
        %dma_start3A_31 = tpu.memref_slice %arg3[%add3A_19] : memref<320000xf32, #tpu.memory_space<hbm>> -> memref<400xf32, #tpu.memory_space<hbm>>
        tpu.enqueue_dma source(%dma_start3A_31 : memref<400xf32, #tpu.memory_space<hbm>>) target(%arg10 : memref<400xf32, #tpu.memory_space<vmem>>) target_semaphore(%run_scoped3A : memref<!tpu.dma_semaphore, #tpu.memory_space<semaphore_mem>>)
        %dma_wait3A_32 = tpu.memref_slice %arg3[%add3A_19] : memref<320000xf32, #tpu.memory_space<hbm>> -> memref<400xf32, #tpu.memory_space<hbm>>
        %dma_wait3A_33 = tpu.memref_slice %arg3[%add3A_19] : memref<320000xf32, #tpu.memory_space<hbm>> -> memref<400xf32, #tpu.memory_space<hbm>>
        tpu.wait_dma2 semaphore(%run_scoped3A : memref<!tpu.dma_semaphore, #tpu.memory_space<semaphore_mem>>) src(%dma_wait3A_33 : memref<400xf32, #tpu.memory_space<hbm>>) dst(%arg10 : memref<400xf32, #tpu.memory_space<vmem>>)
        tpu.yield
      }) : () -> ()
      %dma_start3A = arith.constant 0 : i32
      %dma_start3A_20 = arith.constant 0 : i32
      %dma_start3A_21 = tpu.memref_slice %arg2[%dma_start3A, %dma_start3A_20] : memref<10000x64xf32, #tpu.memory_space<hbm>> -> memref<10000x64xf32, #tpu.memory_space<hbm>>
      tpu.enqueue_indirect_dma source(%dma_start3A_21 : memref<10000x64xf32, #tpu.memory_space<hbm>>) target(%arg11 : memref<400x64xf32, #tpu.memory_space<vmem>>) offsets(%arg8 : memref<400xi32, #tpu.memory_space<vmem>>) semaphore(%arg13 : memref<!tpu.dma_semaphore, #tpu.memory_space<semaphore_mem>>)
      %dma_wait3A = arith.constant 0 : i32
      %dma_wait3A_22 = arith.constant 0 : i32
      %dma_wait3A_23 = tpu.memref_slice %arg2[%dma_wait3A, %dma_wait3A_22] : memref<10000x64xf32, #tpu.memory_space<hbm>> -> memref<10000x64xf32, #tpu.memory_space<hbm>>
      tpu.wait_indirect_dma semaphore(%arg13 : memref<!tpu.dma_semaphore, #tpu.memory_space<semaphore_mem>>) src(%dma_wait3A_23 : memref<10000x64xf32, #tpu.memory_space<hbm>>) dst(%arg11 : memref<400x64xf32, #tpu.memory_space<vmem>>)
      %scan3A_24 = arith.constant 0 : i32
      %scan3A_25 = arith.constant 0 : i32
      %scan3A_26 = arith.constant 400 : i32
      %scan3A_27 = arith.addi %scan3A_25, %scan3A_26 : i32
      %scan3A_28 = arith.constant 1 : i32
      scf.for %scan3A_30 = %scan3A_25 to %scan3A_27 step %scan3A_28  : i32 {
        %broadcast_in_dim3A = vector.broadcast %scan3A_30 : i32 to vector<16xi32>
        %gather3A = tpu.vector_load_idx %arg10[%broadcast_in_dim3A] : memref<400xf32, #tpu.memory_space<vmem>>[vector<16xi32>], vector<16xf32>,
        %scan3A_31 = arith.constant 0 : i32
        %scan3A_32 = arith.constant 0 : i32
        %scan3A_33 = arith.constant 4 : i32
        %scan3A_34 = arith.addi %scan3A_32, %scan3A_33 : i32
        %scan3A_35 = arith.constant 1 : i32
        scf.for %scan3A_37 = %scan3A_32 to %scan3A_34 step %scan3A_35  : i32 {
          %mul3A_38 = arith.constant 16 : i32
          %mul3A_39 = arith.muli %scan3A_37, %mul3A_38 : i32
          %get3A = arith.index_cast %scan3A_30 : i32 to index
          %get3A_40 = arith.index_cast %mul3A_39 : i32 to index
          %get3A_41 = tpu.vector_load %arg11[%get3A, %get3A_40] {strides = array<i32>} : memref<400x64xf32, #tpu.memory_space<vmem>>, vector<16xf32>,
          %mul3A_42 = arith.mulf %get3A_41, %gather3A : vector<16xf32>
          %swap3A = arith.index_cast %scan3A_30 : i32 to index
          %swap3A_43 = arith.index_cast %mul3A_39 : i32 to index
          %swap3A_44 = tpu.vector_load %arg11[%swap3A, %swap3A_43] {strides = array<i32>} : memref<400x64xf32, #tpu.memory_space<vmem>>, vector<16xf32>,
          tpu.vector_store %arg11[%swap3A, %swap3A_43], %mul3A_42 {strides = array<i32>} : memref<400x64xf32, #tpu.memory_space<vmem>>, vector<16xf32>,
        }
        %scan3A_36 = arith.constant 4 : i32
      }
      %scan3A_29 = arith.constant 400 : i32
      "tpu.region"() ({
        %run_scoped3A = tpu.sem_alloc : memref<!tpu.dma_semaphore, #tpu.memory_space<semaphore_mem>>
        %dma_start3A_30 = arith.constant 0 : i32
        %dma_start3A_31 = arith.constant 0 : i32
        %dma_start3A_32 = tpu.memref_slice %arg12[%dma_start3A_30, %dma_start3A_31] : memref<10000x64xf32, #tpu.memory_space<vmem_shared>> -> memref<10000x64xf32, #tpu.memory_space<vmem_shared>>
        tpu.enqueue_indirect_dma source(%arg11 : memref<400x64xf32, #tpu.memory_space<vmem>>) target(%dma_start3A_32 : memref<10000x64xf32, #tpu.memory_space<vmem_shared>>) offsets(%arg9 : memref<400xi32, #tpu.memory_space<vmem>>) semaphore(%run_scoped3A : memref<!tpu.dma_semaphore, #tpu.memory_space<semaphore_mem>>) {add = true}
        %dma_wait3A_33 = arith.constant 0 : i32
        %dma_wait3A_34 = arith.constant 0 : i32
        %dma_wait3A_35 = tpu.memref_slice %arg12[%dma_wait3A_33, %dma_wait3A_34] : memref<10000x64xf32, #tpu.memory_space<vmem_shared>> -> memref<10000x64xf32, #tpu.memory_space<vmem_shared>>
        tpu.wait_indirect_dma semaphore(%run_scoped3A : memref<!tpu.dma_semaphore, #tpu.memory_space<semaphore_mem>>) src(%arg11 : memref<400x64xf32, #tpu.memory_space<vmem>>) dst(%dma_wait3A_35 : memref<10000x64xf32, #tpu.memory_space<vmem_shared>>)
        tpu.yield
      }) : () -> ()
    }
    %scan3A_9 = arith.constant 25 : i32
    %barrier3A_10 = arith.constant 0 : index
    tpu.barrier barrier_id(%barrier3A_10)
    %eq3A_11 = arith.constant 0 : i32
    %eq3A_12 = arith.cmpi eq, %arg1, %eq3A_11 : i32
    %convert_element_type3A_13 = arith.extui %eq3A_12 : i1 to i32
    %cond3A_14 = arith.constant 0 : i32
    %cond3A_15 = arith.cmpi ne, %convert_element_type3A_13, %cond3A_14 : i32
    scf.if %cond3A_15 {
      "tpu.region"() ({
        %run_scoped3A = tpu.sem_alloc : memref<!tpu.dma_semaphore, #tpu.memory_space<semaphore_mem>>
        %dma_start3A = arith.constant 0 : i32
        %dma_start3A_16 = arith.constant 0 : i32
        %dma_start3A_17 = tpu.memref_slice %arg7[%arg0, %dma_start3A, %dma_start3A_16] : memref<2x10000x64xf32, #tpu.memory_space<hbm>> -> memref<1x10000x64xf32, #tpu.memory_space<hbm>>
        %dma_start3A_18 = tpu.memref_squeeze %dma_start3A_17 : memref<1x10000x64xf32, #tpu.memory_space<hbm>> -> memref<10000x64xf32, #tpu.memory_space<hbm>>
        tpu.enqueue_dma source(%arg12 : memref<10000x64xf32, #tpu.memory_space<vmem_shared>>) target(%dma_start3A_18 : memref<10000x64xf32, #tpu.memory_space<hbm>>) target_semaphore(%run_scoped3A : memref<!tpu.dma_semaphore, #tpu.memory_space<semaphore_mem>>)
        %dma_wait3A = arith.constant 0 : i32
        %dma_wait3A_19 = arith.constant 0 : i32
        %dma_wait3A_20 = tpu.memref_slice %arg7[%arg0, %dma_wait3A, %dma_wait3A_19] : memref<2x10000x64xf32, #tpu.memory_space<hbm>> -> memref<1x10000x64xf32, #tpu.memory_space<hbm>>
        %dma_wait3A_21 = tpu.memref_squeeze %dma_wait3A_20 : memref<1x10000x64xf32, #tpu.memory_space<hbm>> -> memref<10000x64xf32, #tpu.memory_space<hbm>>
        tpu.wait_dma2 semaphore(%run_scoped3A : memref<!tpu.dma_semaphore, #tpu.memory_space<semaphore_mem>>) src(%arg12 : memref<10000x64xf32, #tpu.memory_space<vmem_shared>>) dst(%dma_wait3A_21 : memref<10000x64xf32, #tpu.memory_space<hbm>>)
        tpu.yield
      }) : () -> ()
    } else {
    }
    return
  }
}

module attributes {stable_mosaic.version = 14 : i64} {
  func.func @_tc_prep_nodes_body(%arg0: i32, %arg1: memref<2000x128xf32, #tpu.memory_space<vmem>>, %arg2: memref<128x256xf32, #tpu.memory_space<vmem>>, %arg3: memref<1x256xf32, #tpu.memory_space<vmem>>, %arg4: memref<128x256xf32, #tpu.memory_space<vmem>>, %arg5: memref<256x1xf32, #tpu.memory_space<vmem>>, %arg6: memref<1x1xf32, #tpu.memory_space<vmem>>, %arg7: memref<2000x256xf32, #tpu.memory_space<vmem>>, %arg8: memref<2000x256xf32, #tpu.memory_space<vmem>>, %arg9: memref<2000x1xf32, #tpu.memory_space<vmem>>) attributes {dimension_semantics = [#tpu.dimension_semantics<arbitrary>], iteration_bounds = array<i64: 5>, scalar_prefetch = 0 : i64, scratch_operands = 0 : i64, tpu.core_type = #tpu.core_type<tc>, window_params = [{transform_indices = @transform_0, window_bounds = array<i64: 2000, 128>}, {pipeline_mode = #tpu.pipeline_mode<synchronous>, transform_indices = @transform_1, window_bounds = array<i64: 128, 256>}, {pipeline_mode = #tpu.pipeline_mode<synchronous>, transform_indices = @transform_2, window_bounds = array<i64: 1, 256>}, {pipeline_mode = #tpu.pipeline_mode<synchronous>, transform_indices = @transform_3, window_bounds = array<i64: 128, 256>}, {pipeline_mode = #tpu.pipeline_mode<synchronous>, transform_indices = @transform_4, window_bounds = array<i64: 256, 1>}, {pipeline_mode = #tpu.pipeline_mode<synchronous>, transform_indices = @transform_5, window_bounds = array<i64: 1, 1>}, {transform_indices = @transform_6, window_bounds = array<i64: 2000, 256>}, {transform_indices = @transform_7, window_bounds = array<i64: 2000, 256>}, {transform_indices = @transform_8, window_bounds = array<i64: 2000, 1>}]} {
    %get3A = arith.constant 0 : index
    %get3A_0 = arith.constant 0 : index
    %get3A_1 = vector.load %arg1[%get3A, %get3A_0] : memref<2000x128xf32, #tpu.memory_space<vmem>>, vector<2000x128xf32>
    %get3A_2 = arith.constant 0 : index
    %get3A_3 = arith.constant 0 : index
    %get3A_4 = vector.load %arg2[%get3A_2, %get3A_3] : memref<128x256xf32, #tpu.memory_space<vmem>>, vector<128x256xf32>
    %dot_general3A = arith.constant dense<0.000000e+00> : vector<2000x256xf32>
    %dot_general3A_5 = tpu.matmul %get3A_1, %get3A_4, %dot_general3A {dimension_numbers = #tpu.dot_dimension_numbers<[1], [0], [0], [1], [0, 0, 1, 1], [], []>, precision = #tpu.contract_precision<fp32>, transpose_lhs_hint = false} : vector<2000x128xf32>, vector<128x256xf32>, vector<2000x256xf32> -> vector<2000x256xf32>
    %get3A_6 = arith.constant 0 : index
    %get3A_7 = arith.constant 0 : index
    %get3A_8 = vector.load %arg3[%get3A_6, %get3A_7] : memref<1x256xf32, #tpu.memory_space<vmem>>, vector<1x256xf32>
    %add3A = vector.broadcast %get3A_8 : vector<1x256xf32> to vector<2000x256xf32>
    %add3A_9 = arith.addf %dot_general3A_5, %add3A : vector<2000x256xf32>
    %jit3A = arith.constant 0.00999999977 : f32
    %ge3A = arith.constant 0.000000e+00 : f32
    %ge3A_10 = vector.broadcast %ge3A : f32 to vector<2000x256xf32>
    %ge3A_11 = arith.cmpf oge, %add3A_9, %ge3A_10 : vector<2000x256xf32>
    %mul3A = vector.broadcast %jit3A : f32 to vector<2000x256xf32>
    %mul3A_12 = arith.mulf %mul3A, %add3A_9 : vector<2000x256xf32>
    %select_n3A = arith.select %ge3A_11, %add3A_9, %mul3A_12 : vector<2000x256xi1>, vector<2000x256xf32>
    %swap3A = arith.constant 0 : index
    %swap3A_13 = arith.constant 0 : index
    %swap3A_14 = vector.load %arg7[%swap3A, %swap3A_13] : memref<2000x256xf32, #tpu.memory_space<vmem>>, vector<2000x256xf32>
    tpu.vector_store %arg7[%swap3A, %swap3A_13], %select_n3A {strides = array<i32>} : memref<2000x256xf32, #tpu.memory_space<vmem>>, vector<2000x256xf32>,
    %get3A_15 = arith.constant 0 : index
    %get3A_16 = arith.constant 0 : index
    %get3A_17 = vector.load %arg4[%get3A_15, %get3A_16] : memref<128x256xf32, #tpu.memory_space<vmem>>, vector<128x256xf32>
    %dot_general3A_18 = arith.constant dense<0.000000e+00> : vector<2000x256xf32>
    %dot_general3A_19 = tpu.matmul %get3A_1, %get3A_17, %dot_general3A_18 {dimension_numbers = #tpu.dot_dimension_numbers<[1], [0], [0], [1], [0, 0, 1, 1], [], []>, precision = #tpu.contract_precision<fp32>, transpose_lhs_hint = false} : vector<2000x128xf32>, vector<128x256xf32>, vector<2000x256xf32> -> vector<2000x256xf32>
    %swap3A_20 = arith.constant 0 : index
    %swap3A_21 = arith.constant 0 : index
    %swap3A_22 = vector.load %arg8[%swap3A_20, %swap3A_21] : memref<2000x256xf32, #tpu.memory_space<vmem>>, vector<2000x256xf32>
    tpu.vector_store %arg8[%swap3A_20, %swap3A_21], %dot_general3A_19 {strides = array<i32>} : memref<2000x256xf32, #tpu.memory_space<vmem>>, vector<2000x256xf32>,
    %get3A_23 = arith.constant 0 : index
    %get3A_24 = arith.constant 0 : index
    %get3A_25 = vector.load %arg5[%get3A_23, %get3A_24] : memref<256x1xf32, #tpu.memory_space<vmem>>, vector<256x1xf32>
    %reshape3A = vector.shape_cast %get3A_25 : vector<256x1xf32> to vector<1x256xf32>
    %mul3A_26 = vector.broadcast %reshape3A : vector<1x256xf32> to vector<2000x256xf32>
    %mul3A_27 = arith.mulf %select_n3A, %mul3A_26 : vector<2000x256xf32>
    %reduce_sum3A = arith.constant dense<0.000000e+00> : vector<2000xf32>
    %reduce_sum3A_28 = vector.multi_reduction <add>, %mul3A_27, %reduce_sum3A [1] : vector<2000x256xf32> to vector<2000xf32>
    %broadcast_in_dim3A = vector.shape_cast %reduce_sum3A_28 : vector<2000xf32> to vector<2000x1xf32>
    %get3A_29 = arith.constant 0 : index
    %get3A_30 = arith.constant 0 : index
    %get3A_31 = vector.load %arg6[%get3A_29, %get3A_30] : memref<1x1xf32, #tpu.memory_space<vmem>>, vector<1x1xf32>
    %add3A_32 = vector.broadcast %get3A_31 : vector<1x1xf32> to vector<2000x1xf32>
    %add3A_33 = arith.addf %broadcast_in_dim3A, %add3A_32 : vector<2000x1xf32>
    %swap3A_34 = arith.constant 0 : index
    %swap3A_35 = arith.constant 0 : index
    %swap3A_36 = vector.load %arg9[%swap3A_34, %swap3A_35] : memref<2000x1xf32, #tpu.memory_space<vmem>>, vector<2000x1xf32>
    tpu.vector_store %arg9[%swap3A_34, %swap3A_35], %add3A_33 {strides = array<i32>} : memref<2000x1xf32, #tpu.memory_space<vmem>>, vector<2000x1xf32>,
    return
  }
  func.func @transform_0(%arg0: i32) -> (i32, i32) {
    %c0_i32 = arith.constant 0 : i32
    %c0_i32_0 = arith.constant 0 : i32
    return %arg0, %c0_i32 : i32, i32
  }
  func.func @transform_1(%arg0: i32) -> (i32, i32) {
    %c0_i32 = arith.constant 0 : i32
    %c0_i32_0 = arith.constant 0 : i32
    %c0_i32_1 = arith.constant 0 : i32
    return %c0_i32, %c0_i32_0 : i32, i32
  }
  func.func @transform_2(%arg0: i32) -> (i32, i32) {
    %c0_i32 = arith.constant 0 : i32
    %c0_i32_0 = arith.constant 0 : i32
    %c0_i32_1 = arith.constant 0 : i32
    return %c0_i32, %c0_i32_0 : i32, i32
  }
  func.func @transform_3(%arg0: i32) -> (i32, i32) {
    %c0_i32 = arith.constant 0 : i32
    %c0_i32_0 = arith.constant 0 : i32
    %c0_i32_1 = arith.constant 0 : i32
    return %c0_i32, %c0_i32_0 : i32, i32
  }
  func.func @transform_4(%arg0: i32) -> (i32, i32) {
    %c0_i32 = arith.constant 0 : i32
    %c0_i32_0 = arith.constant 0 : i32
    %c0_i32_1 = arith.constant 0 : i32
    return %c0_i32, %c0_i32_0 : i32, i32
  }
  func.func @transform_5(%arg0: i32) -> (i32, i32) {
    %c0_i32 = arith.constant 0 : i32
    %c0_i32_0 = arith.constant 0 : i32
    %c0_i32_1 = arith.constant 0 : i32
    return %c0_i32, %c0_i32_0 : i32, i32
  }
  func.func @transform_6(%arg0: i32) -> (i32, i32) {
    %c0_i32 = arith.constant 0 : i32
    %c0_i32_0 = arith.constant 0 : i32
    return %arg0, %c0_i32 : i32, i32
  }
  func.func @transform_7(%arg0: i32) -> (i32, i32) {
    %c0_i32 = arith.constant 0 : i32
    %c0_i32_0 = arith.constant 0 : i32
    return %arg0, %c0_i32 : i32, i32
  }
  func.func @transform_8(%arg0: i32) -> (i32, i32) {
    %c0_i32 = arith.constant 0 : i32
    %c0_i32_0 = arith.constant 0 : i32
    return %arg0, %c0_i32 : i32, i32
  }
}

module attributes {stable_mosaic.version = 14 : i64} {
  func.func @_tc_prep_edges_body(%arg0: i32, %arg1: memref<4000x16xf32, #tpu.memory_space<vmem>>, %arg2: memref<16x256xf32, #tpu.memory_space<vmem>>, %arg3: memref<1x256xf32, #tpu.memory_space<vmem>>, %arg4: memref<4000x256xf32, #tpu.memory_space<vmem>>) attributes {dimension_semantics = [#tpu.dimension_semantics<arbitrary>], iteration_bounds = array<i64: 80>, scalar_prefetch = 0 : i64, scratch_operands = 0 : i64, tpu.core_type = #tpu.core_type<tc>, window_params = [{transform_indices = @transform_0, window_bounds = array<i64: 4000, 16>}, {pipeline_mode = #tpu.pipeline_mode<synchronous>, transform_indices = @transform_1, window_bounds = array<i64: 16, 256>}, {pipeline_mode = #tpu.pipeline_mode<synchronous>, transform_indices = @transform_2, window_bounds = array<i64: 1, 256>}, {transform_indices = @transform_3, window_bounds = array<i64: 4000, 256>}]} {
    %get3A = arith.constant 0 : index
    %get3A_0 = arith.constant 0 : index
    %get3A_1 = vector.load %arg1[%get3A, %get3A_0] : memref<4000x16xf32, #tpu.memory_space<vmem>>, vector<4000x16xf32>
    %get3A_2 = arith.constant 0 : index
    %get3A_3 = arith.constant 0 : index
    %get3A_4 = vector.load %arg2[%get3A_2, %get3A_3] : memref<16x256xf32, #tpu.memory_space<vmem>>, vector<16x256xf32>
    %dot_general3A = arith.constant dense<0.000000e+00> : vector<4000x256xf32>
    %dot_general3A_5 = tpu.matmul %get3A_1, %get3A_4, %dot_general3A {dimension_numbers = #tpu.dot_dimension_numbers<[1], [0], [0], [1], [0, 0, 1, 1], [], []>, precision = #tpu.contract_precision<fp32>, transpose_lhs_hint = false} : vector<4000x16xf32>, vector<16x256xf32>, vector<4000x256xf32> -> vector<4000x256xf32>
    %get3A_6 = arith.constant 0 : index
    %get3A_7 = arith.constant 0 : index
    %get3A_8 = vector.load %arg3[%get3A_6, %get3A_7] : memref<1x256xf32, #tpu.memory_space<vmem>>, vector<1x256xf32>
    %add3A = vector.broadcast %get3A_8 : vector<1x256xf32> to vector<4000x256xf32>
    %add3A_9 = arith.addf %dot_general3A_5, %add3A : vector<4000x256xf32>
    %swap3A = arith.constant 0 : index
    %swap3A_10 = arith.constant 0 : index
    %swap3A_11 = vector.load %arg4[%swap3A, %swap3A_10] : memref<4000x256xf32, #tpu.memory_space<vmem>>, vector<4000x256xf32>
    tpu.vector_store %arg4[%swap3A, %swap3A_10], %add3A_9 {strides = array<i32>} : memref<4000x256xf32, #tpu.memory_space<vmem>>, vector<4000x256xf32>,
    return
  }
  func.func @transform_0(%arg0: i32) -> (i32, i32) {
    %c0_i32 = arith.constant 0 : i32
    %c0_i32_0 = arith.constant 0 : i32
    return %arg0, %c0_i32 : i32, i32
  }
  func.func @transform_1(%arg0: i32) -> (i32, i32) {
    %c0_i32 = arith.constant 0 : i32
    %c0_i32_0 = arith.constant 0 : i32
    %c0_i32_1 = arith.constant 0 : i32
    return %c0_i32, %c0_i32_0 : i32, i32
  }
  func.func @transform_2(%arg0: i32) -> (i32, i32) {
    %c0_i32 = arith.constant 0 : i32
    %c0_i32_0 = arith.constant 0 : i32
    %c0_i32_1 = arith.constant 0 : i32
    return %c0_i32, %c0_i32_0 : i32, i32
  }
  func.func @transform_3(%arg0: i32) -> (i32, i32) {
    %c0_i32 = arith.constant 0 : i32
    %c0_i32_0 = arith.constant 0 : i32
    return %arg0, %c0_i32 : i32, i32
  }
}

module attributes {stable_mosaic.version = 14 : i64} {
  func.func @_tc_logits_body(%arg0: i32, %arg1: memref<2000x256xf32, #tpu.memory_space<vmem>>, %arg2: memref<2000x256xf32, #tpu.memory_space<vmem>>, %arg3: memref<256x1xf32, #tpu.memory_space<vmem>>, %arg4: memref<2000x256xf32, #tpu.memory_space<vmem>>, %arg5: memref<2000x1xf32, #tpu.memory_space<vmem>>) attributes {dimension_semantics = [#tpu.dimension_semantics<arbitrary>], iteration_bounds = array<i64: 160>, scalar_prefetch = 0 : i64, scratch_operands = 0 : i64, tpu.core_type = #tpu.core_type<tc>, window_params = [{transform_indices = @transform_0, window_bounds = array<i64: 2000, 256>}, {transform_indices = @transform_1, window_bounds = array<i64: 2000, 256>}, {pipeline_mode = #tpu.pipeline_mode<synchronous>, transform_indices = @transform_2, window_bounds = array<i64: 256, 1>}, {transform_indices = @transform_3, window_bounds = array<i64: 2000, 256>}, {transform_indices = @transform_4, window_bounds = array<i64: 2000, 1>}]} {
    %get3A = arith.constant 0 : index
    %get3A_0 = arith.constant 0 : index
    %get3A_1 = vector.load %arg1[%get3A, %get3A_0] : memref<2000x256xf32, #tpu.memory_space<vmem>>, vector<2000x256xf32>
    %get3A_2 = arith.constant 0 : index
    %get3A_3 = arith.constant 0 : index
    %get3A_4 = vector.load %arg2[%get3A_2, %get3A_3] : memref<2000x256xf32, #tpu.memory_space<vmem>>, vector<2000x256xf32>
    %add3A = arith.addf %get3A_1, %get3A_4 : vector<2000x256xf32>
    %jit3A = arith.constant 0.00999999977 : f32
    %ge3A = arith.constant 0.000000e+00 : f32
    %ge3A_5 = vector.broadcast %ge3A : f32 to vector<2000x256xf32>
    %ge3A_6 = arith.cmpf oge, %add3A, %ge3A_5 : vector<2000x256xf32>
    %mul3A = vector.broadcast %jit3A : f32 to vector<2000x256xf32>
    %mul3A_7 = arith.mulf %mul3A, %add3A : vector<2000x256xf32>
    %select_n3A = arith.select %ge3A_6, %add3A, %mul3A_7 : vector<2000x256xi1>, vector<2000x256xf32>
    %swap3A = arith.constant 0 : index
    %swap3A_8 = arith.constant 0 : index
    %swap3A_9 = vector.load %arg4[%swap3A, %swap3A_8] : memref<2000x256xf32, #tpu.memory_space<vmem>>, vector<2000x256xf32>
    tpu.vector_store %arg4[%swap3A, %swap3A_8], %select_n3A {strides = array<i32>} : memref<2000x256xf32, #tpu.memory_space<vmem>>, vector<2000x256xf32>,
    %get3A_10 = arith.constant 0 : index
    %get3A_11 = arith.constant 0 : index
    %get3A_12 = vector.load %arg3[%get3A_10, %get3A_11] : memref<256x1xf32, #tpu.memory_space<vmem>>, vector<256x1xf32>
    %reshape3A = vector.shape_cast %get3A_12 : vector<256x1xf32> to vector<1x256xf32>
    %mul3A_13 = vector.broadcast %reshape3A : vector<1x256xf32> to vector<2000x256xf32>
    %mul3A_14 = arith.mulf %select_n3A, %mul3A_13 : vector<2000x256xf32>
    %reduce_sum3A = arith.constant dense<0.000000e+00> : vector<2000xf32>
    %reduce_sum3A_15 = vector.multi_reduction <add>, %mul3A_14, %reduce_sum3A [1] : vector<2000x256xf32> to vector<2000xf32>
    %broadcast_in_dim3A = vector.shape_cast %reduce_sum3A_15 : vector<2000xf32> to vector<2000x1xf32>
    %swap3A_16 = arith.constant 0 : index
    %swap3A_17 = arith.constant 0 : index
    %swap3A_18 = vector.load %arg5[%swap3A_16, %swap3A_17] : memref<2000x1xf32, #tpu.memory_space<vmem>>, vector<2000x1xf32>
    tpu.vector_store %arg5[%swap3A_16, %swap3A_17], %broadcast_in_dim3A {strides = array<i32>} : memref<2000x1xf32, #tpu.memory_space<vmem>>, vector<2000x1xf32>,
    return
  }
  func.func @transform_0(%arg0: i32) -> (i32, i32) {
    %c0_i32 = arith.constant 0 : i32
    %c0_i32_0 = arith.constant 0 : i32
    return %arg0, %c0_i32 : i32, i32
  }
  func.func @transform_1(%arg0: i32) -> (i32, i32) {
    %c0_i32 = arith.constant 0 : i32
    %c0_i32_0 = arith.constant 0 : i32
    return %arg0, %c0_i32 : i32, i32
  }
  func.func @transform_2(%arg0: i32) -> (i32, i32) {
    %c0_i32 = arith.constant 0 : i32
    %c0_i32_0 = arith.constant 0 : i32
    %c0_i32_1 = arith.constant 0 : i32
    return %c0_i32, %c0_i32_0 : i32, i32
  }
  func.func @transform_3(%arg0: i32) -> (i32, i32) {
    %c0_i32 = arith.constant 0 : i32
    %c0_i32_0 = arith.constant 0 : i32
    return %arg0, %c0_i32 : i32, i32
  }
  func.func @transform_4(%arg0: i32) -> (i32, i32) {
    %c0_i32 = arith.constant 0 : i32
    %c0_i32_0 = arith.constant 0 : i32
    return %arg0, %c0_i32 : i32, i32
  }
}

module attributes {stable_mosaic.version = 14 : i64} {
  func.func @_tc_recip_body(%arg0: memref<32x10000xf32, #tpu.memory_space<vmem>>, %arg1: memref<1x10000xf32, #tpu.memory_space<vmem>>, %arg2: memref<1x10000xf32, #tpu.memory_space<vmem>>) attributes {dimension_semantics = [], scalar_prefetch = 0 : i64, scratch_operands = 0 : i64, tpu.core_type = #tpu.core_type<tc>} {
    %get3A = arith.constant 0 : index
    %get3A_0 = arith.constant 0 : index
    %get3A_1 = vector.load %arg0[%get3A, %get3A_0] : memref<32x10000xf32, #tpu.memory_space<vmem>>, vector<32x10000xf32>
    %reduce_sum3A = arith.constant dense<0.000000e+00> : vector<10000xf32>
    %reduce_sum3A_2 = vector.multi_reduction <add>, %get3A_1, %reduce_sum3A [0] : vector<32x10000xf32> to vector<10000xf32>
    %broadcast_in_dim3A = vector.shape_cast %reduce_sum3A_2 : vector<10000xf32> to vector<1x10000xf32>
    %add3A = arith.constant 1.000000e-16 : f32
    %add3A_3 = vector.broadcast %add3A : f32 to vector<1x10000xf32>
    %add3A_4 = arith.addf %broadcast_in_dim3A, %add3A_3 : vector<1x10000xf32>
    %div3A = arith.constant 1.000000e+00 : f32
    %div3A_5 = vector.broadcast %div3A : f32 to vector<1x10000xf32>
    %div3A_6 = arith.divf %div3A_5, %add3A_4 : vector<1x10000xf32>
    %swap3A = arith.constant 0 : index
    %swap3A_7 = arith.constant 0 : index
    %swap3A_8 = vector.load %arg1[%swap3A, %swap3A_7] : memref<1x10000xf32, #tpu.memory_space<vmem>>, vector<1x10000xf32>
    tpu.vector_store %arg1[%swap3A, %swap3A_7], %div3A_6 {strides = array<i32>} : memref<1x10000xf32, #tpu.memory_space<vmem>>, vector<1x10000xf32>,
    %mul3A = arith.mulf %broadcast_in_dim3A, %div3A_6 : vector<1x10000xf32>
    %swap3A_9 = arith.constant 0 : index
    %swap3A_10 = arith.constant 0 : index
    %swap3A_11 = vector.load %arg2[%swap3A_9, %swap3A_10] : memref<1x10000xf32, #tpu.memory_space<vmem>>, vector<1x10000xf32>
    tpu.vector_store %arg2[%swap3A_9, %swap3A_10], %mul3A {strides = array<i32>} : memref<1x10000xf32, #tpu.memory_space<vmem>>, vector<1x10000xf32>,
    return
  }
}

module attributes {stable_mosaic.version = 14 : i64} {
  func.func @_tc_scale_body(%arg0: i32, %arg1: memref<2000x256xf32, #tpu.memory_space<vmem>>, %arg2: memref<2000x1xf32, #tpu.memory_space<vmem>>, %arg3: memref<2000x256xf32, #tpu.memory_space<vmem>>) attributes {dimension_semantics = [#tpu.dimension_semantics<arbitrary>], iteration_bounds = array<i64: 160>, scalar_prefetch = 0 : i64, scratch_operands = 0 : i64, tpu.core_type = #tpu.core_type<tc>, window_params = [{transform_indices = @transform_0, window_bounds = array<i64: 2000, 256>}, {transform_indices = @transform_1, window_bounds = array<i64: 2000, 1>}, {transform_indices = @transform_2, window_bounds = array<i64: 2000, 256>}]} {
    %get3A = arith.constant 0 : index
    %get3A_0 = arith.constant 0 : index
    %get3A_1 = vector.load %arg1[%get3A, %get3A_0] : memref<2000x256xf32, #tpu.memory_space<vmem>>, vector<2000x256xf32>
    %get3A_2 = arith.constant 0 : index
    %get3A_3 = arith.constant 0 : index
    %get3A_4 = vector.load %arg2[%get3A_2, %get3A_3] : memref<2000x1xf32, #tpu.memory_space<vmem>>, vector<2000x1xf32>
    %mul3A = vector.broadcast %get3A_4 : vector<2000x1xf32> to vector<2000x256xf32>
    %mul3A_5 = arith.mulf %get3A_1, %mul3A : vector<2000x256xf32>
    %swap3A = arith.constant 0 : index
    %swap3A_6 = arith.constant 0 : index
    %swap3A_7 = vector.load %arg3[%swap3A, %swap3A_6] : memref<2000x256xf32, #tpu.memory_space<vmem>>, vector<2000x256xf32>
    tpu.vector_store %arg3[%swap3A, %swap3A_6], %mul3A_5 {strides = array<i32>} : memref<2000x256xf32, #tpu.memory_space<vmem>>, vector<2000x256xf32>,
    return
  }
  func.func @transform_0(%arg0: i32) -> (i32, i32) {
    %c0_i32 = arith.constant 0 : i32
    %c0_i32_0 = arith.constant 0 : i32
    return %arg0, %c0_i32 : i32, i32
  }
  func.func @transform_1(%arg0: i32) -> (i32, i32) {
    %c0_i32 = arith.constant 0 : i32
    %c0_i32_0 = arith.constant 0 : i32
    return %arg0, %c0_i32 : i32, i32
  }
  func.func @transform_2(%arg0: i32) -> (i32, i32) {
    %c0_i32 = arith.constant 0 : i32
    %c0_i32_0 = arith.constant 0 : i32
    return %arg0, %c0_i32 : i32, i32
  }
}

module attributes {stable_mosaic.version = 14 : i64} {
  func.func @_tc_mid_body(%arg0: i32, %arg1: memref<2x1000x64xf32, #tpu.memory_space<vmem>>, %arg2: memref<2x1000x64xf32, #tpu.memory_space<vmem>>, %arg3: memref<2x1000x64xf32, #tpu.memory_space<vmem>>, %arg4: memref<2x1000x64xf32, #tpu.memory_space<vmem>>, %arg5: memref<1000x1xf32, #tpu.memory_space<vmem>>, %arg6: memref<1000x256xf32, #tpu.memory_space<vmem>>, %arg7: memref<256x256xf32, #tpu.memory_space<vmem>>, %arg8: memref<1x256xf32, #tpu.memory_space<vmem>>, %arg9: memref<256x256xf32, #tpu.memory_space<vmem>>, %arg10: memref<256x256xf32, #tpu.memory_space<vmem>>, %arg11: memref<256x256xf32, #tpu.memory_space<vmem>>, %arg12: memref<1x256xf32, #tpu.memory_space<vmem>>, %arg13: memref<1x256xf32, #tpu.memory_space<vmem>>, %arg14: memref<1x256xf32, #tpu.memory_space<vmem>>, %arg15: memref<256x256xf32, #tpu.memory_space<vmem>>, %arg16: memref<256x256xf32, #tpu.memory_space<vmem>>, %arg17: memref<256x256xf32, #tpu.memory_space<vmem>>, %arg18: memref<1x256xf32, #tpu.memory_space<vmem>>, %arg19: memref<1x256xf32, #tpu.memory_space<vmem>>, %arg20: memref<1x256xf32, #tpu.memory_space<vmem>>, %arg21: memref<256x1xf32, #tpu.memory_space<vmem>>, %arg22: memref<1x1xf32, #tpu.memory_space<vmem>>, %arg23: memref<256x1xf32, #tpu.memory_space<vmem>>, %arg24: memref<256x64xf32, #tpu.memory_space<vmem>>, %arg25: memref<256x64xf32, #tpu.memory_space<vmem>>, %arg26: memref<256x64xf32, #tpu.memory_space<vmem>>, %arg27: memref<256x64xf32, #tpu.memory_space<vmem>>, %arg28: memref<1x256xf32, #tpu.memory_space<vmem>>, %arg29: memref<1000x256xf32, #tpu.memory_space<vmem>>, %arg30: memref<1000x1xf32, #tpu.memory_space<vmem>>, %arg31: memref<1000x1xf32, #tpu.memory_space<vmem>>, %arg32: memref<1000x64xf32, #tpu.memory_space<vmem>>, %arg33: memref<1000x64xf32, #tpu.memory_space<vmem>>, %arg34: memref<1000x64xf32, #tpu.memory_space<vmem>>, %arg35: memref<1000x64xf32, #tpu.memory_space<vmem>>) attributes {dimension_semantics = [#tpu.dimension_semantics<arbitrary>], iteration_bounds = array<i64: 10>, scalar_prefetch = 0 : i64, scratch_operands = 0 : i64, tpu.core_type = #tpu.core_type<tc>, window_params = [{transform_indices = @transform_0, window_bounds = array<i64: 2, 1000, 64>}, {transform_indices = @transform_1, window_bounds = array<i64: 2, 1000, 64>}, {transform_indices = @transform_2, window_bounds = array<i64: 2, 1000, 64>}, {transform_indices = @transform_3, window_bounds = array<i64: 2, 1000, 64>}, {transform_indices = @transform_4, window_bounds = array<i64: 1000, 1>}, {transform_indices = @transform_5, window_bounds = array<i64: 1000, 256>}, {pipeline_mode = #tpu.pipeline_mode<synchronous>, transform_indices = @transform_6, window_bounds = array<i64: 256, 256>}, {pipeline_mode = #tpu.pipeline_mode<synchronous>, transform_indices = @transform_7, window_bounds = array<i64: 1, 256>}, {pipeline_mode = #tpu.pipeline_mode<synchronous>, transform_indices = @transform_8, window_bounds = array<i64: 256, 256>}, {pipeline_mode = #tpu.pipeline_mode<synchronous>, transform_indices = @transform_9, window_bounds = array<i64: 256, 256>}, {pipeline_mode = #tpu.pipeline_mode<synchronous>, transform_indices = @transform_10, window_bounds = array<i64: 256, 256>}, {pipeline_mode = #tpu.pipeline_mode<synchronous>, transform_indices = @transform_11, window_bounds = array<i64: 1, 256>}, {pipeline_mode = #tpu.pipeline_mode<synchronous>, transform_indices = @transform_12, window_bounds = array<i64: 1, 256>}, {pipeline_mode = #tpu.pipeline_mode<synchronous>, transform_indices = @transform_13, window_bounds = array<i64: 1, 256>}, {pipeline_mode = #tpu.pipeline_mode<synchronous>, transform_indices = @transform_14, window_bounds = array<i64: 256, 256>}, {pipeline_mode = #tpu.pipeline_mode<synchronous>, transform_indices = @transform_15, window_bounds = array<i64: 256, 256>}, {pipeline_mode = #tpu.pipeline_mode<synchronous>, transform_indices = @transform_16, window_bounds = array<i64: 256, 256>}, {pipeline_mode = #tpu.pipeline_mode<synchronous>, transform_indices = @transform_17, window_bounds = array<i64: 1, 256>}, {pipeline_mode = #tpu.pipeline_mode<synchronous>, transform_indices = @transform_18, window_bounds = array<i64: 1, 256>}, {pipeline_mode = #tpu.pipeline_mode<synchronous>, transform_indices = @transform_19, window_bounds = array<i64: 1, 256>}, {pipeline_mode = #tpu.pipeline_mode<synchronous>, transform_indices = @transform_20, window_bounds = array<i64: 256, 1>}, {pipeline_mode = #tpu.pipeline_mode<synchronous>, transform_indices = @transform_21, window_bounds = array<i64: 1, 1>}, {pipeline_mode = #tpu.pipeline_mode<synchronous>, transform_indices = @transform_22, window_bounds = array<i64: 256, 1>}, {pipeline_mode = #tpu.pipeline_mode<synchronous>, transform_indices = @transform_23, window_bounds = array<i64: 256, 64>}, {pipeline_mode = #tpu.pipeline_mode<synchronous>, transform_indices = @transform_24, window_bounds = array<i64: 256, 64>}, {pipeline_mode = #tpu.pipeline_mode<synchronous>, transform_indices = @transform_25, window_bounds = array<i64: 256, 64>}, {pipeline_mode = #tpu.pipeline_mode<synchronous>, transform_indices = @transform_26, window_bounds = array<i64: 256, 64>}, {pipeline_mode = #tpu.pipeline_mode<synchronous>, transform_indices = @transform_27, window_bounds = array<i64: 1, 256>}, {transform_indices = @transform_28, window_bounds = array<i64: 1000, 256>}, {transform_indices = @transform_29, window_bounds = array<i64: 1000, 1>}, {transform_indices = @transform_30, window_bounds = array<i64: 1000, 1>}, {transform_indices = @transform_31, window_bounds = array<i64: 1000, 64>}, {transform_indices = @transform_32, window_bounds = array<i64: 1000, 64>}, {transform_indices = @transform_33, window_bounds = array<i64: 1000, 64>}, {transform_indices = @transform_34, window_bounds = array<i64: 1000, 64>}]} {
    %get3A = arith.constant 0 : index
    %get3A_0 = arith.constant 0 : index
    %get3A_1 = vector.load %arg7[%get3A, %get3A_0] : memref<256x256xf32, #tpu.memory_space<vmem>>, vector<256x256xf32>
    %get3A_2 = arith.constant 0 : index
    %get3A_3 = arith.constant 0 : index
    %get3A_4 = vector.load %arg8[%get3A_2, %get3A_3] : memref<1x256xf32, #tpu.memory_space<vmem>>, vector<1x256xf32>
    %get3A_5 = arith.constant 0 : index
    %get3A_6 = arith.constant 0 : index
    %get3A_7 = vector.load %arg5[%get3A_5, %get3A_6] : memref<1000x1xf32, #tpu.memory_space<vmem>>, vector<1000x1xf32>
    %mul3A = vector.broadcast %get3A_4 : vector<1x256xf32> to vector<1000x256xf32>
    %mul3A_8 = vector.broadcast %get3A_7 : vector<1000x1xf32> to vector<1000x256xf32>
    %mul3A_9 = arith.mulf %mul3A, %mul3A_8 : vector<1000x256xf32>
    %get3A_10 = arith.constant 0 : index
    %get3A_11 = arith.constant 0 : index
    %get3A_12 = arith.constant 0 : index
    %get3A_13 = vector.load %arg1[%get3A_10, %get3A_11, %get3A_12] : memref<2x1000x64xf32, #tpu.memory_space<vmem>>, vector<2x1000x64xf32>
    %slice3A = vector.extract_strided_slice %get3A_13 {offsets = [0, 0, 0], sizes = [1, 1000, 64], strides = [1, 1, 1]} : vector<2x1000x64xf32> to vector<1x1000x64xf32>
    %squeeze3A = vector.shape_cast %slice3A : vector<1x1000x64xf32> to vector<1000x64xf32>
    %slice3A_14 = vector.extract_strided_slice %get3A_13 {offsets = [1, 0, 0], sizes = [1, 1000, 64], strides = [1, 1, 1]} : vector<2x1000x64xf32> to vector<1x1000x64xf32>
    %squeeze3A_15 = vector.shape_cast %slice3A_14 : vector<1x1000x64xf32> to vector<1000x64xf32>
    %add3A = arith.addf %squeeze3A, %squeeze3A_15 : vector<1000x64xf32>
    %slice3A_16 = vector.extract_strided_slice %get3A_1 {offsets = [0, 0], sizes = [64, 256], strides = [1, 1]} : vector<256x256xf32> to vector<64x256xf32>
    %dot_general3A = arith.constant dense<0.000000e+00> : vector<1000x256xf32>
    %dot_general3A_17 = tpu.matmul %add3A, %slice3A_16, %dot_general3A {dimension_numbers = #tpu.dot_dimension_numbers<[1], [0], [0], [1], [0, 0, 1, 1], [], []>, precision = #tpu.contract_precision<fp32>, transpose_lhs_hint = false} : vector<1000x64xf32>, vector<64x256xf32>, vector<1000x256xf32> -> vector<1000x256xf32>
    %add3A_18 = arith.addf %mul3A_9, %dot_general3A_17 : vector<1000x256xf32>
    %get3A_19 = arith.constant 0 : index
    %get3A_20 = arith.constant 0 : index
    %get3A_21 = arith.constant 0 : index
    %get3A_22 = vector.load %arg2[%get3A_19, %get3A_20, %get3A_21] : memref<2x1000x64xf32, #tpu.memory_space<vmem>>, vector<2x1000x64xf32>
    %slice3A_23 = vector.extract_strided_slice %get3A_22 {offsets = [0, 0, 0], sizes = [1, 1000, 64], strides = [1, 1, 1]} : vector<2x1000x64xf32> to vector<1x1000x64xf32>
    %squeeze3A_24 = vector.shape_cast %slice3A_23 : vector<1x1000x64xf32> to vector<1000x64xf32>
    %slice3A_25 = vector.extract_strided_slice %get3A_22 {offsets = [1, 0, 0], sizes = [1, 1000, 64], strides = [1, 1, 1]} : vector<2x1000x64xf32> to vector<1x1000x64xf32>
    %squeeze3A_26 = vector.shape_cast %slice3A_25 : vector<1x1000x64xf32> to vector<1000x64xf32>
    %add3A_27 = arith.addf %squeeze3A_24, %squeeze3A_26 : vector<1000x64xf32>
    %slice3A_28 = vector.extract_strided_slice %get3A_1 {offsets = [64, 0], sizes = [64, 256], strides = [1, 1]} : vector<256x256xf32> to vector<64x256xf32>
    %dot_general3A_29 = arith.constant dense<0.000000e+00> : vector<1000x256xf32>
    %dot_general3A_30 = tpu.matmul %add3A_27, %slice3A_28, %dot_general3A_29 {dimension_numbers = #tpu.dot_dimension_numbers<[1], [0], [0], [1], [0, 0, 1, 1], [], []>, precision = #tpu.contract_precision<fp32>, transpose_lhs_hint = false} : vector<1000x64xf32>, vector<64x256xf32>, vector<1000x256xf32> -> vector<1000x256xf32>
    %add3A_31 = arith.addf %add3A_18, %dot_general3A_30 : vector<1000x256xf32>
    %get3A_32 = arith.constant 0 : index
    %get3A_33 = arith.constant 0 : index
    %get3A_34 = arith.constant 0 : index
    %get3A_35 = vector.load %arg3[%get3A_32, %get3A_33, %get3A_34] : memref<2x1000x64xf32, #tpu.memory_space<vmem>>, vector<2x1000x64xf32>
    %slice3A_36 = vector.extract_strided_slice %get3A_35 {offsets = [0, 0, 0], sizes = [1, 1000, 64], strides = [1, 1, 1]} : vector<2x1000x64xf32> to vector<1x1000x64xf32>
    %squeeze3A_37 = vector.shape_cast %slice3A_36 : vector<1x1000x64xf32> to vector<1000x64xf32>
    %slice3A_38 = vector.extract_strided_slice %get3A_35 {offsets = [1, 0, 0], sizes = [1, 1000, 64], strides = [1, 1, 1]} : vector<2x1000x64xf32> to vector<1x1000x64xf32>
    %squeeze3A_39 = vector.shape_cast %slice3A_38 : vector<1x1000x64xf32> to vector<1000x64xf32>
    %add3A_40 = arith.addf %squeeze3A_37, %squeeze3A_39 : vector<1000x64xf32>
    %slice3A_41 = vector.extract_strided_slice %get3A_1 {offsets = [128, 0], sizes = [64, 256], strides = [1, 1]} : vector<256x256xf32> to vector<64x256xf32>
    %dot_general3A_42 = arith.constant dense<0.000000e+00> : vector<1000x256xf32>
    %dot_general3A_43 = tpu.matmul %add3A_40, %slice3A_41, %dot_general3A_42 {dimension_numbers = #tpu.dot_dimension_numbers<[1], [0], [0], [1], [0, 0, 1, 1], [], []>, precision = #tpu.contract_precision<fp32>, transpose_lhs_hint = false} : vector<1000x64xf32>, vector<64x256xf32>, vector<1000x256xf32> -> vector<1000x256xf32>
    %add3A_44 = arith.addf %add3A_31, %dot_general3A_43 : vector<1000x256xf32>
    %get3A_45 = arith.constant 0 : index
    %get3A_46 = arith.constant 0 : index
    %get3A_47 = arith.constant 0 : index
    %get3A_48 = vector.load %arg4[%get3A_45, %get3A_46, %get3A_47] : memref<2x1000x64xf32, #tpu.memory_space<vmem>>, vector<2x1000x64xf32>
    %slice3A_49 = vector.extract_strided_slice %get3A_48 {offsets = [0, 0, 0], sizes = [1, 1000, 64], strides = [1, 1, 1]} : vector<2x1000x64xf32> to vector<1x1000x64xf32>
    %squeeze3A_50 = vector.shape_cast %slice3A_49 : vector<1x1000x64xf32> to vector<1000x64xf32>
    %slice3A_51 = vector.extract_strided_slice %get3A_48 {offsets = [1, 0, 0], sizes = [1, 1000, 64], strides = [1, 1, 1]} : vector<2x1000x64xf32> to vector<1x1000x64xf32>
    %squeeze3A_52 = vector.shape_cast %slice3A_51 : vector<1x1000x64xf32> to vector<1000x64xf32>
    %add3A_53 = arith.addf %squeeze3A_50, %squeeze3A_52 : vector<1000x64xf32>
    %slice3A_54 = vector.extract_strided_slice %get3A_1 {offsets = [192, 0], sizes = [64, 256], strides = [1, 1]} : vector<256x256xf32> to vector<64x256xf32>
    %dot_general3A_55 = arith.constant dense<0.000000e+00> : vector<1000x256xf32>
    %dot_general3A_56 = tpu.matmul %add3A_53, %slice3A_54, %dot_general3A_55 {dimension_numbers = #tpu.dot_dimension_numbers<[1], [0], [0], [1], [0, 0, 1, 1], [], []>, precision = #tpu.contract_precision<fp32>, transpose_lhs_hint = false} : vector<1000x64xf32>, vector<64x256xf32>, vector<1000x256xf32> -> vector<1000x256xf32>
    %add3A_57 = arith.addf %add3A_44, %dot_general3A_56 : vector<1000x256xf32>
    %gt3A = arith.constant 0.000000e+00 : f32
    %gt3A_58 = vector.broadcast %gt3A : f32 to vector<1000x256xf32>
    %gt3A_59 = arith.cmpf ogt, %add3A_57, %gt3A_58 : vector<1000x256xf32>
    %exp3A = math.exp %add3A_57 : vector<1000x256xf32>
    %sub3A = arith.constant 1.000000e+00 : f32
    %sub3A_60 = vector.broadcast %sub3A : f32 to vector<1000x256xf32>
    %sub3A_61 = arith.subf %exp3A, %sub3A_60 : vector<1000x256xf32>
    %select_n3A = arith.select %gt3A_59, %add3A_57, %sub3A_61 : vector<1000x256xi1>, vector<1000x256xf32>
    %get3A_62 = arith.constant 0 : index
    %get3A_63 = arith.constant 0 : index
    %get3A_64 = vector.load %arg6[%get3A_62, %get3A_63] : memref<1000x256xf32, #tpu.memory_space<vmem>>, vector<1000x256xf32>
    %get3A_65 = arith.constant 0 : index
    %get3A_66 = arith.constant 0 : index
    %get3A_67 = vector.load %arg9[%get3A_65, %get3A_66] : memref<256x256xf32, #tpu.memory_space<vmem>>, vector<256x256xf32>
    %dot_general3A_68 = arith.constant dense<0.000000e+00> : vector<1000x256xf32>
    %dot_general3A_69 = tpu.matmul %select_n3A, %get3A_67, %dot_general3A_68 {dimension_numbers = #tpu.dot_dimension_numbers<[1], [0], [0], [1], [0, 0, 1, 1], [], []>, precision = #tpu.contract_precision<fp32>, transpose_lhs_hint = false} : vector<1000x256xf32>, vector<256x256xf32>, vector<1000x256xf32> -> vector<1000x256xf32>
    %get3A_70 = arith.constant 0 : index
    %get3A_71 = arith.constant 0 : index
    %get3A_72 = vector.load %arg12[%get3A_70, %get3A_71] : memref<1x256xf32, #tpu.memory_space<vmem>>, vector<1x256xf32>
    %add3A_73 = vector.broadcast %get3A_72 : vector<1x256xf32> to vector<1000x256xf32>
    %add3A_74 = arith.addf %dot_general3A_69, %add3A_73 : vector<1000x256xf32>
    %get3A_75 = arith.constant 0 : index
    %get3A_76 = arith.constant 0 : index
    %get3A_77 = vector.load %arg15[%get3A_75, %get3A_76] : memref<256x256xf32, #tpu.memory_space<vmem>>, vector<256x256xf32>
    %dot_general3A_78 = arith.constant dense<0.000000e+00> : vector<1000x256xf32>
    %dot_general3A_79 = tpu.matmul %get3A_64, %get3A_77, %dot_general3A_78 {dimension_numbers = #tpu.dot_dimension_numbers<[1], [0], [0], [1], [0, 0, 1, 1], [], []>, precision = #tpu.contract_precision<fp32>, transpose_lhs_hint = false} : vector<1000x256xf32>, vector<256x256xf32>, vector<1000x256xf32> -> vector<1000x256xf32>
    %add3A_80 = arith.addf %add3A_74, %dot_general3A_79 : vector<1000x256xf32>
    %get3A_81 = arith.constant 0 : index
    %get3A_82 = arith.constant 0 : index
    %get3A_83 = vector.load %arg18[%get3A_81, %get3A_82] : memref<1x256xf32, #tpu.memory_space<vmem>>, vector<1x256xf32>
    %add3A_84 = vector.broadcast %get3A_83 : vector<1x256xf32> to vector<1000x256xf32>
    %add3A_85 = arith.addf %add3A_80, %add3A_84 : vector<1000x256xf32>
    %logistic3A = arith.negf %add3A_85 : vector<1000x256xf32>
    %logistic3A_86 = math.exp %logistic3A : vector<1000x256xf32>
    %logistic3A_87 = arith.constant 1.000000e+00 : f32
    %logistic3A_88 = vector.broadcast %logistic3A_87 : f32 to vector<1000x256xf32>
    %logistic3A_89 = arith.addf %logistic3A_88, %logistic3A_86 : vector<1000x256xf32>
    %logistic3A_90 = arith.divf %logistic3A_88, %logistic3A_89 : vector<1000x256xf32>
    %get3A_91 = arith.constant 0 : index
    %get3A_92 = arith.constant 0 : index
    %get3A_93 = vector.load %arg10[%get3A_91, %get3A_92] : memref<256x256xf32, #tpu.memory_space<vmem>>, vector<256x256xf32>
    %dot_general3A_94 = arith.constant dense<0.000000e+00> : vector<1000x256xf32>
    %dot_general3A_95 = tpu.matmul %select_n3A, %get3A_93, %dot_general3A_94 {dimension_numbers = #tpu.dot_dimension_numbers<[1], [0], [0], [1], [0, 0, 1, 1], [], []>, precision = #tpu.contract_precision<fp32>, transpose_lhs_hint = false} : vector<1000x256xf32>, vector<256x256xf32>, vector<1000x256xf32> -> vector<1000x256xf32>
    %get3A_96 = arith.constant 0 : index
    %get3A_97 = arith.constant 0 : index
    %get3A_98 = vector.load %arg13[%get3A_96, %get3A_97] : memref<1x256xf32, #tpu.memory_space<vmem>>, vector<1x256xf32>
    %add3A_99 = vector.broadcast %get3A_98 : vector<1x256xf32> to vector<1000x256xf32>
    %add3A_100 = arith.addf %dot_general3A_95, %add3A_99 : vector<1000x256xf32>
    %get3A_101 = arith.constant 0 : index
    %get3A_102 = arith.constant 0 : index
    %get3A_103 = vector.load %arg16[%get3A_101, %get3A_102] : memref<256x256xf32, #tpu.memory_space<vmem>>, vector<256x256xf32>
    %dot_general3A_104 = arith.constant dense<0.000000e+00> : vector<1000x256xf32>
    %dot_general3A_105 = tpu.matmul %get3A_64, %get3A_103, %dot_general3A_104 {dimension_numbers = #tpu.dot_dimension_numbers<[1], [0], [0], [1], [0, 0, 1, 1], [], []>, precision = #tpu.contract_precision<fp32>, transpose_lhs_hint = false} : vector<1000x256xf32>, vector<256x256xf32>, vector<1000x256xf32> -> vector<1000x256xf32>
    %add3A_106 = arith.addf %add3A_100, %dot_general3A_105 : vector<1000x256xf32>
    %get3A_107 = arith.constant 0 : index
    %get3A_108 = arith.constant 0 : index
    %get3A_109 = vector.load %arg19[%get3A_107, %get3A_108] : memref<1x256xf32, #tpu.memory_space<vmem>>, vector<1x256xf32>
    %add3A_110 = vector.broadcast %get3A_109 : vector<1x256xf32> to vector<1000x256xf32>
    %add3A_111 = arith.addf %add3A_106, %add3A_110 : vector<1000x256xf32>
    %logistic3A_112 = arith.negf %add3A_111 : vector<1000x256xf32>
    %logistic3A_113 = math.exp %logistic3A_112 : vector<1000x256xf32>
    %logistic3A_114 = arith.constant 1.000000e+00 : f32
    %logistic3A_115 = vector.broadcast %logistic3A_114 : f32 to vector<1000x256xf32>
    %logistic3A_116 = arith.addf %logistic3A_115, %logistic3A_113 : vector<1000x256xf32>
    %logistic3A_117 = arith.divf %logistic3A_115, %logistic3A_116 : vector<1000x256xf32>
    %get3A_118 = arith.constant 0 : index
    %get3A_119 = arith.constant 0 : index
    %get3A_120 = vector.load %arg11[%get3A_118, %get3A_119] : memref<256x256xf32, #tpu.memory_space<vmem>>, vector<256x256xf32>
    %dot_general3A_121 = arith.constant dense<0.000000e+00> : vector<1000x256xf32>
    %dot_general3A_122 = tpu.matmul %select_n3A, %get3A_120, %dot_general3A_121 {dimension_numbers = #tpu.dot_dimension_numbers<[1], [0], [0], [1], [0, 0, 1, 1], [], []>, precision = #tpu.contract_precision<fp32>, transpose_lhs_hint = false} : vector<1000x256xf32>, vector<256x256xf32>, vector<1000x256xf32> -> vector<1000x256xf32>
    %get3A_123 = arith.constant 0 : index
    %get3A_124 = arith.constant 0 : index
    %get3A_125 = vector.load %arg14[%get3A_123, %get3A_124] : memref<1x256xf32, #tpu.memory_space<vmem>>, vector<1x256xf32>
    %add3A_126 = vector.broadcast %get3A_125 : vector<1x256xf32> to vector<1000x256xf32>
    %add3A_127 = arith.addf %dot_general3A_122, %add3A_126 : vector<1000x256xf32>
    %get3A_128 = arith.constant 0 : index
    %get3A_129 = arith.constant 0 : index
    %get3A_130 = vector.load %arg17[%get3A_128, %get3A_129] : memref<256x256xf32, #tpu.memory_space<vmem>>, vector<256x256xf32>
    %dot_general3A_131 = arith.constant dense<0.000000e+00> : vector<1000x256xf32>
    %dot_general3A_132 = tpu.matmul %get3A_64, %get3A_130, %dot_general3A_131 {dimension_numbers = #tpu.dot_dimension_numbers<[1], [0], [0], [1], [0, 0, 1, 1], [], []>, precision = #tpu.contract_precision<fp32>, transpose_lhs_hint = false} : vector<1000x256xf32>, vector<256x256xf32>, vector<1000x256xf32> -> vector<1000x256xf32>
    %get3A_133 = arith.constant 0 : index
    %get3A_134 = arith.constant 0 : index
    %get3A_135 = vector.load %arg20[%get3A_133, %get3A_134] : memref<1x256xf32, #tpu.memory_space<vmem>>, vector<1x256xf32>
    %add3A_136 = vector.broadcast %get3A_135 : vector<1x256xf32> to vector<1000x256xf32>
    %add3A_137 = arith.addf %dot_general3A_132, %add3A_136 : vector<1000x256xf32>
    %mul3A_138 = arith.mulf %logistic3A_90, %add3A_137 : vector<1000x256xf32>
    %add3A_139 = arith.addf %add3A_127, %mul3A_138 : vector<1000x256xf32>
    %tanh3A = math.tanh %add3A_139 : vector<1000x256xf32>
    %sub3A_140 = arith.constant 1.000000e+00 : f32
    %sub3A_141 = vector.broadcast %sub3A_140 : f32 to vector<1000x256xf32>
    %sub3A_142 = arith.subf %sub3A_141, %logistic3A_117 : vector<1000x256xf32>
    %mul3A_143 = arith.mulf %sub3A_142, %tanh3A : vector<1000x256xf32>
    %mul3A_144 = arith.mulf %logistic3A_117, %get3A_64 : vector<1000x256xf32>
    %add3A_145 = arith.addf %mul3A_143, %mul3A_144 : vector<1000x256xf32>
    %max3A = arith.constant 0.000000e+00 : f32
    %max3A_146 = vector.broadcast %max3A : f32 to vector<1000x256xf32>
    %max3A_147 = arith.maximumf %add3A_145, %max3A_146 : vector<1000x256xf32>
    %swap3A = arith.constant 0 : index
    %swap3A_148 = arith.constant 0 : index
    %swap3A_149 = vector.load %arg29[%swap3A, %swap3A_148] : memref<1000x256xf32, #tpu.memory_space<vmem>>, vector<1000x256xf32>
    tpu.vector_store %arg29[%swap3A, %swap3A_148], %max3A_147 {strides = array<i32>} : memref<1000x256xf32, #tpu.memory_space<vmem>>, vector<1000x256xf32>,
    %get3A_150 = arith.constant 0 : index
    %get3A_151 = arith.constant 0 : index
    %get3A_152 = vector.load %arg21[%get3A_150, %get3A_151] : memref<256x1xf32, #tpu.memory_space<vmem>>, vector<256x1xf32>
    %reshape3A = vector.shape_cast %get3A_152 : vector<256x1xf32> to vector<1x256xf32>
    %mul3A_153 = vector.broadcast %reshape3A : vector<1x256xf32> to vector<1000x256xf32>
    %mul3A_154 = arith.mulf %max3A_147, %mul3A_153 : vector<1000x256xf32>
    %reduce_sum3A = arith.constant dense<0.000000e+00> : vector<1000xf32>
    %reduce_sum3A_155 = vector.multi_reduction <add>, %mul3A_154, %reduce_sum3A [1] : vector<1000x256xf32> to vector<1000xf32>
    %broadcast_in_dim3A = vector.shape_cast %reduce_sum3A_155 : vector<1000xf32> to vector<1000x1xf32>
    %get3A_156 = arith.constant 0 : index
    %get3A_157 = arith.constant 0 : index
    %get3A_158 = vector.load %arg22[%get3A_156, %get3A_157] : memref<1x1xf32, #tpu.memory_space<vmem>>, vector<1x1xf32>
    %add3A_159 = vector.broadcast %get3A_158 : vector<1x1xf32> to vector<1000x1xf32>
    %add3A_160 = arith.addf %broadcast_in_dim3A, %add3A_159 : vector<1000x1xf32>
    %swap3A_161 = arith.constant 0 : index
    %swap3A_162 = arith.constant 0 : index
    %swap3A_163 = vector.load %arg30[%swap3A_161, %swap3A_162] : memref<1000x1xf32, #tpu.memory_space<vmem>>, vector<1000x1xf32>
    tpu.vector_store %arg30[%swap3A_161, %swap3A_162], %add3A_160 {strides = array<i32>} : memref<1000x1xf32, #tpu.memory_space<vmem>>, vector<1000x1xf32>,
    %get3A_164 = arith.constant 0 : index
    %get3A_165 = arith.constant 0 : index
    %get3A_166 = vector.load %arg23[%get3A_164, %get3A_165] : memref<256x1xf32, #tpu.memory_space<vmem>>, vector<256x1xf32>
    %reshape3A_167 = vector.shape_cast %get3A_166 : vector<256x1xf32> to vector<1x256xf32>
    %mul3A_168 = vector.broadcast %reshape3A_167 : vector<1x256xf32> to vector<1000x256xf32>
    %mul3A_169 = arith.mulf %max3A_147, %mul3A_168 : vector<1000x256xf32>
    %reduce_sum3A_170 = arith.constant dense<0.000000e+00> : vector<1000xf32>
    %reduce_sum3A_171 = vector.multi_reduction <add>, %mul3A_169, %reduce_sum3A_170 [1] : vector<1000x256xf32> to vector<1000xf32>
    %broadcast_in_dim3A_172 = vector.shape_cast %reduce_sum3A_171 : vector<1000xf32> to vector<1000x1xf32>
    %swap3A_173 = arith.constant 0 : index
    %swap3A_174 = arith.constant 0 : index
    %swap3A_175 = vector.load %arg31[%swap3A_173, %swap3A_174] : memref<1000x1xf32, #tpu.memory_space<vmem>>, vector<1000x1xf32>
    tpu.vector_store %arg31[%swap3A_173, %swap3A_174], %broadcast_in_dim3A_172 {strides = array<i32>} : memref<1000x1xf32, #tpu.memory_space<vmem>>, vector<1000x1xf32>,
    %get3A_176 = arith.constant 0 : index
    %get3A_177 = arith.constant 0 : index
    %get3A_178 = vector.load %arg28[%get3A_176, %get3A_177] : memref<1x256xf32, #tpu.memory_space<vmem>>, vector<1x256xf32>
    %get3A_179 = arith.constant 0 : index
    %get3A_180 = arith.constant 0 : index
    %get3A_181 = vector.load %arg24[%get3A_179, %get3A_180] : memref<256x64xf32, #tpu.memory_space<vmem>>, vector<256x64xf32>
    %dot_general3A_182 = arith.constant dense<0.000000e+00> : vector<1000x64xf32>
    %dot_general3A_183 = tpu.matmul %max3A_147, %get3A_181, %dot_general3A_182 {dimension_numbers = #tpu.dot_dimension_numbers<[1], [0], [0], [1], [0, 0, 1, 1], [], []>, precision = #tpu.contract_precision<fp32>, transpose_lhs_hint = false} : vector<1000x256xf32>, vector<256x64xf32>, vector<1000x64xf32> -> vector<1000x64xf32>
    %slice3A_184 = vector.extract_strided_slice %get3A_178 {offsets = [0, 0], sizes = [1, 64], strides = [1, 1]} : vector<1x256xf32> to vector<1x64xf32>
    %add3A_185 = vector.broadcast %slice3A_184 : vector<1x64xf32> to vector<1000x64xf32>
    %add3A_186 = arith.addf %dot_general3A_183, %add3A_185 : vector<1000x64xf32>
    %swap3A_187 = arith.constant 0 : index
    %swap3A_188 = arith.constant 0 : index
    %swap3A_189 = vector.load %arg32[%swap3A_187, %swap3A_188] : memref<1000x64xf32, #tpu.memory_space<vmem>>, vector<1000x64xf32>
    tpu.vector_store %arg32[%swap3A_187, %swap3A_188], %add3A_186 {strides = array<i32>} : memref<1000x64xf32, #tpu.memory_space<vmem>>, vector<1000x64xf32>,
    %get3A_190 = arith.constant 0 : index
    %get3A_191 = arith.constant 0 : index
    %get3A_192 = vector.load %arg25[%get3A_190, %get3A_191] : memref<256x64xf32, #tpu.memory_space<vmem>>, vector<256x64xf32>
    %dot_general3A_193 = arith.constant dense<0.000000e+00> : vector<1000x64xf32>
    %dot_general3A_194 = tpu.matmul %max3A_147, %get3A_192, %dot_general3A_193 {dimension_numbers = #tpu.dot_dimension_numbers<[1], [0], [0], [1], [0, 0, 1, 1], [], []>, precision = #tpu.contract_precision<fp32>, transpose_lhs_hint = false} : vector<1000x256xf32>, vector<256x64xf32>, vector<1000x64xf32> -> vector<1000x64xf32>
    %slice3A_195 = vector.extract_strided_slice %get3A_178 {offsets = [0, 64], sizes = [1, 64], strides = [1, 1]} : vector<1x256xf32> to vector<1x64xf32>
    %add3A_196 = vector.broadcast %slice3A_195 : vector<1x64xf32> to vector<1000x64xf32>
    %add3A_197 = arith.addf %dot_general3A_194, %add3A_196 : vector<1000x64xf32>
    %swap3A_198 = arith.constant 0 : index
    %swap3A_199 = arith.constant 0 : index
    %swap3A_200 = vector.load %arg33[%swap3A_198, %swap3A_199] : memref<1000x64xf32, #tpu.memory_space<vmem>>, vector<1000x64xf32>
    tpu.vector_store %arg33[%swap3A_198, %swap3A_199], %add3A_197 {strides = array<i32>} : memref<1000x64xf32, #tpu.memory_space<vmem>>, vector<1000x64xf32>,
    %get3A_201 = arith.constant 0 : index
    %get3A_202 = arith.constant 0 : index
    %get3A_203 = vector.load %arg26[%get3A_201, %get3A_202] : memref<256x64xf32, #tpu.memory_space<vmem>>, vector<256x64xf32>
    %dot_general3A_204 = arith.constant dense<0.000000e+00> : vector<1000x64xf32>
    %dot_general3A_205 = tpu.matmul %max3A_147, %get3A_203, %dot_general3A_204 {dimension_numbers = #tpu.dot_dimension_numbers<[1], [0], [0], [1], [0, 0, 1, 1], [], []>, precision = #tpu.contract_precision<fp32>, transpose_lhs_hint = false} : vector<1000x256xf32>, vector<256x64xf32>, vector<1000x64xf32> -> vector<1000x64xf32>
    %slice3A_206 = vector.extract_strided_slice %get3A_178 {offsets = [0, 128], sizes = [1, 64], strides = [1, 1]} : vector<1x256xf32> to vector<1x64xf32>
    %add3A_207 = vector.broadcast %slice3A_206 : vector<1x64xf32> to vector<1000x64xf32>
    %add3A_208 = arith.addf %dot_general3A_205, %add3A_207 : vector<1000x64xf32>
    %swap3A_209 = arith.constant 0 : index
    %swap3A_210 = arith.constant 0 : index
    %swap3A_211 = vector.load %arg34[%swap3A_209, %swap3A_210] : memref<1000x64xf32, #tpu.memory_space<vmem>>, vector<1000x64xf32>
    tpu.vector_store %arg34[%swap3A_209, %swap3A_210], %add3A_208 {strides = array<i32>} : memref<1000x64xf32, #tpu.memory_space<vmem>>, vector<1000x64xf32>,
    %get3A_212 = arith.constant 0 : index
    %get3A_213 = arith.constant 0 : index
    %get3A_214 = vector.load %arg27[%get3A_212, %get3A_213] : memref<256x64xf32, #tpu.memory_space<vmem>>, vector<256x64xf32>
    %dot_general3A_215 = arith.constant dense<0.000000e+00> : vector<1000x64xf32>
    %dot_general3A_216 = tpu.matmul %max3A_147, %get3A_214, %dot_general3A_215 {dimension_numbers = #tpu.dot_dimension_numbers<[1], [0], [0], [1], [0, 0, 1, 1], [], []>, precision = #tpu.contract_precision<fp32>, transpose_lhs_hint = false} : vector<1000x256xf32>, vector<256x64xf32>, vector<1000x64xf32> -> vector<1000x64xf32>
    %slice3A_217 = vector.extract_strided_slice %get3A_178 {offsets = [0, 192], sizes = [1, 64], strides = [1, 1]} : vector<1x256xf32> to vector<1x64xf32>
    %add3A_218 = vector.broadcast %slice3A_217 : vector<1x64xf32> to vector<1000x64xf32>
    %add3A_219 = arith.addf %dot_general3A_216, %add3A_218 : vector<1000x64xf32>
    %swap3A_220 = arith.constant 0 : index
    %swap3A_221 = arith.constant 0 : index
    %swap3A_222 = vector.load %arg35[%swap3A_220, %swap3A_221] : memref<1000x64xf32, #tpu.memory_space<vmem>>, vector<1000x64xf32>
    tpu.vector_store %arg35[%swap3A_220, %swap3A_221], %add3A_219 {strides = array<i32>} : memref<1000x64xf32, #tpu.memory_space<vmem>>, vector<1000x64xf32>,
    return
  }
  func.func @transform_0(%arg0: i32) -> (i32, i32, i32) {
    %c0_i32 = arith.constant 0 : i32
    %c0_i32_0 = arith.constant 0 : i32
    %c0_i32_1 = arith.constant 0 : i32
    return %c0_i32, %arg0, %c0_i32_0 : i32, i32, i32
  }
  func.func @transform_1(%arg0: i32) -> (i32, i32, i32) {
    %c0_i32 = arith.constant 0 : i32
    %c0_i32_0 = arith.constant 0 : i32
    %c0_i32_1 = arith.constant 0 : i32
    return %c0_i32, %arg0, %c0_i32_0 : i32, i32, i32
  }
  func.func @transform_2(%arg0: i32) -> (i32, i32, i32) {
    %c0_i32 = arith.constant 0 : i32
    %c0_i32_0 = arith.constant 0 : i32
    %c0_i32_1 = arith.constant 0 : i32
    return %c0_i32, %arg0, %c0_i32_0 : i32, i32, i32
  }
  func.func @transform_3(%arg0: i32) -> (i32, i32, i32) {
    %c0_i32 = arith.constant 0 : i32
    %c0_i32_0 = arith.constant 0 : i32
    %c0_i32_1 = arith.constant 0 : i32
    return %c0_i32, %arg0, %c0_i32_0 : i32, i32, i32
  }
  func.func @transform_4(%arg0: i32) -> (i32, i32) {
    %c0_i32 = arith.constant 0 : i32
    %c0_i32_0 = arith.constant 0 : i32
    return %arg0, %c0_i32 : i32, i32
  }
  func.func @transform_5(%arg0: i32) -> (i32, i32) {
    %c0_i32 = arith.constant 0 : i32
    %c0_i32_0 = arith.constant 0 : i32
    return %arg0, %c0_i32 : i32, i32
  }
  func.func @transform_6(%arg0: i32) -> (i32, i32) {
    %c0_i32 = arith.constant 0 : i32
    %c0_i32_0 = arith.constant 0 : i32
    %c0_i32_1 = arith.constant 0 : i32
    return %c0_i32, %c0_i32_0 : i32, i32
  }
  func.func @transform_7(%arg0: i32) -> (i32, i32) {
    %c0_i32 = arith.constant 0 : i32
    %c0_i32_0 = arith.constant 0 : i32
    %c0_i32_1 = arith.constant 0 : i32
    return %c0_i32, %c0_i32_0 : i32, i32
  }
  func.func @transform_8(%arg0: i32) -> (i32, i32) {
    %c0_i32 = arith.constant 0 : i32
    %c0_i32_0 = arith.constant 0 : i32
    %c0_i32_1 = arith.constant 0 : i32
    return %c0_i32, %c0_i32_0 : i32, i32
  }
  func.func @transform_9(%arg0: i32) -> (i32, i32) {
    %c0_i32 = arith.constant 0 : i32
    %c0_i32_0 = arith.constant 0 : i32
    %c0_i32_1 = arith.constant 0 : i32
    return %c0_i32, %c0_i32_0 : i32, i32
  }
  func.func @transform_10(%arg0: i32) -> (i32, i32) {
    %c0_i32 = arith.constant 0 : i32
    %c0_i32_0 = arith.constant 0 : i32
    %c0_i32_1 = arith.constant 0 : i32
    return %c0_i32, %c0_i32_0 : i32, i32
  }
  func.func @transform_11(%arg0: i32) -> (i32, i32) {
    %c0_i32 = arith.constant 0 : i32
    %c0_i32_0 = arith.constant 0 : i32
    %c0_i32_1 = arith.constant 0 : i32
    return %c0_i32, %c0_i32_0 : i32, i32
  }
  func.func @transform_12(%arg0: i32) -> (i32, i32) {
    %c0_i32 = arith.constant 0 : i32
    %c0_i32_0 = arith.constant 0 : i32
    %c0_i32_1 = arith.constant 0 : i32
    return %c0_i32, %c0_i32_0 : i32, i32
  }
  func.func @transform_13(%arg0: i32) -> (i32, i32) {
    %c0_i32 = arith.constant 0 : i32
    %c0_i32_0 = arith.constant 0 : i32
    %c0_i32_1 = arith.constant 0 : i32
    return %c0_i32, %c0_i32_0 : i32, i32
  }
  func.func @transform_14(%arg0: i32) -> (i32, i32) {
    %c0_i32 = arith.constant 0 : i32
    %c0_i32_0 = arith.constant 0 : i32
    %c0_i32_1 = arith.constant 0 : i32
    return %c0_i32, %c0_i32_0 : i32, i32
  }
  func.func @transform_15(%arg0: i32) -> (i32, i32) {
    %c0_i32 = arith.constant 0 : i32
    %c0_i32_0 = arith.constant 0 : i32
    %c0_i32_1 = arith.constant 0 : i32
    return %c0_i32, %c0_i32_0 : i32, i32
  }
  func.func @transform_16(%arg0: i32) -> (i32, i32) {
    %c0_i32 = arith.constant 0 : i32
    %c0_i32_0 = arith.constant 0 : i32
    %c0_i32_1 = arith.constant 0 : i32
    return %c0_i32, %c0_i32_0 : i32, i32
  }
  func.func @transform_17(%arg0: i32) -> (i32, i32) {
    %c0_i32 = arith.constant 0 : i32
    %c0_i32_0 = arith.constant 0 : i32
    %c0_i32_1 = arith.constant 0 : i32
    return %c0_i32, %c0_i32_0 : i32, i32
  }
  func.func @transform_18(%arg0: i32) -> (i32, i32) {
    %c0_i32 = arith.constant 0 : i32
    %c0_i32_0 = arith.constant 0 : i32
    %c0_i32_1 = arith.constant 0 : i32
    return %c0_i32, %c0_i32_0 : i32, i32
  }
  func.func @transform_19(%arg0: i32) -> (i32, i32) {
    %c0_i32 = arith.constant 0 : i32
    %c0_i32_0 = arith.constant 0 : i32
    %c0_i32_1 = arith.constant 0 : i32
    return %c0_i32, %c0_i32_0 : i32, i32
  }
  func.func @transform_20(%arg0: i32) -> (i32, i32) {
    %c0_i32 = arith.constant 0 : i32
    %c0_i32_0 = arith.constant 0 : i32
    %c0_i32_1 = arith.constant 0 : i32
    return %c0_i32, %c0_i32_0 : i32, i32
  }
  func.func @transform_21(%arg0: i32) -> (i32, i32) {
    %c0_i32 = arith.constant 0 : i32
    %c0_i32_0 = arith.constant 0 : i32
    %c0_i32_1 = arith.constant 0 : i32
    return %c0_i32, %c0_i32_0 : i32, i32
  }
  func.func @transform_22(%arg0: i32) -> (i32, i32) {
    %c0_i32 = arith.constant 0 : i32
    %c0_i32_0 = arith.constant 0 : i32
    %c0_i32_1 = arith.constant 0 : i32
    return %c0_i32, %c0_i32_0 : i32, i32
  }
  func.func @transform_23(%arg0: i32) -> (i32, i32) {
    %c0_i32 = arith.constant 0 : i32
    %c0_i32_0 = arith.constant 0 : i32
    %c0_i32_1 = arith.constant 0 : i32
    return %c0_i32, %c0_i32_0 : i32, i32
  }
  func.func @transform_24(%arg0: i32) -> (i32, i32) {
    %c0_i32 = arith.constant 0 : i32
    %c0_i32_0 = arith.constant 0 : i32
    %c0_i32_1 = arith.constant 0 : i32
    return %c0_i32, %c0_i32_0 : i32, i32
  }
  func.func @transform_25(%arg0: i32) -> (i32, i32) {
    %c0_i32 = arith.constant 0 : i32
    %c0_i32_0 = arith.constant 0 : i32
    %c0_i32_1 = arith.constant 0 : i32
    return %c0_i32, %c0_i32_0 : i32, i32
  }
  func.func @transform_26(%arg0: i32) -> (i32, i32) {
    %c0_i32 = arith.constant 0 : i32
    %c0_i32_0 = arith.constant 0 : i32
    %c0_i32_1 = arith.constant 0 : i32
    return %c0_i32, %c0_i32_0 : i32, i32
  }
  func.func @transform_27(%arg0: i32) -> (i32, i32) {
    %c0_i32 = arith.constant 0 : i32
    %c0_i32_0 = arith.constant 0 : i32
    %c0_i32_1 = arith.constant 0 : i32
    return %c0_i32, %c0_i32_0 : i32, i32
  }
  func.func @transform_28(%arg0: i32) -> (i32, i32) {
    %c0_i32 = arith.constant 0 : i32
    %c0_i32_0 = arith.constant 0 : i32
    return %arg0, %c0_i32 : i32, i32
  }
  func.func @transform_29(%arg0: i32) -> (i32, i32) {
    %c0_i32 = arith.constant 0 : i32
    %c0_i32_0 = arith.constant 0 : i32
    return %arg0, %c0_i32 : i32, i32
  }
  func.func @transform_30(%arg0: i32) -> (i32, i32) {
    %c0_i32 = arith.constant 0 : i32
    %c0_i32_0 = arith.constant 0 : i32
    return %arg0, %c0_i32 : i32, i32
  }
  func.func @transform_31(%arg0: i32) -> (i32, i32) {
    %c0_i32 = arith.constant 0 : i32
    %c0_i32_0 = arith.constant 0 : i32
    return %arg0, %c0_i32 : i32, i32
  }
  func.func @transform_32(%arg0: i32) -> (i32, i32) {
    %c0_i32 = arith.constant 0 : i32
    %c0_i32_0 = arith.constant 0 : i32
    return %arg0, %c0_i32 : i32, i32
  }
  func.func @transform_33(%arg0: i32) -> (i32, i32) {
    %c0_i32 = arith.constant 0 : i32
    %c0_i32_0 = arith.constant 0 : i32
    return %arg0, %c0_i32 : i32, i32
  }
  func.func @transform_34(%arg0: i32) -> (i32, i32) {
    %c0_i32 = arith.constant 0 : i32
    %c0_i32_0 = arith.constant 0 : i32
    return %arg0, %c0_i32 : i32, i32
  }
}

module attributes {stable_mosaic.version = 14 : i64} {
  func.func @_tc_recip_body(%arg0: memref<32x10000xf32, #tpu.memory_space<vmem>>, %arg1: memref<1x10000xf32, #tpu.memory_space<vmem>>, %arg2: memref<1x10000xf32, #tpu.memory_space<vmem>>) attributes {dimension_semantics = [], scalar_prefetch = 0 : i64, scratch_operands = 0 : i64, tpu.core_type = #tpu.core_type<tc>} {
    %get3A = arith.constant 0 : index
    %get3A_0 = arith.constant 0 : index
    %get3A_1 = vector.load %arg0[%get3A, %get3A_0] : memref<32x10000xf32, #tpu.memory_space<vmem>>, vector<32x10000xf32>
    %reduce_sum3A = arith.constant dense<0.000000e+00> : vector<10000xf32>
    %reduce_sum3A_2 = vector.multi_reduction <add>, %get3A_1, %reduce_sum3A [0] : vector<32x10000xf32> to vector<10000xf32>
    %broadcast_in_dim3A = vector.shape_cast %reduce_sum3A_2 : vector<10000xf32> to vector<1x10000xf32>
    %add3A = arith.constant 1.000000e-16 : f32
    %add3A_3 = vector.broadcast %add3A : f32 to vector<1x10000xf32>
    %add3A_4 = arith.addf %broadcast_in_dim3A, %add3A_3 : vector<1x10000xf32>
    %div3A = arith.constant 1.000000e+00 : f32
    %div3A_5 = vector.broadcast %div3A : f32 to vector<1x10000xf32>
    %div3A_6 = arith.divf %div3A_5, %add3A_4 : vector<1x10000xf32>
    %swap3A = arith.constant 0 : index
    %swap3A_7 = arith.constant 0 : index
    %swap3A_8 = vector.load %arg1[%swap3A, %swap3A_7] : memref<1x10000xf32, #tpu.memory_space<vmem>>, vector<1x10000xf32>
    tpu.vector_store %arg1[%swap3A, %swap3A_7], %div3A_6 {strides = array<i32>} : memref<1x10000xf32, #tpu.memory_space<vmem>>, vector<1x10000xf32>,
    %mul3A = arith.mulf %broadcast_in_dim3A, %div3A_6 : vector<1x10000xf32>
    %swap3A_9 = arith.constant 0 : index
    %swap3A_10 = arith.constant 0 : index
    %swap3A_11 = vector.load %arg2[%swap3A_9, %swap3A_10] : memref<1x10000xf32, #tpu.memory_space<vmem>>, vector<1x10000xf32>
    tpu.vector_store %arg2[%swap3A_9, %swap3A_10], %mul3A {strides = array<i32>} : memref<1x10000xf32, #tpu.memory_space<vmem>>, vector<1x10000xf32>,
    return
  }
}

module attributes {stable_mosaic.version = 14 : i64} {
  func.func @_tc_gru2_body(%arg0: i32, %arg1: memref<2x1000x64xf32, #tpu.memory_space<vmem>>, %arg2: memref<2x1000x64xf32, #tpu.memory_space<vmem>>, %arg3: memref<2x1000x64xf32, #tpu.memory_space<vmem>>, %arg4: memref<2x1000x64xf32, #tpu.memory_space<vmem>>, %arg5: memref<1000x256xf32, #tpu.memory_space<vmem>>, %arg6: memref<256x256xf32, #tpu.memory_space<vmem>>, %arg7: memref<256x256xf32, #tpu.memory_space<vmem>>, %arg8: memref<256x256xf32, #tpu.memory_space<vmem>>, %arg9: memref<1x256xf32, #tpu.memory_space<vmem>>, %arg10: memref<1x256xf32, #tpu.memory_space<vmem>>, %arg11: memref<1x256xf32, #tpu.memory_space<vmem>>, %arg12: memref<256x256xf32, #tpu.memory_space<vmem>>, %arg13: memref<256x256xf32, #tpu.memory_space<vmem>>, %arg14: memref<256x256xf32, #tpu.memory_space<vmem>>, %arg15: memref<1x256xf32, #tpu.memory_space<vmem>>, %arg16: memref<1x256xf32, #tpu.memory_space<vmem>>, %arg17: memref<1x256xf32, #tpu.memory_space<vmem>>, %arg18: memref<1000x256xf32, #tpu.memory_space<vmem>>) attributes {dimension_semantics = [#tpu.dimension_semantics<arbitrary>], iteration_bounds = array<i64: 10>, scalar_prefetch = 0 : i64, scratch_operands = 0 : i64, tpu.core_type = #tpu.core_type<tc>, window_params = [{transform_indices = @transform_0, window_bounds = array<i64: 2, 1000, 64>}, {transform_indices = @transform_1, window_bounds = array<i64: 2, 1000, 64>}, {transform_indices = @transform_2, window_bounds = array<i64: 2, 1000, 64>}, {transform_indices = @transform_3, window_bounds = array<i64: 2, 1000, 64>}, {transform_indices = @transform_4, window_bounds = array<i64: 1000, 256>}, {pipeline_mode = #tpu.pipeline_mode<synchronous>, transform_indices = @transform_5, window_bounds = array<i64: 256, 256>}, {pipeline_mode = #tpu.pipeline_mode<synchronous>, transform_indices = @transform_6, window_bounds = array<i64: 256, 256>}, {pipeline_mode = #tpu.pipeline_mode<synchronous>, transform_indices = @transform_7, window_bounds = array<i64: 256, 256>}, {pipeline_mode = #tpu.pipeline_mode<synchronous>, transform_indices = @transform_8, window_bounds = array<i64: 1, 256>}, {pipeline_mode = #tpu.pipeline_mode<synchronous>, transform_indices = @transform_9, window_bounds = array<i64: 1, 256>}, {pipeline_mode = #tpu.pipeline_mode<synchronous>, transform_indices = @transform_10, window_bounds = array<i64: 1, 256>}, {pipeline_mode = #tpu.pipeline_mode<synchronous>, transform_indices = @transform_11, window_bounds = array<i64: 256, 256>}, {pipeline_mode = #tpu.pipeline_mode<synchronous>, transform_indices = @transform_12, window_bounds = array<i64: 256, 256>}, {pipeline_mode = #tpu.pipeline_mode<synchronous>, transform_indices = @transform_13, window_bounds = array<i64: 256, 256>}, {pipeline_mode = #tpu.pipeline_mode<synchronous>, transform_indices = @transform_14, window_bounds = array<i64: 1, 256>}, {pipeline_mode = #tpu.pipeline_mode<synchronous>, transform_indices = @transform_15, window_bounds = array<i64: 1, 256>}, {pipeline_mode = #tpu.pipeline_mode<synchronous>, transform_indices = @transform_16, window_bounds = array<i64: 1, 256>}, {transform_indices = @transform_17, window_bounds = array<i64: 1000, 256>}]} {
    %get3A = arith.constant 0 : index
    %get3A_0 = arith.constant 0 : index
    %get3A_1 = vector.load %arg5[%get3A, %get3A_0] : memref<1000x256xf32, #tpu.memory_space<vmem>>, vector<1000x256xf32>
    %get3A_2 = arith.constant 0 : index
    %get3A_3 = arith.constant 0 : index
    %get3A_4 = vector.load %arg6[%get3A_2, %get3A_3] : memref<256x256xf32, #tpu.memory_space<vmem>>, vector<256x256xf32>
    %get3A_5 = arith.constant 0 : index
    %get3A_6 = arith.constant 0 : index
    %get3A_7 = vector.load %arg7[%get3A_5, %get3A_6] : memref<256x256xf32, #tpu.memory_space<vmem>>, vector<256x256xf32>
    %get3A_8 = arith.constant 0 : index
    %get3A_9 = arith.constant 0 : index
    %get3A_10 = vector.load %arg8[%get3A_8, %get3A_9] : memref<256x256xf32, #tpu.memory_space<vmem>>, vector<256x256xf32>
    %get3A_11 = arith.constant 0 : index
    %get3A_12 = arith.constant 0 : index
    %get3A_13 = vector.load %arg9[%get3A_11, %get3A_12] : memref<1x256xf32, #tpu.memory_space<vmem>>, vector<1x256xf32>
    %get3A_14 = arith.constant 0 : index
    %get3A_15 = arith.constant 0 : index
    %get3A_16 = vector.load %arg12[%get3A_14, %get3A_15] : memref<256x256xf32, #tpu.memory_space<vmem>>, vector<256x256xf32>
    %dot_general3A = arith.constant dense<0.000000e+00> : vector<1000x256xf32>
    %dot_general3A_17 = tpu.matmul %get3A_1, %get3A_16, %dot_general3A {dimension_numbers = #tpu.dot_dimension_numbers<[1], [0], [0], [1], [0, 0, 1, 1], [], []>, precision = #tpu.contract_precision<fp32>, transpose_lhs_hint = false} : vector<1000x256xf32>, vector<256x256xf32>, vector<1000x256xf32> -> vector<1000x256xf32>
    %add3A = vector.broadcast %get3A_13 : vector<1x256xf32> to vector<1000x256xf32>
    %add3A_18 = arith.addf %add3A, %dot_general3A_17 : vector<1000x256xf32>
    %get3A_19 = arith.constant 0 : index
    %get3A_20 = arith.constant 0 : index
    %get3A_21 = vector.load %arg15[%get3A_19, %get3A_20] : memref<1x256xf32, #tpu.memory_space<vmem>>, vector<1x256xf32>
    %add3A_22 = vector.broadcast %get3A_21 : vector<1x256xf32> to vector<1000x256xf32>
    %add3A_23 = arith.addf %add3A_18, %add3A_22 : vector<1000x256xf32>
    %get3A_24 = arith.constant 0 : index
    %get3A_25 = arith.constant 0 : index
    %get3A_26 = vector.load %arg10[%get3A_24, %get3A_25] : memref<1x256xf32, #tpu.memory_space<vmem>>, vector<1x256xf32>
    %get3A_27 = arith.constant 0 : index
    %get3A_28 = arith.constant 0 : index
    %get3A_29 = vector.load %arg13[%get3A_27, %get3A_28] : memref<256x256xf32, #tpu.memory_space<vmem>>, vector<256x256xf32>
    %dot_general3A_30 = arith.constant dense<0.000000e+00> : vector<1000x256xf32>
    %dot_general3A_31 = tpu.matmul %get3A_1, %get3A_29, %dot_general3A_30 {dimension_numbers = #tpu.dot_dimension_numbers<[1], [0], [0], [1], [0, 0, 1, 1], [], []>, precision = #tpu.contract_precision<fp32>, transpose_lhs_hint = false} : vector<1000x256xf32>, vector<256x256xf32>, vector<1000x256xf32> -> vector<1000x256xf32>
    %add3A_32 = vector.broadcast %get3A_26 : vector<1x256xf32> to vector<1000x256xf32>
    %add3A_33 = arith.addf %add3A_32, %dot_general3A_31 : vector<1000x256xf32>
    %get3A_34 = arith.constant 0 : index
    %get3A_35 = arith.constant 0 : index
    %get3A_36 = vector.load %arg16[%get3A_34, %get3A_35] : memref<1x256xf32, #tpu.memory_space<vmem>>, vector<1x256xf32>
    %add3A_37 = vector.broadcast %get3A_36 : vector<1x256xf32> to vector<1000x256xf32>
    %add3A_38 = arith.addf %add3A_33, %add3A_37 : vector<1000x256xf32>
    %get3A_39 = arith.constant 0 : index
    %get3A_40 = arith.constant 0 : index
    %get3A_41 = vector.load %arg14[%get3A_39, %get3A_40] : memref<256x256xf32, #tpu.memory_space<vmem>>, vector<256x256xf32>
    %dot_general3A_42 = arith.constant dense<0.000000e+00> : vector<1000x256xf32>
    %dot_general3A_43 = tpu.matmul %get3A_1, %get3A_41, %dot_general3A_42 {dimension_numbers = #tpu.dot_dimension_numbers<[1], [0], [0], [1], [0, 0, 1, 1], [], []>, precision = #tpu.contract_precision<fp32>, transpose_lhs_hint = false} : vector<1000x256xf32>, vector<256x256xf32>, vector<1000x256xf32> -> vector<1000x256xf32>
    %get3A_44 = arith.constant 0 : index
    %get3A_45 = arith.constant 0 : index
    %get3A_46 = vector.load %arg17[%get3A_44, %get3A_45] : memref<1x256xf32, #tpu.memory_space<vmem>>, vector<1x256xf32>
    %add3A_47 = vector.broadcast %get3A_46 : vector<1x256xf32> to vector<1000x256xf32>
    %add3A_48 = arith.addf %dot_general3A_43, %add3A_47 : vector<1000x256xf32>
    %get3A_49 = arith.constant 0 : index
    %get3A_50 = arith.constant 0 : index
    %get3A_51 = vector.load %arg11[%get3A_49, %get3A_50] : memref<1x256xf32, #tpu.memory_space<vmem>>, vector<1x256xf32>
    %get3A_52 = arith.constant 0 : index
    %get3A_53 = arith.constant 0 : index
    %get3A_54 = arith.constant 0 : index
    %get3A_55 = vector.load %arg1[%get3A_52, %get3A_53, %get3A_54] : memref<2x1000x64xf32, #tpu.memory_space<vmem>>, vector<2x1000x64xf32>
    %slice3A = vector.extract_strided_slice %get3A_55 {offsets = [0, 0, 0], sizes = [1, 1000, 64], strides = [1, 1, 1]} : vector<2x1000x64xf32> to vector<1x1000x64xf32>
    %squeeze3A = vector.shape_cast %slice3A : vector<1x1000x64xf32> to vector<1000x64xf32>
    %slice3A_56 = vector.extract_strided_slice %get3A_55 {offsets = [1, 0, 0], sizes = [1, 1000, 64], strides = [1, 1, 1]} : vector<2x1000x64xf32> to vector<1x1000x64xf32>
    %squeeze3A_57 = vector.shape_cast %slice3A_56 : vector<1x1000x64xf32> to vector<1000x64xf32>
    %add3A_58 = arith.addf %squeeze3A, %squeeze3A_57 : vector<1000x64xf32>
    %gt3A = arith.constant 0.000000e+00 : f32
    %gt3A_59 = vector.broadcast %gt3A : f32 to vector<1000x64xf32>
    %gt3A_60 = arith.cmpf ogt, %add3A_58, %gt3A_59 : vector<1000x64xf32>
    %exp3A = math.exp %add3A_58 : vector<1000x64xf32>
    %sub3A = arith.constant 1.000000e+00 : f32
    %sub3A_61 = vector.broadcast %sub3A : f32 to vector<1000x64xf32>
    %sub3A_62 = arith.subf %exp3A, %sub3A_61 : vector<1000x64xf32>
    %select_n3A = arith.select %gt3A_60, %add3A_58, %sub3A_62 : vector<1000x64xi1>, vector<1000x64xf32>
    %slice3A_63 = vector.extract_strided_slice %get3A_4 {offsets = [0, 0], sizes = [64, 256], strides = [1, 1]} : vector<256x256xf32> to vector<64x256xf32>
    %dot_general3A_64 = arith.constant dense<0.000000e+00> : vector<1000x256xf32>
    %dot_general3A_65 = tpu.matmul %select_n3A, %slice3A_63, %dot_general3A_64 {dimension_numbers = #tpu.dot_dimension_numbers<[1], [0], [0], [1], [0, 0, 1, 1], [], []>, precision = #tpu.contract_precision<fp32>, transpose_lhs_hint = false} : vector<1000x64xf32>, vector<64x256xf32>, vector<1000x256xf32> -> vector<1000x256xf32>
    %add3A_66 = arith.addf %add3A_23, %dot_general3A_65 : vector<1000x256xf32>
    %slice3A_67 = vector.extract_strided_slice %get3A_7 {offsets = [0, 0], sizes = [64, 256], strides = [1, 1]} : vector<256x256xf32> to vector<64x256xf32>
    %dot_general3A_68 = arith.constant dense<0.000000e+00> : vector<1000x256xf32>
    %dot_general3A_69 = tpu.matmul %select_n3A, %slice3A_67, %dot_general3A_68 {dimension_numbers = #tpu.dot_dimension_numbers<[1], [0], [0], [1], [0, 0, 1, 1], [], []>, precision = #tpu.contract_precision<fp32>, transpose_lhs_hint = false} : vector<1000x64xf32>, vector<64x256xf32>, vector<1000x256xf32> -> vector<1000x256xf32>
    %add3A_70 = arith.addf %add3A_38, %dot_general3A_69 : vector<1000x256xf32>
    %slice3A_71 = vector.extract_strided_slice %get3A_10 {offsets = [0, 0], sizes = [64, 256], strides = [1, 1]} : vector<256x256xf32> to vector<64x256xf32>
    %dot_general3A_72 = arith.constant dense<0.000000e+00> : vector<1000x256xf32>
    %dot_general3A_73 = tpu.matmul %select_n3A, %slice3A_71, %dot_general3A_72 {dimension_numbers = #tpu.dot_dimension_numbers<[1], [0], [0], [1], [0, 0, 1, 1], [], []>, precision = #tpu.contract_precision<fp32>, transpose_lhs_hint = false} : vector<1000x64xf32>, vector<64x256xf32>, vector<1000x256xf32> -> vector<1000x256xf32>
    %add3A_74 = vector.broadcast %get3A_51 : vector<1x256xf32> to vector<1000x256xf32>
    %add3A_75 = arith.addf %add3A_74, %dot_general3A_73 : vector<1000x256xf32>
    %get3A_76 = arith.constant 0 : index
    %get3A_77 = arith.constant 0 : index
    %get3A_78 = arith.constant 0 : index
    %get3A_79 = vector.load %arg2[%get3A_76, %get3A_77, %get3A_78] : memref<2x1000x64xf32, #tpu.memory_space<vmem>>, vector<2x1000x64xf32>
    %slice3A_80 = vector.extract_strided_slice %get3A_79 {offsets = [0, 0, 0], sizes = [1, 1000, 64], strides = [1, 1, 1]} : vector<2x1000x64xf32> to vector<1x1000x64xf32>
    %squeeze3A_81 = vector.shape_cast %slice3A_80 : vector<1x1000x64xf32> to vector<1000x64xf32>
    %slice3A_82 = vector.extract_strided_slice %get3A_79 {offsets = [1, 0, 0], sizes = [1, 1000, 64], strides = [1, 1, 1]} : vector<2x1000x64xf32> to vector<1x1000x64xf32>
    %squeeze3A_83 = vector.shape_cast %slice3A_82 : vector<1x1000x64xf32> to vector<1000x64xf32>
    %add3A_84 = arith.addf %squeeze3A_81, %squeeze3A_83 : vector<1000x64xf32>
    %gt3A_85 = arith.constant 0.000000e+00 : f32
    %gt3A_86 = vector.broadcast %gt3A_85 : f32 to vector<1000x64xf32>
    %gt3A_87 = arith.cmpf ogt, %add3A_84, %gt3A_86 : vector<1000x64xf32>
    %exp3A_88 = math.exp %add3A_84 : vector<1000x64xf32>
    %sub3A_89 = arith.constant 1.000000e+00 : f32
    %sub3A_90 = vector.broadcast %sub3A_89 : f32 to vector<1000x64xf32>
    %sub3A_91 = arith.subf %exp3A_88, %sub3A_90 : vector<1000x64xf32>
    %select_n3A_92 = arith.select %gt3A_87, %add3A_84, %sub3A_91 : vector<1000x64xi1>, vector<1000x64xf32>
    %slice3A_93 = vector.extract_strided_slice %get3A_4 {offsets = [64, 0], sizes = [64, 256], strides = [1, 1]} : vector<256x256xf32> to vector<64x256xf32>
    %dot_general3A_94 = arith.constant dense<0.000000e+00> : vector<1000x256xf32>
    %dot_general3A_95 = tpu.matmul %select_n3A_92, %slice3A_93, %dot_general3A_94 {dimension_numbers = #tpu.dot_dimension_numbers<[1], [0], [0], [1], [0, 0, 1, 1], [], []>, precision = #tpu.contract_precision<fp32>, transpose_lhs_hint = false} : vector<1000x64xf32>, vector<64x256xf32>, vector<1000x256xf32> -> vector<1000x256xf32>
    %add3A_96 = arith.addf %add3A_66, %dot_general3A_95 : vector<1000x256xf32>
    %slice3A_97 = vector.extract_strided_slice %get3A_7 {offsets = [64, 0], sizes = [64, 256], strides = [1, 1]} : vector<256x256xf32> to vector<64x256xf32>
    %dot_general3A_98 = arith.constant dense<0.000000e+00> : vector<1000x256xf32>
    %dot_general3A_99 = tpu.matmul %select_n3A_92, %slice3A_97, %dot_general3A_98 {dimension_numbers = #tpu.dot_dimension_numbers<[1], [0], [0], [1], [0, 0, 1, 1], [], []>, precision = #tpu.contract_precision<fp32>, transpose_lhs_hint = false} : vector<1000x64xf32>, vector<64x256xf32>, vector<1000x256xf32> -> vector<1000x256xf32>
    %add3A_100 = arith.addf %add3A_70, %dot_general3A_99 : vector<1000x256xf32>
    %slice3A_101 = vector.extract_strided_slice %get3A_10 {offsets = [64, 0], sizes = [64, 256], strides = [1, 1]} : vector<256x256xf32> to vector<64x256xf32>
    %dot_general3A_102 = arith.constant dense<0.000000e+00> : vector<1000x256xf32>
    %dot_general3A_103 = tpu.matmul %select_n3A_92, %slice3A_101, %dot_general3A_102 {dimension_numbers = #tpu.dot_dimension_numbers<[1], [0], [0], [1], [0, 0, 1, 1], [], []>, precision = #tpu.contract_precision<fp32>, transpose_lhs_hint = false} : vector<1000x64xf32>, vector<64x256xf32>, vector<1000x256xf32> -> vector<1000x256xf32>
    %add3A_104 = arith.addf %add3A_75, %dot_general3A_103 : vector<1000x256xf32>
    %get3A_105 = arith.constant 0 : index
    %get3A_106 = arith.constant 0 : index
    %get3A_107 = arith.constant 0 : index
    %get3A_108 = vector.load %arg3[%get3A_105, %get3A_106, %get3A_107] : memref<2x1000x64xf32, #tpu.memory_space<vmem>>, vector<2x1000x64xf32>
    %slice3A_109 = vector.extract_strided_slice %get3A_108 {offsets = [0, 0, 0], sizes = [1, 1000, 64], strides = [1, 1, 1]} : vector<2x1000x64xf32> to vector<1x1000x64xf32>
    %squeeze3A_110 = vector.shape_cast %slice3A_109 : vector<1x1000x64xf32> to vector<1000x64xf32>
    %slice3A_111 = vector.extract_strided_slice %get3A_108 {offsets = [1, 0, 0], sizes = [1, 1000, 64], strides = [1, 1, 1]} : vector<2x1000x64xf32> to vector<1x1000x64xf32>
    %squeeze3A_112 = vector.shape_cast %slice3A_111 : vector<1x1000x64xf32> to vector<1000x64xf32>
    %add3A_113 = arith.addf %squeeze3A_110, %squeeze3A_112 : vector<1000x64xf32>
    %gt3A_114 = arith.constant 0.000000e+00 : f32
    %gt3A_115 = vector.broadcast %gt3A_114 : f32 to vector<1000x64xf32>
    %gt3A_116 = arith.cmpf ogt, %add3A_113, %gt3A_115 : vector<1000x64xf32>
    %exp3A_117 = math.exp %add3A_113 : vector<1000x64xf32>
    %sub3A_118 = arith.constant 1.000000e+00 : f32
    %sub3A_119 = vector.broadcast %sub3A_118 : f32 to vector<1000x64xf32>
    %sub3A_120 = arith.subf %exp3A_117, %sub3A_119 : vector<1000x64xf32>
    %select_n3A_121 = arith.select %gt3A_116, %add3A_113, %sub3A_120 : vector<1000x64xi1>, vector<1000x64xf32>
    %slice3A_122 = vector.extract_strided_slice %get3A_4 {offsets = [128, 0], sizes = [64, 256], strides = [1, 1]} : vector<256x256xf32> to vector<64x256xf32>
    %dot_general3A_123 = arith.constant dense<0.000000e+00> : vector<1000x256xf32>
    %dot_general3A_124 = tpu.matmul %select_n3A_121, %slice3A_122, %dot_general3A_123 {dimension_numbers = #tpu.dot_dimension_numbers<[1], [0], [0], [1], [0, 0, 1, 1], [], []>, precision = #tpu.contract_precision<fp32>, transpose_lhs_hint = false} : vector<1000x64xf32>, vector<64x256xf32>, vector<1000x256xf32> -> vector<1000x256xf32>
    %add3A_125 = arith.addf %add3A_96, %dot_general3A_124 : vector<1000x256xf32>
    %slice3A_126 = vector.extract_strided_slice %get3A_7 {offsets = [128, 0], sizes = [64, 256], strides = [1, 1]} : vector<256x256xf32> to vector<64x256xf32>
    %dot_general3A_127 = arith.constant dense<0.000000e+00> : vector<1000x256xf32>
    %dot_general3A_128 = tpu.matmul %select_n3A_121, %slice3A_126, %dot_general3A_127 {dimension_numbers = #tpu.dot_dimension_numbers<[1], [0], [0], [1], [0, 0, 1, 1], [], []>, precision = #tpu.contract_precision<fp32>, transpose_lhs_hint = false} : vector<1000x64xf32>, vector<64x256xf32>, vector<1000x256xf32> -> vector<1000x256xf32>
    %add3A_129 = arith.addf %add3A_100, %dot_general3A_128 : vector<1000x256xf32>
    %slice3A_130 = vector.extract_strided_slice %get3A_10 {offsets = [128, 0], sizes = [64, 256], strides = [1, 1]} : vector<256x256xf32> to vector<64x256xf32>
    %dot_general3A_131 = arith.constant dense<0.000000e+00> : vector<1000x256xf32>
    %dot_general3A_132 = tpu.matmul %select_n3A_121, %slice3A_130, %dot_general3A_131 {dimension_numbers = #tpu.dot_dimension_numbers<[1], [0], [0], [1], [0, 0, 1, 1], [], []>, precision = #tpu.contract_precision<fp32>, transpose_lhs_hint = false} : vector<1000x64xf32>, vector<64x256xf32>, vector<1000x256xf32> -> vector<1000x256xf32>
    %add3A_133 = arith.addf %add3A_104, %dot_general3A_132 : vector<1000x256xf32>
    %get3A_134 = arith.constant 0 : index
    %get3A_135 = arith.constant 0 : index
    %get3A_136 = arith.constant 0 : index
    %get3A_137 = vector.load %arg4[%get3A_134, %get3A_135, %get3A_136] : memref<2x1000x64xf32, #tpu.memory_space<vmem>>, vector<2x1000x64xf32>
    %slice3A_138 = vector.extract_strided_slice %get3A_137 {offsets = [0, 0, 0], sizes = [1, 1000, 64], strides = [1, 1, 1]} : vector<2x1000x64xf32> to vector<1x1000x64xf32>
    %squeeze3A_139 = vector.shape_cast %slice3A_138 : vector<1x1000x64xf32> to vector<1000x64xf32>
    %slice3A_140 = vector.extract_strided_slice %get3A_137 {offsets = [1, 0, 0], sizes = [1, 1000, 64], strides = [1, 1, 1]} : vector<2x1000x64xf32> to vector<1x1000x64xf32>
    %squeeze3A_141 = vector.shape_cast %slice3A_140 : vector<1x1000x64xf32> to vector<1000x64xf32>
    %add3A_142 = arith.addf %squeeze3A_139, %squeeze3A_141 : vector<1000x64xf32>
    %gt3A_143 = arith.constant 0.000000e+00 : f32
    %gt3A_144 = vector.broadcast %gt3A_143 : f32 to vector<1000x64xf32>
    %gt3A_145 = arith.cmpf ogt, %add3A_142, %gt3A_144 : vector<1000x64xf32>
    %exp3A_146 = math.exp %add3A_142 : vector<1000x64xf32>
    %sub3A_147 = arith.constant 1.000000e+00 : f32
    %sub3A_148 = vector.broadcast %sub3A_147 : f32 to vector<1000x64xf32>
    %sub3A_149 = arith.subf %exp3A_146, %sub3A_148 : vector<1000x64xf32>
    %select_n3A_150 = arith.select %gt3A_145, %add3A_142, %sub3A_149 : vector<1000x64xi1>, vector<1000x64xf32>
    %slice3A_151 = vector.extract_strided_slice %get3A_4 {offsets = [192, 0], sizes = [64, 256], strides = [1, 1]} : vector<256x256xf32> to vector<64x256xf32>
    %dot_general3A_152 = arith.constant dense<0.000000e+00> : vector<1000x256xf32>
    %dot_general3A_153 = tpu.matmul %select_n3A_150, %slice3A_151, %dot_general3A_152 {dimension_numbers = #tpu.dot_dimension_numbers<[1], [0], [0], [1], [0, 0, 1, 1], [], []>, precision = #tpu.contract_precision<fp32>, transpose_lhs_hint = false} : vector<1000x64xf32>, vector<64x256xf32>, vector<1000x256xf32> -> vector<1000x256xf32>
    %add3A_154 = arith.addf %add3A_125, %dot_general3A_153 : vector<1000x256xf32>
    %slice3A_155 = vector.extract_strided_slice %get3A_7 {offsets = [192, 0], sizes = [64, 256], strides = [1, 1]} : vector<256x256xf32> to vector<64x256xf32>
    %dot_general3A_156 = arith.constant dense<0.000000e+00> : vector<1000x256xf32>
    %dot_general3A_157 = tpu.matmul %select_n3A_150, %slice3A_155, %dot_general3A_156 {dimension_numbers = #tpu.dot_dimension_numbers<[1], [0], [0], [1], [0, 0, 1, 1], [], []>, precision = #tpu.contract_precision<fp32>, transpose_lhs_hint = false} : vector<1000x64xf32>, vector<64x256xf32>, vector<1000x256xf32> -> vector<1000x256xf32>
    %add3A_158 = arith.addf %add3A_129, %dot_general3A_157 : vector<1000x256xf32>
    %slice3A_159 = vector.extract_strided_slice %get3A_10 {offsets = [192, 0], sizes = [64, 256], strides = [1, 1]} : vector<256x256xf32> to vector<64x256xf32>
    %dot_general3A_160 = arith.constant dense<0.000000e+00> : vector<1000x256xf32>
    %dot_general3A_161 = tpu.matmul %select_n3A_150, %slice3A_159, %dot_general3A_160 {dimension_numbers = #tpu.dot_dimension_numbers<[1], [0], [0], [1], [0, 0, 1, 1], [], []>, precision = #tpu.contract_precision<fp32>, transpose_lhs_hint = false} : vector<1000x64xf32>, vector<64x256xf32>, vector<1000x256xf32> -> vector<1000x256xf32>
    %add3A_162 = arith.addf %add3A_133, %dot_general3A_161 : vector<1000x256xf32>
    %logistic3A = arith.negf %add3A_154 : vector<1000x256xf32>
    %logistic3A_163 = math.exp %logistic3A : vector<1000x256xf32>
    %logistic3A_164 = arith.constant 1.000000e+00 : f32
    %logistic3A_165 = vector.broadcast %logistic3A_164 : f32 to vector<1000x256xf32>
    %logistic3A_166 = arith.addf %logistic3A_165, %logistic3A_163 : vector<1000x256xf32>
    %logistic3A_167 = arith.divf %logistic3A_165, %logistic3A_166 : vector<1000x256xf32>
    %logistic3A_168 = arith.negf %add3A_158 : vector<1000x256xf32>
    %logistic3A_169 = math.exp %logistic3A_168 : vector<1000x256xf32>
    %logistic3A_170 = arith.constant 1.000000e+00 : f32
    %logistic3A_171 = vector.broadcast %logistic3A_170 : f32 to vector<1000x256xf32>
    %logistic3A_172 = arith.addf %logistic3A_171, %logistic3A_169 : vector<1000x256xf32>
    %logistic3A_173 = arith.divf %logistic3A_171, %logistic3A_172 : vector<1000x256xf32>
    %mul3A = arith.mulf %logistic3A_167, %add3A_48 : vector<1000x256xf32>
    %add3A_174 = arith.addf %add3A_162, %mul3A : vector<1000x256xf32>
    %tanh3A = math.tanh %add3A_174 : vector<1000x256xf32>
    %sub3A_175 = arith.constant 1.000000e+00 : f32
    %sub3A_176 = vector.broadcast %sub3A_175 : f32 to vector<1000x256xf32>
    %sub3A_177 = arith.subf %sub3A_176, %logistic3A_173 : vector<1000x256xf32>
    %mul3A_178 = arith.mulf %sub3A_177, %tanh3A : vector<1000x256xf32>
    %mul3A_179 = arith.mulf %logistic3A_173, %get3A_1 : vector<1000x256xf32>
    %add3A_180 = arith.addf %mul3A_178, %mul3A_179 : vector<1000x256xf32>
    %max3A = arith.constant 0.000000e+00 : f32
    %max3A_181 = vector.broadcast %max3A : f32 to vector<1000x256xf32>
    %max3A_182 = arith.maximumf %add3A_180, %max3A_181 : vector<1000x256xf32>
    %swap3A = arith.constant 0 : index
    %swap3A_183 = arith.constant 0 : index
    %swap3A_184 = vector.load %arg18[%swap3A, %swap3A_183] : memref<1000x256xf32, #tpu.memory_space<vmem>>, vector<1000x256xf32>
    tpu.vector_store %arg18[%swap3A, %swap3A_183], %max3A_182 {strides = array<i32>} : memref<1000x256xf32, #tpu.memory_space<vmem>>, vector<1000x256xf32>,
    return
  }
  func.func @transform_0(%arg0: i32) -> (i32, i32, i32) {
    %c0_i32 = arith.constant 0 : i32
    %c0_i32_0 = arith.constant 0 : i32
    %c0_i32_1 = arith.constant 0 : i32
    return %c0_i32, %arg0, %c0_i32_0 : i32, i32, i32
  }
  func.func @transform_1(%arg0: i32) -> (i32, i32, i32) {
    %c0_i32 = arith.constant 0 : i32
    %c0_i32_0 = arith.constant 0 : i32
    %c0_i32_1 = arith.constant 0 : i32
    return %c0_i32, %arg0, %c0_i32_0 : i32, i32, i32
  }
  func.func @transform_2(%arg0: i32) -> (i32, i32, i32) {
    %c0_i32 = arith.constant 0 : i32
    %c0_i32_0 = arith.constant 0 : i32
    %c0_i32_1 = arith.constant 0 : i32
    return %c0_i32, %arg0, %c0_i32_0 : i32, i32, i32
  }
  func.func @transform_3(%arg0: i32) -> (i32, i32, i32) {
    %c0_i32 = arith.constant 0 : i32
    %c0_i32_0 = arith.constant 0 : i32
    %c0_i32_1 = arith.constant 0 : i32
    return %c0_i32, %arg0, %c0_i32_0 : i32, i32, i32
  }
  func.func @transform_4(%arg0: i32) -> (i32, i32) {
    %c0_i32 = arith.constant 0 : i32
    %c0_i32_0 = arith.constant 0 : i32
    return %arg0, %c0_i32 : i32, i32
  }
  func.func @transform_5(%arg0: i32) -> (i32, i32) {
    %c0_i32 = arith.constant 0 : i32
    %c0_i32_0 = arith.constant 0 : i32
    %c0_i32_1 = arith.constant 0 : i32
    return %c0_i32, %c0_i32_0 : i32, i32
  }
  func.func @transform_6(%arg0: i32) -> (i32, i32) {
    %c0_i32 = arith.constant 0 : i32
    %c0_i32_0 = arith.constant 0 : i32
    %c0_i32_1 = arith.constant 0 : i32
    return %c0_i32, %c0_i32_0 : i32, i32
  }
  func.func @transform_7(%arg0: i32) -> (i32, i32) {
    %c0_i32 = arith.constant 0 : i32
    %c0_i32_0 = arith.constant 0 : i32
    %c0_i32_1 = arith.constant 0 : i32
    return %c0_i32, %c0_i32_0 : i32, i32
  }
  func.func @transform_8(%arg0: i32) -> (i32, i32) {
    %c0_i32 = arith.constant 0 : i32
    %c0_i32_0 = arith.constant 0 : i32
    %c0_i32_1 = arith.constant 0 : i32
    return %c0_i32, %c0_i32_0 : i32, i32
  }
  func.func @transform_9(%arg0: i32) -> (i32, i32) {
    %c0_i32 = arith.constant 0 : i32
    %c0_i32_0 = arith.constant 0 : i32
    %c0_i32_1 = arith.constant 0 : i32
    return %c0_i32, %c0_i32_0 : i32, i32
  }
  func.func @transform_10(%arg0: i32) -> (i32, i32) {
    %c0_i32 = arith.constant 0 : i32
    %c0_i32_0 = arith.constant 0 : i32
    %c0_i32_1 = arith.constant 0 : i32
    return %c0_i32, %c0_i32_0 : i32, i32
  }
  func.func @transform_11(%arg0: i32) -> (i32, i32) {
    %c0_i32 = arith.constant 0 : i32
    %c0_i32_0 = arith.constant 0 : i32
    %c0_i32_1 = arith.constant 0 : i32
    return %c0_i32, %c0_i32_0 : i32, i32
  }
  func.func @transform_12(%arg0: i32) -> (i32, i32) {
    %c0_i32 = arith.constant 0 : i32
    %c0_i32_0 = arith.constant 0 : i32
    %c0_i32_1 = arith.constant 0 : i32
    return %c0_i32, %c0_i32_0 : i32, i32
  }
  func.func @transform_13(%arg0: i32) -> (i32, i32) {
    %c0_i32 = arith.constant 0 : i32
    %c0_i32_0 = arith.constant 0 : i32
    %c0_i32_1 = arith.constant 0 : i32
    return %c0_i32, %c0_i32_0 : i32, i32
  }
  func.func @transform_14(%arg0: i32) -> (i32, i32) {
    %c0_i32 = arith.constant 0 : i32
    %c0_i32_0 = arith.constant 0 : i32
    %c0_i32_1 = arith.constant 0 : i32
    return %c0_i32, %c0_i32_0 : i32, i32
  }
  func.func @transform_15(%arg0: i32) -> (i32, i32) {
    %c0_i32 = arith.constant 0 : i32
    %c0_i32_0 = arith.constant 0 : i32
    %c0_i32_1 = arith.constant 0 : i32
    return %c0_i32, %c0_i32_0 : i32, i32
  }
  func.func @transform_16(%arg0: i32) -> (i32, i32) {
    %c0_i32 = arith.constant 0 : i32
    %c0_i32_0 = arith.constant 0 : i32
    %c0_i32_1 = arith.constant 0 : i32
    return %c0_i32, %c0_i32_0 : i32, i32
  }
  func.func @transform_17(%arg0: i32) -> (i32, i32) {
    %c0_i32 = arith.constant 0 : i32
    %c0_i32_0 = arith.constant 0 : i32
    return %arg0, %c0_i32 : i32, i32
  }
}

module attributes {stable_mosaic.version = 14 : i64} {
  func.func @_tc_norm_body(%arg0: memref<10000x256xf32, #tpu.memory_space<vmem>>, %arg1: memref<10000x256xf32, #tpu.memory_space<vmem>>, %arg2: memref<1x256xf32, #tpu.memory_space<vmem>>, %arg3: memref<1x256xf32, #tpu.memory_space<vmem>>, %arg4: memref<10000x200xf32, #tpu.memory_space<vmem>>) attributes {dimension_semantics = [], scalar_prefetch = 0 : i64, scratch_operands = 0 : i64, tpu.core_type = #tpu.core_type<tc>} {
    %get3A = arith.constant 0 : index
    %get3A_0 = arith.constant 0 : index
    %get3A_1 = vector.load %arg0[%get3A, %get3A_0] : memref<10000x256xf32, #tpu.memory_space<vmem>>, vector<10000x256xf32>
    %reduce_sum3A = arith.constant dense<0.000000e+00> : vector<256xf32>
    %reduce_sum3A_2 = vector.multi_reduction <add>, %get3A_1, %reduce_sum3A [0] : vector<10000x256xf32> to vector<256xf32>
    %broadcast_in_dim3A = vector.shape_cast %reduce_sum3A_2 : vector<256xf32> to vector<1x256xf32>
    %div3A = arith.constant 1.000000e+04 : f32
    %div3A_3 = vector.broadcast %div3A : f32 to vector<1x256xf32>
    %div3A_4 = arith.divf %broadcast_in_dim3A, %div3A_3 : vector<1x256xf32>
    %sub3A = vector.broadcast %div3A_4 : vector<1x256xf32> to vector<10000x256xf32>
    %sub3A_5 = arith.subf %get3A_1, %sub3A : vector<10000x256xf32>
    %integer_pow3A = arith.mulf %sub3A_5, %sub3A_5 : vector<10000x256xf32>
    %reduce_sum3A_6 = arith.constant dense<0.000000e+00> : vector<256xf32>
    %reduce_sum3A_7 = vector.multi_reduction <add>, %integer_pow3A, %reduce_sum3A_6 [0] : vector<10000x256xf32> to vector<256xf32>
    %broadcast_in_dim3A_8 = vector.shape_cast %reduce_sum3A_7 : vector<256xf32> to vector<1x256xf32>
    %div3A_9 = arith.constant 1.000000e+04 : f32
    %div3A_10 = vector.broadcast %div3A_9 : f32 to vector<1x256xf32>
    %div3A_11 = arith.divf %broadcast_in_dim3A_8, %div3A_10 : vector<1x256xf32>
    %sub3A_12 = vector.broadcast %div3A_4 : vector<1x256xf32> to vector<10000x256xf32>
    %sub3A_13 = arith.subf %get3A_1, %sub3A_12 : vector<10000x256xf32>
    %add3A = arith.constant 9.99999974E-6 : f32
    %add3A_14 = vector.broadcast %add3A : f32 to vector<1x256xf32>
    %add3A_15 = arith.addf %div3A_11, %add3A_14 : vector<1x256xf32>
    %sqrt3A = math.sqrt %add3A_15 : vector<1x256xf32>
    %div3A_16 = vector.broadcast %sqrt3A : vector<1x256xf32> to vector<10000x256xf32>
    %div3A_17 = arith.divf %sub3A_13, %div3A_16 : vector<10000x256xf32>
    %get3A_18 = arith.constant 0 : index
    %get3A_19 = arith.constant 0 : index
    %get3A_20 = vector.load %arg2[%get3A_18, %get3A_19] : memref<1x256xf32, #tpu.memory_space<vmem>>, vector<1x256xf32>
    %mul3A = vector.broadcast %get3A_20 : vector<1x256xf32> to vector<10000x256xf32>
    %mul3A_21 = arith.mulf %div3A_17, %mul3A : vector<10000x256xf32>
    %get3A_22 = arith.constant 0 : index
    %get3A_23 = arith.constant 0 : index
    %get3A_24 = vector.load %arg3[%get3A_22, %get3A_23] : memref<1x256xf32, #tpu.memory_space<vmem>>, vector<1x256xf32>
    %add3A_25 = vector.broadcast %get3A_24 : vector<1x256xf32> to vector<10000x256xf32>
    %add3A_26 = arith.addf %mul3A_21, %add3A_25 : vector<10000x256xf32>
    %get3A_27 = arith.constant 0 : index
    %get3A_28 = arith.constant 0 : index
    %get3A_29 = vector.load %arg1[%get3A_27, %get3A_28] : memref<10000x256xf32, #tpu.memory_space<vmem>>, vector<10000x256xf32>
    %add3A_30 = arith.addf %get3A_29, %add3A_26 : vector<10000x256xf32>
    %slice3A = vector.extract_strided_slice %add3A_30 {offsets = [0, 0], sizes = [10000, 200], strides = [1, 1]} : vector<10000x256xf32> to vector<10000x200xf32>
    %swap3A = arith.constant 0 : index
    %swap3A_31 = arith.constant 0 : index
    %swap3A_32 = vector.load %arg4[%swap3A, %swap3A_31] : memref<10000x200xf32, #tpu.memory_space<vmem>>, vector<10000x200xf32>
    tpu.vector_store %arg4[%swap3A, %swap3A_31], %slice3A {strides = array<i32>} : memref<10000x200xf32, #tpu.memory_space<vmem>>, vector<10000x200xf32>,
    return
  }
}

</mosaic_0001>

<sc_bundles>
// kernel: kernel.24.cloned.1.call-start
scs
__scs_entry_jumppad:
0x0: {  	(pc) =	sbr.rel $0x88, $3  }
0x1: {  	(tag) =	ssettag $0x0;
	lr =	simm.s32 $0x1  }
0x2: {  	[smem:$0x3F88] =	sst lr;
	_ =	strace $0xD0000000  }
0x3: {  	_ = 	snop  }
0x4: {  	_ = 	snop  }
0x5: {  	_ = 	snop  }
0x6: {  	_ = 	snop  }
0x7: {  	_ = 	snop  }
__scs_overlays_trampoline_lowered:
0x8: {  	[smem:$0x3F97] =	sst s0  }
0x9: {  	[smem:$0x3F98] =	sst s1  }
0xa: {  	[smem:$0x3F99] =	sst s2  }
0xb: {  	[smem:$0x3F9A] =	sst s3  }
0xc: {  	[smem:$0x3F9B] =	sst s4  }
0xd: {  	[smem:$0x3F9C] =	sst s5  }
0xe: {  	[smem:$0x3F9D] =	sst s6  }
0xf: {  	[smem:$0x3F9E] =	sst s7  }
0x10: {  	[smem:$0x3F9F] =	sst s8  }
0x11: {  	[smem:$0x3FA0] =	sst s9;
	s0 =	simm.s32 @!p0 $0x0  }
0x12: {  	s1 =	sld [smem:$0x3F86];
	s0 =	simm.s32 @p0 $0x1  }
0x13: {  	[smem:$0x3FA1] =	sst s0;
	s0 =	simm.s32 @!p1 $0x0  }
0x14: {  	s2 =	sld [smem:$0x3F85];
	s0 =	simm.s32 @p1 $0x1  }
0x15: {  	[smem:$0x3FA2] =	sst s0;
	s0 =	simm.s32 @!p2 $0x0  }
0x16: {  	s3 =	sld [smem:$0x3FDB];
	s0 =	simm.s32 @p2 $0x1  }
0x17: {  	s4 =	simm.s32 $0x1BF5;
	[smem:$0x3FA4] =	sst s0  }
0x18: {  	s0 =	sld [smem:$0x3F87];
	_ =	swait.ge [sflag:s4], $0x0  }
0x19: {  	s7 =	sld [smem:$0x3F88]  }
0x1a: {  	s8 =	sadd.s32 $0xFFFFE003, lr  }
0x1b: {  	s9 =	sadd.s32 $0xFFFFFEF7, lr;
	s5 =	simm.s32 $0xFFFFFFFF;
	p2 =	slt.u32 s8, $0xFFFFF086  }
0x1c: {  	p1 =	slt.u32 s9, $0xF7A;
	s5 =	simm.s32 @!p2 $0x0  }
0x1d: {  	s5 =	simm.s32 @p1 $0x1;
	p0 =	seq.s32 s7, s2  }
0x1e: {  	s7 =	smul.u32 @!p0 $0xF7A, s2;
	p2 =	seq.s32 @!p0 s5, $0x0  }
0x1f: {  	s9 =	smul.u32 $0xF7A, s1;
	s8 =	simm.s32 @!p0 $0x1BF5;
	p2 =	por !p2, p0  }
0x20: {  	[sflag:s8] =	ssyncset.s32 @!p0 $0xFFFFF086;
	s6 =	sadd.s32 @!p0 s3, s7;
	s7 =	simm.s32 @!p0 $0x108  }
0x21: {  	s3 =	sadd.s32 s3, s9;
	s6 =	sadd.s32 @!p0 $0x88, s6;
	s7 =	simm.s32 @p2 $0x1082  }
0x22: {  	[simem:s7], [sflag:s8] =	dma.local @!p0 [hbm:s6], $0xF7A  }
0x23: {  	s9 =	sor.u32 $0xD0000000, s2;
	s6 =	simm.s32 $0x108;
	_ =	swait.ge @!p0 [sflag:s8], $0x0  }
0x24: {  	s3 =	sadd.s32 $0x88, s3;
	s6 =	simm.s32 @!p1 $0x1082;
	[sflag:s4] =	ssyncset.s32 $0xFFFFF086  }
0x25: {  	[simem:s6], [sflag:s4] =	dma.local [hbm:s3], $0xF7A  }
0x26: {  	[smem:$0x3F88] =	sst s1;
	(tag) =	ssettag s2;
	_ =	strace s9  }
0x27: {  	s1 =	sld [smem:$0x3F98]  }
0x28: {  	s2 =	sld [smem:$0x3F99]  }
0x29: {  	s4 =	sld [smem:$0x3F9B]  }
0x2a: {  	p0 =	seq.s32 s5, $0x0;
	s5 =	sld [smem:$0x3F9C]  }
0x2b: {  	s6 =	sld [smem:$0x3F9D]  }
0x2c: {  	s7 =	sld [smem:$0x3F9E]  }
0x2d: {  	s3 =	simm.s32 $0x108;
	s8 =	sld [smem:$0x3F9F]  }
0x2e: {  	s3 =	simm.s32 @!p0 $0x1082;
	s9 =	sld [smem:$0x3FA0]  }
0x2f: {  	lr =	sadd.s32 s0, s3;
	s0 =	sld [smem:$0x3F97]  }
0x30: {  	s3 =	sld [smem:$0x3F9A]  }
0x31: {  	[smem:$0x3FA3] =	sst s10  }
0x32: {  	s10 =	sld [smem:$0x3FA1];
	_ =	sdelay $0x3  }
0x33: {  	p0 =	seq.s32 s10, $0x1;
	s10 =	sld [smem:$0x3FA3];
	_ =	sdelay $0x3  }
0x34: {  	[smem:$0x3FA3] =	sst s10  }
0x35: {  	s10 =	sld [smem:$0x3FA2];
	_ =	sdelay $0x3  }
0x36: {  	p1 =	seq.s32 s10, $0x1;
	s10 =	sld [smem:$0x3FA3];
	_ =	sdelay $0x3  }
0x37: {  	[smem:$0x3FA3] =	sst s10  }
0x38: {  	s10 =	sld [smem:$0x3FA4]  }
0x39: {  	_ = 	snop;
	(pc) =	sbr.ind lr, $3  }
0x3a: {  	_ = 	snop  }
0x3b: {  	_ = 	snop  }
0x3c: {  	p2 =	seq.s32 s10, $0x1;
	s10 =	sld [smem:$0x3FA3]  }
0x3d: {  	_ =	shalt  }
0x3e: {  	_ =	shalt  }
0x3f: {  	_ =	shalt  }
0x40: {  	_ =	shalt  }
0x41: {  	_ =	shalt  }
0x42: {  	_ =	shalt  }
0x43: {  	_ =	shalt  }
0x44: {  	_ =	shalt  }
0x45: {  	_ =	shalt  }
0x46: {  	_ =	shalt  }
0x47: {  	_ =	shalt  }
0x48: {  	_ =	shalt  }
0x49: {  	_ =	shalt  }
0x4a: {  	_ =	shalt  }
0x4b: {  	_ =	shalt  }
0x4c: {  	_ =	shalt  }
0x4d: {  	_ =	shalt  }
0x4e: {  	_ =	shalt  }
0x4f: {  	_ =	shalt  }
0x50: {  	_ =	shalt  }
0x51: {  	_ =	shalt  }
0x52: {  	_ =	shalt  }
0x53: {  	_ =	shalt  }
0x54: {  	_ =	shalt  }
0x55: {  	_ =	shalt  }
0x56: {  	_ =	shalt  }
0x57: {  	_ =	shalt  }
0x58: {  	_ =	shalt  }
0x59: {  	_ =	shalt  }
0x5a: {  	_ =	shalt  }
0x5b: {  	_ =	shalt  }
0x5c: {  	_ =	shalt  }
0x5d: {  	_ =	shalt  }
0x5e: {  	_ =	shalt  }
0x5f: {  	_ =	shalt  }
0x60: {  	_ =	shalt  }
0x61: {  	_ =	shalt  }
0x62: {  	_ =	shalt  }
0x63: {  	_ =	shalt  }
0x64: {  	_ =	shalt  }
0x65: {  	_ =	shalt  }
0x66: {  	_ =	shalt  }
0x67: {  	_ =	shalt  }
0x68: {  	_ =	shalt  }
0x69: {  	_ =	shalt  }
0x6a: {  	_ =	shalt  }
0x6b: {  	_ =	shalt  }
0x6c: {  	_ =	shalt  }
0x6d: {  	_ =	shalt  }
0x6e: {  	_ =	shalt  }
0x6f: {  	_ =	shalt  }
0x70: {  	_ =	shalt  }
0x71: {  	_ =	shalt  }
0x72: {  	_ =	shalt  }
0x73: {  	_ =	shalt  }
0x74: {  	_ =	shalt  }
0x75: {  	_ =	shalt  }
0x76: {  	_ =	shalt  }
0x77: {  	_ =	shalt  }
0x78: {  	_ =	shalt  }
0x79: {  	_ =	shalt  }
0x7a: {  	_ =	shalt  }
0x7b: {  	_ =	shalt  }
0x7c: {  	_ =	shalt  }
0x7d: {  	_ =	shalt  }
0x7e: {  	_ =	shalt  }
0x7f: {  	_ =	shalt  }
0x80: {  	_ =	shalt  }
0x81: {  	_ =	shalt  }
0x82: {  	_ =	shalt  }
0x83: {  	_ =	shalt  }
0x84: {  	_ =	shalt  }
0x85: {  	_ =	shalt  }
0x86: {  	_ =	shalt  }
0x87: {  	_ =	shalt  }
.Lfunc_end0:
.L_simem_size_0:
called_computation.1_lowered:
.L_overlay_start_0:
0x88: {  	s2 =	sld [smem:$0x3FD9]  }
0x89: {  	s3 =	sld [smem:$0x3FFE];
	_ =	sdelay $0x1  }
0x8a: {  	s1 =	srdreg.scid  }
0x8b: {  	s0 =	sand.u32 $0x1, s1  }
0x8c: {  	s16 =	sshll.u32 s0, $0xA;
	s2 =	sadd.s32 s3, s2  }
0x8d: {  	s2 =	sadd.s32 s2, s16  }
0x8e: {  	[smem:$0x3FAF] =	sst s2  }
0x8f: {  	_ = 	snop  }
0x90: {  	(tm) =	ssettm $0x1  }
0x91: {  	s17 =	sld [smem:$0x3FFB];
	_ =	sdelay $0x3  }
0x92: {  	_ =	strace s17  }
0x93: {  	s2 =	sld [smem:$0x3FFC];
	_ =	sdelay $0x3  }
0x94: {  	_ =	strace s2  }
0x95: {  	s2 =	sld [smem:$0x3FFD];
	_ =	sdelay $0x3  }
0x96: {  	_ =	strace s2  }
0x97: {  	_ =	strace $0x8FFFFFFF  }
0x98: {  	s18 =	sld [smem:$0x3FDB];
	_ =	sdelay $0x1  }
0x99: {  	s19 =	simm.s32 $_scs_section_size  }
0x9a: {  	s4 =	simm.s32 $_size__tile_overlayer_lowered;
	s5 =	simm.s32 $_tile_overlayer_lowered  }
0x9b: {  	s22 =	simm.s32 $0x1BFF;
	s21 =	sshll.u32 s5, $0x1;
	s2 =	sadd.s32 s19, s18  }
0x9c: {  	s6 =	simm.s32 $0x0;
	s20 =	sshll.u32 s4, $0x1;
	s4 =	sadd.s32 s21, s2  }
0x9d: {  	[timem:s6], [sflag:s22] =	dma.local [hbm:s4], s20  }
0x9e: {  	_ =	swait.ge [sflag:s22], s20  }
0x9f: {  	s3 =	ssub.s32 $0x0, s20;
	[sflag:s22] =	ssyncset.done $0x0  }
0xa0: {  	[sflag:s22] =	ssyncadd.s32 s3;
	_ =	sdelay $0x1  }
0xa1: {  	s23 =	simm.s32 $0x1B8B  }
0xa2: {  	_ =	swait.ge [sflag:s23], $0x1  }
0xa3: {  	[sflag:s23] =	ssyncset.done $0x0  }
0xa4: {  	s25 =	simm.s32 $0x1B8E;
	s24 =	sld [smem:$0x3FFE];
	[sflag:s23] =	ssyncadd.s32 $0xFFFFFFFF  }
0xa5: {  	s26 =	simm.s32 $execute0_lowered;
	[smem:$0x3FD2] =	sst s25  }
0xa6: {  	s4 =	sshll.u32 s26, $0x1;
	_ =	strace $0x80000046;
	[dreg:$0x1] =	wrdreg $0xFFFFFFFF  }
0xa7: {  	s28 =	simm.s32 $_size_execute0_lowered;
	s2 =	sadd.s32 s2, s4;
	[dreg:$0x0] =	wrdreg $0x0  }
0xa8: {  	s4 =	sshll.u32 s28, $0x1;
	[dreg:$0x2] =	wrdreg s2  }
0xa9: {  	[dreg:$0x3] =	wrdreg s4  }
0xaa: {  	[dreg:$0x4] =	wrdreg $0xC0  }
0xab: {  	_ =	task [dreg:s6], $0x5FFFF  }
0xac: {  	[dreg:$0x1] =	wrdreg $0xFFFFFFFF  }
0xad: {  	[dreg:$0x0] =	wrdreg $0x60  }
0xae: {  	[dreg:$0x2] =	wrdreg s24  }
0xaf: {  	[dreg:$0x3] =	wrdreg $0x9  }
0xb0: {  	_ =	task.clear_ibuf [dreg:s6], $0x4FFFF;
	_ =	strace $0x90000046  }
0xb1: {  	s29 =	simm.s32 $0x9;
	_ =	strace $0x80000048  }
0xb2: {  	_ =	swait.ge [sflag:s29], $0x1  }
0xb3: {  	[sflag:s29] =	ssyncadd.s32 $0xFFFFFFFF  }
0xb4: {  	_ =	strace $0x90000048  }
0xb5: {  	_ =	sfence  }
0xb6: {  	s30 =	sld [smem:$0x0];
	_ =	sdelay $0x2  }
0xb7: {  	s31 =	sshll.u32 s1, $0xD;
	s1 =	sshrl.u32 s1, $0x2  }
0xb8: {  	s3 =	sand.u32 $0x4000, s31;
	s1 =	sadd.s32 s1, s30  }
0xb9: {  	s0 =	sor.u32 s3, s0;
	s1 =	sshll.u32 s1, $0x11  }
0xba: {  	s0 =	sor.u32 s1, s0  }
0xbb: {  	s0 =	sadd.s32 $0x8F2B, s0  }
0xbc: {  	[sflag:s0] =	ssyncadd.remote.s32 $0x1  }
0xbd: {  	_ =	sfence.sel $0xFFFF  }
0xbe: {  	[dreg:$0x0] =	wrdreg $0xFFFFFFFF;
	(pc) =	sbr.abs _section_cstart, $3  }
0xbf: {  	[dreg:$0x1] =	wrdreg $0xFFFFFFFF  }
0xc0: {  	_ =	task.clear_ibuf [dreg:s6], $0x2FFFF;
	_ =	strace $0x9FFFFFFF  }
0xc1: {  	(tm) =	ssettm $0x7FFFFFFF  }
tec
execute0_lowered:
.L_overlay_start_1:
0x0: {  	(tag) =	ssettag $0x1  }
0x1: {  	s4 =	rddreg [dreg:$0x0]  }
0x2: {  	s0 =	rddreg [dreg:$0x1];
	s2 =	simm.s32 $0x0;
	s1 =	stileid.u32  }
0x3: {  	s3 =	srdreg.scid;
	s10 =	simm.s32 $0x0;
	s6 =	smul.u32 $0x4E20, s1  }
0x4: {  	[smem:$0x7FF] =	sst s2;
	s5 =	sand.u32 $0x1, s3;
	s8 =	smul.u32 $0x9C400, s1  }
0x5: {  	s3 =	sadd.s32 $0xA4600, s4;
	s7 =	smul.u32 $0x2710, s5;
	s9 =	ssub.s32 $0x2, s5  }
0x6: {  	_ =	strace $0x80000047;
	s5 =	smul.u32 $0x4E200, s5;
	s31 =	sshrl.u32 s9, $0x1  }
0x7: {  	s8 =	sadd.s32 s8, s4;
	s6 =	sadd.s32 s7, s6;
	s7 =	ssub.s32 s9, s31  }
0x8: {  	s5 =	sadd.s32 s5, s8;
	s8 =	simm.s32 $0x190;
	s6 =	sshrl.u32 s6, $0x3  }
0x9: {  	s9 =	simm.s32 $0x1;
	s5 =	sadd.s32 $0xF2800, s5;
	s6 =	sadd.s32 s6, s4  }
0xa: {  	s4 =	smax.u32 s7, $0x1;
	s7 =	simm.s32 $0x2;
	s6 =	sadd.s32 $0x12000, s6  }
.LBB2_1:
0xb: {  	s11 =	sadd.s32 $0x0, s6  }
0xc: {  	[tilespmem:s2], [sflag:$0x2] =	stream.linear.gather [hbm4b:s11+s2], $0x190, $0x38;
	[tilespmem:$0x19190] =	vst v63  }
0xd: {  	_ =	swait.ge [sflag:s7], $0x190  }
0xe: {  	[sflag:s7] =	ssyncset.done $0x0  }
0xf: {  	[sflag:s7] =	ssyncadd.s32 $0xFFFFFE70  }
0x10: {  	[tilespmem:s8], [sflag:$0x1] =	stream.indirect.gather [hbm4b:s3+s8], $0x100, s2, s8, $0xb8;
	[tilespmem:$0x19190] =	vst v63  }
0x11: {  	_ =	swait.ge [sflag:s9], $0x19000  }
0x12: {  	[sflag:s9] =	ssyncset.done $0x0  }
0x13: {  	[sflag:s9] =	ssyncadd.s32 $0xFFFE7000  }
0x14: {  	[hbm4b:s5+s2] =	stream.linear.scatter [tilespmem:s8], [sflag:$0x2], $0x19000, $0x38;
	[tilespmem:$0x19190] =	vst v63  }
0x15: {  	s12 =	simm.s32 $0x32;
	_ =	swait.ge [sflag:s7], $0x19000  }
0x16: {  	s13 =	simm.s32 $0x64;
	s11 =	sadd.s32 $0x3200, s5;
	[sflag:s7] =	ssyncset.done $0x0  }
.LBB2_2:
0x17: {  	s14 =	sadd.s32 s12, s6  }
0x18: {  	[sflag:s7] =	ssyncadd.s32 $0xFFFE7000;
	s12 =	smov.u32 s13;
	s15 =	sadd.s32 $0x32, s13  }
0x19: {  	[tilespmem:s2], [sflag:$0x2] =	stream.linear.gather [hbm4b:s14+s2], $0x190, $0x38;
	[tilespmem:$0x19190] =	vst v63  }
0x1a: {  	p0 =	sne.s32 s13, $0x4B0;
	_ =	swait.ge [sflag:s7], $0x190  }
0x1b: {  	[sflag:s7] =	ssyncset.done $0x0  }
0x1c: {  	[sflag:s7] =	ssyncadd.s32 $0xFFFFFE70  }
0x1d: {  	[tilespmem:s8], [sflag:$0x1] =	stream.indirect.gather [hbm4b:s3+s8], $0x100, s2, s8, $0xb8;
	[tilespmem:$0x19190] =	vst v63  }
0x1e: {  	_ =	swait.ge [sflag:s9], $0x19000  }
.Ltmp0:
0x1f: {  	[sflag:s9] =	ssyncset.done $0x0;
	(pc) =	sbr.rel @p0 .LBB2_2-.Ltmp0, $4  }
0x20: {  	[sflag:s9] =	ssyncadd.s32 $0xFFFE7000  }
0x21: {  	[hbm4b:s11+s2] =	stream.linear.scatter [tilespmem:s8], [sflag:$0x2], $0x19000, $0x38;
	[tilespmem:$0x19190] =	vst v63  }
0x22: {  	_ =	swait.ge [sflag:s7], $0x19000  }
0x23: {  	s13 =	smov.u32 s15;
	s11 =	sadd.s32 $0x3200, s11;
	[sflag:s7] =	ssyncset.done $0x0  }
0x24: {  	s12 =	sadd.s32 s12, s6;
	[sflag:s7] =	ssyncadd.s32 $0xFFFE7000  }
0x25: {  	[tilespmem:s2], [sflag:$0x2] =	stream.linear.gather [hbm4b:s12+s2], $0x190, $0x38;
	[tilespmem:$0x19190] =	vst v63  }
0x26: {  	_ =	swait.ge [sflag:s7], $0x190  }
0x27: {  	[sflag:s7] =	ssyncset.done $0x0  }
0x28: {  	[sflag:s7] =	ssyncadd.s32 $0xFFFFFE70  }
0x29: {  	[tilespmem:s8], [sflag:$0x1] =	stream.indirect.gather [hbm4b:s3+s8], $0x100, s2, s8, $0xb8;
	[tilespmem:$0x19190] =	vst v63  }
0x2a: {  	s10 =	sadd.s32 $0x1, s10;
	_ =	swait.ge [sflag:s9], $0x19000  }
0x2b: {  	p0 =	sne.s32 s10, s4;
	[sflag:s9] =	ssyncset.done $0x0  }
.Ltmp1:
0x2c: {  	[sflag:s9] =	ssyncadd.s32 $0xFFFE7000;
	(pc) =	sbr.rel @p0 .LBB2_1-.Ltmp1, $4  }
0x2d: {  	[hbm4b:s11+s2] =	stream.linear.scatter [tilespmem:s8], [sflag:$0x2], $0x19000, $0x38;
	[tilespmem:$0x19190] =	vst v63  }
0x2e: {  	_ =	swait.ge [sflag:s7], $0x19000  }
0x2f: {  	[sflag:s7] =	ssyncset.done $0x0  }
0x30: {  	[sflag:s7] =	ssyncadd.s32 $0xFFFE7000  }
0x31: {  	_ =	sfence.sel $0x180000  }
0x32: {  	[bflag:$0x0] =	sbarrier.arrive $0xFFFF  }
0x33: {  	p0 =	sne.s32 s1, $0x0;
	_ =	strace $0x90000047  }
0x34: {  	s0 =	sadd.s32 @!p0 $0x100000, s0;
	[bflag:$0x2] =	sbarrier.arrive $0xFFFF  }
0x35: {  	[sflag:s0] =	ssyncadd.tile.s32 @!p0 $0x1;
	_ =	shalt  }
.Lfunc_end2:
_tile_overlayer_lowered:
.L_overlay_start_2:
0x36: {  	(tag) =	ssettag $0x2  }
0x37: {  	s0 =	rddreg [dreg:$0x0];
	s2 =	stileid.u32  }
0x38: {  	s1 =	rddreg [dreg:$0x1];
	p0 =	sne.s32 s2, $0x0  }
0x39: {  	s3 =	rddreg [dreg:$0x2];
	[bflag:$0x3] =	sbarrier.arrive $0xFFFF;
	s2 =	simm.s32 @!p0 $0x1C02  }
0x3a: {  	[timem:s3], [sflag:s2] =	dma.local @!p0 [hbm:s0], s1  }
0x3b: {  	s0 =	simm.s32 @!p0 $0x2  }
0x3c: {  	_ =	swait.ge @!p0 [sflag:s0], s1  }
0x3d: {  	s1 =	ssub.s32 @!p0 $0x0, s1;
	[sflag:s0] =	ssyncset.done @!p0 $0x0  }
0x3e: {  	[sflag:s0] =	ssyncadd.s32 @!p0 s1  }
0x3f: {  	[bflag:$0x3] =	sbarrier.arrive $0xFFFF  }
0x40: {  	_ =	shalt  }

// kernel: kernel.27.cloned.1.call-start
scs
__scs_entry_jumppad:
0x0: {  	(pc) =	sbr.rel $0x88, $3  }
0x1: {  	(tag) =	ssettag $0x0;
	lr =	simm.s32 $0x1  }
0x2: {  	[smem:$0x3F88] =	sst lr;
	_ =	strace $0xD0000000  }
0x3: {  	_ = 	snop  }
0x4: {  	_ = 	snop  }
0x5: {  	_ = 	snop  }
0x6: {  	_ = 	snop  }
0x7: {  	_ = 	snop  }
__scs_overlays_trampoline_lowered:
0x8: {  	[smem:$0x3F97] =	sst s0  }
0x9: {  	[smem:$0x3F98] =	sst s1  }
0xa: {  	[smem:$0x3F99] =	sst s2  }
0xb: {  	[smem:$0x3F9A] =	sst s3  }
0xc: {  	[smem:$0x3F9B] =	sst s4  }
0xd: {  	[smem:$0x3F9C] =	sst s5  }
0xe: {  	[smem:$0x3F9D] =	sst s6  }
0xf: {  	[smem:$0x3F9E] =	sst s7  }
0x10: {  	[smem:$0x3F9F] =	sst s8  }
0x11: {  	[smem:$0x3FA0] =	sst s9;
	s0 =	simm.s32 @!p0 $0x0  }
0x12: {  	s1 =	sld [smem:$0x3F86];
	s0 =	simm.s32 @p0 $0x1  }
0x13: {  	[smem:$0x3FA1] =	sst s0;
	s0 =	simm.s32 @!p1 $0x0  }
0x14: {  	s2 =	sld [smem:$0x3F85];
	s0 =	simm.s32 @p1 $0x1  }
0x15: {  	[smem:$0x3FA2] =	sst s0;
	s0 =	simm.s32 @!p2 $0x0  }
0x16: {  	s3 =	sld [smem:$0x3FDB];
	s0 =	simm.s32 @p2 $0x1  }
0x17: {  	s4 =	simm.s32 $0x1BF5;
	[smem:$0x3FA4] =	sst s0  }
0x18: {  	s0 =	sld [smem:$0x3F87];
	_ =	swait.ge [sflag:s4], $0x0  }
0x19: {  	s7 =	sld [smem:$0x3F88]  }
0x1a: {  	s8 =	sadd.s32 $0xFFFFE003, lr  }
0x1b: {  	s9 =	sadd.s32 $0xFFFFFEF7, lr;
	s5 =	simm.s32 $0xFFFFFFFF;
	p2 =	slt.u32 s8, $0xFFFFF086  }
0x1c: {  	p1 =	slt.u32 s9, $0xF7A;
	s5 =	simm.s32 @!p2 $0x0  }
0x1d: {  	s5 =	simm.s32 @p1 $0x1;
	p0 =	seq.s32 s7, s2  }
0x1e: {  	s7 =	smul.u32 @!p0 $0xF7A, s2;
	p2 =	seq.s32 @!p0 s5, $0x0  }
0x1f: {  	s9 =	smul.u32 $0xF7A, s1;
	s8 =	simm.s32 @!p0 $0x1BF5;
	p2 =	por !p2, p0  }
0x20: {  	[sflag:s8] =	ssyncset.s32 @!p0 $0xFFFFF086;
	s6 =	sadd.s32 @!p0 s3, s7;
	s7 =	simm.s32 @!p0 $0x108  }
0x21: {  	s3 =	sadd.s32 s3, s9;
	s6 =	sadd.s32 @!p0 $0x88, s6;
	s7 =	simm.s32 @p2 $0x1082  }
0x22: {  	[simem:s7], [sflag:s8] =	dma.local @!p0 [hbm:s6], $0xF7A  }
0x23: {  	s9 =	sor.u32 $0xD0000000, s2;
	s6 =	simm.s32 $0x108;
	_ =	swait.ge @!p0 [sflag:s8], $0x0  }
0x24: {  	s3 =	sadd.s32 $0x88, s3;
	s6 =	simm.s32 @!p1 $0x1082;
	[sflag:s4] =	ssyncset.s32 $0xFFFFF086  }
0x25: {  	[simem:s6], [sflag:s4] =	dma.local [hbm:s3], $0xF7A  }
0x26: {  	[smem:$0x3F88] =	sst s1;
	(tag) =	ssettag s2;
	_ =	strace s9  }
0x27: {  	s1 =	sld [smem:$0x3F98]  }
0x28: {  	s2 =	sld [smem:$0x3F99]  }
0x29: {  	s4 =	sld [smem:$0x3F9B]  }
0x2a: {  	p0 =	seq.s32 s5, $0x0;
	s5 =	sld [smem:$0x3F9C]  }
0x2b: {  	s6 =	sld [smem:$0x3F9D]  }
0x2c: {  	s7 =	sld [smem:$0x3F9E]  }
0x2d: {  	s3 =	simm.s32 $0x108;
	s8 =	sld [smem:$0x3F9F]  }
0x2e: {  	s3 =	simm.s32 @!p0 $0x1082;
	s9 =	sld [smem:$0x3FA0]  }
0x2f: {  	lr =	sadd.s32 s0, s3;
	s0 =	sld [smem:$0x3F97]  }
0x30: {  	s3 =	sld [smem:$0x3F9A]  }
0x31: {  	[smem:$0x3FA3] =	sst s10  }
0x32: {  	s10 =	sld [smem:$0x3FA1];
	_ =	sdelay $0x3  }
0x33: {  	p0 =	seq.s32 s10, $0x1;
	s10 =	sld [smem:$0x3FA3];
	_ =	sdelay $0x3  }
0x34: {  	[smem:$0x3FA3] =	sst s10  }
0x35: {  	s10 =	sld [smem:$0x3FA2];
	_ =	sdelay $0x3  }
0x36: {  	p1 =	seq.s32 s10, $0x1;
	s10 =	sld [smem:$0x3FA3];
	_ =	sdelay $0x3  }
0x37: {  	[smem:$0x3FA3] =	sst s10  }
0x38: {  	s10 =	sld [smem:$0x3FA4]  }
0x39: {  	_ = 	snop;
	(pc) =	sbr.ind lr, $3  }
0x3a: {  	_ = 	snop  }
0x3b: {  	_ = 	snop  }
0x3c: {  	p2 =	seq.s32 s10, $0x1;
	s10 =	sld [smem:$0x3FA3]  }
0x3d: {  	_ =	shalt  }
0x3e: {  	_ =	shalt  }
0x3f: {  	_ =	shalt  }
0x40: {  	_ =	shalt  }
0x41: {  	_ =	shalt  }
0x42: {  	_ =	shalt  }
0x43: {  	_ =	shalt  }
0x44: {  	_ =	shalt  }
0x45: {  	_ =	shalt  }
0x46: {  	_ =	shalt  }
0x47: {  	_ =	shalt  }
0x48: {  	_ =	shalt  }
0x49: {  	_ =	shalt  }
0x4a: {  	_ =	shalt  }
0x4b: {  	_ =	shalt  }
0x4c: {  	_ =	shalt  }
0x4d: {  	_ =	shalt  }
0x4e: {  	_ =	shalt  }
0x4f: {  	_ =	shalt  }
0x50: {  	_ =	shalt  }
0x51: {  	_ =	shalt  }
0x52: {  	_ =	shalt  }
0x53: {  	_ =	shalt  }
0x54: {  	_ =	shalt  }
0x55: {  	_ =	shalt  }
0x56: {  	_ =	shalt  }
0x57: {  	_ =	shalt  }
0x58: {  	_ =	shalt  }
0x59: {  	_ =	shalt  }
0x5a: {  	_ =	shalt  }
0x5b: {  	_ =	shalt  }
0x5c: {  	_ =	shalt  }
0x5d: {  	_ =	shalt  }
0x5e: {  	_ =	shalt  }
0x5f: {  	_ =	shalt  }
0x60: {  	_ =	shalt  }
0x61: {  	_ =	shalt  }
0x62: {  	_ =	shalt  }
0x63: {  	_ =	shalt  }
0x64: {  	_ =	shalt  }
0x65: {  	_ =	shalt  }
0x66: {  	_ =	shalt  }
0x67: {  	_ =	shalt  }
0x68: {  	_ =	shalt  }
0x69: {  	_ =	shalt  }
0x6a: {  	_ =	shalt  }
0x6b: {  	_ =	shalt  }
0x6c: {  	_ =	shalt  }
0x6d: {  	_ =	shalt  }
0x6e: {  	_ =	shalt  }
0x6f: {  	_ =	shalt  }
0x70: {  	_ =	shalt  }
0x71: {  	_ =	shalt  }
0x72: {  	_ =	shalt  }
0x73: {  	_ =	shalt  }
0x74: {  	_ =	shalt  }
0x75: {  	_ =	shalt  }
0x76: {  	_ =	shalt  }
0x77: {  	_ =	shalt  }
0x78: {  	_ =	shalt  }
0x79: {  	_ =	shalt  }
0x7a: {  	_ =	shalt  }
0x7b: {  	_ =	shalt  }
0x7c: {  	_ =	shalt  }
0x7d: {  	_ =	shalt  }
0x7e: {  	_ =	shalt  }
0x7f: {  	_ =	shalt  }
0x80: {  	_ =	shalt  }
0x81: {  	_ =	shalt  }
0x82: {  	_ =	shalt  }
0x83: {  	_ =	shalt  }
0x84: {  	_ =	shalt  }
0x85: {  	_ =	shalt  }
0x86: {  	_ =	shalt  }
0x87: {  	_ =	shalt  }
.Lfunc_end0:
.L_simem_size_0:
called_computation.2_lowered:
.L_overlay_start_0:
0x88: {  	s2 =	sld [smem:$0x3FD9]  }
0x89: {  	s3 =	sld [smem:$0x3FFE];
	_ =	sdelay $0x1  }
0x8a: {  	s1 =	srdreg.scid  }
0x8b: {  	s0 =	sand.u32 $0x1, s1  }
0x8c: {  	s17 =	sshll.u32 s0, $0xA;
	s2 =	sadd.s32 s3, s2  }
0x8d: {  	s2 =	sadd.s32 s2, s17  }
0x8e: {  	[smem:$0x3FAF] =	sst s2  }
0x8f: {  	_ = 	snop  }
0x90: {  	s2 =	sld [smem:$0x3FD0];
	(tm) =	ssettm $0x1  }
0x91: {  	s18 =	sld [smem:$0x3FFB];
	_ =	sdelay $0x3  }
0x92: {  	_ =	strace s18  }
0x93: {  	s3 =	sld [smem:$0x3FFC];
	_ =	sdelay $0x3  }
0x94: {  	_ =	strace s3  }
0x95: {  	s3 =	sld [smem:$0x3FFD];
	_ =	sdelay $0x3  }
0x96: {  	_ =	strace s3  }
0x97: {  	_ =	strace $0x8FFFFFFF  }
0x98: {  	s19 =	sld [smem:$0x3FDB];
	_ =	sdelay $0x1  }
0x99: {  	s4 =	simm.s32 $_scs_section_size  }
0x9a: {  	s5 =	simm.s32 $_size__tile_overlayer_lowered;
	s6 =	simm.s32 $_tile_overlayer_lowered  }
0x9b: {  	s22 =	simm.s32 $0x1BFF;
	s21 =	sshll.u32 s6, $0x1;
	s3 =	sadd.s32 s4, s19  }
0x9c: {  	s7 =	simm.s32 $0x0;
	s20 =	sshll.u32 s5, $0x1;
	s5 =	sadd.s32 s21, s3  }
0x9d: {  	[timem:s7], [sflag:s22] =	dma.local [hbm:s5], s20  }
0x9e: {  	_ =	swait.ge [sflag:s22], s20  }
0x9f: {  	s4 =	ssub.s32 $0x0, s20;
	[sflag:s22] =	ssyncset.done $0x0  }
0xa0: {  	[sflag:s22] =	ssyncadd.s32 s4;
	_ =	sdelay $0x1  }
0xa1: {  	s23 =	simm.s32 $0x1B8B  }
0xa2: {  	_ =	swait.ge [sflag:s23], $0x1  }
0xa3: {  	[sflag:s23] =	ssyncset.done $0x0  }
0xa4: {  	s25 =	simm.s32 $0x1B8E;
	s24 =	sld [smem:$0x3FFE];
	[sflag:s23] =	ssyncadd.s32 $0xFFFFFFFF  }
0xa5: {  	s26 =	simm.s32 $execute0_lowered;
	[smem:$0x3FD2] =	sst s25  }
0xa6: {  	s5 =	sshll.u32 s26, $0x1;
	_ =	strace $0x80000049;
	[dreg:$0x1] =	wrdreg $0xFFFFFFFF  }
0xa7: {  	s28 =	simm.s32 $_size_execute0_lowered;
	s3 =	sadd.s32 s3, s5;
	[dreg:$0x0] =	wrdreg $0x0  }
0xa8: {  	s5 =	sshll.u32 s28, $0x1;
	[dreg:$0x2] =	wrdreg s3  }
0xa9: {  	[dreg:$0x3] =	wrdreg s5  }
0xaa: {  	[dreg:$0x4] =	wrdreg $0xC0  }
0xab: {  	_ =	task [dreg:s7], $0x5FFFF  }
0xac: {  	[dreg:$0x1] =	wrdreg $0xFFFFFFFF  }
0xad: {  	[dreg:$0x0] =	wrdreg $0x60  }
0xae: {  	[dreg:$0x2] =	wrdreg s2  }
0xaf: {  	[dreg:$0x3] =	wrdreg s24  }
0xb0: {  	[dreg:$0x4] =	wrdreg $0x9  }
0xb1: {  	_ =	task.clear_ibuf [dreg:s7], $0x5FFFF;
	_ =	strace $0x90000049  }
0xb2: {  	s29 =	simm.s32 $0x9;
	_ =	strace $0x8000004B  }
0xb3: {  	_ =	swait.ge [sflag:s29], $0x1  }
0xb4: {  	[sflag:s29] =	ssyncadd.s32 $0xFFFFFFFF  }
0xb5: {  	_ =	strace $0x9000004B  }
0xb6: {  	_ =	sfence  }
0xb7: {  	s30 =	sld [smem:$0x0];
	_ =	sdelay $0x2  }
0xb8: {  	s31 =	sshll.u32 s1, $0xD;
	s1 =	sshrl.u32 s1, $0x2  }
0xb9: {  	s3 =	sand.u32 $0x4000, s31;
	s1 =	sadd.s32 s1, s30  }
0xba: {  	s0 =	sor.u32 s3, s0;
	s1 =	sshll.u32 s1, $0x11  }
0xbb: {  	s0 =	sor.u32 s1, s0  }
0xbc: {  	s0 =	sadd.s32 $0x8F2B, s0  }
0xbd: {  	[sflag:s0] =	ssyncadd.remote.s32 $0x1  }
0xbe: {  	_ =	sfence.sel $0xFFFF  }
0xbf: {  	[dreg:$0x0] =	wrdreg $0xFFFFFFFF;
	(pc) =	sbr.abs _section_cstart, $3  }
0xc0: {  	[dreg:$0x1] =	wrdreg $0xFFFFFFFF  }
0xc1: {  	_ =	task.clear_ibuf [dreg:s7], $0x2FFFF;
	_ =	strace $0x9FFFFFFF  }
0xc2: {  	(tm) =	ssettm $0x7FFFFFFF  }
0xc3: {  	_ =	shalt  }
tec
execute0_lowered:
.L_overlay_start_1:
0x0: {  	(tag) =	ssettag $0x1  }
0x1: {  	s2 =	rddreg [dreg:$0x0];
	s1 =	srdreg.scid  }
0x2: {  	s0 =	stileid.u32;
	s7 =	rddreg [dreg:$0x1]  }
0x3: {  	s3 =	simm.s32 $0x0;
	s11 =	simm.s32 $0x4E20;
	s12 =	simm.s32 $0x4FB0  }
0x4: {  	s13 =	simm.s32 $0x2710;
	s5 =	sand.u32 $0x1, s1;
	s4 =	sshll.u32 s0, $0x1  }
0x5: {  	s14 =	simm.s32 $0x5140;
	s1 =	rddreg [dreg:$0x2];
	s4 =	sor.u32 s5, s4  }
0x6: {  	s15 =	simm.s32 $0x0;
	[smem:$0x7FF] =	sst s3;
	s4 =	smul.u32 $0x2710, s4  }
0x7: {  	s6 =	sadd.s32 $0x8200, s7;
	_ =	strace $0x8000004A;
	s8 =	ssub.s32 $0x2, s5  }
0x8: {  	s5 =	sadd.s32 $0x1CE00, s7;
	s10 =	sshrl.u32 s8, $0x1;
	s9 =	sshrl.u32 s4, $0x3  }
0x9: {  	s10 =	ssub.s32 s8, s10;
	s9 =	sadd.s32 s9, s7;
	s7 =	sadd.s32 $0x27200, s7  }
0xa: {  	v0 =	vimm.f32 $0.0e+00;
	s8 =	sadd.s32 $0x1D400, s9;
	s9 =	smax.u32 s10, $0x1;
	s10 =	simm.s32 $0x1  }
.LBB2_1:
0xb: {  	[tilespmem:s3], [sflag:$0x1] =	stream.linear.gather [hbm4b:s5+s3], $0x2710, $0x38;
	[tilespmem:$0x52D0] =	vst v63  }
0xc: {  	_ =	swait.ge [sflag:s10], $0x2710  }
0xd: {  	[sflag:s10] =	ssyncset.done $0x0  }
0xe: {  	s16 =	simm.s32 $0x40;
	s17 =	simm.s32 $0x0;
	[sflag:s10] =	ssyncadd.s32 $0xFFFFD8F0  }
.LBB2_2:
0xf: {  	p0 =	sne.s32 s16, $0x9C00;
	[tilespmem:s17+$0x2710] =	vst v0;
	s17 =	smov.u32 s16;
	s16 =	sadd.s32 $0x40, s16  }
.Ltmp0:
0x10: {  	(pc) =	sbr.rel @p0 .LBB2_2-.Ltmp0, $2  }
0x11: {  	_ =	sdelay $0x2  }
0x12: {  	s17 =	sshra.s32 s17, $0x2  }
0x13: {  	[tilespmem:s17+$0x2710] =	vst v0;
	s16 =	simm.s32 $0x0;
	s17 =	simm.s32 $0x0  }
.LBB2_4:
0x14: {  	s18 =	smul.u32 $0x190, s17;
	_ =	sdelay $0x1  }
0x15: {  	s18 =	sadd.s32 s4, s18  }
0x16: {  	s18 =	sshrl.u32 s18, $0x3  }
0x17: {  	s19 =	sadd.s32 s6, s18  }
0x18: {  	[tilespmem:s11], [sflag:$0x1] =	stream.linear.gather [hbm4b:s19+s16], $0x190, $0x38;
	[tilespmem:$0x52D0] =	vst v63  }
0x19: {  	_ =	swait.ge [sflag:s10], $0x190  }
0x1a: {  	[sflag:s10] =	ssyncset.done $0x0  }
0x1b: {  	s31 =	sadd.s32 s2, s18;
	[sflag:s10] =	ssyncadd.s32 $0xFFFFFE70  }
0x1c: {  	[tilespmem:s12], [sflag:$0x1] =	stream.linear.gather [hbm4b:s31+s16], $0x190, $0x38;
	[tilespmem:$0x52D0] =	vst v63  }
0x1d: {  	_ =	swait.ge [sflag:s10], $0x190  }
0x1e: {  	[sflag:s10] =	ssyncset.done $0x0  }
0x1f: {  	s19 =	simm.s32 $0x0;
	[sflag:s10] =	ssyncadd.s32 $0xFFFFFE70  }
0x20: {  	s20 =	simm.s32 $0x40;
	v1 =	vld [tilespmem:s19+$0x4E20]  }
.LBB2_5:
0x21: {  	p0 =	sne.s32 s20, $0x600;
	_ =	sdelay $0x6  }
0x22: {  	v2 =	vld.idx.msk [tilespmem:v1+s3+$0x0], $0xffff  }
0x23: {  	v3 =	vld [tilespmem:s19+$0x4FB0];
	_ =	sdelay $0x4  }
0x24: {  	v2 =	vadd.f32 v3, v2;
	_ =	sdelay $0x1  }
0x25: {  	v3 =	vmul.f32 $9.999999770e-03, v2;
	_ =	sdelay $0x1  }
0x26: {  	v2 =	vmax.f32 v2, v3  }
0x27: {  	v2 =	vmul.f32 $1.442695020e+00, v2;
	_ =	sdelay $0x1  }
0x28: {  	(erf) = vpow2.f32 v2;
	_ =	sdelay $0x7  }
.Ltmp1:
0x29: {  	(pc) =	sbr.rel @p0 .LBB2_5-.Ltmp1, $4  }
0x2a: {  	v2 =	vpop (erf)  }
0x2b: {  	[tilespmem:s19+$0x5140] =	vst v2  }
0x2c: {  	s19 =	sshra.s32 s20, $0x2;
	[tilespmem:v1+s13+$0x0] =	vst.idx.add.f32.msk $0xffff, v2  }
0x2d: {  	s20 =	sadd.s32 $0x40, s20;
	v1 =	vld [tilespmem:s19+$0x4E20]  }
0x2e: {  	_ =	sdelay $0x6  }
0x2f: {  	v3 =	vld [tilespmem:s19+$0x4FB0]  }
0x30: {  	v2 =	vld.idx.msk [tilespmem:v1+s3+$0x0], $0xffff;
	_ =	sdelay $0x4  }
0x31: {  	v2 =	vadd.f32 v3, v2;
	_ =	sdelay $0x1  }
0x32: {  	v3 =	vmul.f32 $9.999999770e-03, v2;
	_ =	sdelay $0x1  }
0x33: {  	v2 =	vmax.f32 v2, v3  }
0x34: {  	v2 =	vmul.f32 $1.442695020e+00, v2;
	_ =	sdelay $0x1  }
0x35: {  	(erf) = vpow2.f32 v2;
	_ =	sdelay $0x8  }
0x36: {  	s17 =	sadd.s32 $0x1, s17;
	v2 =	vpop (erf)  }
0x37: {  	p0 =	sne.s32 s17, $0x19;
	[tilespmem:s19+$0x5140] =	vst v2  }
.Ltmp2:
0x38: {  	s18 =	sadd.s32 s7, s18;
	[tilespmem:v1+s13+$0x0] =	vst.idx.add.f32.msk $0xffff, v2;
	(pc) =	sbr.rel @p0 .LBB2_4-.Ltmp2, $4  }
0x39: {  	[hbm4b:s18+s3] =	stream.linear.scatter [tilespmem:s14], [sflag:$0x1], $0x190, $0x38;
	[tilespmem:$0x52D0] =	vst v63  }
0x3a: {  	_ =	swait.ge [sflag:s10], $0x190  }
0x3b: {  	[sflag:s10] =	ssyncset.done $0x0  }
0x3c: {  	[sflag:s10] =	ssyncadd.s32 $0xFFFFFE70  }
0x3d: {  	s15 =	sadd.s32 $0x1, s15  }
0x3e: {  	p0 =	sne.s32 s15, s9  }
.Ltmp3:
0x3f: {  	_ = 	snop;
	(pc) =	sbr.rel @p0 .LBB2_1-.Ltmp3, $4  }
0x40: {  	[hbm4b:s8+s3] =	stream.linear.scatter [tilespmem:s13], [sflag:$0x1], $0x2710, $0x38;
	[tilespmem:$0x52D0] =	vst v63  }
0x41: {  	_ =	swait.ge [sflag:s10], $0x2710  }
0x42: {  	[sflag:s10] =	ssyncset.done $0x0  }
0x43: {  	[sflag:s10] =	ssyncadd.s32 $0xFFFFD8F0  }
0x44: {  	_ =	sfence.sel $0x180000  }
0x45: {  	[bflag:$0x0] =	sbarrier.arrive $0xFFFF  }
0x46: {  	p0 =	sne.s32 s0, $0x0;
	_ =	strace $0x9000004A  }
0x47: {  	s0 =	sadd.s32 @!p0 $0x100000, s1;
	[bflag:$0x2] =	sbarrier.arrive $0xFFFF  }
0x48: {  	[sflag:s0] =	ssyncadd.tile.s32 @!p0 $0x1;
	_ =	shalt  }
.Lfunc_end2:
_tile_overlayer_lowered:
.L_overlay_start_2:
0x49: {  	(tag) =	ssettag $0x2  }
0x4a: {  	s0 =	rddreg [dreg:$0x0];
	s2 =	stileid.u32  }
0x4b: {  	s1 =	rddreg [dreg:$0x1];
	p0 =	sne.s32 s2, $0x0  }
0x4c: {  	s3 =	rddreg [dreg:$0x2];
	[bflag:$0x3] =	sbarrier.arrive $0xFFFF;
	s2 =	simm.s32 @!p0 $0x1C01  }
0x4d: {  	[timem:s3], [sflag:s2] =	dma.local @!p0 [hbm:s0], s1  }
0x4e: {  	s0 =	simm.s32 @!p0 $0x1  }
0x4f: {  	_ =	swait.ge @!p0 [sflag:s0], s1  }
0x50: {  	s1 =	ssub.s32 @!p0 $0x0, s1;
	[sflag:s0] =	ssyncset.done @!p0 $0x0  }
0x51: {  	[sflag:s0] =	ssyncadd.s32 @!p0 s1  }
0x52: {  	[bflag:$0x3] =	sbarrier.arrive $0xFFFF  }
0x53: {  	_ =	shalt  }

// kernel: kernel.30.cloned.1.call-start
scs
__scs_entry_jumppad:
0x0: {  	(pc) =	sbr.rel $0x88, $3  }
0x1: {  	(tag) =	ssettag $0x0;
	lr =	simm.s32 $0x1  }
0x2: {  	[smem:$0x3F88] =	sst lr;
	_ =	strace $0xD0000000  }
0x3: {  	_ = 	snop  }
0x4: {  	_ = 	snop  }
0x5: {  	_ = 	snop  }
0x6: {  	_ = 	snop  }
0x7: {  	_ = 	snop  }
__scs_overlays_trampoline_lowered:
0x8: {  	[smem:$0x3F97] =	sst s0  }
0x9: {  	[smem:$0x3F98] =	sst s1  }
0xa: {  	[smem:$0x3F99] =	sst s2  }
0xb: {  	[smem:$0x3F9A] =	sst s3  }
0xc: {  	[smem:$0x3F9B] =	sst s4  }
0xd: {  	[smem:$0x3F9C] =	sst s5  }
0xe: {  	[smem:$0x3F9D] =	sst s6  }
0xf: {  	[smem:$0x3F9E] =	sst s7  }
0x10: {  	[smem:$0x3F9F] =	sst s8  }
0x11: {  	[smem:$0x3FA0] =	sst s9;
	s0 =	simm.s32 @!p0 $0x0  }
0x12: {  	s1 =	sld [smem:$0x3F86];
	s0 =	simm.s32 @p0 $0x1  }
0x13: {  	[smem:$0x3FA1] =	sst s0;
	s0 =	simm.s32 @!p1 $0x0  }
0x14: {  	s2 =	sld [smem:$0x3F85];
	s0 =	simm.s32 @p1 $0x1  }
0x15: {  	[smem:$0x3FA2] =	sst s0;
	s0 =	simm.s32 @!p2 $0x0  }
0x16: {  	s3 =	sld [smem:$0x3FDB];
	s0 =	simm.s32 @p2 $0x1  }
0x17: {  	s4 =	simm.s32 $0x1BF5;
	[smem:$0x3FA4] =	sst s0  }
0x18: {  	s0 =	sld [smem:$0x3F87];
	_ =	swait.ge [sflag:s4], $0x0  }
0x19: {  	s7 =	sld [smem:$0x3F88]  }
0x1a: {  	s8 =	sadd.s32 $0xFFFFE003, lr  }
0x1b: {  	s9 =	sadd.s32 $0xFFFFFEF7, lr;
	s5 =	simm.s32 $0xFFFFFFFF;
	p2 =	slt.u32 s8, $0xFFFFF086  }
0x1c: {  	p1 =	slt.u32 s9, $0xF7A;
	s5 =	simm.s32 @!p2 $0x0  }
0x1d: {  	s5 =	simm.s32 @p1 $0x1;
	p0 =	seq.s32 s7, s2  }
0x1e: {  	s7 =	smul.u32 @!p0 $0xF7A, s2;
	p2 =	seq.s32 @!p0 s5, $0x0  }
0x1f: {  	s9 =	smul.u32 $0xF7A, s1;
	s8 =	simm.s32 @!p0 $0x1BF5;
	p2 =	por !p2, p0  }
0x20: {  	[sflag:s8] =	ssyncset.s32 @!p0 $0xFFFFF086;
	s6 =	sadd.s32 @!p0 s3, s7;
	s7 =	simm.s32 @!p0 $0x108  }
0x21: {  	s3 =	sadd.s32 s3, s9;
	s6 =	sadd.s32 @!p0 $0x88, s6;
	s7 =	simm.s32 @p2 $0x1082  }
0x22: {  	[simem:s7], [sflag:s8] =	dma.local @!p0 [hbm:s6], $0xF7A  }
0x23: {  	s9 =	sor.u32 $0xD0000000, s2;
	s6 =	simm.s32 $0x108;
	_ =	swait.ge @!p0 [sflag:s8], $0x0  }
0x24: {  	s3 =	sadd.s32 $0x88, s3;
	s6 =	simm.s32 @!p1 $0x1082;
	[sflag:s4] =	ssyncset.s32 $0xFFFFF086  }
0x25: {  	[simem:s6], [sflag:s4] =	dma.local [hbm:s3], $0xF7A  }
0x26: {  	[smem:$0x3F88] =	sst s1;
	(tag) =	ssettag s2;
	_ =	strace s9  }
0x27: {  	s1 =	sld [smem:$0x3F98]  }
0x28: {  	s2 =	sld [smem:$0x3F99]  }
0x29: {  	s4 =	sld [smem:$0x3F9B]  }
0x2a: {  	p0 =	seq.s32 s5, $0x0;
	s5 =	sld [smem:$0x3F9C]  }
0x2b: {  	s6 =	sld [smem:$0x3F9D]  }
0x2c: {  	s7 =	sld [smem:$0x3F9E]  }
0x2d: {  	s3 =	simm.s32 $0x108;
	s8 =	sld [smem:$0x3F9F]  }
0x2e: {  	s3 =	simm.s32 @!p0 $0x1082;
	s9 =	sld [smem:$0x3FA0]  }
0x2f: {  	lr =	sadd.s32 s0, s3;
	s0 =	sld [smem:$0x3F97]  }
0x30: {  	s3 =	sld [smem:$0x3F9A]  }
0x31: {  	[smem:$0x3FA3] =	sst s10  }
0x32: {  	s10 =	sld [smem:$0x3FA1];
	_ =	sdelay $0x3  }
0x33: {  	p0 =	seq.s32 s10, $0x1;
	s10 =	sld [smem:$0x3FA3];
	_ =	sdelay $0x3  }
0x34: {  	[smem:$0x3FA3] =	sst s10  }
0x35: {  	s10 =	sld [smem:$0x3FA2];
	_ =	sdelay $0x3  }
0x36: {  	p1 =	seq.s32 s10, $0x1;
	s10 =	sld [smem:$0x3FA3];
	_ =	sdelay $0x3  }
0x37: {  	[smem:$0x3FA3] =	sst s10  }
0x38: {  	s10 =	sld [smem:$0x3FA4]  }
0x39: {  	_ = 	snop;
	(pc) =	sbr.ind lr, $3  }
0x3a: {  	_ = 	snop  }
0x3b: {  	_ = 	snop  }
0x3c: {  	p2 =	seq.s32 s10, $0x1;
	s10 =	sld [smem:$0x3FA3]  }
0x3d: {  	_ =	shalt  }
0x3e: {  	_ =	shalt  }
0x3f: {  	_ =	shalt  }
0x40: {  	_ =	shalt  }
0x41: {  	_ =	shalt  }
0x42: {  	_ =	shalt  }
0x43: {  	_ =	shalt  }
0x44: {  	_ =	shalt  }
0x45: {  	_ =	shalt  }
0x46: {  	_ =	shalt  }
0x47: {  	_ =	shalt  }
0x48: {  	_ =	shalt  }
0x49: {  	_ =	shalt  }
0x4a: {  	_ =	shalt  }
0x4b: {  	_ =	shalt  }
0x4c: {  	_ =	shalt  }
0x4d: {  	_ =	shalt  }
0x4e: {  	_ =	shalt  }
0x4f: {  	_ =	shalt  }
0x50: {  	_ =	shalt  }
0x51: {  	_ =	shalt  }
0x52: {  	_ =	shalt  }
0x53: {  	_ =	shalt  }
0x54: {  	_ =	shalt  }
0x55: {  	_ =	shalt  }
0x56: {  	_ =	shalt  }
0x57: {  	_ =	shalt  }
0x58: {  	_ =	shalt  }
0x59: {  	_ =	shalt  }
0x5a: {  	_ =	shalt  }
0x5b: {  	_ =	shalt  }
0x5c: {  	_ =	shalt  }
0x5d: {  	_ =	shalt  }
0x5e: {  	_ =	shalt  }
0x5f: {  	_ =	shalt  }
0x60: {  	_ =	shalt  }
0x61: {  	_ =	shalt  }
0x62: {  	_ =	shalt  }
0x63: {  	_ =	shalt  }
0x64: {  	_ =	shalt  }
0x65: {  	_ =	shalt  }
0x66: {  	_ =	shalt  }
0x67: {  	_ =	shalt  }
0x68: {  	_ =	shalt  }
0x69: {  	_ =	shalt  }
0x6a: {  	_ =	shalt  }
0x6b: {  	_ =	shalt  }
0x6c: {  	_ =	shalt  }
0x6d: {  	_ =	shalt  }
0x6e: {  	_ =	shalt  }
0x6f: {  	_ =	shalt  }
0x70: {  	_ =	shalt  }
0x71: {  	_ =	shalt  }
0x72: {  	_ =	shalt  }
0x73: {  	_ =	shalt  }
0x74: {  	_ =	shalt  }
0x75: {  	_ =	shalt  }
0x76: {  	_ =	shalt  }
0x77: {  	_ =	shalt  }
0x78: {  	_ =	shalt  }
0x79: {  	_ =	shalt  }
0x7a: {  	_ =	shalt  }
0x7b: {  	_ =	shalt  }
0x7c: {  	_ =	shalt  }
0x7d: {  	_ =	shalt  }
0x7e: {  	_ =	shalt  }
0x7f: {  	_ =	shalt  }
0x80: {  	_ =	shalt  }
0x81: {  	_ =	shalt  }
0x82: {  	_ =	shalt  }
0x83: {  	_ =	shalt  }
0x84: {  	_ =	shalt  }
0x85: {  	_ =	shalt  }
0x86: {  	_ =	shalt  }
0x87: {  	_ =	shalt  }
.Lfunc_end0:
.L_simem_size_0:
called_computation.3_lowered:
.L_overlay_start_0:
0x88: {  	s2 =	sld [smem:$0x3FD9]  }
0x89: {  	s3 =	sld [smem:$0x3FFE];
	_ =	sdelay $0x1  }
0x8a: {  	s1 =	srdreg.scid  }
0x8b: {  	s0 =	sand.u32 $0x1, s1  }
0x8c: {  	s17 =	sshll.u32 s0, $0xA;
	s2 =	sadd.s32 s3, s2  }
0x8d: {  	s2 =	sadd.s32 s2, s17  }
0x8e: {  	[smem:$0x3FAF] =	sst s2  }
0x8f: {  	_ = 	snop  }
0x90: {  	s2 =	sld [smem:$0x3FD0];
	(tm) =	ssettm $0x1  }
0x91: {  	s18 =	sld [smem:$0x3FFB];
	_ =	sdelay $0x3  }
0x92: {  	_ =	strace s18  }
0x93: {  	s3 =	sld [smem:$0x3FFC];
	_ =	sdelay $0x3  }
0x94: {  	_ =	strace s3  }
0x95: {  	s3 =	sld [smem:$0x3FFD];
	_ =	sdelay $0x3  }
0x96: {  	_ =	strace s3  }
0x97: {  	_ =	strace $0x8FFFFFFF  }
0x98: {  	s19 =	sld [smem:$0x3FDB];
	_ =	sdelay $0x1  }
0x99: {  	s4 =	simm.s32 $_scs_section_size  }
0x9a: {  	s5 =	simm.s32 $_size__tile_overlayer_lowered;
	s6 =	simm.s32 $_tile_overlayer_lowered  }
0x9b: {  	s22 =	simm.s32 $0x1BFF;
	s21 =	sshll.u32 s6, $0x1;
	s3 =	sadd.s32 s4, s19  }
0x9c: {  	s7 =	simm.s32 $0x0;
	s20 =	sshll.u32 s5, $0x1;
	s5 =	sadd.s32 s21, s3  }
0x9d: {  	[timem:s7], [sflag:s22] =	dma.local [hbm:s5], s20  }
0x9e: {  	_ =	swait.ge [sflag:s22], s20  }
0x9f: {  	s4 =	ssub.s32 $0x0, s20;
	[sflag:s22] =	ssyncset.done $0x0  }
0xa0: {  	[sflag:s22] =	ssyncadd.s32 s4;
	_ =	sdelay $0x1  }
0xa1: {  	s23 =	simm.s32 $0x1B8B  }
0xa2: {  	_ =	swait.ge [sflag:s23], $0x1  }
0xa3: {  	[sflag:s23] =	ssyncset.done $0x0  }
0xa4: {  	s25 =	simm.s32 $0x1B8E;
	s24 =	sld [smem:$0x3FFE];
	[sflag:s23] =	ssyncadd.s32 $0xFFFFFFFF  }
0xa5: {  	s26 =	simm.s32 $execute0_lowered;
	[smem:$0x3FD2] =	sst s25  }
0xa6: {  	s5 =	sshll.u32 s26, $0x1;
	_ =	strace $0x8000004C;
	[dreg:$0x1] =	wrdreg $0xFFFFFFFF  }
0xa7: {  	s28 =	simm.s32 $_size_execute0_lowered;
	s3 =	sadd.s32 s3, s5;
	[dreg:$0x0] =	wrdreg $0x0  }
0xa8: {  	s5 =	sshll.u32 s28, $0x1;
	[dreg:$0x2] =	wrdreg s3  }
0xa9: {  	[dreg:$0x3] =	wrdreg s5  }
0xaa: {  	[dreg:$0x4] =	wrdreg $0xC0  }
0xab: {  	_ =	task [dreg:s7], $0x5FFFF  }
0xac: {  	[dreg:$0x1] =	wrdreg $0xFFFFFFFF  }
0xad: {  	[dreg:$0x0] =	wrdreg $0x60  }
0xae: {  	[dreg:$0x2] =	wrdreg s24  }
0xaf: {  	[dreg:$0x3] =	wrdreg s2  }
0xb0: {  	[dreg:$0x4] =	wrdreg $0x9  }
0xb1: {  	_ =	task.clear_ibuf [dreg:s7], $0x5FFFF;
	_ =	strace $0x9000004C  }
0xb2: {  	s29 =	simm.s32 $0x9;
	_ =	strace $0x8000004E  }
0xb3: {  	_ =	swait.ge [sflag:s29], $0x1  }
0xb4: {  	[sflag:s29] =	ssyncadd.s32 $0xFFFFFFFF  }
0xb5: {  	_ =	strace $0x9000004E  }
0xb6: {  	_ =	sfence  }
0xb7: {  	s30 =	sld [smem:$0x0];
	_ =	sdelay $0x2  }
0xb8: {  	s31 =	sshll.u32 s1, $0xD;
	s1 =	sshrl.u32 s1, $0x2  }
0xb9: {  	s3 =	sand.u32 $0x4000, s31;
	s1 =	sadd.s32 s1, s30  }
0xba: {  	s0 =	sor.u32 s3, s0;
	s1 =	sshll.u32 s1, $0x11  }
0xbb: {  	s0 =	sor.u32 s1, s0  }
0xbc: {  	s0 =	sadd.s32 $0x8F2B, s0  }
0xbd: {  	[sflag:s0] =	ssyncadd.remote.s32 $0x1  }
0xbe: {  	_ =	sfence.sel $0xFFFF  }
0xbf: {  	[dreg:$0x0] =	wrdreg $0xFFFFFFFF;
	(pc) =	sbr.abs _section_cstart, $3  }
0xc0: {  	[dreg:$0x1] =	wrdreg $0xFFFFFFFF  }
0xc1: {  	_ =	task.clear_ibuf [dreg:s7], $0x2FFFF;
	_ =	strace $0x9FFFFFFF  }
0xc2: {  	(tm) =	ssettm $0x7FFFFFFF  }
0xc3: {  	_ =	shalt  }
tec
execute0_lowered:
.L_overlay_start_1:
0x0: {  	(tag) =	ssettag $0x1  }
0x1: {  	s6 =	rddreg [dreg:$0x0]  }
0x2: {  	s1 =	rddreg [dreg:$0x1]  }
0x3: {  	s0 =	rddreg [dreg:$0x2]  }
0x4: {  	s3 =	simm.s32 $0x0;
	s4 =	srdreg.scid;
	s2 =	stileid.u32  }
0x5: {  	s11 =	simm.s32 $0x28A0;
	s12 =	simm.s32 $0x2A30;
	s13 =	simm.s32 $0x0  }
0x6: {  	[smem:$0x7FF] =	sst s3;
	s7 =	sand.u32 $0x1, s4;
	s4 =	sadd.s32 $0x27200, s6  }
0x7: {  	s9 =	sshll.u32 s2, $0x1;
	s5 =	sadd.s32 $0x1C400, s6;
	s8 =	ssub.s32 $0x2, s7  }
0x8: {  	s6 =	sadd.s32 $0x8200, s6;
	_ =	strace $0x8000004D;
	s10 =	sshrl.u32 s8, $0x1  }
0x9: {  	s7 =	sor.u32 s7, s9;
	s9 =	simm.s32 $0x1;
	s8 =	ssub.s32 s8, s10  }
0xa: {  	s7 =	smul.u32 $0x2710, s7;
	s10 =	simm.s32 $0x2710;
	s8 =	smax.u32 s8, $0x1  }
.LBB2_1:
0xb: {  	[tilespmem:s3], [sflag:$0x1] =	stream.linear.gather [hbm4b:s5+s3], $0x2710, $0x38;
	[tilespmem:$0x2BC0] =	vst v63  }
0xc: {  	_ =	swait.ge [sflag:s9], $0x2710  }
0xd: {  	[sflag:s9] =	ssyncset.done $0x0  }
0xe: {  	s14 =	simm.s32 $0x0;
	[sflag:s9] =	ssyncadd.s32 $0xFFFFD8F0  }
.LBB2_2:
0xf: {  	s15 =	smul.u32 $0x190, s14;
	_ =	sdelay $0x1  }
0x10: {  	s15 =	sadd.s32 s7, s15  }
0x11: {  	s15 =	sshrl.u32 s15, $0x3  }
0x12: {  	s17 =	simm.s32 $0x0;
	s16 =	sadd.s32 s6, s15  }
0x13: {  	[tilespmem:s10], [sflag:$0x1] =	stream.linear.gather [hbm4b:s16+s17], $0x190, $0x38;
	[tilespmem:$0x2BC0] =	vst v63  }
0x14: {  	_ =	swait.ge [sflag:s9], $0x190  }
0x15: {  	[sflag:s9] =	ssyncset.done $0x0  }
0x16: {  	s31 =	sadd.s32 s4, s15;
	[sflag:s9] =	ssyncadd.s32 $0xFFFFFE70  }
0x17: {  	[tilespmem:s11], [sflag:$0x1] =	stream.linear.gather [hbm4b:s31+s17], $0x190, $0x38;
	[tilespmem:$0x2BC0] =	vst v63  }
0x18: {  	_ =	swait.ge [sflag:s9], $0x190  }
0x19: {  	[sflag:s9] =	ssyncset.done $0x0  }
0x1a: {  	s16 =	simm.s32 $0x0;
	[sflag:s9] =	ssyncadd.s32 $0xFFFFFE70  }
0x1b: {  	v1 =	vld [tilespmem:s16+$0x2710];
	_ =	sdelay $0x6  }
0x1c: {  	v0 =	vld [tilespmem:s16+$0x28A0]  }
0x1d: {  	s18 =	simm.s32 $0x80;
	s17 =	simm.s32 $0x10;
	v1 =	vld.idx.msk [tilespmem:v1+s3+$0x0], $0xffff  }
.LBB2_3:
0x1e: {  	p0 =	sne.s32 s18, $0x600;
	v2 =	vld [tilespmem:s17+$0x2710];
	_ =	sdelay $0x3  }
.Ltmp0:
0x1f: {  	(pc) =	sbr.rel @p0 .LBB2_3-.Ltmp0, $3  }
0x20: {  	v1 =	vmul.f32 v0, v1;
	_ =	sdelay $0x1  }
0x21: {  	v0 =	vld [tilespmem:s17+$0x28A0];
	[tilespmem:s16+$0x2A30] =	vst v1;
	s16 =	smov.u32 s17  }
0x22: {  	s17 =	sshra.s32 s18, $0x2;
	s18 =	sadd.s32 $0x40, s18;
	v1 =	vld.idx.msk [tilespmem:v2+s3+$0x0], $0xffff  }
0x23: {  	v2 =	vld [tilespmem:s17+$0x2710];
	_ =	sdelay $0x4  }
0x24: {  	v0 =	vmul.f32 v0, v1;
	_ =	sdelay $0x1  }
0x25: {  	v63 =	vld [tilespmem:s17+$0x28A0];
	[tilespmem:s16+$0x2A30] =	vst v0  }
0x26: {  	v0 =	vld.idx.msk [tilespmem:v2+s3+$0x0], $0xffff;
	_ =	sdelay $0x4  }
0x27: {  	s14 =	sadd.s32 $0x1, s14;
	v0 =	vmul.f32 v63, v0  }
0x28: {  	p0 =	sne.s32 s14, $0x19  }
.Ltmp1:
0x29: {  	s15 =	sadd.s32 s1, s15;
	[tilespmem:s17+$0x2A30] =	vst v0;
	(pc) =	sbr.rel @p0 .LBB2_2-.Ltmp1, $4  }
0x2a: {  	[hbm4b:s15+s3] =	stream.linear.scatter [tilespmem:s12], [sflag:$0x1], $0x190, $0x38;
	[tilespmem:$0x2BC0] =	vst v63  }
0x2b: {  	_ =	swait.ge [sflag:s9], $0x190  }
0x2c: {  	[sflag:s9] =	ssyncset.done $0x0  }
0x2d: {  	[sflag:s9] =	ssyncadd.s32 $0xFFFFFE70  }
0x2e: {  	s13 =	sadd.s32 $0x1, s13  }
0x2f: {  	p0 =	sne.s32 s13, s8  }
.Ltmp2:
0x30: {  	_ = 	snop;
	(pc) =	sbr.rel @p0 .LBB2_1-.Ltmp2, $1  }
0x31: {  	_ =	sdelay $0x3  }
0x32: {  	_ =	sfence.sel $0x180000  }
0x33: {  	[bflag:$0x0] =	sbarrier.arrive $0xFFFF  }
0x34: {  	p0 =	sne.s32 s2, $0x0;
	_ =	strace $0x9000004D  }
0x35: {  	s0 =	sadd.s32 @!p0 $0x100000, s0;
	[bflag:$0x2] =	sbarrier.arrive $0xFFFF  }
0x36: {  	[sflag:s0] =	ssyncadd.tile.s32 @!p0 $0x1;
	_ =	shalt  }
.Lfunc_end2:
_tile_overlayer_lowered:
.L_overlay_start_2:
0x37: {  	(tag) =	ssettag $0x2  }
0x38: {  	s0 =	rddreg [dreg:$0x0];
	s2 =	stileid.u32  }
0x39: {  	s1 =	rddreg [dreg:$0x1];
	p0 =	sne.s32 s2, $0x0  }
0x3a: {  	s3 =	rddreg [dreg:$0x2];
	[bflag:$0x3] =	sbarrier.arrive $0xFFFF;
	s2 =	simm.s32 @!p0 $0x1C01  }
0x3b: {  	[timem:s3], [sflag:s2] =	dma.local @!p0 [hbm:s0], s1  }
0x3c: {  	s0 =	simm.s32 @!p0 $0x1  }
0x3d: {  	_ =	swait.ge @!p0 [sflag:s0], s1  }
0x3e: {  	s1 =	ssub.s32 @!p0 $0x0, s1;
	[sflag:s0] =	ssyncset.done @!p0 $0x0  }
0x3f: {  	[sflag:s0] =	ssyncadd.s32 @!p0 s1  }
0x40: {  	[bflag:$0x3] =	sbarrier.arrive $0xFFFF  }
0x41: {  	_ =	shalt  }

// kernel: kernel.33.cloned.1.call-start
scs
__scs_entry_jumppad:
0x0: {  	(pc) =	sbr.rel $0x88, $3  }
0x1: {  	(tag) =	ssettag $0x0;
	lr =	simm.s32 $0x1  }
0x2: {  	[smem:$0x3F88] =	sst lr;
	_ =	strace $0xD0000000  }
0x3: {  	_ = 	snop  }
0x4: {  	_ = 	snop  }
0x5: {  	_ = 	snop  }
0x6: {  	_ = 	snop  }
0x7: {  	_ = 	snop  }
__scs_overlays_trampoline_lowered:
0x8: {  	[smem:$0x3F97] =	sst s0  }
0x9: {  	[smem:$0x3F98] =	sst s1  }
0xa: {  	[smem:$0x3F99] =	sst s2  }
0xb: {  	[smem:$0x3F9A] =	sst s3  }
0xc: {  	[smem:$0x3F9B] =	sst s4  }
0xd: {  	[smem:$0x3F9C] =	sst s5  }
0xe: {  	[smem:$0x3F9D] =	sst s6  }
0xf: {  	[smem:$0x3F9E] =	sst s7  }
0x10: {  	[smem:$0x3F9F] =	sst s8  }
0x11: {  	[smem:$0x3FA0] =	sst s9;
	s0 =	simm.s32 @!p0 $0x0  }
0x12: {  	s1 =	sld [smem:$0x3F86];
	s0 =	simm.s32 @p0 $0x1  }
0x13: {  	[smem:$0x3FA1] =	sst s0;
	s0 =	simm.s32 @!p1 $0x0  }
0x14: {  	s2 =	sld [smem:$0x3F85];
	s0 =	simm.s32 @p1 $0x1  }
0x15: {  	[smem:$0x3FA2] =	sst s0;
	s0 =	simm.s32 @!p2 $0x0  }
0x16: {  	s3 =	sld [smem:$0x3FDB];
	s0 =	simm.s32 @p2 $0x1  }
0x17: {  	s4 =	simm.s32 $0x1BF5;
	[smem:$0x3FA4] =	sst s0  }
0x18: {  	s0 =	sld [smem:$0x3F87];
	_ =	swait.ge [sflag:s4], $0x0  }
0x19: {  	s7 =	sld [smem:$0x3F88]  }
0x1a: {  	s8 =	sadd.s32 $0xFFFFE003, lr  }
0x1b: {  	s9 =	sadd.s32 $0xFFFFFEF7, lr;
	s5 =	simm.s32 $0xFFFFFFFF;
	p2 =	slt.u32 s8, $0xFFFFF086  }
0x1c: {  	p1 =	slt.u32 s9, $0xF7A;
	s5 =	simm.s32 @!p2 $0x0  }
0x1d: {  	s5 =	simm.s32 @p1 $0x1;
	p0 =	seq.s32 s7, s2  }
0x1e: {  	s7 =	smul.u32 @!p0 $0xF7A, s2;
	p2 =	seq.s32 @!p0 s5, $0x0  }
0x1f: {  	s9 =	smul.u32 $0xF7A, s1;
	s8 =	simm.s32 @!p0 $0x1BF5;
	p2 =	por !p2, p0  }
0x20: {  	[sflag:s8] =	ssyncset.s32 @!p0 $0xFFFFF086;
	s6 =	sadd.s32 @!p0 s3, s7;
	s7 =	simm.s32 @!p0 $0x108  }
0x21: {  	s3 =	sadd.s32 s3, s9;
	s6 =	sadd.s32 @!p0 $0x88, s6;
	s7 =	simm.s32 @p2 $0x1082  }
0x22: {  	[simem:s7], [sflag:s8] =	dma.local @!p0 [hbm:s6], $0xF7A  }
0x23: {  	s9 =	sor.u32 $0xD0000000, s2;
	s6 =	simm.s32 $0x108;
	_ =	swait.ge @!p0 [sflag:s8], $0x0  }
0x24: {  	s3 =	sadd.s32 $0x88, s3;
	s6 =	simm.s32 @!p1 $0x1082;
	[sflag:s4] =	ssyncset.s32 $0xFFFFF086  }
0x25: {  	[simem:s6], [sflag:s4] =	dma.local [hbm:s3], $0xF7A  }
0x26: {  	[smem:$0x3F88] =	sst s1;
	(tag) =	ssettag s2;
	_ =	strace s9  }
0x27: {  	s1 =	sld [smem:$0x3F98]  }
0x28: {  	s2 =	sld [smem:$0x3F99]  }
0x29: {  	s4 =	sld [smem:$0x3F9B]  }
0x2a: {  	p0 =	seq.s32 s5, $0x0;
	s5 =	sld [smem:$0x3F9C]  }
0x2b: {  	s6 =	sld [smem:$0x3F9D]  }
0x2c: {  	s7 =	sld [smem:$0x3F9E]  }
0x2d: {  	s3 =	simm.s32 $0x108;
	s8 =	sld [smem:$0x3F9F]  }
0x2e: {  	s3 =	simm.s32 @!p0 $0x1082;
	s9 =	sld [smem:$0x3FA0]  }
0x2f: {  	lr =	sadd.s32 s0, s3;
	s0 =	sld [smem:$0x3F97]  }
0x30: {  	s3 =	sld [smem:$0x3F9A]  }
0x31: {  	[smem:$0x3FA3] =	sst s10  }
0x32: {  	s10 =	sld [smem:$0x3FA1];
	_ =	sdelay $0x3  }
0x33: {  	p0 =	seq.s32 s10, $0x1;
	s10 =	sld [smem:$0x3FA3];
	_ =	sdelay $0x3  }
0x34: {  	[smem:$0x3FA3] =	sst s10  }
0x35: {  	s10 =	sld [smem:$0x3FA2];
	_ =	sdelay $0x3  }
0x36: {  	p1 =	seq.s32 s10, $0x1;
	s10 =	sld [smem:$0x3FA3];
	_ =	sdelay $0x3  }
0x37: {  	[smem:$0x3FA3] =	sst s10  }
0x38: {  	s10 =	sld [smem:$0x3FA4]  }
0x39: {  	_ = 	snop;
	(pc) =	sbr.ind lr, $3  }
0x3a: {  	_ = 	snop  }
0x3b: {  	_ = 	snop  }
0x3c: {  	p2 =	seq.s32 s10, $0x1;
	s10 =	sld [smem:$0x3FA3]  }
0x3d: {  	_ =	shalt  }
0x3e: {  	_ =	shalt  }
0x3f: {  	_ =	shalt  }
0x40: {  	_ =	shalt  }
0x41: {  	_ =	shalt  }
0x42: {  	_ =	shalt  }
0x43: {  	_ =	shalt  }
0x44: {  	_ =	shalt  }
0x45: {  	_ =	shalt  }
0x46: {  	_ =	shalt  }
0x47: {  	_ =	shalt  }
0x48: {  	_ =	shalt  }
0x49: {  	_ =	shalt  }
0x4a: {  	_ =	shalt  }
0x4b: {  	_ =	shalt  }
0x4c: {  	_ =	shalt  }
0x4d: {  	_ =	shalt  }
0x4e: {  	_ =	shalt  }
0x4f: {  	_ =	shalt  }
0x50: {  	_ =	shalt  }
0x51: {  	_ =	shalt  }
0x52: {  	_ =	shalt  }
0x53: {  	_ =	shalt  }
0x54: {  	_ =	shalt  }
0x55: {  	_ =	shalt  }
0x56: {  	_ =	shalt  }
0x57: {  	_ =	shalt  }
0x58: {  	_ =	shalt  }
0x59: {  	_ =	shalt  }
0x5a: {  	_ =	shalt  }
0x5b: {  	_ =	shalt  }
0x5c: {  	_ =	shalt  }
0x5d: {  	_ =	shalt  }
0x5e: {  	_ =	shalt  }
0x5f: {  	_ =	shalt  }
0x60: {  	_ =	shalt  }
0x61: {  	_ =	shalt  }
0x62: {  	_ =	shalt  }
0x63: {  	_ =	shalt  }
0x64: {  	_ =	shalt  }
0x65: {  	_ =	shalt  }
0x66: {  	_ =	shalt  }
0x67: {  	_ =	shalt  }
0x68: {  	_ =	shalt  }
0x69: {  	_ =	shalt  }
0x6a: {  	_ =	shalt  }
0x6b: {  	_ =	shalt  }
0x6c: {  	_ =	shalt  }
0x6d: {  	_ =	shalt  }
0x6e: {  	_ =	shalt  }
0x6f: {  	_ =	shalt  }
0x70: {  	_ =	shalt  }
0x71: {  	_ =	shalt  }
0x72: {  	_ =	shalt  }
0x73: {  	_ =	shalt  }
0x74: {  	_ =	shalt  }
0x75: {  	_ =	shalt  }
0x76: {  	_ =	shalt  }
0x77: {  	_ =	shalt  }
0x78: {  	_ =	shalt  }
0x79: {  	_ =	shalt  }
0x7a: {  	_ =	shalt  }
0x7b: {  	_ =	shalt  }
0x7c: {  	_ =	shalt  }
0x7d: {  	_ =	shalt  }
0x7e: {  	_ =	shalt  }
0x7f: {  	_ =	shalt  }
0x80: {  	_ =	shalt  }
0x81: {  	_ =	shalt  }
0x82: {  	_ =	shalt  }
0x83: {  	_ =	shalt  }
0x84: {  	_ =	shalt  }
0x85: {  	_ =	shalt  }
0x86: {  	_ =	shalt  }
0x87: {  	_ =	shalt  }
.Lfunc_end0:
.L_simem_size_0:
called_computation.4_lowered:
.L_overlay_start_0:
0x88: {  	s2 =	sld [smem:$0x3FD9]  }
0x89: {  	s3 =	sld [smem:$0x3FFE];
	_ =	sdelay $0x1  }
0x8a: {  	s1 =	srdreg.scid  }
0x8b: {  	s0 =	sand.u32 $0x1, s1  }
0x8c: {  	s17 =	sshll.u32 s0, $0xA;
	s2 =	sadd.s32 s3, s2  }
0x8d: {  	s2 =	sadd.s32 s2, s17  }
0x8e: {  	[smem:$0x3FAF] =	sst s2  }
0x8f: {  	_ = 	snop  }
0x90: {  	(tm) =	ssettm $0x1  }
0x91: {  	s18 =	sld [smem:$0x3FFB];
	_ =	sdelay $0x3  }
0x92: {  	_ =	strace s18  }
0x93: {  	s2 =	sld [smem:$0x3FFC];
	_ =	sdelay $0x3  }
0x94: {  	_ =	strace s2  }
0x95: {  	s2 =	sld [smem:$0x3FFD];
	_ =	sdelay $0x3  }
0x96: {  	_ =	strace s2  }
0x97: {  	_ =	strace $0x8FFFFFFF  }
0x98: {  	s19 =	sld [smem:$0x3FDB];
	_ =	sdelay $0x1  }
0x99: {  	s20 =	simm.s32 $_scs_section_size  }
0x9a: {  	s4 =	simm.s32 $_size__tile_overlayer_lowered;
	s5 =	simm.s32 $_tile_overlayer_lowered  }
0x9b: {  	s6 =	simm.s32 $0x1BFF;
	s21 =	sshll.u32 s5, $0x1;
	s3 =	sadd.s32 s20, s19  }
0x9c: {  	s22 =	simm.s32 $0x0;
	s4 =	sshll.u32 s4, $0x1;
	s5 =	sadd.s32 s21, s3  }
0x9d: {  	[timem:s22], [sflag:s6] =	dma.local [hbm:s5], s4  }
0x9e: {  	_ =	swait.ge [sflag:s6], s4  }
0x9f: {  	s4 =	ssub.s32 $0x0, s4;
	[sflag:s6] =	ssyncset.done $0x0  }
0xa0: {  	[sflag:s6] =	ssyncadd.s32 s4;
	_ =	sdelay $0x1  }
0xa1: {  	s23 =	simm.s32 $0x1B8B  }
0xa2: {  	_ =	swait.ge [sflag:s23], $0x1  }
0xa3: {  	[sflag:s23] =	ssyncset.done $0x0  }
0xa4: {  	[sflag:s23] =	ssyncadd.s32 $0xFFFFFFFF  }
0xa5: {  	s4 =	sld [smem:$0x0]  }
0xa6: {  	s5 =	sand.u32 $0xFFFFFFFE, s1  }
0xa7: {  	p0 =	sne.s32 s1, s5  }
0xa8: {  	s5 =	sshll.u32 @p0 s5, $0xE  }
0xa9: {  	s5 =	sadd.s32 @p0 $0x11B8D, s5;
	s6 =	sshll.u32 @p0 s4, $0x11  }
0xaa: {  	s5 =	sor.u32 @p0 s6, s5  }
0xab: {  	[sflag:s5] =	ssyncadd.remote.s32 @p0 $0x1;
	_ =	sdelay $0x1  }
0xac: {  	s5 =	simm.s32 @p0 $0x1B8D  }
0xad: {  	_ =	swait.eq @p0 [sflag:s5], $0x1  }
0xae: {  	[sflag:s5] =	ssyncadd.s32 @p0 $0xFFFFFFFF  }
0xaf: {  	s6 =	sshll.u32 @!p0 s1, $0xE  }
0xb0: {  	s6 =	sor.u32 @!p0 $0x4000, s6;
	s5 =	simm.s32 @!p0 $0x1B8D  }
0xb1: {  	s4 =	sshll.u32 @!p0 s4, $0x11;
	s6 =	sadd.s32 @!p0 $0x11B8D, s6;
	_ =	swait.eq @!p0 [sflag:s5], $0x1  }
0xb2: {  	s4 =	sor.u32 @!p0 s4, s6;
	[sflag:s5] =	ssyncadd.s32 @!p0 $0xFFFFFFFF  }
0xb3: {  	s25 =	simm.s32 $0x1B8E;
	s24 =	sld [smem:$0x3FFE];
	[sflag:s4] =	ssyncadd.remote.s32 @!p0 $0x1  }
0xb4: {  	s26 =	simm.s32 $execute0_lowered;
	[smem:$0x3FD2] =	sst s25  }
0xb5: {  	s5 =	sshll.u32 s26, $0x1;
	_ =	strace $0x8000005B;
	[dreg:$0x1] =	wrdreg $0xFFFFFFFF  }
0xb6: {  	s28 =	simm.s32 $_size_execute0_lowered;
	s3 =	sadd.s32 s3, s5;
	[dreg:$0x0] =	wrdreg $0x0  }
0xb7: {  	s5 =	sshll.u32 s28, $0x1;
	[dreg:$0x2] =	wrdreg s3  }
0xb8: {  	[dreg:$0x3] =	wrdreg s5  }
0xb9: {  	[dreg:$0x4] =	wrdreg $0xC0  }
0xba: {  	_ =	task [dreg:s22], $0x5FFFF  }
0xbb: {  	[dreg:$0x1] =	wrdreg $0xFFFFFFFF  }
0xbc: {  	[dreg:$0x0] =	wrdreg $0x60  }
0xbd: {  	[dreg:$0x2] =	wrdreg s24  }
0xbe: {  	[dreg:$0x3] =	wrdreg $0x65900  }
0xbf: {  	[dreg:$0x4] =	wrdreg $0x9  }
0xc0: {  	_ =	task.clear_ibuf [dreg:s22], $0x5FFFF;
	_ =	strace $0x9000005B  }
0xc1: {  	s29 =	simm.s32 $0x9;
	_ =	strace $0x8000005D  }
0xc2: {  	_ =	swait.ge [sflag:s29], $0x1  }
0xc3: {  	[sflag:s29] =	ssyncadd.s32 $0xFFFFFFFF  }
0xc4: {  	_ =	strace $0x9000005D  }
0xc5: {  	_ =	sfence  }
0xc6: {  	s30 =	sld [smem:$0x0];
	_ =	sdelay $0x2  }
0xc7: {  	s31 =	sshll.u32 s1, $0xD;
	s1 =	sshrl.u32 s1, $0x2  }
0xc8: {  	s4 =	sand.u32 $0x4000, s31;
	s1 =	sadd.s32 s1, s30  }
0xc9: {  	s0 =	sor.u32 s4, s0;
	s1 =	sshll.u32 s1, $0x11  }
0xca: {  	s0 =	sor.u32 s1, s0  }
0xcb: {  	s0 =	sadd.s32 $0x8F2B, s0  }
0xcc: {  	[sflag:s0] =	ssyncadd.remote.s32 $0x1  }
0xcd: {  	_ =	sfence.sel $0xFFFF  }
0xce: {  	[dreg:$0x0] =	wrdreg $0xFFFFFFFF;
	(pc) =	sbr.abs _section_cstart, $3  }
0xcf: {  	[dreg:$0x1] =	wrdreg $0xFFFFFFFF  }
0xd0: {  	_ =	task.clear_ibuf [dreg:s22], $0x2FFFF;
	_ =	strace $0x9FFFFFFF  }
0xd1: {  	(tm) =	ssettm $0x7FFFFFFF  }
tec
execute0_lowered:
.L_overlay_start_1:
0x0: {  	(tag) =	ssettag $0x1  }
0x1: {  	s4 =	rddreg [dreg:$0x0]  }
0x2: {  	s8 =	stileid.u32;
	s0 =	srdreg.scid  }
0x3: {  	s1 =	rddreg [dreg:$0x1];
	s3 =	smul.u32 $0x9C400, s8  }
0x4: {  	s2 =	simm.s32 $0x0;
	s5 =	sand.u32 $0x1, s0;
	s6 =	smul.u32 $0x4E20, s8  }
0x5: {  	s13 =	simm.s32 $0x0;
	s0 =	rddreg [dreg:$0x2];
	s7 =	smul.u32 $0x2710, s5  }
0x6: {  	[smem:$0x7FF] =	sst s2;
	p0 =	sne.s32 s8, $0x0;
	s28 =	smul.u32 $0x13880, s5  }
0x7: {  	_ =	strace $0x8000005C;
	s29 =	ssub.s32 $0x2, s5;
	s12 =	smul.u32 $0x4E200, s5  }
0x8: {  	s8 =	sshrl.u32 @!p0 s1, $0x3;
	s9 =	sadd.s32 s3, s4;
	s11 =	sshrl.u32 s29, $0x1  }
0x9: {  	s26 =	sadd.s32 s7, s6;
	s30 =	ssub.s32 s29, s11;
	s31 =	sadd.s32 s12, s9  }
0xa: {  	s9 =	simm.s32 $0x1;
	s11 =	simm.s32 $0x100;
	s12 =	simm.s32 $0x190  }
0xb: {  	s3 =	sshrl.u32 s26, $0x3;
	s5 =	smax.u32 s30, $0x1;
	s6 =	sadd.s32 $0xA4600, s31  }
0xc: {  	s10 =	sadd.s32 s3, s4;
	s3 =	sadd.s32 $0x1C400, s4;
	s4 =	sadd.s32 s28, s4  }
0xd: {  	s4 =	sadd.s32 $0xADDC00, s4;
	s7 =	sadd.s32 $0x8200, s10;
	s10 =	simm.s32 $0x40  }
.LBB2_1:
0xe: {  	s14 =	simm.s32 @!p0 $0x1C01  }
0xf: {  	[spmem:s8], [sflag:s14] =	dma.local @!p0 [hbm:s3], $0x13880  }
0x10: {  	s14 =	simm.s32 @!p0 $0x1  }
0x11: {  	_ =	swait.ge @!p0 [sflag:s14], $0x13880  }
0x12: {  	[sflag:s14] =	ssyncset.done @!p0 $0x0  }
0x13: {  	[sflag:s14] =	ssyncadd.s32 @!p0 $0xFFFEC780  }
0x14: {  	s31 =	sadd.s32 $0x0, s7;
	[bflag:$0x0] =	sbarrier.arrive $0xFFFF  }
0x15: {  	[tilespmem:s2], [sflag:$0x1] =	stream.linear.gather [hbm4b:s31+s2], $0x190, $0x38;
	[tilespmem:$0x101D0] =	vst v63  }
0x16: {  	_ =	swait.ge [sflag:s9], $0x190  }
0x17: {  	[sflag:s9] =	ssyncset.done $0x0  }
0x18: {  	[sflag:s9] =	ssyncadd.s32 $0xFFFFFE70  }
0x19: {  	[tilespmem:s12], [sflag:$0x1] =	stream.strided.gather [hbm4b:s6+s10], $0x6400, s11, s10, $0x38;
	[tilespmem:$0x101D0] =	vst v63  }
0x1a: {  	_ =	swait.ge [sflag:s9], $0x6400  }
0x1b: {  	[sflag:s9] =	ssyncset.done $0x0  }
0x1c: {  	[sflag:s9] =	ssyncadd.s32 $0xFFFF9C00  }
0x1d: {  	[spmem:s1] =	stream.indirect.scatter.add.f32 [tilespmem:s12], [sflag:$0x1], $0x40, s2, s12, $0xb8;
	[tilespmem:$0x101D0] =	vst v63  }
0x1e: {  	s15 =	simm.s32 $0x32;
	_ =	swait.ge [sflag:s9], $0x6400  }
0x1f: {  	s16 =	simm.s32 $0x64;
	s14 =	sadd.s32 $0x3200, s6;
	[sflag:s9] =	ssyncset.done $0x0  }
.LBB2_2:
0x20: {  	s17 =	sadd.s32 s15, s7  }
0x21: {  	[sflag:s9] =	ssyncadd.s32 $0xFFFF9C00;
	s15 =	smov.u32 s16;
	s18 =	sadd.s32 $0x32, s16  }
0x22: {  	[tilespmem:s2], [sflag:$0x1] =	stream.linear.gather [hbm4b:s17+s2], $0x190, $0x38;
	[tilespmem:$0x101D0] =	vst v63  }
0x23: {  	p1 =	sne.s32 s16, $0x4B0;
	_ =	swait.ge [sflag:s9], $0x190  }
0x24: {  	[sflag:s9] =	ssyncset.done $0x0  }
0x25: {  	[sflag:s9] =	ssyncadd.s32 $0xFFFFFE70  }
0x26: {  	[tilespmem:s12], [sflag:$0x1] =	stream.strided.gather [hbm4b:s14+s10], $0x6400, s11, s10, $0x38;
	[tilespmem:$0x101D0] =	vst v63  }
0x27: {  	_ =	swait.ge [sflag:s9], $0x6400  }
.Ltmp0:
0x28: {  	[sflag:s9] =	ssyncset.done $0x0;
	(pc) =	sbr.rel @p1 .LBB2_2-.Ltmp0, $4  }
0x29: {  	[sflag:s9] =	ssyncadd.s32 $0xFFFF9C00  }
0x2a: {  	[spmem:s1] =	stream.indirect.scatter.add.f32 [tilespmem:s12], [sflag:$0x1], $0x40, s2, s12, $0xb8;
	[tilespmem:$0x101D0] =	vst v63  }
0x2b: {  	_ =	swait.ge [sflag:s9], $0x6400  }
0x2c: {  	s16 =	smov.u32 s18;
	s14 =	sadd.s32 $0x3200, s14;
	[sflag:s9] =	ssyncset.done $0x0  }
0x2d: {  	s15 =	sadd.s32 s15, s7;
	[sflag:s9] =	ssyncadd.s32 $0xFFFF9C00  }
0x2e: {  	[tilespmem:s2], [sflag:$0x1] =	stream.linear.gather [hbm4b:s15+s2], $0x190, $0x38;
	[tilespmem:$0x101D0] =	vst v63  }
0x2f: {  	_ =	swait.ge [sflag:s9], $0x190  }
0x30: {  	[sflag:s9] =	ssyncset.done $0x0  }
0x31: {  	[sflag:s9] =	ssyncadd.s32 $0xFFFFFE70  }
0x32: {  	[tilespmem:s12], [sflag:$0x1] =	stream.strided.gather [hbm4b:s14+s10], $0x6400, s11, s10, $0x38;
	[tilespmem:$0x101D0] =	vst v63  }
0x33: {  	_ =	swait.ge [sflag:s9], $0x6400  }
0x34: {  	[sflag:s9] =	ssyncset.done $0x0  }
0x35: {  	[sflag:s9] =	ssyncadd.s32 $0xFFFF9C00  }
0x36: {  	[spmem:s1] =	stream.indirect.scatter.add.f32 [tilespmem:s12], [sflag:$0x1], $0x40, s2, s12, $0xb8;
	[tilespmem:$0x101D0] =	vst v63  }
0x37: {  	_ =	swait.ge [sflag:s9], $0x6400  }
0x38: {  	[sflag:s9] =	ssyncset.done $0x0  }
0x39: {  	s13 =	sadd.s32 $0x1, s13;
	[sflag:s9] =	ssyncadd.s32 $0xFFFF9C00  }
0x3a: {  	p1 =	sne.s32 s13, s5;
	s14 =	simm.s32 @!p0 $0x1C01;
	[bflag:$0x0] =	sbarrier.arrive $0xFFFF  }
0x3b: {  	[hbm:s4], [sflag:s14] =	dma.local @!p0 [spmem:s8], $0x13880  }
.Ltmp1:
0x3c: {  	_ = 	snop;
	(pc) =	sbr.rel @p1 .LBB2_1-.Ltmp1, $4  }
0x3d: {  	s14 =	simm.s32 @!p0 $0x1  }
0x3e: {  	_ =	swait.ge @!p0 [sflag:s14], $0x13880  }
0x3f: {  	[sflag:s14] =	ssyncset.done @!p0 $0x0  }
0x40: {  	[sflag:s14] =	ssyncadd.s32 @!p0 $0xFFFEC780  }
0x41: {  	_ =	sfence.sel $0x180000  }
0x42: {  	[bflag:$0x0] =	sbarrier.arrive $0xFFFF  }
0x43: {  	_ =	strace $0x9000005C  }
0x44: {  	s0 =	sadd.s32 @!p0 $0x100000, s0;
	[bflag:$0x2] =	sbarrier.arrive $0xFFFF  }
0x45: {  	[sflag:s0] =	ssyncadd.tile.s32 @!p0 $0x1;
	_ =	shalt  }
.Lfunc_end2:
_tile_overlayer_lowered:
.L_overlay_start_2:
0x46: {  	(tag) =	ssettag $0x2  }
0x47: {  	s0 =	rddreg [dreg:$0x0];
	s2 =	stileid.u32  }
0x48: {  	s1 =	rddreg [dreg:$0x1];
	p0 =	sne.s32 s2, $0x0  }
0x49: {  	s3 =	rddreg [dreg:$0x2];
	[bflag:$0x3] =	sbarrier.arrive $0xFFFF;
	s2 =	simm.s32 @!p0 $0x1C01  }
0x4a: {  	[timem:s3], [sflag:s2] =	dma.local @!p0 [hbm:s0], s1  }
0x4b: {  	s0 =	simm.s32 @!p0 $0x1  }
0x4c: {  	_ =	swait.ge @!p0 [sflag:s0], s1  }
0x4d: {  	s1 =	ssub.s32 @!p0 $0x0, s1;
	[sflag:s0] =	ssyncset.done @!p0 $0x0  }
0x4e: {  	[sflag:s0] =	ssyncadd.s32 @!p0 s1  }
0x4f: {  	[bflag:$0x3] =	sbarrier.arrive $0xFFFF  }
0x50: {  	_ =	shalt  }

// kernel: kernel.36.cloned.1.call-start
scs
__scs_entry_jumppad:
0x0: {  	(pc) =	sbr.rel $0x88, $3  }
0x1: {  	(tag) =	ssettag $0x0;
	lr =	simm.s32 $0x1  }
0x2: {  	[smem:$0x3F88] =	sst lr;
	_ =	strace $0xD0000000  }
0x3: {  	_ = 	snop  }
0x4: {  	_ = 	snop  }
0x5: {  	_ = 	snop  }
0x6: {  	_ = 	snop  }
0x7: {  	_ = 	snop  }
__scs_overlays_trampoline_lowered:
0x8: {  	[smem:$0x3F97] =	sst s0  }
0x9: {  	[smem:$0x3F98] =	sst s1  }
0xa: {  	[smem:$0x3F99] =	sst s2  }
0xb: {  	[smem:$0x3F9A] =	sst s3  }
0xc: {  	[smem:$0x3F9B] =	sst s4  }
0xd: {  	[smem:$0x3F9C] =	sst s5  }
0xe: {  	[smem:$0x3F9D] =	sst s6  }
0xf: {  	[smem:$0x3F9E] =	sst s7  }
0x10: {  	[smem:$0x3F9F] =	sst s8  }
0x11: {  	[smem:$0x3FA0] =	sst s9;
	s0 =	simm.s32 @!p0 $0x0  }
0x12: {  	s1 =	sld [smem:$0x3F86];
	s0 =	simm.s32 @p0 $0x1  }
0x13: {  	[smem:$0x3FA1] =	sst s0;
	s0 =	simm.s32 @!p1 $0x0  }
0x14: {  	s2 =	sld [smem:$0x3F85];
	s0 =	simm.s32 @p1 $0x1  }
0x15: {  	[smem:$0x3FA2] =	sst s0;
	s0 =	simm.s32 @!p2 $0x0  }
0x16: {  	s3 =	sld [smem:$0x3FDB];
	s0 =	simm.s32 @p2 $0x1  }
0x17: {  	s4 =	simm.s32 $0x1BF5;
	[smem:$0x3FA4] =	sst s0  }
0x18: {  	s0 =	sld [smem:$0x3F87];
	_ =	swait.ge [sflag:s4], $0x0  }
0x19: {  	s7 =	sld [smem:$0x3F88]  }
0x1a: {  	s8 =	sadd.s32 $0xFFFFE003, lr  }
0x1b: {  	s9 =	sadd.s32 $0xFFFFFEF7, lr;
	s5 =	simm.s32 $0xFFFFFFFF;
	p2 =	slt.u32 s8, $0xFFFFF086  }
0x1c: {  	p1 =	slt.u32 s9, $0xF7A;
	s5 =	simm.s32 @!p2 $0x0  }
0x1d: {  	s5 =	simm.s32 @p1 $0x1;
	p0 =	seq.s32 s7, s2  }
0x1e: {  	s7 =	smul.u32 @!p0 $0xF7A, s2;
	p2 =	seq.s32 @!p0 s5, $0x0  }
0x1f: {  	s9 =	smul.u32 $0xF7A, s1;
	s8 =	simm.s32 @!p0 $0x1BF5;
	p2 =	por !p2, p0  }
0x20: {  	[sflag:s8] =	ssyncset.s32 @!p0 $0xFFFFF086;
	s6 =	sadd.s32 @!p0 s3, s7;
	s7 =	simm.s32 @!p0 $0x108  }
0x21: {  	s3 =	sadd.s32 s3, s9;
	s6 =	sadd.s32 @!p0 $0x88, s6;
	s7 =	simm.s32 @p2 $0x1082  }
0x22: {  	[simem:s7], [sflag:s8] =	dma.local @!p0 [hbm:s6], $0xF7A  }
0x23: {  	s9 =	sor.u32 $0xD0000000, s2;
	s6 =	simm.s32 $0x108;
	_ =	swait.ge @!p0 [sflag:s8], $0x0  }
0x24: {  	s3 =	sadd.s32 $0x88, s3;
	s6 =	simm.s32 @!p1 $0x1082;
	[sflag:s4] =	ssyncset.s32 $0xFFFFF086  }
0x25: {  	[simem:s6], [sflag:s4] =	dma.local [hbm:s3], $0xF7A  }
0x26: {  	[smem:$0x3F88] =	sst s1;
	(tag) =	ssettag s2;
	_ =	strace s9  }
0x27: {  	s1 =	sld [smem:$0x3F98]  }
0x28: {  	s2 =	sld [smem:$0x3F99]  }
0x29: {  	s4 =	sld [smem:$0x3F9B]  }
0x2a: {  	p0 =	seq.s32 s5, $0x0;
	s5 =	sld [smem:$0x3F9C]  }
0x2b: {  	s6 =	sld [smem:$0x3F9D]  }
0x2c: {  	s7 =	sld [smem:$0x3F9E]  }
0x2d: {  	s3 =	simm.s32 $0x108;
	s8 =	sld [smem:$0x3F9F]  }
0x2e: {  	s3 =	simm.s32 @!p0 $0x1082;
	s9 =	sld [smem:$0x3FA0]  }
0x2f: {  	lr =	sadd.s32 s0, s3;
	s0 =	sld [smem:$0x3F97]  }
0x30: {  	s3 =	sld [smem:$0x3F9A]  }
0x31: {  	[smem:$0x3FA3] =	sst s10  }
0x32: {  	s10 =	sld [smem:$0x3FA1];
	_ =	sdelay $0x3  }
0x33: {  	p0 =	seq.s32 s10, $0x1;
	s10 =	sld [smem:$0x3FA3];
	_ =	sdelay $0x3  }
0x34: {  	[smem:$0x3FA3] =	sst s10  }
0x35: {  	s10 =	sld [smem:$0x3FA2];
	_ =	sdelay $0x3  }
0x36: {  	p1 =	seq.s32 s10, $0x1;
	s10 =	sld [smem:$0x3FA3];
	_ =	sdelay $0x3  }
0x37: {  	[smem:$0x3FA3] =	sst s10  }
0x38: {  	s10 =	sld [smem:$0x3FA4]  }
0x39: {  	_ = 	snop;
	(pc) =	sbr.ind lr, $3  }
0x3a: {  	_ = 	snop  }
0x3b: {  	_ = 	snop  }
0x3c: {  	p2 =	seq.s32 s10, $0x1;
	s10 =	sld [smem:$0x3FA3]  }
0x3d: {  	_ =	shalt  }
0x3e: {  	_ =	shalt  }
0x3f: {  	_ =	shalt  }
0x40: {  	_ =	shalt  }
0x41: {  	_ =	shalt  }
0x42: {  	_ =	shalt  }
0x43: {  	_ =	shalt  }
0x44: {  	_ =	shalt  }
0x45: {  	_ =	shalt  }
0x46: {  	_ =	shalt  }
0x47: {  	_ =	shalt  }
0x48: {  	_ =	shalt  }
0x49: {  	_ =	shalt  }
0x4a: {  	_ =	shalt  }
0x4b: {  	_ =	shalt  }
0x4c: {  	_ =	shalt  }
0x4d: {  	_ =	shalt  }
0x4e: {  	_ =	shalt  }
0x4f: {  	_ =	shalt  }
0x50: {  	_ =	shalt  }
0x51: {  	_ =	shalt  }
0x52: {  	_ =	shalt  }
0x53: {  	_ =	shalt  }
0x54: {  	_ =	shalt  }
0x55: {  	_ =	shalt  }
0x56: {  	_ =	shalt  }
0x57: {  	_ =	shalt  }
0x58: {  	_ =	shalt  }
0x59: {  	_ =	shalt  }
0x5a: {  	_ =	shalt  }
0x5b: {  	_ =	shalt  }
0x5c: {  	_ =	shalt  }
0x5d: {  	_ =	shalt  }
0x5e: {  	_ =	shalt  }
0x5f: {  	_ =	shalt  }
0x60: {  	_ =	shalt  }
0x61: {  	_ =	shalt  }
0x62: {  	_ =	shalt  }
0x63: {  	_ =	shalt  }
0x64: {  	_ =	shalt  }
0x65: {  	_ =	shalt  }
0x66: {  	_ =	shalt  }
0x67: {  	_ =	shalt  }
0x68: {  	_ =	shalt  }
0x69: {  	_ =	shalt  }
0x6a: {  	_ =	shalt  }
0x6b: {  	_ =	shalt  }
0x6c: {  	_ =	shalt  }
0x6d: {  	_ =	shalt  }
0x6e: {  	_ =	shalt  }
0x6f: {  	_ =	shalt  }
0x70: {  	_ =	shalt  }
0x71: {  	_ =	shalt  }
0x72: {  	_ =	shalt  }
0x73: {  	_ =	shalt  }
0x74: {  	_ =	shalt  }
0x75: {  	_ =	shalt  }
0x76: {  	_ =	shalt  }
0x77: {  	_ =	shalt  }
0x78: {  	_ =	shalt  }
0x79: {  	_ =	shalt  }
0x7a: {  	_ =	shalt  }
0x7b: {  	_ =	shalt  }
0x7c: {  	_ =	shalt  }
0x7d: {  	_ =	shalt  }
0x7e: {  	_ =	shalt  }
0x7f: {  	_ =	shalt  }
0x80: {  	_ =	shalt  }
0x81: {  	_ =	shalt  }
0x82: {  	_ =	shalt  }
0x83: {  	_ =	shalt  }
0x84: {  	_ =	shalt  }
0x85: {  	_ =	shalt  }
0x86: {  	_ =	shalt  }
0x87: {  	_ =	shalt  }
.Lfunc_end0:
.L_simem_size_0:
called_computation.5_lowered:
.L_overlay_start_0:
0x88: {  	s2 =	sld [smem:$0x3FD9]  }
0x89: {  	s3 =	sld [smem:$0x3FFE];
	_ =	sdelay $0x1  }
0x8a: {  	s1 =	srdreg.scid  }
0x8b: {  	s0 =	sand.u32 $0x1, s1  }
0x8c: {  	s17 =	sshll.u32 s0, $0xA;
	s2 =	sadd.s32 s3, s2  }
0x8d: {  	s2 =	sadd.s32 s2, s17  }
0x8e: {  	[smem:$0x3FAF] =	sst s2  }
0x8f: {  	_ = 	snop  }
0x90: {  	(tm) =	ssettm $0x1  }
0x91: {  	s18 =	sld [smem:$0x3FFB];
	_ =	sdelay $0x3  }
0x92: {  	_ =	strace s18  }
0x93: {  	s2 =	sld [smem:$0x3FFC];
	_ =	sdelay $0x3  }
0x94: {  	_ =	strace s2  }
0x95: {  	s2 =	sld [smem:$0x3FFD];
	_ =	sdelay $0x3  }
0x96: {  	_ =	strace s2  }
0x97: {  	_ =	strace $0x8FFFFFFF  }
0x98: {  	s19 =	sld [smem:$0x3FDB];
	_ =	sdelay $0x1  }
0x99: {  	s20 =	simm.s32 $_scs_section_size  }
0x9a: {  	s4 =	simm.s32 $_size__tile_overlayer_lowered;
	s5 =	simm.s32 $_tile_overlayer_lowered  }
0x9b: {  	s6 =	simm.s32 $0x1BFF;
	s21 =	sshll.u32 s5, $0x1;
	s3 =	sadd.s32 s20, s19  }
0x9c: {  	s22 =	simm.s32 $0x0;
	s4 =	sshll.u32 s4, $0x1;
	s5 =	sadd.s32 s21, s3  }
0x9d: {  	[timem:s22], [sflag:s6] =	dma.local [hbm:s5], s4  }
0x9e: {  	_ =	swait.ge [sflag:s6], s4  }
0x9f: {  	s4 =	ssub.s32 $0x0, s4;
	[sflag:s6] =	ssyncset.done $0x0  }
0xa0: {  	[sflag:s6] =	ssyncadd.s32 s4;
	_ =	sdelay $0x1  }
0xa1: {  	s23 =	simm.s32 $0x1B8B  }
0xa2: {  	_ =	swait.ge [sflag:s23], $0x1  }
0xa3: {  	[sflag:s23] =	ssyncset.done $0x0  }
0xa4: {  	[sflag:s23] =	ssyncadd.s32 $0xFFFFFFFF  }
0xa5: {  	s4 =	sld [smem:$0x0]  }
0xa6: {  	s5 =	sand.u32 $0xFFFFFFFE, s1  }
0xa7: {  	p0 =	sne.s32 s1, s5  }
0xa8: {  	s5 =	sshll.u32 @p0 s5, $0xE  }
0xa9: {  	s5 =	sadd.s32 @p0 $0x11B8D, s5;
	s6 =	sshll.u32 @p0 s4, $0x11  }
0xaa: {  	s5 =	sor.u32 @p0 s6, s5  }
0xab: {  	[sflag:s5] =	ssyncadd.remote.s32 @p0 $0x1;
	_ =	sdelay $0x1  }
0xac: {  	s5 =	simm.s32 @p0 $0x1B8D  }
0xad: {  	_ =	swait.eq @p0 [sflag:s5], $0x1  }
0xae: {  	[sflag:s5] =	ssyncadd.s32 @p0 $0xFFFFFFFF  }
0xaf: {  	s6 =	sshll.u32 @!p0 s1, $0xE  }
0xb0: {  	s6 =	sor.u32 @!p0 $0x4000, s6;
	s5 =	simm.s32 @!p0 $0x1B8D  }
0xb1: {  	s4 =	sshll.u32 @!p0 s4, $0x11;
	s6 =	sadd.s32 @!p0 $0x11B8D, s6;
	_ =	swait.eq @!p0 [sflag:s5], $0x1  }
0xb2: {  	s4 =	sor.u32 @!p0 s4, s6;
	[sflag:s5] =	ssyncadd.s32 @!p0 $0xFFFFFFFF  }
0xb3: {  	s25 =	simm.s32 $0x1B8E;
	s24 =	sld [smem:$0x3FFE];
	[sflag:s4] =	ssyncadd.remote.s32 @!p0 $0x1  }
0xb4: {  	s26 =	simm.s32 $execute0_lowered;
	[smem:$0x3FD2] =	sst s25  }
0xb5: {  	s5 =	sshll.u32 s26, $0x1;
	_ =	strace $0x80000058;
	[dreg:$0x1] =	wrdreg $0xFFFFFFFF  }
0xb6: {  	s28 =	simm.s32 $_size_execute0_lowered;
	s3 =	sadd.s32 s3, s5;
	[dreg:$0x0] =	wrdreg $0x0  }
0xb7: {  	s5 =	sshll.u32 s28, $0x1;
	[dreg:$0x2] =	wrdreg s3  }
0xb8: {  	[dreg:$0x3] =	wrdreg s5  }
0xb9: {  	[dreg:$0x4] =	wrdreg $0xC0  }
0xba: {  	_ =	task [dreg:s22], $0x5FFFF  }
0xbb: {  	[dreg:$0x1] =	wrdreg $0xFFFFFFFF  }
0xbc: {  	[dreg:$0x0] =	wrdreg $0x60  }
0xbd: {  	[dreg:$0x2] =	wrdreg s24  }
0xbe: {  	[dreg:$0x3] =	wrdreg $0x65900  }
0xbf: {  	[dreg:$0x4] =	wrdreg $0xA  }
0xc0: {  	_ =	task.clear_ibuf [dreg:s22], $0x5FFFF;
	_ =	strace $0x90000058  }
0xc1: {  	s29 =	simm.s32 $0xA;
	_ =	strace $0x8000005A  }
0xc2: {  	_ =	swait.ge [sflag:s29], $0x1  }
0xc3: {  	[sflag:s29] =	ssyncadd.s32 $0xFFFFFFFF  }
0xc4: {  	_ =	strace $0x9000005A  }
0xc5: {  	_ =	sfence  }
0xc6: {  	s30 =	sld [smem:$0x0];
	_ =	sdelay $0x2  }
0xc7: {  	s31 =	sshll.u32 s1, $0xD;
	s1 =	sshrl.u32 s1, $0x2  }
0xc8: {  	s4 =	sand.u32 $0x4000, s31;
	s1 =	sadd.s32 s1, s30  }
0xc9: {  	s0 =	sor.u32 s4, s0;
	s1 =	sshll.u32 s1, $0x11  }
0xca: {  	s0 =	sor.u32 s1, s0  }
0xcb: {  	s0 =	sadd.s32 $0x8F2B, s0  }
0xcc: {  	[sflag:s0] =	ssyncadd.remote.s32 $0x1  }
0xcd: {  	_ =	sfence.sel $0xFFFF  }
0xce: {  	[dreg:$0x0] =	wrdreg $0xFFFFFFFF;
	(pc) =	sbr.abs _section_cstart, $3  }
0xcf: {  	[dreg:$0x1] =	wrdreg $0xFFFFFFFF  }
0xd0: {  	_ =	task.clear_ibuf [dreg:s22], $0x2FFFF;
	_ =	strace $0x9FFFFFFF  }
0xd1: {  	(tm) =	ssettm $0x7FFFFFFF  }
tec
execute0_lowered:
.L_overlay_start_1:
0x0: {  	(tag) =	ssettag $0x1  }
0x1: {  	s4 =	rddreg [dreg:$0x0]  }
0x2: {  	s8 =	stileid.u32;
	s0 =	srdreg.scid  }
0x3: {  	s1 =	rddreg [dreg:$0x1];
	s3 =	smul.u32 $0x9C400, s8  }
0x4: {  	s2 =	simm.s32 $0x0;
	s5 =	sand.u32 $0x1, s0;
	s6 =	smul.u32 $0x4E20, s8  }
0x5: {  	s13 =	simm.s32 $0x0;
	s0 =	rddreg [dreg:$0x2];
	s7 =	smul.u32 $0x2710, s5  }
0x6: {  	[smem:$0x7FF] =	sst s2;
	p0 =	sne.s32 s8, $0x0;
	s28 =	smul.u32 $0x13880, s5  }
0x7: {  	_ =	strace $0x80000059;
	s29 =	ssub.s32 $0x2, s5;
	s12 =	smul.u32 $0x4E200, s5  }
0x8: {  	s8 =	sshrl.u32 @!p0 s1, $0x3;
	s9 =	sadd.s32 s3, s4;
	s11 =	sshrl.u32 s29, $0x1  }
0x9: {  	s26 =	sadd.s32 s7, s6;
	s30 =	ssub.s32 s29, s11;
	s31 =	sadd.s32 s12, s9  }
0xa: {  	s9 =	simm.s32 $0x1;
	s11 =	simm.s32 $0x100;
	s12 =	simm.s32 $0x190  }
0xb: {  	s3 =	sshrl.u32 s26, $0x3;
	s5 =	smax.u32 s30, $0x1;
	s6 =	sadd.s32 $0xA4608, s31  }
0xc: {  	s10 =	sadd.s32 s3, s4;
	s3 =	sadd.s32 $0x1C400, s4;
	s4 =	sadd.s32 s28, s4  }
0xd: {  	s4 =	sadd.s32 $0xAB6A00, s4;
	s7 =	sadd.s32 $0x8200, s10;
	s10 =	simm.s32 $0x40  }
.LBB2_1:
0xe: {  	s14 =	simm.s32 @!p0 $0x1C01  }
0xf: {  	[spmem:s8], [sflag:s14] =	dma.local @!p0 [hbm:s3], $0x13880  }
0x10: {  	s14 =	simm.s32 @!p0 $0x1  }
0x11: {  	_ =	swait.ge @!p0 [sflag:s14], $0x13880  }
0x12: {  	[sflag:s14] =	ssyncset.done @!p0 $0x0  }
0x13: {  	[sflag:s14] =	ssyncadd.s32 @!p0 $0xFFFEC780  }
0x14: {  	s31 =	sadd.s32 $0x0, s7;
	[bflag:$0x0] =	sbarrier.arrive $0xFFFF  }
0x15: {  	[tilespmem:s2], [sflag:$0x1] =	stream.linear.gather [hbm4b:s31+s2], $0x190, $0x38;
	[tilespmem:$0x101D0] =	vst v63  }
0x16: {  	_ =	swait.ge [sflag:s9], $0x190  }
0x17: {  	[sflag:s9] =	ssyncset.done $0x0  }
0x18: {  	[sflag:s9] =	ssyncadd.s32 $0xFFFFFE70  }
0x19: {  	[tilespmem:s12], [sflag:$0x1] =	stream.strided.gather [hbm4b:s6+s10], $0x6400, s11, s10, $0x38;
	[tilespmem:$0x101D0] =	vst v63  }
0x1a: {  	_ =	swait.ge [sflag:s9], $0x6400  }
0x1b: {  	[sflag:s9] =	ssyncset.done $0x0  }
0x1c: {  	[sflag:s9] =	ssyncadd.s32 $0xFFFF9C00  }
0x1d: {  	[spmem:s1] =	stream.indirect.scatter.add.f32 [tilespmem:s12], [sflag:$0x1], $0x40, s2, s12, $0xb8;
	[tilespmem:$0x101D0] =	vst v63  }
0x1e: {  	s15 =	simm.s32 $0x32;
	_ =	swait.ge [sflag:s9], $0x6400  }
0x1f: {  	s16 =	simm.s32 $0x64;
	s14 =	sadd.s32 $0x3200, s6;
	[sflag:s9] =	ssyncset.done $0x0  }
.LBB2_2:
0x20: {  	s17 =	sadd.s32 s15, s7  }
0x21: {  	[sflag:s9] =	ssyncadd.s32 $0xFFFF9C00;
	s15 =	smov.u32 s16;
	s18 =	sadd.s32 $0x32, s16  }
0x22: {  	[tilespmem:s2], [sflag:$0x1] =	stream.linear.gather [hbm4b:s17+s2], $0x190, $0x38;
	[tilespmem:$0x101D0] =	vst v63  }
0x23: {  	p1 =	sne.s32 s16, $0x4B0;
	_ =	swait.ge [sflag:s9], $0x190  }
0x24: {  	[sflag:s9] =	ssyncset.done $0x0  }
0x25: {  	[sflag:s9] =	ssyncadd.s32 $0xFFFFFE70  }
0x26: {  	[tilespmem:s12], [sflag:$0x1] =	stream.strided.gather [hbm4b:s14+s10], $0x6400, s11, s10, $0x38;
	[tilespmem:$0x101D0] =	vst v63  }
0x27: {  	_ =	swait.ge [sflag:s9], $0x6400  }
.Ltmp0:
0x28: {  	[sflag:s9] =	ssyncset.done $0x0;
	(pc) =	sbr.rel @p1 .LBB2_2-.Ltmp0, $4  }
0x29: {  	[sflag:s9] =	ssyncadd.s32 $0xFFFF9C00  }
0x2a: {  	[spmem:s1] =	stream.indirect.scatter.add.f32 [tilespmem:s12], [sflag:$0x1], $0x40, s2, s12, $0xb8;
	[tilespmem:$0x101D0] =	vst v63  }
0x2b: {  	_ =	swait.ge [sflag:s9], $0x6400  }
0x2c: {  	s16 =	smov.u32 s18;
	s14 =	sadd.s32 $0x3200, s14;
	[sflag:s9] =	ssyncset.done $0x0  }
0x2d: {  	s15 =	sadd.s32 s15, s7;
	[sflag:s9] =	ssyncadd.s32 $0xFFFF9C00  }
0x2e: {  	[tilespmem:s2], [sflag:$0x1] =	stream.linear.gather [hbm4b:s15+s2], $0x190, $0x38;
	[tilespmem:$0x101D0] =	vst v63  }
0x2f: {  	_ =	swait.ge [sflag:s9], $0x190  }
0x30: {  	[sflag:s9] =	ssyncset.done $0x0  }
0x31: {  	[sflag:s9] =	ssyncadd.s32 $0xFFFFFE70  }
0x32: {  	[tilespmem:s12], [sflag:$0x1] =	stream.strided.gather [hbm4b:s14+s10], $0x6400, s11, s10, $0x38;
	[tilespmem:$0x101D0] =	vst v63  }
0x33: {  	_ =	swait.ge [sflag:s9], $0x6400  }
0x34: {  	[sflag:s9] =	ssyncset.done $0x0  }
0x35: {  	[sflag:s9] =	ssyncadd.s32 $0xFFFF9C00  }
0x36: {  	[spmem:s1] =	stream.indirect.scatter.add.f32 [tilespmem:s12], [sflag:$0x1], $0x40, s2, s12, $0xb8;
	[tilespmem:$0x101D0] =	vst v63  }
0x37: {  	_ =	swait.ge [sflag:s9], $0x6400  }
0x38: {  	[sflag:s9] =	ssyncset.done $0x0  }
0x39: {  	s13 =	sadd.s32 $0x1, s13;
	[sflag:s9] =	ssyncadd.s32 $0xFFFF9C00  }
0x3a: {  	p1 =	sne.s32 s13, s5;
	s14 =	simm.s32 @!p0 $0x1C01;
	[bflag:$0x0] =	sbarrier.arrive $0xFFFF  }
0x3b: {  	[hbm:s4], [sflag:s14] =	dma.local @!p0 [spmem:s8], $0x13880  }
.Ltmp1:
0x3c: {  	_ = 	snop;
	(pc) =	sbr.rel @p1 .LBB2_1-.Ltmp1, $4  }
0x3d: {  	s14 =	simm.s32 @!p0 $0x1  }
0x3e: {  	_ =	swait.ge @!p0 [sflag:s14], $0x13880  }
0x3f: {  	[sflag:s14] =	ssyncset.done @!p0 $0x0  }
0x40: {  	[sflag:s14] =	ssyncadd.s32 @!p0 $0xFFFEC780  }
0x41: {  	_ =	sfence.sel $0x180000  }
0x42: {  	[bflag:$0x0] =	sbarrier.arrive $0xFFFF  }
0x43: {  	_ =	strace $0x90000059  }
0x44: {  	s0 =	sadd.s32 @!p0 $0x100000, s0;
	[bflag:$0x2] =	sbarrier.arrive $0xFFFF  }
0x45: {  	[sflag:s0] =	ssyncadd.tile.s32 @!p0 $0x1;
	_ =	shalt  }
.Lfunc_end2:
_tile_overlayer_lowered:
.L_overlay_start_2:
0x46: {  	(tag) =	ssettag $0x2  }
0x47: {  	s0 =	rddreg [dreg:$0x0];
	s2 =	stileid.u32  }
0x48: {  	s1 =	rddreg [dreg:$0x1];
	p0 =	sne.s32 s2, $0x0  }
0x49: {  	s3 =	rddreg [dreg:$0x2];
	[bflag:$0x3] =	sbarrier.arrive $0xFFFF;
	s2 =	simm.s32 @!p0 $0x1C01  }
0x4a: {  	[timem:s3], [sflag:s2] =	dma.local @!p0 [hbm:s0], s1  }
0x4b: {  	s0 =	simm.s32 @!p0 $0x1  }
0x4c: {  	_ =	swait.ge @!p0 [sflag:s0], s1  }
0x4d: {  	s1 =	ssub.s32 @!p0 $0x0, s1;
	[sflag:s0] =	ssyncset.done @!p0 $0x0  }
0x4e: {  	[sflag:s0] =	ssyncadd.s32 @!p0 s1  }
0x4f: {  	[bflag:$0x3] =	sbarrier.arrive $0xFFFF  }
0x50: {  	_ =	shalt  }

// kernel: kernel.39.cloned.1.call-start
scs
__scs_entry_jumppad:
0x0: {  	(pc) =	sbr.rel $0x88, $3  }
0x1: {  	(tag) =	ssettag $0x0;
	lr =	simm.s32 $0x1  }
0x2: {  	[smem:$0x3F88] =	sst lr;
	_ =	strace $0xD0000000  }
0x3: {  	_ = 	snop  }
0x4: {  	_ = 	snop  }
0x5: {  	_ = 	snop  }
0x6: {  	_ = 	snop  }
0x7: {  	_ = 	snop  }
__scs_overlays_trampoline_lowered:
0x8: {  	[smem:$0x3F97] =	sst s0  }
0x9: {  	[smem:$0x3F98] =	sst s1  }
0xa: {  	[smem:$0x3F99] =	sst s2  }
0xb: {  	[smem:$0x3F9A] =	sst s3  }
0xc: {  	[smem:$0x3F9B] =	sst s4  }
0xd: {  	[smem:$0x3F9C] =	sst s5  }
0xe: {  	[smem:$0x3F9D] =	sst s6  }
0xf: {  	[smem:$0x3F9E] =	sst s7  }
0x10: {  	[smem:$0x3F9F] =	sst s8  }
0x11: {  	[smem:$0x3FA0] =	sst s9;
	s0 =	simm.s32 @!p0 $0x0  }
0x12: {  	s1 =	sld [smem:$0x3F86];
	s0 =	simm.s32 @p0 $0x1  }
0x13: {  	[smem:$0x3FA1] =	sst s0;
	s0 =	simm.s32 @!p1 $0x0  }
0x14: {  	s2 =	sld [smem:$0x3F85];
	s0 =	simm.s32 @p1 $0x1  }
0x15: {  	[smem:$0x3FA2] =	sst s0;
	s0 =	simm.s32 @!p2 $0x0  }
0x16: {  	s3 =	sld [smem:$0x3FDB];
	s0 =	simm.s32 @p2 $0x1  }
0x17: {  	s4 =	simm.s32 $0x1BF5;
	[smem:$0x3FA4] =	sst s0  }
0x18: {  	s0 =	sld [smem:$0x3F87];
	_ =	swait.ge [sflag:s4], $0x0  }
0x19: {  	s7 =	sld [smem:$0x3F88]  }
0x1a: {  	s8 =	sadd.s32 $0xFFFFE003, lr  }
0x1b: {  	s9 =	sadd.s32 $0xFFFFFEF7, lr;
	s5 =	simm.s32 $0xFFFFFFFF;
	p2 =	slt.u32 s8, $0xFFFFF086  }
0x1c: {  	p1 =	slt.u32 s9, $0xF7A;
	s5 =	simm.s32 @!p2 $0x0  }
0x1d: {  	s5 =	simm.s32 @p1 $0x1;
	p0 =	seq.s32 s7, s2  }
0x1e: {  	s7 =	smul.u32 @!p0 $0xF7A, s2;
	p2 =	seq.s32 @!p0 s5, $0x0  }
0x1f: {  	s9 =	smul.u32 $0xF7A, s1;
	s8 =	simm.s32 @!p0 $0x1BF5;
	p2 =	por !p2, p0  }
0x20: {  	[sflag:s8] =	ssyncset.s32 @!p0 $0xFFFFF086;
	s6 =	sadd.s32 @!p0 s3, s7;
	s7 =	simm.s32 @!p0 $0x108  }
0x21: {  	s3 =	sadd.s32 s3, s9;
	s6 =	sadd.s32 @!p0 $0x88, s6;
	s7 =	simm.s32 @p2 $0x1082  }
0x22: {  	[simem:s7], [sflag:s8] =	dma.local @!p0 [hbm:s6], $0xF7A  }
0x23: {  	s9 =	sor.u32 $0xD0000000, s2;
	s6 =	simm.s32 $0x108;
	_ =	swait.ge @!p0 [sflag:s8], $0x0  }
0x24: {  	s3 =	sadd.s32 $0x88, s3;
	s6 =	simm.s32 @!p1 $0x1082;
	[sflag:s4] =	ssyncset.s32 $0xFFFFF086  }
0x25: {  	[simem:s6], [sflag:s4] =	dma.local [hbm:s3], $0xF7A  }
0x26: {  	[smem:$0x3F88] =	sst s1;
	(tag) =	ssettag s2;
	_ =	strace s9  }
0x27: {  	s1 =	sld [smem:$0x3F98]  }
0x28: {  	s2 =	sld [smem:$0x3F99]  }
0x29: {  	s4 =	sld [smem:$0x3F9B]  }
0x2a: {  	p0 =	seq.s32 s5, $0x0;
	s5 =	sld [smem:$0x3F9C]  }
0x2b: {  	s6 =	sld [smem:$0x3F9D]  }
0x2c: {  	s7 =	sld [smem:$0x3F9E]  }
0x2d: {  	s3 =	simm.s32 $0x108;
	s8 =	sld [smem:$0x3F9F]  }
0x2e: {  	s3 =	simm.s32 @!p0 $0x1082;
	s9 =	sld [smem:$0x3FA0]  }
0x2f: {  	lr =	sadd.s32 s0, s3;
	s0 =	sld [smem:$0x3F97]  }
0x30: {  	s3 =	sld [smem:$0x3F9A]  }
0x31: {  	[smem:$0x3FA3] =	sst s10  }
0x32: {  	s10 =	sld [smem:$0x3FA1];
	_ =	sdelay $0x3  }
0x33: {  	p0 =	seq.s32 s10, $0x1;
	s10 =	sld [smem:$0x3FA3];
	_ =	sdelay $0x3  }
0x34: {  	[smem:$0x3FA3] =	sst s10  }
0x35: {  	s10 =	sld [smem:$0x3FA2];
	_ =	sdelay $0x3  }
0x36: {  	p1 =	seq.s32 s10, $0x1;
	s10 =	sld [smem:$0x3FA3];
	_ =	sdelay $0x3  }
0x37: {  	[smem:$0x3FA3] =	sst s10  }
0x38: {  	s10 =	sld [smem:$0x3FA4]  }
0x39: {  	_ = 	snop;
	(pc) =	sbr.ind lr, $3  }
0x3a: {  	_ = 	snop  }
0x3b: {  	_ = 	snop  }
0x3c: {  	p2 =	seq.s32 s10, $0x1;
	s10 =	sld [smem:$0x3FA3]  }
0x3d: {  	_ =	shalt  }
0x3e: {  	_ =	shalt  }
0x3f: {  	_ =	shalt  }
0x40: {  	_ =	shalt  }
0x41: {  	_ =	shalt  }
0x42: {  	_ =	shalt  }
0x43: {  	_ =	shalt  }
0x44: {  	_ =	shalt  }
0x45: {  	_ =	shalt  }
0x46: {  	_ =	shalt  }
0x47: {  	_ =	shalt  }
0x48: {  	_ =	shalt  }
0x49: {  	_ =	shalt  }
0x4a: {  	_ =	shalt  }
0x4b: {  	_ =	shalt  }
0x4c: {  	_ =	shalt  }
0x4d: {  	_ =	shalt  }
0x4e: {  	_ =	shalt  }
0x4f: {  	_ =	shalt  }
0x50: {  	_ =	shalt  }
0x51: {  	_ =	shalt  }
0x52: {  	_ =	shalt  }
0x53: {  	_ =	shalt  }
0x54: {  	_ =	shalt  }
0x55: {  	_ =	shalt  }
0x56: {  	_ =	shalt  }
0x57: {  	_ =	shalt  }
0x58: {  	_ =	shalt  }
0x59: {  	_ =	shalt  }
0x5a: {  	_ =	shalt  }
0x5b: {  	_ =	shalt  }
0x5c: {  	_ =	shalt  }
0x5d: {  	_ =	shalt  }
0x5e: {  	_ =	shalt  }
0x5f: {  	_ =	shalt  }
0x60: {  	_ =	shalt  }
0x61: {  	_ =	shalt  }
0x62: {  	_ =	shalt  }
0x63: {  	_ =	shalt  }
0x64: {  	_ =	shalt  }
0x65: {  	_ =	shalt  }
0x66: {  	_ =	shalt  }
0x67: {  	_ =	shalt  }
0x68: {  	_ =	shalt  }
0x69: {  	_ =	shalt  }
0x6a: {  	_ =	shalt  }
0x6b: {  	_ =	shalt  }
0x6c: {  	_ =	shalt  }
0x6d: {  	_ =	shalt  }
0x6e: {  	_ =	shalt  }
0x6f: {  	_ =	shalt  }
0x70: {  	_ =	shalt  }
0x71: {  	_ =	shalt  }
0x72: {  	_ =	shalt  }
0x73: {  	_ =	shalt  }
0x74: {  	_ =	shalt  }
0x75: {  	_ =	shalt  }
0x76: {  	_ =	shalt  }
0x77: {  	_ =	shalt  }
0x78: {  	_ =	shalt  }
0x79: {  	_ =	shalt  }
0x7a: {  	_ =	shalt  }
0x7b: {  	_ =	shalt  }
0x7c: {  	_ =	shalt  }
0x7d: {  	_ =	shalt  }
0x7e: {  	_ =	shalt  }
0x7f: {  	_ =	shalt  }
0x80: {  	_ =	shalt  }
0x81: {  	_ =	shalt  }
0x82: {  	_ =	shalt  }
0x83: {  	_ =	shalt  }
0x84: {  	_ =	shalt  }
0x85: {  	_ =	shalt  }
0x86: {  	_ =	shalt  }
0x87: {  	_ =	shalt  }
.Lfunc_end0:
.L_simem_size_0:
called_computation.6_lowered:
.L_overlay_start_0:
0x88: {  	s2 =	sld [smem:$0x3FD9]  }
0x89: {  	s3 =	sld [smem:$0x3FFE];
	_ =	sdelay $0x1  }
0x8a: {  	s1 =	srdreg.scid  }
0x8b: {  	s0 =	sand.u32 $0x1, s1  }
0x8c: {  	s17 =	sshll.u32 s0, $0xA;
	s2 =	sadd.s32 s3, s2  }
0x8d: {  	s2 =	sadd.s32 s2, s17  }
0x8e: {  	[smem:$0x3FAF] =	sst s2  }
0x8f: {  	_ = 	snop  }
0x90: {  	(tm) =	ssettm $0x1  }
0x91: {  	s18 =	sld [smem:$0x3FFB];
	_ =	sdelay $0x3  }
0x92: {  	_ =	strace s18  }
0x93: {  	s2 =	sld [smem:$0x3FFC];
	_ =	sdelay $0x3  }
0x94: {  	_ =	strace s2  }
0x95: {  	s2 =	sld [smem:$0x3FFD];
	_ =	sdelay $0x3  }
0x96: {  	_ =	strace s2  }
0x97: {  	_ =	strace $0x8FFFFFFF  }
0x98: {  	s19 =	sld [smem:$0x3FDB];
	_ =	sdelay $0x1  }
0x99: {  	s20 =	simm.s32 $_scs_section_size  }
0x9a: {  	s4 =	simm.s32 $_size__tile_overlayer_lowered;
	s5 =	simm.s32 $_tile_overlayer_lowered  }
0x9b: {  	s6 =	simm.s32 $0x1BFF;
	s21 =	sshll.u32 s5, $0x1;
	s3 =	sadd.s32 s20, s19  }
0x9c: {  	s22 =	simm.s32 $0x0;
	s4 =	sshll.u32 s4, $0x1;
	s5 =	sadd.s32 s21, s3  }
0x9d: {  	[timem:s22], [sflag:s6] =	dma.local [hbm:s5], s4  }
0x9e: {  	_ =	swait.ge [sflag:s6], s4  }
0x9f: {  	s4 =	ssub.s32 $0x0, s4;
	[sflag:s6] =	ssyncset.done $0x0  }
0xa0: {  	[sflag:s6] =	ssyncadd.s32 s4;
	_ =	sdelay $0x1  }
0xa1: {  	s23 =	simm.s32 $0x1B8B  }
0xa2: {  	_ =	swait.ge [sflag:s23], $0x1  }
0xa3: {  	[sflag:s23] =	ssyncset.done $0x0  }
0xa4: {  	[sflag:s23] =	ssyncadd.s32 $0xFFFFFFFF  }
0xa5: {  	s4 =	sld [smem:$0x0]  }
0xa6: {  	s5 =	sand.u32 $0xFFFFFFFE, s1  }
0xa7: {  	p0 =	sne.s32 s1, s5  }
0xa8: {  	s5 =	sshll.u32 @p0 s5, $0xE  }
0xa9: {  	s5 =	sadd.s32 @p0 $0x11B8D, s5;
	s6 =	sshll.u32 @p0 s4, $0x11  }
0xaa: {  	s5 =	sor.u32 @p0 s6, s5  }
0xab: {  	[sflag:s5] =	ssyncadd.remote.s32 @p0 $0x1;
	_ =	sdelay $0x1  }
0xac: {  	s5 =	simm.s32 @p0 $0x1B8D  }
0xad: {  	_ =	swait.eq @p0 [sflag:s5], $0x1  }
0xae: {  	[sflag:s5] =	ssyncadd.s32 @p0 $0xFFFFFFFF  }
0xaf: {  	s6 =	sshll.u32 @!p0 s1, $0xE  }
0xb0: {  	s6 =	sor.u32 @!p0 $0x4000, s6;
	s5 =	simm.s32 @!p0 $0x1B8D  }
0xb1: {  	s4 =	sshll.u32 @!p0 s4, $0x11;
	s6 =	sadd.s32 @!p0 $0x11B8D, s6;
	_ =	swait.eq @!p0 [sflag:s5], $0x1  }
0xb2: {  	s4 =	sor.u32 @!p0 s4, s6;
	[sflag:s5] =	ssyncadd.s32 @!p0 $0xFFFFFFFF  }
0xb3: {  	s25 =	simm.s32 $0x1B8E;
	s24 =	sld [smem:$0x3FFE];
	[sflag:s4] =	ssyncadd.remote.s32 @!p0 $0x1  }
0xb4: {  	s26 =	simm.s32 $execute0_lowered;
	[smem:$0x3FD2] =	sst s25  }
0xb5: {  	s5 =	sshll.u32 s26, $0x1;
	_ =	strace $0x80000055;
	[dreg:$0x1] =	wrdreg $0xFFFFFFFF  }
0xb6: {  	s28 =	simm.s32 $_size_execute0_lowered;
	s3 =	sadd.s32 s3, s5;
	[dreg:$0x0] =	wrdreg $0x0  }
0xb7: {  	s5 =	sshll.u32 s28, $0x1;
	[dreg:$0x2] =	wrdreg s3  }
0xb8: {  	[dreg:$0x3] =	wrdreg s5  }
0xb9: {  	[dreg:$0x4] =	wrdreg $0xC0  }
0xba: {  	_ =	task [dreg:s22], $0x5FFFF  }
0xbb: {  	[dreg:$0x1] =	wrdreg $0xFFFFFFFF  }
0xbc: {  	[dreg:$0x0] =	wrdreg $0x60  }
0xbd: {  	[dreg:$0x2] =	wrdreg s24  }
0xbe: {  	[dreg:$0x3] =	wrdreg $0x65900  }
0xbf: {  	[dreg:$0x4] =	wrdreg $0xB  }
0xc0: {  	_ =	task.clear_ibuf [dreg:s22], $0x5FFFF;
	_ =	strace $0x90000055  }
0xc1: {  	s29 =	simm.s32 $0xB;
	_ =	strace $0x80000057  }
0xc2: {  	_ =	swait.ge [sflag:s29], $0x1  }
0xc3: {  	[sflag:s29] =	ssyncadd.s32 $0xFFFFFFFF  }
0xc4: {  	_ =	strace $0x90000057  }
0xc5: {  	_ =	sfence  }
0xc6: {  	s30 =	sld [smem:$0x0];
	_ =	sdelay $0x2  }
0xc7: {  	s31 =	sshll.u32 s1, $0xD;
	s1 =	sshrl.u32 s1, $0x2  }
0xc8: {  	s4 =	sand.u32 $0x4000, s31;
	s1 =	sadd.s32 s1, s30  }
0xc9: {  	s0 =	sor.u32 s4, s0;
	s1 =	sshll.u32 s1, $0x11  }
0xca: {  	s0 =	sor.u32 s1, s0  }
0xcb: {  	s0 =	sadd.s32 $0x8F2B, s0  }
0xcc: {  	[sflag:s0] =	ssyncadd.remote.s32 $0x1  }
0xcd: {  	_ =	sfence.sel $0xFFFF  }
0xce: {  	[dreg:$0x0] =	wrdreg $0xFFFFFFFF;
	(pc) =	sbr.abs _section_cstart, $3  }
0xcf: {  	[dreg:$0x1] =	wrdreg $0xFFFFFFFF  }
0xd0: {  	_ =	task.clear_ibuf [dreg:s22], $0x2FFFF;
	_ =	strace $0x9FFFFFFF  }
0xd1: {  	(tm) =	ssettm $0x7FFFFFFF  }
tec
execute0_lowered:
.L_overlay_start_1:
0x0: {  	(tag) =	ssettag $0x1  }
0x1: {  	s4 =	rddreg [dreg:$0x0]  }
0x2: {  	s8 =	stileid.u32;
	s0 =	srdreg.scid  }
0x3: {  	s1 =	rddreg [dreg:$0x1];
	s3 =	smul.u32 $0x9C400, s8  }
0x4: {  	s2 =	simm.s32 $0x0;
	s5 =	sand.u32 $0x1, s0;
	s6 =	smul.u32 $0x4E20, s8  }
0x5: {  	s13 =	simm.s32 $0x0;
	s0 =	rddreg [dreg:$0x2];
	s7 =	smul.u32 $0x2710, s5  }
0x6: {  	[smem:$0x7FF] =	sst s2;
	p0 =	sne.s32 s8, $0x0;
	s28 =	smul.u32 $0x13880, s5  }
0x7: {  	_ =	strace $0x80000056;
	s29 =	ssub.s32 $0x2, s5;
	s12 =	smul.u32 $0x4E200, s5  }
0x8: {  	s8 =	sshrl.u32 @!p0 s1, $0x3;
	s9 =	sadd.s32 s3, s4;
	s11 =	sshrl.u32 s29, $0x1  }
0x9: {  	s26 =	sadd.s32 s7, s6;
	s30 =	ssub.s32 s29, s11;
	s31 =	sadd.s32 s12, s9  }
0xa: {  	s9 =	simm.s32 $0x1;
	s11 =	simm.s32 $0x100;
	s12 =	simm.s32 $0x190  }
0xb: {  	s3 =	sshrl.u32 s26, $0x3;
	s5 =	smax.u32 s30, $0x1;
	s6 =	sadd.s32 $0xA4610, s31  }
0xc: {  	s10 =	sadd.s32 s3, s4;
	s3 =	sadd.s32 $0x1C400, s4;
	s4 =	sadd.s32 s28, s4  }
0xd: {  	s4 =	sadd.s32 $0xA8F800, s4;
	s7 =	sadd.s32 $0x8200, s10;
	s10 =	simm.s32 $0x40  }
.LBB2_1:
0xe: {  	s14 =	simm.s32 @!p0 $0x1C01  }
0xf: {  	[spmem:s8], [sflag:s14] =	dma.local @!p0 [hbm:s3], $0x13880  }
0x10: {  	s14 =	simm.s32 @!p0 $0x1  }
0x11: {  	_ =	swait.ge @!p0 [sflag:s14], $0x13880  }
0x12: {  	[sflag:s14] =	ssyncset.done @!p0 $0x0  }
0x13: {  	[sflag:s14] =	ssyncadd.s32 @!p0 $0xFFFEC780  }
0x14: {  	s31 =	sadd.s32 $0x0, s7;
	[bflag:$0x0] =	sbarrier.arrive $0xFFFF  }
0x15: {  	[tilespmem:s2], [sflag:$0x1] =	stream.linear.gather [hbm4b:s31+s2], $0x190, $0x38;
	[tilespmem:$0x101D0] =	vst v63  }
0x16: {  	_ =	swait.ge [sflag:s9], $0x190  }
0x17: {  	[sflag:s9] =	ssyncset.done $0x0  }
0x18: {  	[sflag:s9] =	ssyncadd.s32 $0xFFFFFE70  }
0x19: {  	[tilespmem:s12], [sflag:$0x1] =	stream.strided.gather [hbm4b:s6+s10], $0x6400, s11, s10, $0x38;
	[tilespmem:$0x101D0] =	vst v63  }
0x1a: {  	_ =	swait.ge [sflag:s9], $0x6400  }
0x1b: {  	[sflag:s9] =	ssyncset.done $0x0  }
0x1c: {  	[sflag:s9] =	ssyncadd.s32 $0xFFFF9C00  }
0x1d: {  	[spmem:s1] =	stream.indirect.scatter.add.f32 [tilespmem:s12], [sflag:$0x1], $0x40, s2, s12, $0xb8;
	[tilespmem:$0x101D0] =	vst v63  }
0x1e: {  	s15 =	simm.s32 $0x32;
	_ =	swait.ge [sflag:s9], $0x6400  }
0x1f: {  	s16 =	simm.s32 $0x64;
	s14 =	sadd.s32 $0x3200, s6;
	[sflag:s9] =	ssyncset.done $0x0  }
.LBB2_2:
0x20: {  	s17 =	sadd.s32 s15, s7  }
0x21: {  	[sflag:s9] =	ssyncadd.s32 $0xFFFF9C00;
	s15 =	smov.u32 s16;
	s18 =	sadd.s32 $0x32, s16  }
0x22: {  	[tilespmem:s2], [sflag:$0x1] =	stream.linear.gather [hbm4b:s17+s2], $0x190, $0x38;
	[tilespmem:$0x101D0] =	vst v63  }
0x23: {  	p1 =	sne.s32 s16, $0x4B0;
	_ =	swait.ge [sflag:s9], $0x190  }
0x24: {  	[sflag:s9] =	ssyncset.done $0x0  }
0x25: {  	[sflag:s9] =	ssyncadd.s32 $0xFFFFFE70  }
0x26: {  	[tilespmem:s12], [sflag:$0x1] =	stream.strided.gather [hbm4b:s14+s10], $0x6400, s11, s10, $0x38;
	[tilespmem:$0x101D0] =	vst v63  }
0x27: {  	_ =	swait.ge [sflag:s9], $0x6400  }
.Ltmp0:
0x28: {  	[sflag:s9] =	ssyncset.done $0x0;
	(pc) =	sbr.rel @p1 .LBB2_2-.Ltmp0, $4  }
0x29: {  	[sflag:s9] =	ssyncadd.s32 $0xFFFF9C00  }
0x2a: {  	[spmem:s1] =	stream.indirect.scatter.add.f32 [tilespmem:s12], [sflag:$0x1], $0x40, s2, s12, $0xb8;
	[tilespmem:$0x101D0] =	vst v63  }
0x2b: {  	_ =	swait.ge [sflag:s9], $0x6400  }
0x2c: {  	s16 =	smov.u32 s18;
	s14 =	sadd.s32 $0x3200, s14;
	[sflag:s9] =	ssyncset.done $0x0  }
0x2d: {  	s15 =	sadd.s32 s15, s7;
	[sflag:s9] =	ssyncadd.s32 $0xFFFF9C00  }
0x2e: {  	[tilespmem:s2], [sflag:$0x1] =	stream.linear.gather [hbm4b:s15+s2], $0x190, $0x38;
	[tilespmem:$0x101D0] =	vst v63  }
0x2f: {  	_ =	swait.ge [sflag:s9], $0x190  }
0x30: {  	[sflag:s9] =	ssyncset.done $0x0  }
0x31: {  	[sflag:s9] =	ssyncadd.s32 $0xFFFFFE70  }
0x32: {  	[tilespmem:s12], [sflag:$0x1] =	stream.strided.gather [hbm4b:s14+s10], $0x6400, s11, s10, $0x38;
	[tilespmem:$0x101D0] =	vst v63  }
0x33: {  	_ =	swait.ge [sflag:s9], $0x6400  }
0x34: {  	[sflag:s9] =	ssyncset.done $0x0  }
0x35: {  	[sflag:s9] =	ssyncadd.s32 $0xFFFF9C00  }
0x36: {  	[spmem:s1] =	stream.indirect.scatter.add.f32 [tilespmem:s12], [sflag:$0x1], $0x40, s2, s12, $0xb8;
	[tilespmem:$0x101D0] =	vst v63  }
0x37: {  	_ =	swait.ge [sflag:s9], $0x6400  }
0x38: {  	[sflag:s9] =	ssyncset.done $0x0  }
0x39: {  	s13 =	sadd.s32 $0x1, s13;
	[sflag:s9] =	ssyncadd.s32 $0xFFFF9C00  }
0x3a: {  	p1 =	sne.s32 s13, s5;
	s14 =	simm.s32 @!p0 $0x1C01;
	[bflag:$0x0] =	sbarrier.arrive $0xFFFF  }
0x3b: {  	[hbm:s4], [sflag:s14] =	dma.local @!p0 [spmem:s8], $0x13880  }
.Ltmp1:
0x3c: {  	_ = 	snop;
	(pc) =	sbr.rel @p1 .LBB2_1-.Ltmp1, $4  }
0x3d: {  	s14 =	simm.s32 @!p0 $0x1  }
0x3e: {  	_ =	swait.ge @!p0 [sflag:s14], $0x13880  }
0x3f: {  	[sflag:s14] =	ssyncset.done @!p0 $0x0  }
0x40: {  	[sflag:s14] =	ssyncadd.s32 @!p0 $0xFFFEC780  }
0x41: {  	_ =	sfence.sel $0x180000  }
0x42: {  	[bflag:$0x0] =	sbarrier.arrive $0xFFFF  }
0x43: {  	_ =	strace $0x90000056  }
0x44: {  	s0 =	sadd.s32 @!p0 $0x100000, s0;
	[bflag:$0x2] =	sbarrier.arrive $0xFFFF  }
0x45: {  	[sflag:s0] =	ssyncadd.tile.s32 @!p0 $0x1;
	_ =	shalt  }
.Lfunc_end2:
_tile_overlayer_lowered:
.L_overlay_start_2:
0x46: {  	(tag) =	ssettag $0x2  }
0x47: {  	s0 =	rddreg [dreg:$0x0];
	s2 =	stileid.u32  }
0x48: {  	s1 =	rddreg [dreg:$0x1];
	p0 =	sne.s32 s2, $0x0  }
0x49: {  	s3 =	rddreg [dreg:$0x2];
	[bflag:$0x3] =	sbarrier.arrive $0xFFFF;
	s2 =	simm.s32 @!p0 $0x1C01  }
0x4a: {  	[timem:s3], [sflag:s2] =	dma.local @!p0 [hbm:s0], s1  }
0x4b: {  	s0 =	simm.s32 @!p0 $0x1  }
0x4c: {  	_ =	swait.ge @!p0 [sflag:s0], s1  }
0x4d: {  	s1 =	ssub.s32 @!p0 $0x0, s1;
	[sflag:s0] =	ssyncset.done @!p0 $0x0  }
0x4e: {  	[sflag:s0] =	ssyncadd.s32 @!p0 s1  }
0x4f: {  	[bflag:$0x3] =	sbarrier.arrive $0xFFFF  }
0x50: {  	_ =	shalt  }

// kernel: kernel.42.cloned.1.call-start
scs
__scs_entry_jumppad:
0x0: {  	(pc) =	sbr.rel $0x88, $3  }
0x1: {  	(tag) =	ssettag $0x0;
	lr =	simm.s32 $0x1  }
0x2: {  	[smem:$0x3F88] =	sst lr;
	_ =	strace $0xD0000000  }
0x3: {  	_ = 	snop  }
0x4: {  	_ = 	snop  }
0x5: {  	_ = 	snop  }
0x6: {  	_ = 	snop  }
0x7: {  	_ = 	snop  }
__scs_overlays_trampoline_lowered:
0x8: {  	[smem:$0x3F97] =	sst s0  }
0x9: {  	[smem:$0x3F98] =	sst s1  }
0xa: {  	[smem:$0x3F99] =	sst s2  }
0xb: {  	[smem:$0x3F9A] =	sst s3  }
0xc: {  	[smem:$0x3F9B] =	sst s4  }
0xd: {  	[smem:$0x3F9C] =	sst s5  }
0xe: {  	[smem:$0x3F9D] =	sst s6  }
0xf: {  	[smem:$0x3F9E] =	sst s7  }
0x10: {  	[smem:$0x3F9F] =	sst s8  }
0x11: {  	[smem:$0x3FA0] =	sst s9;
	s0 =	simm.s32 @!p0 $0x0  }
0x12: {  	s1 =	sld [smem:$0x3F86];
	s0 =	simm.s32 @p0 $0x1  }
0x13: {  	[smem:$0x3FA1] =	sst s0;
	s0 =	simm.s32 @!p1 $0x0  }
0x14: {  	s2 =	sld [smem:$0x3F85];
	s0 =	simm.s32 @p1 $0x1  }
0x15: {  	[smem:$0x3FA2] =	sst s0;
	s0 =	simm.s32 @!p2 $0x0  }
0x16: {  	s3 =	sld [smem:$0x3FDB];
	s0 =	simm.s32 @p2 $0x1  }
0x17: {  	s4 =	simm.s32 $0x1BF5;
	[smem:$0x3FA4] =	sst s0  }
0x18: {  	s0 =	sld [smem:$0x3F87];
	_ =	swait.ge [sflag:s4], $0x0  }
0x19: {  	s7 =	sld [smem:$0x3F88]  }
0x1a: {  	s8 =	sadd.s32 $0xFFFFE003, lr  }
0x1b: {  	s9 =	sadd.s32 $0xFFFFFEF7, lr;
	s5 =	simm.s32 $0xFFFFFFFF;
	p2 =	slt.u32 s8, $0xFFFFF086  }
0x1c: {  	p1 =	slt.u32 s9, $0xF7A;
	s5 =	simm.s32 @!p2 $0x0  }
0x1d: {  	s5 =	simm.s32 @p1 $0x1;
	p0 =	seq.s32 s7, s2  }
0x1e: {  	s7 =	smul.u32 @!p0 $0xF7A, s2;
	p2 =	seq.s32 @!p0 s5, $0x0  }
0x1f: {  	s9 =	smul.u32 $0xF7A, s1;
	s8 =	simm.s32 @!p0 $0x1BF5;
	p2 =	por !p2, p0  }
0x20: {  	[sflag:s8] =	ssyncset.s32 @!p0 $0xFFFFF086;
	s6 =	sadd.s32 @!p0 s3, s7;
	s7 =	simm.s32 @!p0 $0x108  }
0x21: {  	s3 =	sadd.s32 s3, s9;
	s6 =	sadd.s32 @!p0 $0x88, s6;
	s7 =	simm.s32 @p2 $0x1082  }
0x22: {  	[simem:s7], [sflag:s8] =	dma.local @!p0 [hbm:s6], $0xF7A  }
0x23: {  	s9 =	sor.u32 $0xD0000000, s2;
	s6 =	simm.s32 $0x108;
	_ =	swait.ge @!p0 [sflag:s8], $0x0  }
0x24: {  	s3 =	sadd.s32 $0x88, s3;
	s6 =	simm.s32 @!p1 $0x1082;
	[sflag:s4] =	ssyncset.s32 $0xFFFFF086  }
0x25: {  	[simem:s6], [sflag:s4] =	dma.local [hbm:s3], $0xF7A  }
0x26: {  	[smem:$0x3F88] =	sst s1;
	(tag) =	ssettag s2;
	_ =	strace s9  }
0x27: {  	s1 =	sld [smem:$0x3F98]  }
0x28: {  	s2 =	sld [smem:$0x3F99]  }
0x29: {  	s4 =	sld [smem:$0x3F9B]  }
0x2a: {  	p0 =	seq.s32 s5, $0x0;
	s5 =	sld [smem:$0x3F9C]  }
0x2b: {  	s6 =	sld [smem:$0x3F9D]  }
0x2c: {  	s7 =	sld [smem:$0x3F9E]  }
0x2d: {  	s3 =	simm.s32 $0x108;
	s8 =	sld [smem:$0x3F9F]  }
0x2e: {  	s3 =	simm.s32 @!p0 $0x1082;
	s9 =	sld [smem:$0x3FA0]  }
0x2f: {  	lr =	sadd.s32 s0, s3;
	s0 =	sld [smem:$0x3F97]  }
0x30: {  	s3 =	sld [smem:$0x3F9A]  }
0x31: {  	[smem:$0x3FA3] =	sst s10  }
0x32: {  	s10 =	sld [smem:$0x3FA1];
	_ =	sdelay $0x3  }
0x33: {  	p0 =	seq.s32 s10, $0x1;
	s10 =	sld [smem:$0x3FA3];
	_ =	sdelay $0x3  }
0x34: {  	[smem:$0x3FA3] =	sst s10  }
0x35: {  	s10 =	sld [smem:$0x3FA2];
	_ =	sdelay $0x3  }
0x36: {  	p1 =	seq.s32 s10, $0x1;
	s10 =	sld [smem:$0x3FA3];
	_ =	sdelay $0x3  }
0x37: {  	[smem:$0x3FA3] =	sst s10  }
0x38: {  	s10 =	sld [smem:$0x3FA4]  }
0x39: {  	_ = 	snop;
	(pc) =	sbr.ind lr, $3  }
0x3a: {  	_ = 	snop  }
0x3b: {  	_ = 	snop  }
0x3c: {  	p2 =	seq.s32 s10, $0x1;
	s10 =	sld [smem:$0x3FA3]  }
0x3d: {  	_ =	shalt  }
0x3e: {  	_ =	shalt  }
0x3f: {  	_ =	shalt  }
0x40: {  	_ =	shalt  }
0x41: {  	_ =	shalt  }
0x42: {  	_ =	shalt  }
0x43: {  	_ =	shalt  }
0x44: {  	_ =	shalt  }
0x45: {  	_ =	shalt  }
0x46: {  	_ =	shalt  }
0x47: {  	_ =	shalt  }
0x48: {  	_ =	shalt  }
0x49: {  	_ =	shalt  }
0x4a: {  	_ =	shalt  }
0x4b: {  	_ =	shalt  }
0x4c: {  	_ =	shalt  }
0x4d: {  	_ =	shalt  }
0x4e: {  	_ =	shalt  }
0x4f: {  	_ =	shalt  }
0x50: {  	_ =	shalt  }
0x51: {  	_ =	shalt  }
0x52: {  	_ =	shalt  }
0x53: {  	_ =	shalt  }
0x54: {  	_ =	shalt  }
0x55: {  	_ =	shalt  }
0x56: {  	_ =	shalt  }
0x57: {  	_ =	shalt  }
0x58: {  	_ =	shalt  }
0x59: {  	_ =	shalt  }
0x5a: {  	_ =	shalt  }
0x5b: {  	_ =	shalt  }
0x5c: {  	_ =	shalt  }
0x5d: {  	_ =	shalt  }
0x5e: {  	_ =	shalt  }
0x5f: {  	_ =	shalt  }
0x60: {  	_ =	shalt  }
0x61: {  	_ =	shalt  }
0x62: {  	_ =	shalt  }
0x63: {  	_ =	shalt  }
0x64: {  	_ =	shalt  }
0x65: {  	_ =	shalt  }
0x66: {  	_ =	shalt  }
0x67: {  	_ =	shalt  }
0x68: {  	_ =	shalt  }
0x69: {  	_ =	shalt  }
0x6a: {  	_ =	shalt  }
0x6b: {  	_ =	shalt  }
0x6c: {  	_ =	shalt  }
0x6d: {  	_ =	shalt  }
0x6e: {  	_ =	shalt  }
0x6f: {  	_ =	shalt  }
0x70: {  	_ =	shalt  }
0x71: {  	_ =	shalt  }
0x72: {  	_ =	shalt  }
0x73: {  	_ =	shalt  }
0x74: {  	_ =	shalt  }
0x75: {  	_ =	shalt  }
0x76: {  	_ =	shalt  }
0x77: {  	_ =	shalt  }
0x78: {  	_ =	shalt  }
0x79: {  	_ =	shalt  }
0x7a: {  	_ =	shalt  }
0x7b: {  	_ =	shalt  }
0x7c: {  	_ =	shalt  }
0x7d: {  	_ =	shalt  }
0x7e: {  	_ =	shalt  }
0x7f: {  	_ =	shalt  }
0x80: {  	_ =	shalt  }
0x81: {  	_ =	shalt  }
0x82: {  	_ =	shalt  }
0x83: {  	_ =	shalt  }
0x84: {  	_ =	shalt  }
0x85: {  	_ =	shalt  }
0x86: {  	_ =	shalt  }
0x87: {  	_ =	shalt  }
.Lfunc_end0:
.L_simem_size_0:
called_computation.7_lowered:
.L_overlay_start_0:
0x88: {  	s2 =	sld [smem:$0x3FD9]  }
0x89: {  	s3 =	sld [smem:$0x3FFE];
	_ =	sdelay $0x1  }
0x8a: {  	s1 =	srdreg.scid  }
0x8b: {  	s0 =	sand.u32 $0x1, s1  }
0x8c: {  	s16 =	sshll.u32 s0, $0xA;
	s2 =	sadd.s32 s3, s2  }
0x8d: {  	s2 =	sadd.s32 s2, s16  }
0x8e: {  	[smem:$0x3FAF] =	sst s2  }
0x8f: {  	_ = 	snop  }
0x90: {  	(tm) =	ssettm $0x1  }
0x91: {  	s17 =	sld [smem:$0x3FFB];
	_ =	sdelay $0x3  }
0x92: {  	_ =	strace s17  }
0x93: {  	s2 =	sld [smem:$0x3FFC];
	_ =	sdelay $0x3  }
0x94: {  	_ =	strace s2  }
0x95: {  	s2 =	sld [smem:$0x3FFD];
	_ =	sdelay $0x3  }
0x96: {  	_ =	strace s2  }
0x97: {  	_ =	strace $0x8FFFFFFF  }
0x98: {  	s18 =	sld [smem:$0x3FDB];
	_ =	sdelay $0x1  }
0x99: {  	s19 =	simm.s32 $_scs_section_size  }
0x9a: {  	s4 =	simm.s32 $_size__tile_overlayer_lowered;
	s5 =	simm.s32 $_tile_overlayer_lowered  }
0x9b: {  	s22 =	simm.s32 $0x1BFF;
	s21 =	sshll.u32 s5, $0x1;
	s2 =	sadd.s32 s19, s18  }
0x9c: {  	s6 =	simm.s32 $0x0;
	s20 =	sshll.u32 s4, $0x1;
	s4 =	sadd.s32 s21, s2  }
0x9d: {  	[timem:s6], [sflag:s22] =	dma.local [hbm:s4], s20  }
0x9e: {  	_ =	swait.ge [sflag:s22], s20  }
0x9f: {  	s3 =	ssub.s32 $0x0, s20;
	[sflag:s22] =	ssyncset.done $0x0  }
0xa0: {  	[sflag:s22] =	ssyncadd.s32 s3;
	_ =	sdelay $0x1  }
0xa1: {  	s23 =	simm.s32 $0x1B8B  }
0xa2: {  	_ =	swait.ge [sflag:s23], $0x1  }
0xa3: {  	[sflag:s23] =	ssyncset.done $0x0  }
0xa4: {  	s25 =	simm.s32 $0x1B8E;
	s24 =	sld [smem:$0x3FFE];
	[sflag:s23] =	ssyncadd.s32 $0xFFFFFFFF  }
0xa5: {  	s26 =	simm.s32 $execute0_lowered;
	[smem:$0x3FD2] =	sst s25  }
0xa6: {  	s4 =	sshll.u32 s26, $0x1;
	_ =	strace $0x80000052;
	[dreg:$0x1] =	wrdreg $0xFFFFFFFF  }
0xa7: {  	s28 =	simm.s32 $_size_execute0_lowered;
	s2 =	sadd.s32 s2, s4;
	[dreg:$0x0] =	wrdreg $0x0  }
0xa8: {  	s4 =	sshll.u32 s28, $0x1;
	[dreg:$0x2] =	wrdreg s2  }
0xa9: {  	[dreg:$0x3] =	wrdreg s4  }
0xaa: {  	[dreg:$0x4] =	wrdreg $0xC0  }
0xab: {  	_ =	task [dreg:s6], $0x5FFFF  }
0xac: {  	[dreg:$0x1] =	wrdreg $0xFFFFFFFF  }
0xad: {  	[dreg:$0x0] =	wrdreg $0x60  }
0xae: {  	[dreg:$0x2] =	wrdreg s24  }
0xaf: {  	[dreg:$0x3] =	wrdreg $0x65900  }
0xb0: {  	[dreg:$0x4] =	wrdreg $0xC  }
0xb1: {  	_ =	task.clear_ibuf [dreg:s6], $0x5FFFF;
	_ =	strace $0x90000052  }
0xb2: {  	s29 =	simm.s32 $0xC;
	_ =	strace $0x80000054  }
0xb3: {  	_ =	swait.ge [sflag:s29], $0x1  }
0xb4: {  	[sflag:s29] =	ssyncadd.s32 $0xFFFFFFFF  }
0xb5: {  	_ =	strace $0x90000054  }
0xb6: {  	_ =	sfence  }
0xb7: {  	s30 =	sld [smem:$0x0];
	_ =	sdelay $0x2  }
0xb8: {  	s31 =	sshll.u32 s1, $0xD;
	s1 =	sshrl.u32 s1, $0x2  }
0xb9: {  	s3 =	sand.u32 $0x4000, s31;
	s1 =	sadd.s32 s1, s30  }
0xba: {  	s0 =	sor.u32 s3, s0;
	s1 =	sshll.u32 s1, $0x11  }
0xbb: {  	s0 =	sor.u32 s1, s0  }
0xbc: {  	s0 =	sadd.s32 $0x8F2B, s0  }
0xbd: {  	[sflag:s0] =	ssyncadd.remote.s32 $0x1  }
0xbe: {  	_ =	sfence.sel $0xFFFF  }
0xbf: {  	[dreg:$0x0] =	wrdreg $0xFFFFFFFF;
	(pc) =	sbr.abs _section_cstart, $3  }
0xc0: {  	[dreg:$0x1] =	wrdreg $0xFFFFFFFF  }
0xc1: {  	_ =	task.clear_ibuf [dreg:s6], $0x2FFFF;
	_ =	strace $0x9FFFFFFF  }
0xc2: {  	(tm) =	ssettm $0x7FFFFFFF  }
0xc3: {  	_ =	shalt  }
tec
execute0_lowered:
.L_overlay_start_1:
0x0: {  	(tag) =	ssettag $0x1  }
0x1: {  	s4 =	rddreg [dreg:$0x0]  }
0x2: {  	s8 =	stileid.u32;
	s0 =	srdreg.scid  }
0x3: {  	s1 =	rddreg [dreg:$0x1];
	s3 =	smul.u32 $0x9C400, s8  }
0x4: {  	s2 =	simm.s32 $0x0;
	s5 =	sand.u32 $0x1, s0;
	s6 =	smul.u32 $0x4E20, s8  }
0x5: {  	s13 =	simm.s32 $0x0;
	s0 =	rddreg [dreg:$0x2];
	s7 =	smul.u32 $0x2710, s5  }
0x6: {  	[smem:$0x7FF] =	sst s2;
	p0 =	sne.s32 s8, $0x0;
	s28 =	smul.u32 $0x13880, s5  }
0x7: {  	_ =	strace $0x80000053;
	s29 =	ssub.s32 $0x2, s5;
	s12 =	smul.u32 $0x4E200, s5  }
0x8: {  	s8 =	sshrl.u32 @!p0 s1, $0x3;
	s9 =	sadd.s32 s3, s4;
	s11 =	sshrl.u32 s29, $0x1  }
0x9: {  	s26 =	sadd.s32 s7, s6;
	s30 =	ssub.s32 s29, s11;
	s31 =	sadd.s32 s12, s9  }
0xa: {  	s9 =	simm.s32 $0x1;
	s11 =	simm.s32 $0x100;
	s12 =	simm.s32 $0x190  }
0xb: {  	s3 =	sshrl.u32 s26, $0x3;
	s5 =	smax.u32 s30, $0x1;
	s6 =	sadd.s32 $0xA4618, s31  }
0xc: {  	s10 =	sadd.s32 s3, s4;
	s3 =	sadd.s32 $0x1C400, s4;
	s4 =	sadd.s32 s28, s4  }
0xd: {  	s4 =	sadd.s32 $0xA68600, s4;
	s7 =	sadd.s32 $0x8200, s10;
	s10 =	simm.s32 $0x40  }
.LBB2_1:
0xe: {  	s14 =	simm.s32 @!p0 $0x1C01  }
0xf: {  	[spmem:s8], [sflag:s14] =	dma.local @!p0 [hbm:s3], $0x13880  }
0x10: {  	s14 =	simm.s32 @!p0 $0x1  }
0x11: {  	_ =	swait.ge @!p0 [sflag:s14], $0x13880  }
0x12: {  	[sflag:s14] =	ssyncset.done @!p0 $0x0  }
0x13: {  	[sflag:s14] =	ssyncadd.s32 @!p0 $0xFFFEC780  }
0x14: {  	s31 =	sadd.s32 $0x0, s7;
	[bflag:$0x0] =	sbarrier.arrive $0xFFFF  }
0x15: {  	[tilespmem:s2], [sflag:$0x1] =	stream.linear.gather [hbm4b:s31+s2], $0x190, $0x38;
	[tilespmem:$0x101D0] =	vst v63  }
0x16: {  	_ =	swait.ge [sflag:s9], $0x190  }
0x17: {  	[sflag:s9] =	ssyncset.done $0x0  }
0x18: {  	[sflag:s9] =	ssyncadd.s32 $0xFFFFFE70  }
0x19: {  	[tilespmem:s12], [sflag:$0x1] =	stream.strided.gather [hbm4b:s6+s10], $0x6400, s11, s10, $0x38;
	[tilespmem:$0x101D0] =	vst v63  }
0x1a: {  	_ =	swait.ge [sflag:s9], $0x6400  }
0x1b: {  	[sflag:s9] =	ssyncset.done $0x0  }
0x1c: {  	[sflag:s9] =	ssyncadd.s32 $0xFFFF9C00  }
0x1d: {  	[spmem:s1] =	stream.indirect.scatter.add.f32 [tilespmem:s12], [sflag:$0x1], $0x40, s2, s12, $0xb8;
	[tilespmem:$0x101D0] =	vst v63  }
0x1e: {  	s15 =	simm.s32 $0x32;
	_ =	swait.ge [sflag:s9], $0x6400  }
0x1f: {  	s16 =	simm.s32 $0x64;
	s14 =	sadd.s32 $0x3200, s6;
	[sflag:s9] =	ssyncset.done $0x0  }
.LBB2_2:
0x20: {  	s17 =	sadd.s32 s15, s7  }
0x21: {  	[sflag:s9] =	ssyncadd.s32 $0xFFFF9C00;
	s15 =	smov.u32 s16;
	s18 =	sadd.s32 $0x32, s16  }
0x22: {  	[tilespmem:s2], [sflag:$0x1] =	stream.linear.gather [hbm4b:s17+s2], $0x190, $0x38;
	[tilespmem:$0x101D0] =	vst v63  }
0x23: {  	p1 =	sne.s32 s16, $0x4B0;
	_ =	swait.ge [sflag:s9], $0x190  }
0x24: {  	[sflag:s9] =	ssyncset.done $0x0  }
0x25: {  	[sflag:s9] =	ssyncadd.s32 $0xFFFFFE70  }
0x26: {  	[tilespmem:s12], [sflag:$0x1] =	stream.strided.gather [hbm4b:s14+s10], $0x6400, s11, s10, $0x38;
	[tilespmem:$0x101D0] =	vst v63  }
0x27: {  	_ =	swait.ge [sflag:s9], $0x6400  }
.Ltmp0:
0x28: {  	[sflag:s9] =	ssyncset.done $0x0;
	(pc) =	sbr.rel @p1 .LBB2_2-.Ltmp0, $4  }
0x29: {  	[sflag:s9] =	ssyncadd.s32 $0xFFFF9C00  }
0x2a: {  	[spmem:s1] =	stream.indirect.scatter.add.f32 [tilespmem:s12], [sflag:$0x1], $0x40, s2, s12, $0xb8;
	[tilespmem:$0x101D0] =	vst v63  }
0x2b: {  	_ =	swait.ge [sflag:s9], $0x6400  }
0x2c: {  	s16 =	smov.u32 s18;
	s14 =	sadd.s32 $0x3200, s14;
	[sflag:s9] =	ssyncset.done $0x0  }
0x2d: {  	s15 =	sadd.s32 s15, s7;
	[sflag:s9] =	ssyncadd.s32 $0xFFFF9C00  }
0x2e: {  	[tilespmem:s2], [sflag:$0x1] =	stream.linear.gather [hbm4b:s15+s2], $0x190, $0x38;
	[tilespmem:$0x101D0] =	vst v63  }
0x2f: {  	_ =	swait.ge [sflag:s9], $0x190  }
0x30: {  	[sflag:s9] =	ssyncset.done $0x0  }
0x31: {  	[sflag:s9] =	ssyncadd.s32 $0xFFFFFE70  }
0x32: {  	[tilespmem:s12], [sflag:$0x1] =	stream.strided.gather [hbm4b:s14+s10], $0x6400, s11, s10, $0x38;
	[tilespmem:$0x101D0] =	vst v63  }
0x33: {  	_ =	swait.ge [sflag:s9], $0x6400  }
0x34: {  	[sflag:s9] =	ssyncset.done $0x0  }
0x35: {  	[sflag:s9] =	ssyncadd.s32 $0xFFFF9C00  }
0x36: {  	[spmem:s1] =	stream.indirect.scatter.add.f32 [tilespmem:s12], [sflag:$0x1], $0x40, s2, s12, $0xb8;
	[tilespmem:$0x101D0] =	vst v63  }
0x37: {  	_ =	swait.ge [sflag:s9], $0x6400  }
0x38: {  	[sflag:s9] =	ssyncset.done $0x0  }
0x39: {  	s13 =	sadd.s32 $0x1, s13;
	[sflag:s9] =	ssyncadd.s32 $0xFFFF9C00  }
0x3a: {  	p1 =	sne.s32 s13, s5;
	s14 =	simm.s32 @!p0 $0x1C01;
	[bflag:$0x0] =	sbarrier.arrive $0xFFFF  }
0x3b: {  	[hbm:s4], [sflag:s14] =	dma.local @!p0 [spmem:s8], $0x13880  }
.Ltmp1:
0x3c: {  	_ = 	snop;
	(pc) =	sbr.rel @p1 .LBB2_1-.Ltmp1, $4  }
0x3d: {  	s14 =	simm.s32 @!p0 $0x1  }
0x3e: {  	_ =	swait.ge @!p0 [sflag:s14], $0x13880  }
0x3f: {  	[sflag:s14] =	ssyncset.done @!p0 $0x0  }
0x40: {  	[sflag:s14] =	ssyncadd.s32 @!p0 $0xFFFEC780  }
0x41: {  	_ =	sfence.sel $0x180000  }
0x42: {  	[bflag:$0x0] =	sbarrier.arrive $0xFFFF  }
0x43: {  	_ =	strace $0x90000053  }
0x44: {  	s0 =	sadd.s32 @!p0 $0x100000, s0;
	[bflag:$0x2] =	sbarrier.arrive $0xFFFF  }
0x45: {  	[sflag:s0] =	ssyncadd.tile.s32 @!p0 $0x1;
	_ =	shalt  }
.Lfunc_end2:
_tile_overlayer_lowered:
.L_overlay_start_2:
0x46: {  	(tag) =	ssettag $0x2  }
0x47: {  	s0 =	rddreg [dreg:$0x0];
	s2 =	stileid.u32  }
0x48: {  	s1 =	rddreg [dreg:$0x1];
	p0 =	sne.s32 s2, $0x0  }
0x49: {  	s3 =	rddreg [dreg:$0x2];
	[bflag:$0x3] =	sbarrier.arrive $0xFFFF;
	s2 =	simm.s32 @!p0 $0x1C01  }
0x4a: {  	[timem:s3], [sflag:s2] =	dma.local @!p0 [hbm:s0], s1  }
0x4b: {  	s0 =	simm.s32 @!p0 $0x1  }
0x4c: {  	_ =	swait.ge @!p0 [sflag:s0], s1  }
0x4d: {  	s1 =	ssub.s32 @!p0 $0x0, s1;
	[sflag:s0] =	ssyncset.done @!p0 $0x0  }
0x4e: {  	[sflag:s0] =	ssyncadd.s32 @!p0 s1  }
0x4f: {  	[bflag:$0x3] =	sbarrier.arrive $0xFFFF  }
0x50: {  	_ =	shalt  }

// kernel: kernel.45.cloned.1.call-start
scs
__scs_entry_jumppad:
0x0: {  	(pc) =	sbr.rel $0x88, $3  }
0x1: {  	(tag) =	ssettag $0x0;
	lr =	simm.s32 $0x1  }
0x2: {  	[smem:$0x3F88] =	sst lr;
	_ =	strace $0xD0000000  }
0x3: {  	_ = 	snop  }
0x4: {  	_ = 	snop  }
0x5: {  	_ = 	snop  }
0x6: {  	_ = 	snop  }
0x7: {  	_ = 	snop  }
__scs_overlays_trampoline_lowered:
0x8: {  	[smem:$0x3F97] =	sst s0  }
0x9: {  	[smem:$0x3F98] =	sst s1  }
0xa: {  	[smem:$0x3F99] =	sst s2  }
0xb: {  	[smem:$0x3F9A] =	sst s3  }
0xc: {  	[smem:$0x3F9B] =	sst s4  }
0xd: {  	[smem:$0x3F9C] =	sst s5  }
0xe: {  	[smem:$0x3F9D] =	sst s6  }
0xf: {  	[smem:$0x3F9E] =	sst s7  }
0x10: {  	[smem:$0x3F9F] =	sst s8  }
0x11: {  	[smem:$0x3FA0] =	sst s9;
	s0 =	simm.s32 @!p0 $0x0  }
0x12: {  	s1 =	sld [smem:$0x3F86];
	s0 =	simm.s32 @p0 $0x1  }
0x13: {  	[smem:$0x3FA1] =	sst s0;
	s0 =	simm.s32 @!p1 $0x0  }
0x14: {  	s2 =	sld [smem:$0x3F85];
	s0 =	simm.s32 @p1 $0x1  }
0x15: {  	[smem:$0x3FA2] =	sst s0;
	s0 =	simm.s32 @!p2 $0x0  }
0x16: {  	s3 =	sld [smem:$0x3FDB];
	s0 =	simm.s32 @p2 $0x1  }
0x17: {  	s4 =	simm.s32 $0x1BF5;
	[smem:$0x3FA4] =	sst s0  }
0x18: {  	s0 =	sld [smem:$0x3F87];
	_ =	swait.ge [sflag:s4], $0x0  }
0x19: {  	s7 =	sld [smem:$0x3F88]  }
0x1a: {  	s8 =	sadd.s32 $0xFFFFE003, lr  }
0x1b: {  	s9 =	sadd.s32 $0xFFFFFEF7, lr;
	s5 =	simm.s32 $0xFFFFFFFF;
	p2 =	slt.u32 s8, $0xFFFFF086  }
0x1c: {  	p1 =	slt.u32 s9, $0xF7A;
	s5 =	simm.s32 @!p2 $0x0  }
0x1d: {  	s5 =	simm.s32 @p1 $0x1;
	p0 =	seq.s32 s7, s2  }
0x1e: {  	s7 =	smul.u32 @!p0 $0xF7A, s2;
	p2 =	seq.s32 @!p0 s5, $0x0  }
0x1f: {  	s9 =	smul.u32 $0xF7A, s1;
	s8 =	simm.s32 @!p0 $0x1BF5;
	p2 =	por !p2, p0  }
0x20: {  	[sflag:s8] =	ssyncset.s32 @!p0 $0xFFFFF086;
	s6 =	sadd.s32 @!p0 s3, s7;
	s7 =	simm.s32 @!p0 $0x108  }
0x21: {  	s3 =	sadd.s32 s3, s9;
	s6 =	sadd.s32 @!p0 $0x88, s6;
	s7 =	simm.s32 @p2 $0x1082  }
0x22: {  	[simem:s7], [sflag:s8] =	dma.local @!p0 [hbm:s6], $0xF7A  }
0x23: {  	s9 =	sor.u32 $0xD0000000, s2;
	s6 =	simm.s32 $0x108;
	_ =	swait.ge @!p0 [sflag:s8], $0x0  }
0x24: {  	s3 =	sadd.s32 $0x88, s3;
	s6 =	simm.s32 @!p1 $0x1082;
	[sflag:s4] =	ssyncset.s32 $0xFFFFF086  }
0x25: {  	[simem:s6], [sflag:s4] =	dma.local [hbm:s3], $0xF7A  }
0x26: {  	[smem:$0x3F88] =	sst s1;
	(tag) =	ssettag s2;
	_ =	strace s9  }
0x27: {  	s1 =	sld [smem:$0x3F98]  }
0x28: {  	s2 =	sld [smem:$0x3F99]  }
0x29: {  	s4 =	sld [smem:$0x3F9B]  }
0x2a: {  	p0 =	seq.s32 s5, $0x0;
	s5 =	sld [smem:$0x3F9C]  }
0x2b: {  	s6 =	sld [smem:$0x3F9D]  }
0x2c: {  	s7 =	sld [smem:$0x3F9E]  }
0x2d: {  	s3 =	simm.s32 $0x108;
	s8 =	sld [smem:$0x3F9F]  }
0x2e: {  	s3 =	simm.s32 @!p0 $0x1082;
	s9 =	sld [smem:$0x3FA0]  }
0x2f: {  	lr =	sadd.s32 s0, s3;
	s0 =	sld [smem:$0x3F97]  }
0x30: {  	s3 =	sld [smem:$0x3F9A]  }
0x31: {  	[smem:$0x3FA3] =	sst s10  }
0x32: {  	s10 =	sld [smem:$0x3FA1];
	_ =	sdelay $0x3  }
0x33: {  	p0 =	seq.s32 s10, $0x1;
	s10 =	sld [smem:$0x3FA3];
	_ =	sdelay $0x3  }
0x34: {  	[smem:$0x3FA3] =	sst s10  }
0x35: {  	s10 =	sld [smem:$0x3FA2];
	_ =	sdelay $0x3  }
0x36: {  	p1 =	seq.s32 s10, $0x1;
	s10 =	sld [smem:$0x3FA3];
	_ =	sdelay $0x3  }
0x37: {  	[smem:$0x3FA3] =	sst s10  }
0x38: {  	s10 =	sld [smem:$0x3FA4]  }
0x39: {  	_ = 	snop;
	(pc) =	sbr.ind lr, $3  }
0x3a: {  	_ = 	snop  }
0x3b: {  	_ = 	snop  }
0x3c: {  	p2 =	seq.s32 s10, $0x1;
	s10 =	sld [smem:$0x3FA3]  }
0x3d: {  	_ =	shalt  }
0x3e: {  	_ =	shalt  }
0x3f: {  	_ =	shalt  }
0x40: {  	_ =	shalt  }
0x41: {  	_ =	shalt  }
0x42: {  	_ =	shalt  }
0x43: {  	_ =	shalt  }
0x44: {  	_ =	shalt  }
0x45: {  	_ =	shalt  }
0x46: {  	_ =	shalt  }
0x47: {  	_ =	shalt  }
0x48: {  	_ =	shalt  }
0x49: {  	_ =	shalt  }
0x4a: {  	_ =	shalt  }
0x4b: {  	_ =	shalt  }
0x4c: {  	_ =	shalt  }
0x4d: {  	_ =	shalt  }
0x4e: {  	_ =	shalt  }
0x4f: {  	_ =	shalt  }
0x50: {  	_ =	shalt  }
0x51: {  	_ =	shalt  }
0x52: {  	_ =	shalt  }
0x53: {  	_ =	shalt  }
0x54: {  	_ =	shalt  }
0x55: {  	_ =	shalt  }
0x56: {  	_ =	shalt  }
0x57: {  	_ =	shalt  }
0x58: {  	_ =	shalt  }
0x59: {  	_ =	shalt  }
0x5a: {  	_ =	shalt  }
0x5b: {  	_ =	shalt  }
0x5c: {  	_ =	shalt  }
0x5d: {  	_ =	shalt  }
0x5e: {  	_ =	shalt  }
0x5f: {  	_ =	shalt  }
0x60: {  	_ =	shalt  }
0x61: {  	_ =	shalt  }
0x62: {  	_ =	shalt  }
0x63: {  	_ =	shalt  }
0x64: {  	_ =	shalt  }
0x65: {  	_ =	shalt  }
0x66: {  	_ =	shalt  }
0x67: {  	_ =	shalt  }
0x68: {  	_ =	shalt  }
0x69: {  	_ =	shalt  }
0x6a: {  	_ =	shalt  }
0x6b: {  	_ =	shalt  }
0x6c: {  	_ =	shalt  }
0x6d: {  	_ =	shalt  }
0x6e: {  	_ =	shalt  }
0x6f: {  	_ =	shalt  }
0x70: {  	_ =	shalt  }
0x71: {  	_ =	shalt  }
0x72: {  	_ =	shalt  }
0x73: {  	_ =	shalt  }
0x74: {  	_ =	shalt  }
0x75: {  	_ =	shalt  }
0x76: {  	_ =	shalt  }
0x77: {  	_ =	shalt  }
0x78: {  	_ =	shalt  }
0x79: {  	_ =	shalt  }
0x7a: {  	_ =	shalt  }
0x7b: {  	_ =	shalt  }
0x7c: {  	_ =	shalt  }
0x7d: {  	_ =	shalt  }
0x7e: {  	_ =	shalt  }
0x7f: {  	_ =	shalt  }
0x80: {  	_ =	shalt  }
0x81: {  	_ =	shalt  }
0x82: {  	_ =	shalt  }
0x83: {  	_ =	shalt  }
0x84: {  	_ =	shalt  }
0x85: {  	_ =	shalt  }
0x86: {  	_ =	shalt  }
0x87: {  	_ =	shalt  }
.Lfunc_end0:
.L_simem_size_0:
called_computation.8_lowered:
.L_overlay_start_0:
0x88: {  	s2 =	sld [smem:$0x3FD9]  }
0x89: {  	s3 =	sld [smem:$0x3FFE];
	_ =	sdelay $0x1  }
0x8a: {  	s1 =	srdreg.scid  }
0x8b: {  	s0 =	sand.u32 $0x1, s1  }
0x8c: {  	s17 =	sshll.u32 s0, $0xA;
	s2 =	sadd.s32 s3, s2  }
0x8d: {  	s2 =	sadd.s32 s2, s17  }
0x8e: {  	[smem:$0x3FAF] =	sst s2  }
0x8f: {  	_ = 	snop  }
0x90: {  	s2 =	sld [smem:$0x3FD0];
	(tm) =	ssettm $0x1  }
0x91: {  	s18 =	sld [smem:$0x3FFB];
	_ =	sdelay $0x3  }
0x92: {  	_ =	strace s18  }
0x93: {  	s3 =	sld [smem:$0x3FFC];
	_ =	sdelay $0x3  }
0x94: {  	_ =	strace s3  }
0x95: {  	s3 =	sld [smem:$0x3FFD];
	_ =	sdelay $0x3  }
0x96: {  	_ =	strace s3  }
0x97: {  	_ =	strace $0x8FFFFFFF  }
0x98: {  	s19 =	sld [smem:$0x3FDB];
	_ =	sdelay $0x1  }
0x99: {  	s4 =	simm.s32 $_scs_section_size  }
0x9a: {  	s5 =	simm.s32 $_size__tile_overlayer_lowered;
	s6 =	simm.s32 $_tile_overlayer_lowered  }
0x9b: {  	s22 =	simm.s32 $0x1BFF;
	s21 =	sshll.u32 s6, $0x1;
	s3 =	sadd.s32 s4, s19  }
0x9c: {  	s7 =	simm.s32 $0x0;
	s20 =	sshll.u32 s5, $0x1;
	s5 =	sadd.s32 s21, s3  }
0x9d: {  	[timem:s7], [sflag:s22] =	dma.local [hbm:s5], s20  }
0x9e: {  	_ =	swait.ge [sflag:s22], s20  }
0x9f: {  	s4 =	ssub.s32 $0x0, s20;
	[sflag:s22] =	ssyncset.done $0x0  }
0xa0: {  	[sflag:s22] =	ssyncadd.s32 s4;
	_ =	sdelay $0x1  }
0xa1: {  	s23 =	simm.s32 $0x1B8B  }
0xa2: {  	_ =	swait.ge [sflag:s23], $0x1  }
0xa3: {  	[sflag:s23] =	ssyncset.done $0x0  }
0xa4: {  	s25 =	simm.s32 $0x1B8E;
	s24 =	sld [smem:$0x3FFE];
	[sflag:s23] =	ssyncadd.s32 $0xFFFFFFFF  }
0xa5: {  	s26 =	simm.s32 $execute0_lowered;
	[smem:$0x3FD2] =	sst s25  }
0xa6: {  	s5 =	sshll.u32 s26, $0x1;
	_ =	strace $0x8000005E;
	[dreg:$0x1] =	wrdreg $0xFFFFFFFF  }
0xa7: {  	s28 =	simm.s32 $_size_execute0_lowered;
	s3 =	sadd.s32 s3, s5;
	[dreg:$0x0] =	wrdreg $0x0  }
0xa8: {  	s5 =	sshll.u32 s28, $0x1;
	[dreg:$0x2] =	wrdreg s3  }
0xa9: {  	[dreg:$0x3] =	wrdreg s5  }
0xaa: {  	[dreg:$0x4] =	wrdreg $0xC0  }
0xab: {  	_ =	task [dreg:s7], $0x5FFFF  }
0xac: {  	[dreg:$0x1] =	wrdreg $0xFFFFFFFF  }
0xad: {  	[dreg:$0x0] =	wrdreg $0x60  }
0xae: {  	[dreg:$0x2] =	wrdreg s24  }
0xaf: {  	[dreg:$0x3] =	wrdreg s2  }
0xb0: {  	[dreg:$0x4] =	wrdreg $0x9  }
0xb1: {  	_ =	task.clear_ibuf [dreg:s7], $0x5FFFF;
	_ =	strace $0x9000005E  }
0xb2: {  	s29 =	simm.s32 $0x9;
	_ =	strace $0x80000060  }
0xb3: {  	_ =	swait.ge [sflag:s29], $0x1  }
0xb4: {  	[sflag:s29] =	ssyncadd.s32 $0xFFFFFFFF  }
0xb5: {  	_ =	strace $0x90000060  }
0xb6: {  	_ =	sfence  }
0xb7: {  	s30 =	sld [smem:$0x0];
	_ =	sdelay $0x2  }
0xb8: {  	s31 =	sshll.u32 s1, $0xD;
	s1 =	sshrl.u32 s1, $0x2  }
0xb9: {  	s3 =	sand.u32 $0x4000, s31;
	s1 =	sadd.s32 s1, s30  }
0xba: {  	s0 =	sor.u32 s3, s0;
	s1 =	sshll.u32 s1, $0x11  }
0xbb: {  	s0 =	sor.u32 s1, s0  }
0xbc: {  	s0 =	sadd.s32 $0x8F2B, s0  }
0xbd: {  	[sflag:s0] =	ssyncadd.remote.s32 $0x1  }
0xbe: {  	_ =	sfence.sel $0xFFFF  }
0xbf: {  	[dreg:$0x0] =	wrdreg $0xFFFFFFFF;
	(pc) =	sbr.abs _section_cstart, $3  }
0xc0: {  	[dreg:$0x1] =	wrdreg $0xFFFFFFFF  }
0xc1: {  	_ =	task.clear_ibuf [dreg:s7], $0x2FFFF;
	_ =	strace $0x9FFFFFFF  }
0xc2: {  	(tm) =	ssettm $0x7FFFFFFF  }
0xc3: {  	_ =	shalt  }
tec
execute0_lowered:
.L_overlay_start_1:
0x0: {  	(tag) =	ssettag $0x1  }
0x1: {  	s9 =	rddreg [dreg:$0x0]  }
0x2: {  	s2 =	rddreg [dreg:$0x1]  }
0x3: {  	s0 =	rddreg [dreg:$0x2]  }
0x4: {  	s4 =	srdreg.scid;
	s1 =	stileid.u32;
	s3 =	simm.s32 $0x0  }
0x5: {  	s13 =	simm.s32 $0x7530;
	s14 =	simm.s32 $0x76C0;
	s15 =	simm.s32 $0x4E20  }
0x6: {  	s16 =	simm.s32 $0x7850;
	s7 =	sand.u32 $0x1, s4;
	s31 =	sshll.u32 s1, $0x1  }
0x7: {  	s17 =	simm.s32 $0x0;
	[smem:$0x7FF] =	sst s3;
	s4 =	sor.u32 s7, s31  }
0x8: {  	s5 =	sadd.s32 $0x30400, s9;
	s6 =	sadd.s32 $0x2FE00, s9;
	s4 =	smul.u32 $0x2710, s4  }
0x9: {  	s8 =	sadd.s32 $0x12000, s9;
	_ =	strace $0x8000005F;
	s10 =	ssub.s32 $0x2, s7  }
0xa: {  	s7 =	sadd.s32 $0x8200, s9;
	s12 =	sshrl.u32 s10, $0x1;
	s11 =	sshrl.u32 s4, $0x3  }
0xb: {  	s10 =	ssub.s32 s10, s12;
	s12 =	simm.s32 $0x2710;
	s9 =	sadd.s32 s11, s9  }
0xc: {  	v0 =	vimm.f32 $0.0e+00;
	s10 =	smax.u32 s10, $0x1;
	s11 =	simm.s32 $0x1;
	s9 =	sadd.s32 $0x30A00, s9  }
.LBB2_1:
0xd: {  	[tilespmem:s3], [sflag:$0x1] =	stream.linear.gather [hbm4b:s5+s3], $0x2710, $0x38;
	[tilespmem:$0x79E0] =	vst v63  }
0xe: {  	_ =	swait.ge [sflag:s11], $0x2710  }
0xf: {  	[sflag:s11] =	ssyncset.done $0x0  }
0x10: {  	[sflag:s11] =	ssyncadd.s32 $0xFFFFD8F0  }
0x11: {  	[tilespmem:s12], [sflag:$0x1] =	stream.linear.gather [hbm4b:s6+s3], $0x2710, $0x38;
	[tilespmem:$0x79E0] =	vst v63  }
0x12: {  	_ =	swait.ge [sflag:s11], $0x2710  }
0x13: {  	[sflag:s11] =	ssyncset.done $0x0  }
0x14: {  	s18 =	simm.s32 $0x40;
	s19 =	simm.s32 $0x0;
	[sflag:s11] =	ssyncadd.s32 $0xFFFFD8F0  }
.LBB2_2:
0x15: {  	p0 =	sne.s32 s18, $0x9C00;
	[tilespmem:s19+$0x4E20] =	vst v0;
	s19 =	smov.u32 s18;
	s18 =	sadd.s32 $0x40, s18  }
.Ltmp0:
0x16: {  	(pc) =	sbr.rel @p0 .LBB2_2-.Ltmp0, $2  }
0x17: {  	_ =	sdelay $0x2  }
0x18: {  	s19 =	sshra.s32 s19, $0x2  }
0x19: {  	[tilespmem:s19+$0x4E20] =	vst v0;
	s18 =	simm.s32 $0x0;
	s19 =	simm.s32 $0x0  }
.LBB2_4:
0x1a: {  	s20 =	smul.u32 $0x190, s19;
	_ =	sdelay $0x1  }
0x1b: {  	s20 =	sadd.s32 s4, s20  }
0x1c: {  	s20 =	sshrl.u32 s20, $0x3  }
0x1d: {  	s21 =	sadd.s32 s7, s20  }
0x1e: {  	[tilespmem:s13], [sflag:$0x1] =	stream.linear.gather [hbm4b:s21+s18], $0x190, $0x38;
	[tilespmem:$0x79E0] =	vst v63  }
0x1f: {  	_ =	swait.ge [sflag:s11], $0x190  }
0x20: {  	[sflag:s11] =	ssyncset.done $0x0  }
0x21: {  	s31 =	sadd.s32 s8, s20;
	[sflag:s11] =	ssyncadd.s32 $0xFFFFFE70  }
0x22: {  	[tilespmem:s14], [sflag:$0x1] =	stream.linear.gather [hbm4b:s31+s18], $0x190, $0x38;
	[tilespmem:$0x79E0] =	vst v63  }
0x23: {  	_ =	swait.ge [sflag:s11], $0x190  }
0x24: {  	[sflag:s11] =	ssyncset.done $0x0  }
0x25: {  	s21 =	simm.s32 $0x0;
	[sflag:s11] =	ssyncadd.s32 $0xFFFFFE70  }
0x26: {  	v1 =	vld [tilespmem:s21+$0x7530]  }
0x27: {  	s22 =	simm.s32 $0x40;
	v2 =	vld [tilespmem:s21+$0x76C0]  }
.LBB2_5:
0x28: {  	p0 =	sne.s32 s22, $0x600;
	_ =	sdelay $0x5  }
0x29: {  	v3 =	vld.idx.msk [tilespmem:v1+s3+$0x0], $0xffff  }
0x2a: {  	v2 =	vld.idx.msk [tilespmem:v2+s12+$0x0], $0xffff;
	_ =	sdelay $0x5  }
0x2b: {  	v2 =	vadd.f32 v2, v3;
	_ =	sdelay $0x1  }
0x2c: {  	v3 =	vmul.f32 $9.999999770e-03, v2;
	_ =	sdelay $0x1  }
0x2d: {  	v2 =	vmax.f32 v2, v3  }
0x2e: {  	v2 =	vmul.f32 $1.442695020e+00, v2;
	_ =	sdelay $0x1  }
0x2f: {  	(erf) = vpow2.f32 v2;
	_ =	sdelay $0x8  }
.Ltmp1:
0x30: {  	v2 =	vpop (erf);
	(pc) =	sbr.rel @p0 .LBB2_5-.Ltmp1, $4  }
0x31: {  	[tilespmem:s21+$0x7850] =	vst v2  }
0x32: {  	s21 =	sshra.s32 s22, $0x2;
	[tilespmem:v1+s15+$0x0] =	vst.idx.add.f32.msk $0xffff, v2  }
0x33: {  	v1 =	vld [tilespmem:s21+$0x7530]  }
0x34: {  	s22 =	sadd.s32 $0x40, s22;
	v2 =	vld [tilespmem:s21+$0x76C0]  }
0x35: {  	_ =	sdelay $0x6  }
0x36: {  	v3 =	vld.idx.msk [tilespmem:v1+s3+$0x0], $0xffff  }
0x37: {  	v2 =	vld.idx.msk [tilespmem:v2+s12+$0x0], $0xffff;
	_ =	sdelay $0x4  }
0x38: {  	v2 =	vadd.f32 v2, v3;
	_ =	sdelay $0x1  }
0x39: {  	v3 =	vmul.f32 $9.999999770e-03, v2;
	_ =	sdelay $0x1  }
0x3a: {  	v2 =	vmax.f32 v2, v3  }
0x3b: {  	v2 =	vmul.f32 $1.442695020e+00, v2;
	_ =	sdelay $0x1  }
0x3c: {  	(erf) = vpow2.f32 v2;
	_ =	sdelay $0x8  }
0x3d: {  	s19 =	sadd.s32 $0x1, s19;
	v2 =	vpop (erf)  }
0x3e: {  	p0 =	sne.s32 s19, $0x19;
	[tilespmem:s21+$0x7850] =	vst v2  }
.Ltmp2:
0x3f: {  	s20 =	sadd.s32 s2, s20;
	[tilespmem:v1+s15+$0x0] =	vst.idx.add.f32.msk $0xffff, v2;
	(pc) =	sbr.rel @p0 .LBB2_4-.Ltmp2, $4  }
0x40: {  	[hbm4b:s20+s3] =	stream.linear.scatter [tilespmem:s16], [sflag:$0x1], $0x190, $0x38;
	[tilespmem:$0x79E0] =	vst v63  }
0x41: {  	_ =	swait.ge [sflag:s11], $0x190  }
0x42: {  	[sflag:s11] =	ssyncset.done $0x0  }
0x43: {  	[sflag:s11] =	ssyncadd.s32 $0xFFFFFE70  }
0x44: {  	s17 =	sadd.s32 $0x1, s17  }
0x45: {  	p0 =	sne.s32 s17, s10  }
.Ltmp3:
0x46: {  	_ = 	snop;
	(pc) =	sbr.rel @p0 .LBB2_1-.Ltmp3, $4  }
0x47: {  	[hbm4b:s9+s3] =	stream.linear.scatter [tilespmem:s15], [sflag:$0x1], $0x2710, $0x38;
	[tilespmem:$0x79E0] =	vst v63  }
0x48: {  	_ =	swait.ge [sflag:s11], $0x2710  }
0x49: {  	[sflag:s11] =	ssyncset.done $0x0  }
0x4a: {  	[sflag:s11] =	ssyncadd.s32 $0xFFFFD8F0  }
0x4b: {  	_ =	sfence.sel $0x180000  }
0x4c: {  	[bflag:$0x0] =	sbarrier.arrive $0xFFFF  }
0x4d: {  	p0 =	sne.s32 s1, $0x0;
	_ =	strace $0x9000005F  }
0x4e: {  	s0 =	sadd.s32 @!p0 $0x100000, s0;
	[bflag:$0x2] =	sbarrier.arrive $0xFFFF  }
0x4f: {  	[sflag:s0] =	ssyncadd.tile.s32 @!p0 $0x1;
	_ =	shalt  }
.Lfunc_end2:
_tile_overlayer_lowered:
.L_overlay_start_2:
0x50: {  	(tag) =	ssettag $0x2  }
0x51: {  	s0 =	rddreg [dreg:$0x0];
	s2 =	stileid.u32  }
0x52: {  	s1 =	rddreg [dreg:$0x1];
	p0 =	sne.s32 s2, $0x0  }
0x53: {  	s3 =	rddreg [dreg:$0x2];
	[bflag:$0x3] =	sbarrier.arrive $0xFFFF;
	s2 =	simm.s32 @!p0 $0x1C01  }
0x54: {  	[timem:s3], [sflag:s2] =	dma.local @!p0 [hbm:s0], s1  }
0x55: {  	s0 =	simm.s32 @!p0 $0x1  }
0x56: {  	_ =	swait.ge @!p0 [sflag:s0], s1  }
0x57: {  	s1 =	ssub.s32 @!p0 $0x0, s1;
	[sflag:s0] =	ssyncset.done @!p0 $0x0  }
0x58: {  	[sflag:s0] =	ssyncadd.s32 @!p0 s1  }
0x59: {  	[bflag:$0x3] =	sbarrier.arrive $0xFFFF  }
0x5a: {  	_ =	shalt  }

// kernel: kernel.48.cloned.1.call-start
scs
__scs_entry_jumppad:
0x0: {  	(pc) =	sbr.rel $0x88, $3  }
0x1: {  	(tag) =	ssettag $0x0;
	lr =	simm.s32 $0x1  }
0x2: {  	[smem:$0x3F88] =	sst lr;
	_ =	strace $0xD0000000  }
0x3: {  	_ = 	snop  }
0x4: {  	_ = 	snop  }
0x5: {  	_ = 	snop  }
0x6: {  	_ = 	snop  }
0x7: {  	_ = 	snop  }
__scs_overlays_trampoline_lowered:
0x8: {  	[smem:$0x3F97] =	sst s0  }
0x9: {  	[smem:$0x3F98] =	sst s1  }
0xa: {  	[smem:$0x3F99] =	sst s2  }
0xb: {  	[smem:$0x3F9A] =	sst s3  }
0xc: {  	[smem:$0x3F9B] =	sst s4  }
0xd: {  	[smem:$0x3F9C] =	sst s5  }
0xe: {  	[smem:$0x3F9D] =	sst s6  }
0xf: {  	[smem:$0x3F9E] =	sst s7  }
0x10: {  	[smem:$0x3F9F] =	sst s8  }
0x11: {  	[smem:$0x3FA0] =	sst s9;
	s0 =	simm.s32 @!p0 $0x0  }
0x12: {  	s1 =	sld [smem:$0x3F86];
	s0 =	simm.s32 @p0 $0x1  }
0x13: {  	[smem:$0x3FA1] =	sst s0;
	s0 =	simm.s32 @!p1 $0x0  }
0x14: {  	s2 =	sld [smem:$0x3F85];
	s0 =	simm.s32 @p1 $0x1  }
0x15: {  	[smem:$0x3FA2] =	sst s0;
	s0 =	simm.s32 @!p2 $0x0  }
0x16: {  	s3 =	sld [smem:$0x3FDB];
	s0 =	simm.s32 @p2 $0x1  }
0x17: {  	s4 =	simm.s32 $0x1BF5;
	[smem:$0x3FA4] =	sst s0  }
0x18: {  	s0 =	sld [smem:$0x3F87];
	_ =	swait.ge [sflag:s4], $0x0  }
0x19: {  	s7 =	sld [smem:$0x3F88]  }
0x1a: {  	s8 =	sadd.s32 $0xFFFFE003, lr  }
0x1b: {  	s9 =	sadd.s32 $0xFFFFFEF7, lr;
	s5 =	simm.s32 $0xFFFFFFFF;
	p2 =	slt.u32 s8, $0xFFFFF086  }
0x1c: {  	p1 =	slt.u32 s9, $0xF7A;
	s5 =	simm.s32 @!p2 $0x0  }
0x1d: {  	s5 =	simm.s32 @p1 $0x1;
	p0 =	seq.s32 s7, s2  }
0x1e: {  	s7 =	smul.u32 @!p0 $0xF7A, s2;
	p2 =	seq.s32 @!p0 s5, $0x0  }
0x1f: {  	s9 =	smul.u32 $0xF7A, s1;
	s8 =	simm.s32 @!p0 $0x1BF5;
	p2 =	por !p2, p0  }
0x20: {  	[sflag:s8] =	ssyncset.s32 @!p0 $0xFFFFF086;
	s6 =	sadd.s32 @!p0 s3, s7;
	s7 =	simm.s32 @!p0 $0x108  }
0x21: {  	s3 =	sadd.s32 s3, s9;
	s6 =	sadd.s32 @!p0 $0x88, s6;
	s7 =	simm.s32 @p2 $0x1082  }
0x22: {  	[simem:s7], [sflag:s8] =	dma.local @!p0 [hbm:s6], $0xF7A  }
0x23: {  	s9 =	sor.u32 $0xD0000000, s2;
	s6 =	simm.s32 $0x108;
	_ =	swait.ge @!p0 [sflag:s8], $0x0  }
0x24: {  	s3 =	sadd.s32 $0x88, s3;
	s6 =	simm.s32 @!p1 $0x1082;
	[sflag:s4] =	ssyncset.s32 $0xFFFFF086  }
0x25: {  	[simem:s6], [sflag:s4] =	dma.local [hbm:s3], $0xF7A  }
0x26: {  	[smem:$0x3F88] =	sst s1;
	(tag) =	ssettag s2;
	_ =	strace s9  }
0x27: {  	s1 =	sld [smem:$0x3F98]  }
0x28: {  	s2 =	sld [smem:$0x3F99]  }
0x29: {  	s4 =	sld [smem:$0x3F9B]  }
0x2a: {  	p0 =	seq.s32 s5, $0x0;
	s5 =	sld [smem:$0x3F9C]  }
0x2b: {  	s6 =	sld [smem:$0x3F9D]  }
0x2c: {  	s7 =	sld [smem:$0x3F9E]  }
0x2d: {  	s3 =	simm.s32 $0x108;
	s8 =	sld [smem:$0x3F9F]  }
0x2e: {  	s3 =	simm.s32 @!p0 $0x1082;
	s9 =	sld [smem:$0x3FA0]  }
0x2f: {  	lr =	sadd.s32 s0, s3;
	s0 =	sld [smem:$0x3F97]  }
0x30: {  	s3 =	sld [smem:$0x3F9A]  }
0x31: {  	[smem:$0x3FA3] =	sst s10  }
0x32: {  	s10 =	sld [smem:$0x3FA1];
	_ =	sdelay $0x3  }
0x33: {  	p0 =	seq.s32 s10, $0x1;
	s10 =	sld [smem:$0x3FA3];
	_ =	sdelay $0x3  }
0x34: {  	[smem:$0x3FA3] =	sst s10  }
0x35: {  	s10 =	sld [smem:$0x3FA2];
	_ =	sdelay $0x3  }
0x36: {  	p1 =	seq.s32 s10, $0x1;
	s10 =	sld [smem:$0x3FA3];
	_ =	sdelay $0x3  }
0x37: {  	[smem:$0x3FA3] =	sst s10  }
0x38: {  	s10 =	sld [smem:$0x3FA4]  }
0x39: {  	_ = 	snop;
	(pc) =	sbr.ind lr, $3  }
0x3a: {  	_ = 	snop  }
0x3b: {  	_ = 	snop  }
0x3c: {  	p2 =	seq.s32 s10, $0x1;
	s10 =	sld [smem:$0x3FA3]  }
0x3d: {  	_ =	shalt  }
0x3e: {  	_ =	shalt  }
0x3f: {  	_ =	shalt  }
0x40: {  	_ =	shalt  }
0x41: {  	_ =	shalt  }
0x42: {  	_ =	shalt  }
0x43: {  	_ =	shalt  }
0x44: {  	_ =	shalt  }
0x45: {  	_ =	shalt  }
0x46: {  	_ =	shalt  }
0x47: {  	_ =	shalt  }
0x48: {  	_ =	shalt  }
0x49: {  	_ =	shalt  }
0x4a: {  	_ =	shalt  }
0x4b: {  	_ =	shalt  }
0x4c: {  	_ =	shalt  }
0x4d: {  	_ =	shalt  }
0x4e: {  	_ =	shalt  }
0x4f: {  	_ =	shalt  }
0x50: {  	_ =	shalt  }
0x51: {  	_ =	shalt  }
0x52: {  	_ =	shalt  }
0x53: {  	_ =	shalt  }
0x54: {  	_ =	shalt  }
0x55: {  	_ =	shalt  }
0x56: {  	_ =	shalt  }
0x57: {  	_ =	shalt  }
0x58: {  	_ =	shalt  }
0x59: {  	_ =	shalt  }
0x5a: {  	_ =	shalt  }
0x5b: {  	_ =	shalt  }
0x5c: {  	_ =	shalt  }
0x5d: {  	_ =	shalt  }
0x5e: {  	_ =	shalt  }
0x5f: {  	_ =	shalt  }
0x60: {  	_ =	shalt  }
0x61: {  	_ =	shalt  }
0x62: {  	_ =	shalt  }
0x63: {  	_ =	shalt  }
0x64: {  	_ =	shalt  }
0x65: {  	_ =	shalt  }
0x66: {  	_ =	shalt  }
0x67: {  	_ =	shalt  }
0x68: {  	_ =	shalt  }
0x69: {  	_ =	shalt  }
0x6a: {  	_ =	shalt  }
0x6b: {  	_ =	shalt  }
0x6c: {  	_ =	shalt  }
0x6d: {  	_ =	shalt  }
0x6e: {  	_ =	shalt  }
0x6f: {  	_ =	shalt  }
0x70: {  	_ =	shalt  }
0x71: {  	_ =	shalt  }
0x72: {  	_ =	shalt  }
0x73: {  	_ =	shalt  }
0x74: {  	_ =	shalt  }
0x75: {  	_ =	shalt  }
0x76: {  	_ =	shalt  }
0x77: {  	_ =	shalt  }
0x78: {  	_ =	shalt  }
0x79: {  	_ =	shalt  }
0x7a: {  	_ =	shalt  }
0x7b: {  	_ =	shalt  }
0x7c: {  	_ =	shalt  }
0x7d: {  	_ =	shalt  }
0x7e: {  	_ =	shalt  }
0x7f: {  	_ =	shalt  }
0x80: {  	_ =	shalt  }
0x81: {  	_ =	shalt  }
0x82: {  	_ =	shalt  }
0x83: {  	_ =	shalt  }
0x84: {  	_ =	shalt  }
0x85: {  	_ =	shalt  }
0x86: {  	_ =	shalt  }
0x87: {  	_ =	shalt  }
.Lfunc_end0:
.L_simem_size_0:
called_computation.9_lowered:
.L_overlay_start_0:
0x88: {  	s2 =	sld [smem:$0x3FD9]  }
0x89: {  	s3 =	sld [smem:$0x3FFE];
	_ =	sdelay $0x1  }
0x8a: {  	s1 =	srdreg.scid  }
0x8b: {  	s0 =	sand.u32 $0x1, s1  }
0x8c: {  	s17 =	sshll.u32 s0, $0xA;
	s2 =	sadd.s32 s3, s2  }
0x8d: {  	s2 =	sadd.s32 s2, s17  }
0x8e: {  	[smem:$0x3FAF] =	sst s2  }
0x8f: {  	_ = 	snop  }
0x90: {  	s2 =	sld [smem:$0x3FD0];
	(tm) =	ssettm $0x1  }
0x91: {  	s18 =	sld [smem:$0x3FFB];
	_ =	sdelay $0x3  }
0x92: {  	_ =	strace s18  }
0x93: {  	s3 =	sld [smem:$0x3FFC];
	_ =	sdelay $0x3  }
0x94: {  	_ =	strace s3  }
0x95: {  	s3 =	sld [smem:$0x3FFD];
	_ =	sdelay $0x3  }
0x96: {  	_ =	strace s3  }
0x97: {  	_ =	strace $0x8FFFFFFF  }
0x98: {  	s19 =	sld [smem:$0x3FDB];
	_ =	sdelay $0x1  }
0x99: {  	s4 =	simm.s32 $_scs_section_size  }
0x9a: {  	s5 =	simm.s32 $_size__tile_overlayer_lowered;
	s6 =	simm.s32 $_tile_overlayer_lowered  }
0x9b: {  	s22 =	simm.s32 $0x1BFF;
	s21 =	sshll.u32 s6, $0x1;
	s3 =	sadd.s32 s4, s19  }
0x9c: {  	s7 =	simm.s32 $0x0;
	s20 =	sshll.u32 s5, $0x1;
	s5 =	sadd.s32 s21, s3  }
0x9d: {  	[timem:s7], [sflag:s22] =	dma.local [hbm:s5], s20  }
0x9e: {  	_ =	swait.ge [sflag:s22], s20  }
0x9f: {  	s4 =	ssub.s32 $0x0, s20;
	[sflag:s22] =	ssyncset.done $0x0  }
0xa0: {  	[sflag:s22] =	ssyncadd.s32 s4;
	_ =	sdelay $0x1  }
0xa1: {  	s23 =	simm.s32 $0x1B8B  }
0xa2: {  	_ =	swait.ge [sflag:s23], $0x1  }
0xa3: {  	[sflag:s23] =	ssyncset.done $0x0  }
0xa4: {  	s25 =	simm.s32 $0x1B8E;
	s24 =	sld [smem:$0x3FFE];
	[sflag:s23] =	ssyncadd.s32 $0xFFFFFFFF  }
0xa5: {  	s26 =	simm.s32 $execute0_lowered;
	[smem:$0x3FD2] =	sst s25  }
0xa6: {  	s5 =	sshll.u32 s26, $0x1;
	_ =	strace $0x80000061;
	[dreg:$0x1] =	wrdreg $0xFFFFFFFF  }
0xa7: {  	s28 =	simm.s32 $_size_execute0_lowered;
	s3 =	sadd.s32 s3, s5;
	[dreg:$0x0] =	wrdreg $0x0  }
0xa8: {  	s5 =	sshll.u32 s28, $0x1;
	[dreg:$0x2] =	wrdreg s3  }
0xa9: {  	[dreg:$0x3] =	wrdreg s5  }
0xaa: {  	[dreg:$0x4] =	wrdreg $0xC0  }
0xab: {  	_ =	task [dreg:s7], $0x5FFFF  }
0xac: {  	[dreg:$0x1] =	wrdreg $0xFFFFFFFF  }
0xad: {  	[dreg:$0x0] =	wrdreg $0x60  }
0xae: {  	[dreg:$0x2] =	wrdreg s2  }
0xaf: {  	[dreg:$0x3] =	wrdreg s24  }
0xb0: {  	[dreg:$0x4] =	wrdreg $0x9  }
0xb1: {  	_ =	task.clear_ibuf [dreg:s7], $0x5FFFF;
	_ =	strace $0x90000061  }
0xb2: {  	s29 =	simm.s32 $0x9;
	_ =	strace $0x80000063  }
0xb3: {  	_ =	swait.ge [sflag:s29], $0x1  }
0xb4: {  	[sflag:s29] =	ssyncadd.s32 $0xFFFFFFFF  }
0xb5: {  	_ =	strace $0x90000063  }
0xb6: {  	_ =	sfence  }
0xb7: {  	s30 =	sld [smem:$0x0];
	_ =	sdelay $0x2  }
0xb8: {  	s31 =	sshll.u32 s1, $0xD;
	s1 =	sshrl.u32 s1, $0x2  }
0xb9: {  	s3 =	sand.u32 $0x4000, s31;
	s1 =	sadd.s32 s1, s30  }
0xba: {  	s0 =	sor.u32 s3, s0;
	s1 =	sshll.u32 s1, $0x11  }
0xbb: {  	s0 =	sor.u32 s1, s0  }
0xbc: {  	s0 =	sadd.s32 $0x8F2B, s0  }
0xbd: {  	[sflag:s0] =	ssyncadd.remote.s32 $0x1  }
0xbe: {  	_ =	sfence.sel $0xFFFF  }
0xbf: {  	[dreg:$0x0] =	wrdreg $0xFFFFFFFF;
	(pc) =	sbr.abs _section_cstart, $3  }
0xc0: {  	[dreg:$0x1] =	wrdreg $0xFFFFFFFF  }
0xc1: {  	_ =	task.clear_ibuf [dreg:s7], $0x2FFFF;
	_ =	strace $0x9FFFFFFF  }
0xc2: {  	(tm) =	ssettm $0x7FFFFFFF  }
0xc3: {  	_ =	shalt  }
tec
execute0_lowered:
.L_overlay_start_1:
0x0: {  	(tag) =	ssettag $0x1  }
0x1: {  	s1 =	rddreg [dreg:$0x0]  }
0x2: {  	s6 =	rddreg [dreg:$0x1]  }
0x3: {  	s0 =	rddreg [dreg:$0x2]  }
0x4: {  	s3 =	simm.s32 $0x0;
	s4 =	srdreg.scid;
	s2 =	stileid.u32  }
0x5: {  	s11 =	simm.s32 $0x28A0;
	s12 =	simm.s32 $0x2A30;
	s13 =	simm.s32 $0x0  }
0x6: {  	[smem:$0x7FF] =	sst s3;
	s7 =	sand.u32 $0x1, s4;
	s4 =	sadd.s32 $0x2FE00, s6  }
0x7: {  	s9 =	sshll.u32 s2, $0x1;
	s5 =	sadd.s32 $0x8200, s6;
	s8 =	ssub.s32 $0x2, s7  }
0x8: {  	s6 =	sadd.s32 $0x30400, s6;
	_ =	strace $0x80000062;
	s10 =	sshrl.u32 s8, $0x1  }
0x9: {  	s7 =	sor.u32 s7, s9;
	s9 =	simm.s32 $0x1;
	s8 =	ssub.s32 s8, s10  }
0xa: {  	s7 =	smul.u32 $0x2710, s7;
	s10 =	simm.s32 $0x2710;
	s8 =	smax.u32 s8, $0x1  }
.LBB2_1:
0xb: {  	[tilespmem:s3], [sflag:$0x1] =	stream.linear.gather [hbm4b:s4+s3], $0x2710, $0x38;
	[tilespmem:$0x2BC0] =	vst v63  }
0xc: {  	_ =	swait.ge [sflag:s9], $0x2710  }
0xd: {  	[sflag:s9] =	ssyncset.done $0x0  }
0xe: {  	s14 =	simm.s32 $0x0;
	[sflag:s9] =	ssyncadd.s32 $0xFFFFD8F0  }
.LBB2_2:
0xf: {  	s15 =	smul.u32 $0x190, s14;
	_ =	sdelay $0x1  }
0x10: {  	s15 =	sadd.s32 s7, s15  }
0x11: {  	s15 =	sshrl.u32 s15, $0x3  }
0x12: {  	s17 =	simm.s32 $0x0;
	s16 =	sadd.s32 s5, s15  }
0x13: {  	[tilespmem:s10], [sflag:$0x1] =	stream.linear.gather [hbm4b:s16+s17], $0x190, $0x38;
	[tilespmem:$0x2BC0] =	vst v63  }
0x14: {  	_ =	swait.ge [sflag:s9], $0x190  }
0x15: {  	[sflag:s9] =	ssyncset.done $0x0  }
0x16: {  	s31 =	sadd.s32 s1, s15;
	[sflag:s9] =	ssyncadd.s32 $0xFFFFFE70  }
0x17: {  	[tilespmem:s11], [sflag:$0x1] =	stream.linear.gather [hbm4b:s31+s17], $0x190, $0x38;
	[tilespmem:$0x2BC0] =	vst v63  }
0x18: {  	_ =	swait.ge [sflag:s9], $0x190  }
0x19: {  	[sflag:s9] =	ssyncset.done $0x0  }
0x1a: {  	s16 =	simm.s32 $0x0;
	[sflag:s9] =	ssyncadd.s32 $0xFFFFFE70  }
0x1b: {  	v1 =	vld [tilespmem:s16+$0x2710];
	_ =	sdelay $0x6  }
0x1c: {  	v0 =	vld [tilespmem:s16+$0x28A0]  }
0x1d: {  	s18 =	simm.s32 $0x80;
	s17 =	simm.s32 $0x10;
	v1 =	vld.idx.msk [tilespmem:v1+s3+$0x0], $0xffff  }
.LBB2_3:
0x1e: {  	p0 =	sne.s32 s18, $0x600;
	v2 =	vld [tilespmem:s17+$0x2710];
	_ =	sdelay $0x3  }
.Ltmp0:
0x1f: {  	(pc) =	sbr.rel @p0 .LBB2_3-.Ltmp0, $3  }
0x20: {  	v1 =	vmul.f32 v0, v1;
	_ =	sdelay $0x1  }
0x21: {  	v0 =	vld [tilespmem:s17+$0x28A0];
	[tilespmem:s16+$0x2A30] =	vst v1;
	s16 =	smov.u32 s17  }
0x22: {  	s17 =	sshra.s32 s18, $0x2;
	s18 =	sadd.s32 $0x40, s18;
	v1 =	vld.idx.msk [tilespmem:v2+s3+$0x0], $0xffff  }
0x23: {  	v2 =	vld [tilespmem:s17+$0x2710];
	_ =	sdelay $0x4  }
0x24: {  	v0 =	vmul.f32 v0, v1;
	_ =	sdelay $0x1  }
0x25: {  	v63 =	vld [tilespmem:s17+$0x28A0];
	[tilespmem:s16+$0x2A30] =	vst v0  }
0x26: {  	v0 =	vld.idx.msk [tilespmem:v2+s3+$0x0], $0xffff;
	_ =	sdelay $0x4  }
0x27: {  	s14 =	sadd.s32 $0x1, s14;
	v0 =	vmul.f32 v63, v0  }
0x28: {  	p0 =	sne.s32 s14, $0x19  }
.Ltmp1:
0x29: {  	s15 =	sadd.s32 s6, s15;
	[tilespmem:s17+$0x2A30] =	vst v0;
	(pc) =	sbr.rel @p0 .LBB2_2-.Ltmp1, $4  }
0x2a: {  	[hbm4b:s15+s3] =	stream.linear.scatter [tilespmem:s12], [sflag:$0x1], $0x190, $0x38;
	[tilespmem:$0x2BC0] =	vst v63  }
0x2b: {  	_ =	swait.ge [sflag:s9], $0x190  }
0x2c: {  	[sflag:s9] =	ssyncset.done $0x0  }
0x2d: {  	[sflag:s9] =	ssyncadd.s32 $0xFFFFFE70  }
0x2e: {  	s13 =	sadd.s32 $0x1, s13  }
0x2f: {  	p0 =	sne.s32 s13, s8  }
.Ltmp2:
0x30: {  	_ = 	snop;
	(pc) =	sbr.rel @p0 .LBB2_1-.Ltmp2, $1  }
0x31: {  	_ =	sdelay $0x3  }
0x32: {  	_ =	sfence.sel $0x180000  }
0x33: {  	[bflag:$0x0] =	sbarrier.arrive $0xFFFF  }
0x34: {  	p0 =	sne.s32 s2, $0x0;
	_ =	strace $0x90000062  }
0x35: {  	s0 =	sadd.s32 @!p0 $0x100000, s0;
	[bflag:$0x2] =	sbarrier.arrive $0xFFFF  }
0x36: {  	[sflag:s0] =	ssyncadd.tile.s32 @!p0 $0x1;
	_ =	shalt  }
.Lfunc_end2:
_tile_overlayer_lowered:
.L_overlay_start_2:
0x37: {  	(tag) =	ssettag $0x2  }
0x38: {  	s0 =	rddreg [dreg:$0x0];
	s2 =	stileid.u32  }
0x39: {  	s1 =	rddreg [dreg:$0x1];
	p0 =	sne.s32 s2, $0x0  }
0x3a: {  	s3 =	rddreg [dreg:$0x2];
	[bflag:$0x3] =	sbarrier.arrive $0xFFFF;
	s2 =	simm.s32 @!p0 $0x1C01  }
0x3b: {  	[timem:s3], [sflag:s2] =	dma.local @!p0 [hbm:s0], s1  }
0x3c: {  	s0 =	simm.s32 @!p0 $0x1  }
0x3d: {  	_ =	swait.ge @!p0 [sflag:s0], s1  }
0x3e: {  	s1 =	ssub.s32 @!p0 $0x0, s1;
	[sflag:s0] =	ssyncset.done @!p0 $0x0  }
0x3f: {  	[sflag:s0] =	ssyncadd.s32 @!p0 s1  }
0x40: {  	[bflag:$0x3] =	sbarrier.arrive $0xFFFF  }
0x41: {  	_ =	shalt  }

// kernel: kernel.51.cloned.1.call-start
scs
__scs_entry_jumppad:
0x0: {  	(pc) =	sbr.rel $0x88, $3  }
0x1: {  	(tag) =	ssettag $0x0;
	lr =	simm.s32 $0x1  }
0x2: {  	[smem:$0x3F88] =	sst lr;
	_ =	strace $0xD0000000  }
0x3: {  	_ = 	snop  }
0x4: {  	_ = 	snop  }
0x5: {  	_ = 	snop  }
0x6: {  	_ = 	snop  }
0x7: {  	_ = 	snop  }
__scs_overlays_trampoline_lowered:
0x8: {  	[smem:$0x3F97] =	sst s0  }
0x9: {  	[smem:$0x3F98] =	sst s1  }
0xa: {  	[smem:$0x3F99] =	sst s2  }
0xb: {  	[smem:$0x3F9A] =	sst s3  }
0xc: {  	[smem:$0x3F9B] =	sst s4  }
0xd: {  	[smem:$0x3F9C] =	sst s5  }
0xe: {  	[smem:$0x3F9D] =	sst s6  }
0xf: {  	[smem:$0x3F9E] =	sst s7  }
0x10: {  	[smem:$0x3F9F] =	sst s8  }
0x11: {  	[smem:$0x3FA0] =	sst s9;
	s0 =	simm.s32 @!p0 $0x0  }
0x12: {  	s1 =	sld [smem:$0x3F86];
	s0 =	simm.s32 @p0 $0x1  }
0x13: {  	[smem:$0x3FA1] =	sst s0;
	s0 =	simm.s32 @!p1 $0x0  }
0x14: {  	s2 =	sld [smem:$0x3F85];
	s0 =	simm.s32 @p1 $0x1  }
0x15: {  	[smem:$0x3FA2] =	sst s0;
	s0 =	simm.s32 @!p2 $0x0  }
0x16: {  	s3 =	sld [smem:$0x3FDB];
	s0 =	simm.s32 @p2 $0x1  }
0x17: {  	s4 =	simm.s32 $0x1BF5;
	[smem:$0x3FA4] =	sst s0  }
0x18: {  	s0 =	sld [smem:$0x3F87];
	_ =	swait.ge [sflag:s4], $0x0  }
0x19: {  	s7 =	sld [smem:$0x3F88]  }
0x1a: {  	s8 =	sadd.s32 $0xFFFFE003, lr  }
0x1b: {  	s9 =	sadd.s32 $0xFFFFFEF7, lr;
	s5 =	simm.s32 $0xFFFFFFFF;
	p2 =	slt.u32 s8, $0xFFFFF086  }
0x1c: {  	p1 =	slt.u32 s9, $0xF7A;
	s5 =	simm.s32 @!p2 $0x0  }
0x1d: {  	s5 =	simm.s32 @p1 $0x1;
	p0 =	seq.s32 s7, s2  }
0x1e: {  	s7 =	smul.u32 @!p0 $0xF7A, s2;
	p2 =	seq.s32 @!p0 s5, $0x0  }
0x1f: {  	s9 =	smul.u32 $0xF7A, s1;
	s8 =	simm.s32 @!p0 $0x1BF5;
	p2 =	por !p2, p0  }
0x20: {  	[sflag:s8] =	ssyncset.s32 @!p0 $0xFFFFF086;
	s6 =	sadd.s32 @!p0 s3, s7;
	s7 =	simm.s32 @!p0 $0x108  }
0x21: {  	s3 =	sadd.s32 s3, s9;
	s6 =	sadd.s32 @!p0 $0x88, s6;
	s7 =	simm.s32 @p2 $0x1082  }
0x22: {  	[simem:s7], [sflag:s8] =	dma.local @!p0 [hbm:s6], $0xF7A  }
0x23: {  	s9 =	sor.u32 $0xD0000000, s2;
	s6 =	simm.s32 $0x108;
	_ =	swait.ge @!p0 [sflag:s8], $0x0  }
0x24: {  	s3 =	sadd.s32 $0x88, s3;
	s6 =	simm.s32 @!p1 $0x1082;
	[sflag:s4] =	ssyncset.s32 $0xFFFFF086  }
0x25: {  	[simem:s6], [sflag:s4] =	dma.local [hbm:s3], $0xF7A  }
0x26: {  	[smem:$0x3F88] =	sst s1;
	(tag) =	ssettag s2;
	_ =	strace s9  }
0x27: {  	s1 =	sld [smem:$0x3F98]  }
0x28: {  	s2 =	sld [smem:$0x3F99]  }
0x29: {  	s4 =	sld [smem:$0x3F9B]  }
0x2a: {  	p0 =	seq.s32 s5, $0x0;
	s5 =	sld [smem:$0x3F9C]  }
0x2b: {  	s6 =	sld [smem:$0x3F9D]  }
0x2c: {  	s7 =	sld [smem:$0x3F9E]  }
0x2d: {  	s3 =	simm.s32 $0x108;
	s8 =	sld [smem:$0x3F9F]  }
0x2e: {  	s3 =	simm.s32 @!p0 $0x1082;
	s9 =	sld [smem:$0x3FA0]  }
0x2f: {  	lr =	sadd.s32 s0, s3;
	s0 =	sld [smem:$0x3F97]  }
0x30: {  	s3 =	sld [smem:$0x3F9A]  }
0x31: {  	[smem:$0x3FA3] =	sst s10  }
0x32: {  	s10 =	sld [smem:$0x3FA1];
	_ =	sdelay $0x3  }
0x33: {  	p0 =	seq.s32 s10, $0x1;
	s10 =	sld [smem:$0x3FA3];
	_ =	sdelay $0x3  }
0x34: {  	[smem:$0x3FA3] =	sst s10  }
0x35: {  	s10 =	sld [smem:$0x3FA2];
	_ =	sdelay $0x3  }
0x36: {  	p1 =	seq.s32 s10, $0x1;
	s10 =	sld [smem:$0x3FA3];
	_ =	sdelay $0x3  }
0x37: {  	[smem:$0x3FA3] =	sst s10  }
0x38: {  	s10 =	sld [smem:$0x3FA4]  }
0x39: {  	_ = 	snop;
	(pc) =	sbr.ind lr, $3  }
0x3a: {  	_ = 	snop  }
0x3b: {  	_ = 	snop  }
0x3c: {  	p2 =	seq.s32 s10, $0x1;
	s10 =	sld [smem:$0x3FA3]  }
0x3d: {  	_ =	shalt  }
0x3e: {  	_ =	shalt  }
0x3f: {  	_ =	shalt  }
0x40: {  	_ =	shalt  }
0x41: {  	_ =	shalt  }
0x42: {  	_ =	shalt  }
0x43: {  	_ =	shalt  }
0x44: {  	_ =	shalt  }
0x45: {  	_ =	shalt  }
0x46: {  	_ =	shalt  }
0x47: {  	_ =	shalt  }
0x48: {  	_ =	shalt  }
0x49: {  	_ =	shalt  }
0x4a: {  	_ =	shalt  }
0x4b: {  	_ =	shalt  }
0x4c: {  	_ =	shalt  }
0x4d: {  	_ =	shalt  }
0x4e: {  	_ =	shalt  }
0x4f: {  	_ =	shalt  }
0x50: {  	_ =	shalt  }
0x51: {  	_ =	shalt  }
0x52: {  	_ =	shalt  }
0x53: {  	_ =	shalt  }
0x54: {  	_ =	shalt  }
0x55: {  	_ =	shalt  }
0x56: {  	_ =	shalt  }
0x57: {  	_ =	shalt  }
0x58: {  	_ =	shalt  }
0x59: {  	_ =	shalt  }
0x5a: {  	_ =	shalt  }
0x5b: {  	_ =	shalt  }
0x5c: {  	_ =	shalt  }
0x5d: {  	_ =	shalt  }
0x5e: {  	_ =	shalt  }
0x5f: {  	_ =	shalt  }
0x60: {  	_ =	shalt  }
0x61: {  	_ =	shalt  }
0x62: {  	_ =	shalt  }
0x63: {  	_ =	shalt  }
0x64: {  	_ =	shalt  }
0x65: {  	_ =	shalt  }
0x66: {  	_ =	shalt  }
0x67: {  	_ =	shalt  }
0x68: {  	_ =	shalt  }
0x69: {  	_ =	shalt  }
0x6a: {  	_ =	shalt  }
0x6b: {  	_ =	shalt  }
0x6c: {  	_ =	shalt  }
0x6d: {  	_ =	shalt  }
0x6e: {  	_ =	shalt  }
0x6f: {  	_ =	shalt  }
0x70: {  	_ =	shalt  }
0x71: {  	_ =	shalt  }
0x72: {  	_ =	shalt  }
0x73: {  	_ =	shalt  }
0x74: {  	_ =	shalt  }
0x75: {  	_ =	shalt  }
0x76: {  	_ =	shalt  }
0x77: {  	_ =	shalt  }
0x78: {  	_ =	shalt  }
0x79: {  	_ =	shalt  }
0x7a: {  	_ =	shalt  }
0x7b: {  	_ =	shalt  }
0x7c: {  	_ =	shalt  }
0x7d: {  	_ =	shalt  }
0x7e: {  	_ =	shalt  }
0x7f: {  	_ =	shalt  }
0x80: {  	_ =	shalt  }
0x81: {  	_ =	shalt  }
0x82: {  	_ =	shalt  }
0x83: {  	_ =	shalt  }
0x84: {  	_ =	shalt  }
0x85: {  	_ =	shalt  }
0x86: {  	_ =	shalt  }
0x87: {  	_ =	shalt  }
.Lfunc_end0:
.L_simem_size_0:
called_computation.10_lowered:
.L_overlay_start_0:
0x88: {  	s2 =	sld [smem:$0x3FD9]  }
0x89: {  	s3 =	sld [smem:$0x3FFE];
	_ =	sdelay $0x1  }
0x8a: {  	s1 =	srdreg.scid  }
0x8b: {  	s0 =	sand.u32 $0x1, s1  }
0x8c: {  	s17 =	sshll.u32 s0, $0xA;
	s2 =	sadd.s32 s3, s2  }
0x8d: {  	s2 =	sadd.s32 s2, s17  }
0x8e: {  	[smem:$0x3FAF] =	sst s2  }
0x8f: {  	_ = 	snop  }
0x90: {  	s18 =	sld [smem:$0x3FD0];
	(tm) =	ssettm $0x1  }
0x91: {  	s19 =	sld [smem:$0x3FFB];
	_ =	sdelay $0x3  }
0x92: {  	_ =	strace s19  }
0x93: {  	s2 =	sld [smem:$0x3FFC];
	_ =	sdelay $0x3  }
0x94: {  	_ =	strace s2  }
0x95: {  	s2 =	sld [smem:$0x3FFD];
	_ =	sdelay $0x3  }
0x96: {  	_ =	strace s2  }
0x97: {  	_ =	strace $0x8FFFFFFF  }
0x98: {  	s20 =	sld [smem:$0x3FDB];
	_ =	sdelay $0x1  }
0x99: {  	s4 =	simm.s32 $_scs_section_size  }
0x9a: {  	s5 =	simm.s32 $_size__tile_overlayer_lowered;
	s6 =	simm.s32 $_tile_overlayer_lowered  }
0x9b: {  	s7 =	simm.s32 $0x1BFF;
	s21 =	sshll.u32 s6, $0x1;
	s4 =	sadd.s32 s4, s20  }
0x9c: {  	s22 =	simm.s32 $0x0;
	s5 =	sshll.u32 s5, $0x1;
	s6 =	sadd.s32 s21, s4  }
0x9d: {  	[timem:s22], [sflag:s7] =	dma.local [hbm:s6], s5  }
0x9e: {  	_ =	swait.ge [sflag:s7], s5  }
0x9f: {  	s5 =	ssub.s32 $0x0, s5;
	[sflag:s7] =	ssyncset.done $0x0  }
0xa0: {  	[sflag:s7] =	ssyncadd.s32 s5;
	_ =	sdelay $0x1  }
0xa1: {  	s23 =	simm.s32 $0x1B8B  }
0xa2: {  	_ =	swait.ge [sflag:s23], $0x1  }
0xa3: {  	[sflag:s23] =	ssyncset.done $0x0  }
0xa4: {  	[sflag:s23] =	ssyncadd.s32 $0xFFFFFFFF  }
0xa5: {  	s5 =	sld [smem:$0x0]  }
0xa6: {  	s6 =	sand.u32 $0xFFFFFFFE, s1  }
0xa7: {  	p0 =	sne.s32 s1, s6  }
0xa8: {  	s6 =	sshll.u32 @p0 s6, $0xE  }
0xa9: {  	s6 =	sadd.s32 @p0 $0x11B8D, s6;
	s7 =	sshll.u32 @p0 s5, $0x11  }
0xaa: {  	s6 =	sor.u32 @p0 s7, s6  }
0xab: {  	[sflag:s6] =	ssyncadd.remote.s32 @p0 $0x1;
	_ =	sdelay $0x1  }
0xac: {  	s6 =	simm.s32 @p0 $0x1B8D  }
0xad: {  	_ =	swait.eq @p0 [sflag:s6], $0x1  }
0xae: {  	[sflag:s6] =	ssyncadd.s32 @p0 $0xFFFFFFFF  }
0xaf: {  	s7 =	sshll.u32 @!p0 s1, $0xE  }
0xb0: {  	s7 =	sor.u32 @!p0 $0x4000, s7;
	s6 =	simm.s32 @!p0 $0x1B8D  }
0xb1: {  	s5 =	sshll.u32 @!p0 s5, $0x11;
	s7 =	sadd.s32 @!p0 $0x11B8D, s7;
	_ =	swait.eq @!p0 [sflag:s6], $0x1  }
0xb2: {  	s5 =	sor.u32 @!p0 s5, s7;
	[sflag:s6] =	ssyncadd.s32 @!p0 $0xFFFFFFFF  }
0xb3: {  	s25 =	simm.s32 $0x1B8E;
	s24 =	sld [smem:$0x3FFE];
	[sflag:s5] =	ssyncadd.remote.s32 @!p0 $0x1  }
0xb4: {  	s26 =	simm.s32 $execute0_lowered;
	[smem:$0x3FD2] =	sst s25  }
0xb5: {  	s6 =	sshll.u32 s26, $0x1;
	_ =	strace $0x8000006D;
	[dreg:$0x1] =	wrdreg $0xFFFFFFFF  }
0xb6: {  	s28 =	simm.s32 $_size_execute0_lowered;
	s4 =	sadd.s32 s4, s6;
	[dreg:$0x0] =	wrdreg $0x0  }
0xb7: {  	s6 =	sshll.u32 s28, $0x1;
	[dreg:$0x2] =	wrdreg s4  }
0xb8: {  	[dreg:$0x3] =	wrdreg s6  }
0xb9: {  	[dreg:$0x4] =	wrdreg $0xC0  }
0xba: {  	_ =	task [dreg:s22], $0x5FFFF  }
0xbb: {  	[dreg:$0x1] =	wrdreg $0xFFFFFFFF  }
0xbc: {  	[dreg:$0x0] =	wrdreg $0x60  }
0xbd: {  	[dreg:$0x2] =	wrdreg s24  }
0xbe: {  	[dreg:$0x3] =	wrdreg s18  }
0xbf: {  	[dreg:$0x4] =	wrdreg $0x68B00  }
0xc0: {  	[dreg:$0x5] =	wrdreg $0x9  }
0xc1: {  	_ =	task.clear_ibuf [dreg:s22], $0x6FFFF;
	_ =	strace $0x9000006D  }
0xc2: {  	s29 =	simm.s32 $0x9;
	_ =	strace $0x8000006F  }
0xc3: {  	_ =	swait.ge [sflag:s29], $0x1  }
0xc4: {  	[sflag:s29] =	ssyncadd.s32 $0xFFFFFFFF  }
0xc5: {  	_ =	strace $0x9000006F  }
0xc6: {  	_ =	sfence  }
0xc7: {  	s30 =	sld [smem:$0x0];
	_ =	sdelay $0x2  }
0xc8: {  	s31 =	sshll.u32 s1, $0xD;
	s1 =	sshrl.u32 s1, $0x2  }
0xc9: {  	s4 =	sand.u32 $0x4000, s31;
	s1 =	sadd.s32 s1, s30  }
0xca: {  	s0 =	sor.u32 s4, s0;
	s1 =	sshll.u32 s1, $0x11  }
0xcb: {  	s0 =	sor.u32 s1, s0  }
0xcc: {  	s0 =	sadd.s32 $0x8F2B, s0  }
0xcd: {  	[sflag:s0] =	ssyncadd.remote.s32 $0x1  }
0xce: {  	_ =	sfence.sel $0xFFFF  }
0xcf: {  	[dreg:$0x0] =	wrdreg $0xFFFFFFFF;
	(pc) =	sbr.abs _section_cstart, $3  }
0xd0: {  	[dreg:$0x1] =	wrdreg $0xFFFFFFFF  }
0xd1: {  	_ =	task.clear_ibuf [dreg:s22], $0x2FFFF;
	_ =	strace $0x9FFFFFFF  }
0xd2: {  	(tm) =	ssettm $0x7FFFFFFF  }
0xd3: {  	_ =	shalt  }
tec
execute0_lowered:
.L_overlay_start_1:
0x0: {  	(tag) =	ssettag $0x1  }
0x1: {  	s7 =	rddreg [dreg:$0x0]  }
0x2: {  	s9 =	rddreg [dreg:$0x1]  }
0x3: {  	s1 =	rddreg [dreg:$0x2]  }
0x4: {  	s0 =	rddreg [dreg:$0x3]  }
0x5: {  	s2 =	simm.s32 $0x0;
	s6 =	srdreg.scid;
	s11 =	stileid.u32  }
0x6: {  	s15 =	simm.s32 $0x4B0;
	s16 =	simm.s32 $0x1;
	[smem:$0x7FF] =	sst s2  }
0x7: {  	s3 =	sadd.s32 $0xEA600, s7;
	s4 =	sadd.s32 $0x30400, s7;
	s5 =	sadd.s32 $0x12000, s7  }
0x8: {  	s8 =	sand.u32 $0x1, s6;
	s6 =	sadd.s32 $0x8200, s7;
	s12 =	sshll.u32 s11, $0x1  }
0x9: {  	s7 =	sadd.s32 $0x1C400, s7;
	p0 =	sne.s32 s11, $0x0;
	_ =	strace $0x8000006E  }
0xa: {  	s10 =	ssub.s32 $0x2, s8;
	s12 =	sor.u32 s8, s12;
	s14 =	smul.u32 $0x13880, s8  }
0xb: {  	s11 =	sshrl.u32 @!p0 s1, $0x3;
	s13 =	sshrl.u32 s10, $0x1;
	s8 =	smul.u32 $0x2710, s12  }
0xc: {  	s12 =	simm.s32 $0x2;
	s10 =	ssub.s32 s10, s13;
	s9 =	sadd.s32 s9, s14  }
0xd: {  	s13 =	simm.s32 $0x190;
	s14 =	simm.s32 $0x320;
	s10 =	smax.u32 s10, $0x1  }
.LBB2_1:
0xe: {  	s17 =	simm.s32 @!p0 $0x1C02  }
0xf: {  	[spmem:s11], [sflag:s17] =	dma.local @!p0 [hbm:s7], $0x13880  }
0x10: {  	s17 =	simm.s32 @!p0 $0x2  }
0x11: {  	_ =	swait.ge @!p0 [sflag:s17], $0x13880  }
0x12: {  	[sflag:s17] =	ssyncset.done @!p0 $0x0  }
0x13: {  	[sflag:s17] =	ssyncadd.s32 @!p0 $0xFFFEC780  }
0x14: {  	s17 =	simm.s32 $0x0;
	[bflag:$0x0] =	sbarrier.arrive $0xFFFF  }
.LBB2_2:
0x15: {  	s18 =	smul.u32 $0x190, s17;
	_ =	sdelay $0x1  }
0x16: {  	s18 =	sadd.s32 s8, s18  }
0x17: {  	s18 =	sshrl.u32 s18, $0x3  }
0x18: {  	s20 =	simm.s32 $0x0;
	s19 =	sadd.s32 s5, s18  }
0x19: {  	[tilespmem:s20], [sflag:$0x2] =	stream.linear.gather [hbm4b:s19+s20], $0x190, $0x38;
	[tilespmem:$0x104F0] =	vst v63  }
0x1a: {  	_ =	swait.ge [sflag:s12], $0x190  }
0x1b: {  	[sflag:s12] =	ssyncset.done $0x0  }
0x1c: {  	s30 =	sadd.s32 s6, s18;
	[sflag:s12] =	ssyncadd.s32 $0xFFFFFE70  }
0x1d: {  	[tilespmem:s13], [sflag:$0x2] =	stream.linear.gather [hbm4b:s30+s20], $0x190, $0x38;
	[tilespmem:$0x104F0] =	vst v63  }
0x1e: {  	_ =	swait.ge [sflag:s12], $0x190  }
0x1f: {  	[sflag:s12] =	ssyncset.done $0x0  }
0x20: {  	s18 =	sadd.s32 s4, s18;
	[sflag:s12] =	ssyncadd.s32 $0xFFFFFE70  }
0x21: {  	[tilespmem:s14], [sflag:$0x2] =	stream.linear.gather [hbm4b:s18+s20], $0x190, $0x38;
	[tilespmem:$0x104F0] =	vst v63  }
0x22: {  	_ =	swait.ge [sflag:s12], $0x190  }
0x23: {  	[sflag:s12] =	ssyncset.done $0x0  }
0x24: {  	[sflag:s12] =	ssyncadd.s32 $0xFFFFFE70  }
0x25: {  	[tilespmem:s15], [sflag:$0x1] =	stream.indirect.gather [hbm4b:s3+s13], $0x40, s20, s13, $0xb8;
	[tilespmem:$0x104F0] =	vst v63  }
0x26: {  	v0 =	vmov s20;
	_ =	swait.ge [sflag:s16], $0x6400  }
0x27: {  	[sflag:s16] =	ssyncset.done $0x0  }
0x28: {  	s18 =	simm.s32 $0x4D0;
	[sflag:s16] =	ssyncadd.s32 $0xFFFF9C00  }
0x29: {  	v2 =	vld [tilespmem:s18+$0xFFFFFFF0]  }
0x2a: {  	v3 =	vld [tilespmem:s18+$0x10]  }
0x2b: {  	v5 =	vld.idx.msk [tilespmem:v0+s14+$0x0], $0xffff  }
0x2c: {  	v0 =	vld [tilespmem:s18+$0xFFFFFFE0]  }
0x2d: {  	v6 =	vld [tilespmem:s18+$0x0];
	_ =	sdelay $0x3  }
0x2e: {  	s31 =	simm.s32 $0x1;
	v1 =	vmul.f32 v0, v5;
	v4 =	vmul.f32 v3, v5  }
0x2f: {  	s19 =	simm.s32 $0x2;
	s20 =	simm.s32 $0x4D0;
	v0 =	vmov s31;
	v3 =	vmul.f32 v2, v5;
	v2 =	vmul.f32 v6, v5  }
.LBB2_3:
0x30: {  	p1 =	sne.s32 s19, $0x18F  }
0x31: {  	[tilespmem:s18+$0x10] =	vst v4;
	s20 =	sadd.s32 $0x40, s20;
	s21 =	smov.u32 s19;
	s19 =	sadd.s32 $0x1, s19  }
0x32: {  	[tilespmem:s18+$0xFFFFFFE0] =	vst v1  }
0x33: {  	v5 =	vld [tilespmem:s20+$0xFFFFFFF0];
	[tilespmem:s18+$0xFFFFFFF0] =	vst v3  }
0x34: {  	v3 =	vld [tilespmem:s20+$0x10];
	[tilespmem:s18+$0x0] =	vst v2;
	s18 =	smov.u32 s20  }
0x35: {  	v2 =	vld.idx.msk [tilespmem:v0+s14+$0x0], $0xffff  }
0x36: {  	v0 =	vld [tilespmem:s20+$0xFFFFFFE0]  }
0x37: {  	v6 =	vld [tilespmem:s20+$0x0]  }
.Ltmp0:
0x38: {  	(pc) =	sbr.rel @p1 .LBB2_3-.Ltmp0, $3  }
0x39: {  	_ =	sdelay $0x1  }
0x3a: {  	v4 =	vmul.f32 v3, v2;
	v1 =	vmul.f32 v0, v2  }
0x3b: {  	v3 =	vmul.f32 v5, v2;
	v0 =	vmov s21;
	v2 =	vmul.f32 v6, v2  }
0x3c: {  	[tilespmem:s18+$0x10] =	vst v4  }
0x3d: {  	s19 =	sadd.s32 $0x40, s20;
	[tilespmem:s18+$0xFFFFFFE0] =	vst v1  }
0x3e: {  	v1 =	vld [tilespmem:s19+$0xFFFFFFF0];
	[tilespmem:s18+$0xFFFFFFF0] =	vst v3  }
0x3f: {  	v3 =	vld [tilespmem:s19+$0x10];
	[tilespmem:s18+$0x0] =	vst v2  }
0x40: {  	v0 =	vld.idx.msk [tilespmem:v0+s14+$0x0], $0xffff  }
0x41: {  	v2 =	vld [tilespmem:s19+$0xFFFFFFE0];
	_ =	sdelay $0x1  }
0x42: {  	v4 =	vld [tilespmem:s19+$0x0];
	_ =	sdelay $0x1  }
0x43: {  	v3 =	vmul.f32 v3, v0  }
0x44: {  	v2 =	vmul.f32 v2, v0  }
0x45: {  	v1 =	vmul.f32 v1, v0;
	[tilespmem:s19+$0x10] =	vst v3  }
0x46: {  	s17 =	sadd.s32 $0x1, s17;
	v0 =	vmul.f32 v4, v0;
	[tilespmem:s19+$0xFFFFFFE0] =	vst v2  }
0x47: {  	p1 =	sne.s32 s17, $0x19;
	[tilespmem:s19+$0xFFFFFFF0] =	vst v1  }
.Ltmp1:
0x48: {  	[tilespmem:s19+$0x0] =	vst v0;
	(pc) =	sbr.rel @p1 .LBB2_2-.Ltmp1, $4  }
0x49: {  	[spmem:s1] =	stream.indirect.scatter.add.f32 [tilespmem:s15], [sflag:$0x2], $0x40, s13, s13, $0xb8;
	[tilespmem:$0x104F0] =	vst v63  }
0x4a: {  	_ =	swait.ge [sflag:s12], $0x6400  }
0x4b: {  	[sflag:s12] =	ssyncset.done $0x0  }
0x4c: {  	[sflag:s12] =	ssyncadd.s32 $0xFFFF9C00  }
0x4d: {  	[bflag:$0x0] =	sbarrier.arrive $0xFFFF;
	s17 =	simm.s32 @!p0 $0x1C02;
	s2 =	sadd.s32 $0x1, s2  }
0x4e: {  	[hbm:s9], [sflag:s17] =	dma.local @!p0 [spmem:s11], $0x13880  }
0x4f: {  	p1 =	sne.s32 s2, s10  }
.Ltmp2:
0x50: {  	_ = 	snop;
	(pc) =	sbr.rel @p1 .LBB2_1-.Ltmp2, $4  }
0x51: {  	s17 =	simm.s32 @!p0 $0x2  }
0x52: {  	_ =	swait.ge @!p0 [sflag:s17], $0x13880  }
0x53: {  	[sflag:s17] =	ssyncset.done @!p0 $0x0  }
0x54: {  	[sflag:s17] =	ssyncadd.s32 @!p0 $0xFFFEC780  }
0x55: {  	_ =	sfence.sel $0x180000  }
0x56: {  	[bflag:$0x0] =	sbarrier.arrive $0xFFFF  }
0x57: {  	_ =	strace $0x9000006E  }
0x58: {  	s0 =	sadd.s32 @!p0 $0x100000, s0;
	[bflag:$0x2] =	sbarrier.arrive $0xFFFF  }
0x59: {  	[sflag:s0] =	ssyncadd.tile.s32 @!p0 $0x1;
	_ =	shalt  }
.Lfunc_end2:
_tile_overlayer_lowered:
.L_overlay_start_2:
0x5a: {  	(tag) =	ssettag $0x2  }
0x5b: {  	s0 =	rddreg [dreg:$0x0];
	s2 =	stileid.u32  }
0x5c: {  	s1 =	rddreg [dreg:$0x1];
	p0 =	sne.s32 s2, $0x0  }
0x5d: {  	s3 =	rddreg [dreg:$0x2];
	[bflag:$0x3] =	sbarrier.arrive $0xFFFF;
	s2 =	simm.s32 @!p0 $0x1C02  }
0x5e: {  	[timem:s3], [sflag:s2] =	dma.local @!p0 [hbm:s0], s1  }
0x5f: {  	s0 =	simm.s32 @!p0 $0x2  }
0x60: {  	_ =	swait.ge @!p0 [sflag:s0], s1  }
0x61: {  	s1 =	ssub.s32 @!p0 $0x0, s1;
	[sflag:s0] =	ssyncset.done @!p0 $0x0  }
0x62: {  	[sflag:s0] =	ssyncadd.s32 @!p0 s1  }
0x63: {  	[bflag:$0x3] =	sbarrier.arrive $0xFFFF  }
0x64: {  	_ =	shalt  }

// kernel: kernel.54.cloned.1.call-start
scs
__scs_entry_jumppad:
0x0: {  	(pc) =	sbr.rel $0x88, $3  }
0x1: {  	(tag) =	ssettag $0x0;
	lr =	simm.s32 $0x1  }
0x2: {  	[smem:$0x3F88] =	sst lr;
	_ =	strace $0xD0000000  }
0x3: {  	_ = 	snop  }
0x4: {  	_ = 	snop  }
0x5: {  	_ = 	snop  }
0x6: {  	_ = 	snop  }
0x7: {  	_ = 	snop  }
__scs_overlays_trampoline_lowered:
0x8: {  	[smem:$0x3F97] =	sst s0  }
0x9: {  	[smem:$0x3F98] =	sst s1  }
0xa: {  	[smem:$0x3F99] =	sst s2  }
0xb: {  	[smem:$0x3F9A] =	sst s3  }
0xc: {  	[smem:$0x3F9B] =	sst s4  }
0xd: {  	[smem:$0x3F9C] =	sst s5  }
0xe: {  	[smem:$0x3F9D] =	sst s6  }
0xf: {  	[smem:$0x3F9E] =	sst s7  }
0x10: {  	[smem:$0x3F9F] =	sst s8  }
0x11: {  	[smem:$0x3FA0] =	sst s9;
	s0 =	simm.s32 @!p0 $0x0  }
0x12: {  	s1 =	sld [smem:$0x3F86];
	s0 =	simm.s32 @p0 $0x1  }
0x13: {  	[smem:$0x3FA1] =	sst s0;
	s0 =	simm.s32 @!p1 $0x0  }
0x14: {  	s2 =	sld [smem:$0x3F85];
	s0 =	simm.s32 @p1 $0x1  }
0x15: {  	[smem:$0x3FA2] =	sst s0;
	s0 =	simm.s32 @!p2 $0x0  }
0x16: {  	s3 =	sld [smem:$0x3FDB];
	s0 =	simm.s32 @p2 $0x1  }
0x17: {  	s4 =	simm.s32 $0x1BF5;
	[smem:$0x3FA4] =	sst s0  }
0x18: {  	s0 =	sld [smem:$0x3F87];
	_ =	swait.ge [sflag:s4], $0x0  }
0x19: {  	s7 =	sld [smem:$0x3F88]  }
0x1a: {  	s8 =	sadd.s32 $0xFFFFE003, lr  }
0x1b: {  	s9 =	sadd.s32 $0xFFFFFEF7, lr;
	s5 =	simm.s32 $0xFFFFFFFF;
	p2 =	slt.u32 s8, $0xFFFFF086  }
0x1c: {  	p1 =	slt.u32 s9, $0xF7A;
	s5 =	simm.s32 @!p2 $0x0  }
0x1d: {  	s5 =	simm.s32 @p1 $0x1;
	p0 =	seq.s32 s7, s2  }
0x1e: {  	s7 =	smul.u32 @!p0 $0xF7A, s2;
	p2 =	seq.s32 @!p0 s5, $0x0  }
0x1f: {  	s9 =	smul.u32 $0xF7A, s1;
	s8 =	simm.s32 @!p0 $0x1BF5;
	p2 =	por !p2, p0  }
0x20: {  	[sflag:s8] =	ssyncset.s32 @!p0 $0xFFFFF086;
	s6 =	sadd.s32 @!p0 s3, s7;
	s7 =	simm.s32 @!p0 $0x108  }
0x21: {  	s3 =	sadd.s32 s3, s9;
	s6 =	sadd.s32 @!p0 $0x88, s6;
	s7 =	simm.s32 @p2 $0x1082  }
0x22: {  	[simem:s7], [sflag:s8] =	dma.local @!p0 [hbm:s6], $0xF7A  }
0x23: {  	s9 =	sor.u32 $0xD0000000, s2;
	s6 =	simm.s32 $0x108;
	_ =	swait.ge @!p0 [sflag:s8], $0x0  }
0x24: {  	s3 =	sadd.s32 $0x88, s3;
	s6 =	simm.s32 @!p1 $0x1082;
	[sflag:s4] =	ssyncset.s32 $0xFFFFF086  }
0x25: {  	[simem:s6], [sflag:s4] =	dma.local [hbm:s3], $0xF7A  }
0x26: {  	[smem:$0x3F88] =	sst s1;
	(tag) =	ssettag s2;
	_ =	strace s9  }
0x27: {  	s1 =	sld [smem:$0x3F98]  }
0x28: {  	s2 =	sld [smem:$0x3F99]  }
0x29: {  	s4 =	sld [smem:$0x3F9B]  }
0x2a: {  	p0 =	seq.s32 s5, $0x0;
	s5 =	sld [smem:$0x3F9C]  }
0x2b: {  	s6 =	sld [smem:$0x3F9D]  }
0x2c: {  	s7 =	sld [smem:$0x3F9E]  }
0x2d: {  	s3 =	simm.s32 $0x108;
	s8 =	sld [smem:$0x3F9F]  }
0x2e: {  	s3 =	simm.s32 @!p0 $0x1082;
	s9 =	sld [smem:$0x3FA0]  }
0x2f: {  	lr =	sadd.s32 s0, s3;
	s0 =	sld [smem:$0x3F97]  }
0x30: {  	s3 =	sld [smem:$0x3F9A]  }
0x31: {  	[smem:$0x3FA3] =	sst s10  }
0x32: {  	s10 =	sld [smem:$0x3FA1];
	_ =	sdelay $0x3  }
0x33: {  	p0 =	seq.s32 s10, $0x1;
	s10 =	sld [smem:$0x3FA3];
	_ =	sdelay $0x3  }
0x34: {  	[smem:$0x3FA3] =	sst s10  }
0x35: {  	s10 =	sld [smem:$0x3FA2];
	_ =	sdelay $0x3  }
0x36: {  	p1 =	seq.s32 s10, $0x1;
	s10 =	sld [smem:$0x3FA3];
	_ =	sdelay $0x3  }
0x37: {  	[smem:$0x3FA3] =	sst s10  }
0x38: {  	s10 =	sld [smem:$0x3FA4]  }
0x39: {  	_ = 	snop;
	(pc) =	sbr.ind lr, $3  }
0x3a: {  	_ = 	snop  }
0x3b: {  	_ = 	snop  }
0x3c: {  	p2 =	seq.s32 s10, $0x1;
	s10 =	sld [smem:$0x3FA3]  }
0x3d: {  	_ =	shalt  }
0x3e: {  	_ =	shalt  }
0x3f: {  	_ =	shalt  }
0x40: {  	_ =	shalt  }
0x41: {  	_ =	shalt  }
0x42: {  	_ =	shalt  }
0x43: {  	_ =	shalt  }
0x44: {  	_ =	shalt  }
0x45: {  	_ =	shalt  }
0x46: {  	_ =	shalt  }
0x47: {  	_ =	shalt  }
0x48: {  	_ =	shalt  }
0x49: {  	_ =	shalt  }
0x4a: {  	_ =	shalt  }
0x4b: {  	_ =	shalt  }
0x4c: {  	_ =	shalt  }
0x4d: {  	_ =	shalt  }
0x4e: {  	_ =	shalt  }
0x4f: {  	_ =	shalt  }
0x50: {  	_ =	shalt  }
0x51: {  	_ =	shalt  }
0x52: {  	_ =	shalt  }
0x53: {  	_ =	shalt  }
0x54: {  	_ =	shalt  }
0x55: {  	_ =	shalt  }
0x56: {  	_ =	shalt  }
0x57: {  	_ =	shalt  }
0x58: {  	_ =	shalt  }
0x59: {  	_ =	shalt  }
0x5a: {  	_ =	shalt  }
0x5b: {  	_ =	shalt  }
0x5c: {  	_ =	shalt  }
0x5d: {  	_ =	shalt  }
0x5e: {  	_ =	shalt  }
0x5f: {  	_ =	shalt  }
0x60: {  	_ =	shalt  }
0x61: {  	_ =	shalt  }
0x62: {  	_ =	shalt  }
0x63: {  	_ =	shalt  }
0x64: {  	_ =	shalt  }
0x65: {  	_ =	shalt  }
0x66: {  	_ =	shalt  }
0x67: {  	_ =	shalt  }
0x68: {  	_ =	shalt  }
0x69: {  	_ =	shalt  }
0x6a: {  	_ =	shalt  }
0x6b: {  	_ =	shalt  }
0x6c: {  	_ =	shalt  }
0x6d: {  	_ =	shalt  }
0x6e: {  	_ =	shalt  }
0x6f: {  	_ =	shalt  }
0x70: {  	_ =	shalt  }
0x71: {  	_ =	shalt  }
0x72: {  	_ =	shalt  }
0x73: {  	_ =	shalt  }
0x74: {  	_ =	shalt  }
0x75: {  	_ =	shalt  }
0x76: {  	_ =	shalt  }
0x77: {  	_ =	shalt  }
0x78: {  	_ =	shalt  }
0x79: {  	_ =	shalt  }
0x7a: {  	_ =	shalt  }
0x7b: {  	_ =	shalt  }
0x7c: {  	_ =	shalt  }
0x7d: {  	_ =	shalt  }
0x7e: {  	_ =	shalt  }
0x7f: {  	_ =	shalt  }
0x80: {  	_ =	shalt  }
0x81: {  	_ =	shalt  }
0x82: {  	_ =	shalt  }
0x83: {  	_ =	shalt  }
0x84: {  	_ =	shalt  }
0x85: {  	_ =	shalt  }
0x86: {  	_ =	shalt  }
0x87: {  	_ =	shalt  }
.Lfunc_end0:
.L_simem_size_0:
called_computation.11_lowered:
.L_overlay_start_0:
0x88: {  	s2 =	sld [smem:$0x3FD9]  }
0x89: {  	s3 =	sld [smem:$0x3FFE];
	_ =	sdelay $0x1  }
0x8a: {  	s1 =	srdreg.scid  }
0x8b: {  	s0 =	sand.u32 $0x1, s1  }
0x8c: {  	s17 =	sshll.u32 s0, $0xA;
	s2 =	sadd.s32 s3, s2  }
0x8d: {  	s2 =	sadd.s32 s2, s17  }
0x8e: {  	[smem:$0x3FAF] =	sst s2  }
0x8f: {  	_ = 	snop  }
0x90: {  	(tm) =	ssettm $0x1  }
0x91: {  	s18 =	sld [smem:$0x3FFB];
	_ =	sdelay $0x3  }
0x92: {  	_ =	strace s18  }
0x93: {  	s2 =	sld [smem:$0x3FFC];
	_ =	sdelay $0x3  }
0x94: {  	_ =	strace s2  }
0x95: {  	s2 =	sld [smem:$0x3FFD];
	_ =	sdelay $0x3  }
0x96: {  	_ =	strace s2  }
0x97: {  	_ =	strace $0x8FFFFFFF  }
0x98: {  	s19 =	sld [smem:$0x3FDB];
	_ =	sdelay $0x1  }
0x99: {  	s20 =	simm.s32 $_scs_section_size  }
0x9a: {  	s4 =	simm.s32 $_size__tile_overlayer_lowered;
	s5 =	simm.s32 $_tile_overlayer_lowered  }
0x9b: {  	s6 =	simm.s32 $0x1BFF;
	s21 =	sshll.u32 s5, $0x1;
	s3 =	sadd.s32 s20, s19  }
0x9c: {  	s22 =	simm.s32 $0x0;
	s4 =	sshll.u32 s4, $0x1;
	s5 =	sadd.s32 s21, s3  }
0x9d: {  	[timem:s22], [sflag:s6] =	dma.local [hbm:s5], s4  }
0x9e: {  	_ =	swait.ge [sflag:s6], s4  }
0x9f: {  	s4 =	ssub.s32 $0x0, s4;
	[sflag:s6] =	ssyncset.done $0x0  }
0xa0: {  	[sflag:s6] =	ssyncadd.s32 s4;
	_ =	sdelay $0x1  }
0xa1: {  	s23 =	simm.s32 $0x1B8B  }
0xa2: {  	_ =	swait.ge [sflag:s23], $0x1  }
0xa3: {  	[sflag:s23] =	ssyncset.done $0x0  }
0xa4: {  	[sflag:s23] =	ssyncadd.s32 $0xFFFFFFFF  }
0xa5: {  	s4 =	sld [smem:$0x0]  }
0xa6: {  	s5 =	sand.u32 $0xFFFFFFFE, s1  }
0xa7: {  	p0 =	sne.s32 s1, s5  }
0xa8: {  	s5 =	sshll.u32 @p0 s5, $0xE  }
0xa9: {  	s5 =	sadd.s32 @p0 $0x11B8D, s5;
	s6 =	sshll.u32 @p0 s4, $0x11  }
0xaa: {  	s5 =	sor.u32 @p0 s6, s5  }
0xab: {  	[sflag:s5] =	ssyncadd.remote.s32 @p0 $0x1;
	_ =	sdelay $0x1  }
0xac: {  	s5 =	simm.s32 @p0 $0x1B8D  }
0xad: {  	_ =	swait.eq @p0 [sflag:s5], $0x1  }
0xae: {  	[sflag:s5] =	ssyncadd.s32 @p0 $0xFFFFFFFF  }
0xaf: {  	s6 =	sshll.u32 @!p0 s1, $0xE  }
0xb0: {  	s6 =	sor.u32 @!p0 $0x4000, s6;
	s5 =	simm.s32 @!p0 $0x1B8D  }
0xb1: {  	s4 =	sshll.u32 @!p0 s4, $0x11;
	s6 =	sadd.s32 @!p0 $0x11B8D, s6;
	_ =	swait.eq @!p0 [sflag:s5], $0x1  }
0xb2: {  	s4 =	sor.u32 @!p0 s4, s6;
	[sflag:s5] =	ssyncadd.s32 @!p0 $0xFFFFFFFF  }
0xb3: {  	s25 =	simm.s32 $0x1B8E;
	s24 =	sld [smem:$0x3FFE];
	[sflag:s4] =	ssyncadd.remote.s32 @!p0 $0x1  }
0xb4: {  	s26 =	simm.s32 $execute0_lowered;
	[smem:$0x3FD2] =	sst s25  }
0xb5: {  	s5 =	sshll.u32 s26, $0x1;
	_ =	strace $0x8000006A;
	[dreg:$0x1] =	wrdreg $0xFFFFFFFF  }
0xb6: {  	s28 =	simm.s32 $_size_execute0_lowered;
	s3 =	sadd.s32 s3, s5;
	[dreg:$0x0] =	wrdreg $0x0  }
0xb7: {  	s5 =	sshll.u32 s28, $0x1;
	[dreg:$0x2] =	wrdreg s3  }
0xb8: {  	[dreg:$0x3] =	wrdreg s5  }
0xb9: {  	[dreg:$0x4] =	wrdreg $0xC0  }
0xba: {  	_ =	task [dreg:s22], $0x5FFFF  }
0xbb: {  	[dreg:$0x1] =	wrdreg $0xFFFFFFFF  }
0xbc: {  	[dreg:$0x0] =	wrdreg $0x60  }
0xbd: {  	[dreg:$0x2] =	wrdreg s24  }
0xbe: {  	[dreg:$0x3] =	wrdreg $0x68B00  }
0xbf: {  	[dreg:$0x4] =	wrdreg $0xA  }
0xc0: {  	_ =	task.clear_ibuf [dreg:s22], $0x5FFFF;
	_ =	strace $0x9000006A  }
0xc1: {  	s29 =	simm.s32 $0xA;
	_ =	strace $0x8000006C  }
0xc2: {  	_ =	swait.ge [sflag:s29], $0x1  }
0xc3: {  	[sflag:s29] =	ssyncadd.s32 $0xFFFFFFFF  }
0xc4: {  	_ =	strace $0x9000006C  }
0xc5: {  	_ =	sfence  }
0xc6: {  	s30 =	sld [smem:$0x0];
	_ =	sdelay $0x2  }
0xc7: {  	s31 =	sshll.u32 s1, $0xD;
	s1 =	sshrl.u32 s1, $0x2  }
0xc8: {  	s4 =	sand.u32 $0x4000, s31;
	s1 =	sadd.s32 s1, s30  }
0xc9: {  	s0 =	sor.u32 s4, s0;
	s1 =	sshll.u32 s1, $0x11  }
0xca: {  	s0 =	sor.u32 s1, s0  }
0xcb: {  	s0 =	sadd.s32 $0x8F2B, s0  }
0xcc: {  	[sflag:s0] =	ssyncadd.remote.s32 $0x1  }
0xcd: {  	_ =	sfence.sel $0xFFFF  }
0xce: {  	[dreg:$0x0] =	wrdreg $0xFFFFFFFF;
	(pc) =	sbr.abs _section_cstart, $3  }
0xcf: {  	[dreg:$0x1] =	wrdreg $0xFFFFFFFF  }
0xd0: {  	_ =	task.clear_ibuf [dreg:s22], $0x2FFFF;
	_ =	strace $0x9FFFFFFF  }
0xd1: {  	(tm) =	ssettm $0x7FFFFFFF  }
tec
execute0_lowered:
.L_overlay_start_1:
0x0: {  	(tag) =	ssettag $0x1  }
0x1: {  	s8 =	rddreg [dreg:$0x0]  }
0x2: {  	s1 =	rddreg [dreg:$0x1]  }
0x3: {  	s0 =	rddreg [dreg:$0x2];
	s2 =	simm.s32 $0x0  }
0x4: {  	s7 =	srdreg.scid;
	s11 =	stileid.u32;
	s15 =	simm.s32 $0x4B0  }
0x5: {  	s16 =	simm.s32 $0x1;
	[smem:$0x7FF] =	sst s2;
	s3 =	sadd.s32 $0xAFA00, s8  }
0x6: {  	s4 =	sadd.s32 $0x30400, s8;
	s5 =	sadd.s32 $0x12000, s8;
	s6 =	sadd.s32 $0x8200, s8  }
0x7: {  	s9 =	sand.u32 $0x1, s7;
	s13 =	sshll.u32 s11, $0x1;
	s7 =	sadd.s32 $0x1C400, s8  }
0x8: {  	p0 =	sne.s32 s11, $0x0;
	_ =	strace $0x8000006B;
	s10 =	smul.u32 $0x13880, s9  }
0x9: {  	s12 =	ssub.s32 $0x2, s9;
	s9 =	sor.u32 s9, s13;
	s11 =	sshrl.u32 @!p0 s1, $0x3  }
0xa: {  	s13 =	simm.s32 $0x190;
	s14 =	sshrl.u32 s12, $0x1;
	s10 =	sadd.s32 s10, s8  }
0xb: {  	s12 =	ssub.s32 s12, s14;
	s8 =	smul.u32 $0x2710, s9;
	s14 =	simm.s32 $0x320  }
0xc: {  	s9 =	sadd.s32 $0xC3400, s10;
	s10 =	smax.u32 s12, $0x1;
	s12 =	simm.s32 $0x2  }
.LBB2_1:
0xd: {  	s17 =	simm.s32 @!p0 $0x1C02  }
0xe: {  	[spmem:s11], [sflag:s17] =	dma.local @!p0 [hbm:s7], $0x13880  }
0xf: {  	s17 =	simm.s32 @!p0 $0x2  }
0x10: {  	_ =	swait.ge @!p0 [sflag:s17], $0x13880  }
0x11: {  	[sflag:s17] =	ssyncset.done @!p0 $0x0  }
0x12: {  	[sflag:s17] =	ssyncadd.s32 @!p0 $0xFFFEC780  }
0x13: {  	s17 =	simm.s32 $0x0;
	[bflag:$0x0] =	sbarrier.arrive $0xFFFF  }
.LBB2_2:
0x14: {  	s18 =	smul.u32 $0x190, s17;
	_ =	sdelay $0x1  }
0x15: {  	s18 =	sadd.s32 s8, s18  }
0x16: {  	s18 =	sshrl.u32 s18, $0x3  }
0x17: {  	s20 =	simm.s32 $0x0;
	s19 =	sadd.s32 s5, s18  }
0x18: {  	[tilespmem:s20], [sflag:$0x2] =	stream.linear.gather [hbm4b:s19+s20], $0x190, $0x38;
	[tilespmem:$0x104F0] =	vst v63  }
0x19: {  	_ =	swait.ge [sflag:s12], $0x190  }
0x1a: {  	[sflag:s12] =	ssyncset.done $0x0  }
0x1b: {  	s30 =	sadd.s32 s6, s18;
	[sflag:s12] =	ssyncadd.s32 $0xFFFFFE70  }
0x1c: {  	[tilespmem:s13], [sflag:$0x2] =	stream.linear.gather [hbm4b:s30+s20], $0x190, $0x38;
	[tilespmem:$0x104F0] =	vst v63  }
0x1d: {  	_ =	swait.ge [sflag:s12], $0x190  }
0x1e: {  	[sflag:s12] =	ssyncset.done $0x0  }
0x1f: {  	s18 =	sadd.s32 s4, s18;
	[sflag:s12] =	ssyncadd.s32 $0xFFFFFE70  }
0x20: {  	[tilespmem:s14], [sflag:$0x2] =	stream.linear.gather [hbm4b:s18+s20], $0x190, $0x38;
	[tilespmem:$0x104F0] =	vst v63  }
0x21: {  	_ =	swait.ge [sflag:s12], $0x190  }
0x22: {  	[sflag:s12] =	ssyncset.done $0x0  }
0x23: {  	[sflag:s12] =	ssyncadd.s32 $0xFFFFFE70  }
0x24: {  	[tilespmem:s15], [sflag:$0x1] =	stream.indirect.gather [hbm4b:s3+s13], $0x40, s20, s13, $0xb8;
	[tilespmem:$0x104F0] =	vst v63  }
0x25: {  	v0 =	vmov s20;
	_ =	swait.ge [sflag:s16], $0x6400  }
0x26: {  	[sflag:s16] =	ssyncset.done $0x0  }
0x27: {  	s18 =	simm.s32 $0x4D0;
	[sflag:s16] =	ssyncadd.s32 $0xFFFF9C00  }
0x28: {  	v2 =	vld [tilespmem:s18+$0xFFFFFFF0]  }
0x29: {  	v3 =	vld [tilespmem:s18+$0x10]  }
0x2a: {  	v5 =	vld.idx.msk [tilespmem:v0+s14+$0x0], $0xffff  }
0x2b: {  	v0 =	vld [tilespmem:s18+$0xFFFFFFE0]  }
0x2c: {  	v6 =	vld [tilespmem:s18+$0x0];
	_ =	sdelay $0x3  }
0x2d: {  	s31 =	simm.s32 $0x1;
	v1 =	vmul.f32 v0, v5;
	v4 =	vmul.f32 v3, v5  }
0x2e: {  	s19 =	simm.s32 $0x2;
	s20 =	simm.s32 $0x4D0;
	v0 =	vmov s31;
	v3 =	vmul.f32 v2, v5;
	v2 =	vmul.f32 v6, v5  }
.LBB2_3:
0x2f: {  	p1 =	sne.s32 s19, $0x18F  }
0x30: {  	[tilespmem:s18+$0x10] =	vst v4;
	s20 =	sadd.s32 $0x40, s20;
	s21 =	smov.u32 s19;
	s19 =	sadd.s32 $0x1, s19  }
0x31: {  	[tilespmem:s18+$0xFFFFFFE0] =	vst v1  }
0x32: {  	v5 =	vld [tilespmem:s20+$0xFFFFFFF0];
	[tilespmem:s18+$0xFFFFFFF0] =	vst v3  }
0x33: {  	v3 =	vld [tilespmem:s20+$0x10];
	[tilespmem:s18+$0x0] =	vst v2;
	s18 =	smov.u32 s20  }
0x34: {  	v2 =	vld.idx.msk [tilespmem:v0+s14+$0x0], $0xffff  }
0x35: {  	v0 =	vld [tilespmem:s20+$0xFFFFFFE0]  }
0x36: {  	v6 =	vld [tilespmem:s20+$0x0]  }
.Ltmp0:
0x37: {  	(pc) =	sbr.rel @p1 .LBB2_3-.Ltmp0, $3  }
0x38: {  	_ =	sdelay $0x1  }
0x39: {  	v4 =	vmul.f32 v3, v2;
	v1 =	vmul.f32 v0, v2  }
0x3a: {  	v3 =	vmul.f32 v5, v2;
	v0 =	vmov s21;
	v2 =	vmul.f32 v6, v2  }
0x3b: {  	[tilespmem:s18+$0x10] =	vst v4  }
0x3c: {  	s19 =	sadd.s32 $0x40, s20;
	[tilespmem:s18+$0xFFFFFFE0] =	vst v1  }
0x3d: {  	v1 =	vld [tilespmem:s19+$0xFFFFFFF0];
	[tilespmem:s18+$0xFFFFFFF0] =	vst v3  }
0x3e: {  	v3 =	vld [tilespmem:s19+$0x10];
	[tilespmem:s18+$0x0] =	vst v2  }
0x3f: {  	v0 =	vld.idx.msk [tilespmem:v0+s14+$0x0], $0xffff  }
0x40: {  	v2 =	vld [tilespmem:s19+$0xFFFFFFE0];
	_ =	sdelay $0x1  }
0x41: {  	v4 =	vld [tilespmem:s19+$0x0];
	_ =	sdelay $0x1  }
0x42: {  	v3 =	vmul.f32 v3, v0  }
0x43: {  	v2 =	vmul.f32 v2, v0  }
0x44: {  	v1 =	vmul.f32 v1, v0;
	[tilespmem:s19+$0x10] =	vst v3  }
0x45: {  	s17 =	sadd.s32 $0x1, s17;
	v0 =	vmul.f32 v4, v0;
	[tilespmem:s19+$0xFFFFFFE0] =	vst v2  }
0x46: {  	p1 =	sne.s32 s17, $0x19;
	[tilespmem:s19+$0xFFFFFFF0] =	vst v1  }
.Ltmp1:
0x47: {  	[tilespmem:s19+$0x0] =	vst v0;
	(pc) =	sbr.rel @p1 .LBB2_2-.Ltmp1, $4  }
0x48: {  	[spmem:s1] =	stream.indirect.scatter.add.f32 [tilespmem:s15], [sflag:$0x2], $0x40, s13, s13, $0xb8;
	[tilespmem:$0x104F0] =	vst v63  }
0x49: {  	_ =	swait.ge [sflag:s12], $0x6400  }
0x4a: {  	[sflag:s12] =	ssyncset.done $0x0  }
0x4b: {  	[sflag:s12] =	ssyncadd.s32 $0xFFFF9C00  }
0x4c: {  	[bflag:$0x0] =	sbarrier.arrive $0xFFFF;
	s17 =	simm.s32 @!p0 $0x1C02;
	s2 =	sadd.s32 $0x1, s2  }
0x4d: {  	[hbm:s9], [sflag:s17] =	dma.local @!p0 [spmem:s11], $0x13880  }
0x4e: {  	p1 =	sne.s32 s2, s10  }
.Ltmp2:
0x4f: {  	_ = 	snop;
	(pc) =	sbr.rel @p1 .LBB2_1-.Ltmp2, $4  }
0x50: {  	s17 =	simm.s32 @!p0 $0x2  }
0x51: {  	_ =	swait.ge @!p0 [sflag:s17], $0x13880  }
0x52: {  	[sflag:s17] =	ssyncset.done @!p0 $0x0  }
0x53: {  	[sflag:s17] =	ssyncadd.s32 @!p0 $0xFFFEC780  }
0x54: {  	_ =	sfence.sel $0x180000  }
0x55: {  	[bflag:$0x0] =	sbarrier.arrive $0xFFFF  }
0x56: {  	_ =	strace $0x9000006B  }
0x57: {  	s0 =	sadd.s32 @!p0 $0x100000, s0;
	[bflag:$0x2] =	sbarrier.arrive $0xFFFF  }
0x58: {  	[sflag:s0] =	ssyncadd.tile.s32 @!p0 $0x1;
	_ =	shalt  }
.Lfunc_end2:
_tile_overlayer_lowered:
.L_overlay_start_2:
0x59: {  	(tag) =	ssettag $0x2  }
0x5a: {  	s0 =	rddreg [dreg:$0x0];
	s2 =	stileid.u32  }
0x5b: {  	s1 =	rddreg [dreg:$0x1];
	p0 =	sne.s32 s2, $0x0  }
0x5c: {  	s3 =	rddreg [dreg:$0x2];
	[bflag:$0x3] =	sbarrier.arrive $0xFFFF;
	s2 =	simm.s32 @!p0 $0x1C02  }
0x5d: {  	[timem:s3], [sflag:s2] =	dma.local @!p0 [hbm:s0], s1  }
0x5e: {  	s0 =	simm.s32 @!p0 $0x2  }
0x5f: {  	_ =	swait.ge @!p0 [sflag:s0], s1  }
0x60: {  	s1 =	ssub.s32 @!p0 $0x0, s1;
	[sflag:s0] =	ssyncset.done @!p0 $0x0  }
0x61: {  	[sflag:s0] =	ssyncadd.s32 @!p0 s1  }
0x62: {  	[bflag:$0x3] =	sbarrier.arrive $0xFFFF  }
0x63: {  	_ =	shalt  }

// kernel: kernel.57.cloned.1.call-start
scs
__scs_entry_jumppad:
0x0: {  	(pc) =	sbr.rel $0x88, $3  }
0x1: {  	(tag) =	ssettag $0x0;
	lr =	simm.s32 $0x1  }
0x2: {  	[smem:$0x3F88] =	sst lr;
	_ =	strace $0xD0000000  }
0x3: {  	_ = 	snop  }
0x4: {  	_ = 	snop  }
0x5: {  	_ = 	snop  }
0x6: {  	_ = 	snop  }
0x7: {  	_ = 	snop  }
__scs_overlays_trampoline_lowered:
0x8: {  	[smem:$0x3F97] =	sst s0  }
0x9: {  	[smem:$0x3F98] =	sst s1  }
0xa: {  	[smem:$0x3F99] =	sst s2  }
0xb: {  	[smem:$0x3F9A] =	sst s3  }
0xc: {  	[smem:$0x3F9B] =	sst s4  }
0xd: {  	[smem:$0x3F9C] =	sst s5  }
0xe: {  	[smem:$0x3F9D] =	sst s6  }
0xf: {  	[smem:$0x3F9E] =	sst s7  }
0x10: {  	[smem:$0x3F9F] =	sst s8  }
0x11: {  	[smem:$0x3FA0] =	sst s9;
	s0 =	simm.s32 @!p0 $0x0  }
0x12: {  	s1 =	sld [smem:$0x3F86];
	s0 =	simm.s32 @p0 $0x1  }
0x13: {  	[smem:$0x3FA1] =	sst s0;
	s0 =	simm.s32 @!p1 $0x0  }
0x14: {  	s2 =	sld [smem:$0x3F85];
	s0 =	simm.s32 @p1 $0x1  }
0x15: {  	[smem:$0x3FA2] =	sst s0;
	s0 =	simm.s32 @!p2 $0x0  }
0x16: {  	s3 =	sld [smem:$0x3FDB];
	s0 =	simm.s32 @p2 $0x1  }
0x17: {  	s4 =	simm.s32 $0x1BF5;
	[smem:$0x3FA4] =	sst s0  }
0x18: {  	s0 =	sld [smem:$0x3F87];
	_ =	swait.ge [sflag:s4], $0x0  }
0x19: {  	s7 =	sld [smem:$0x3F88]  }
0x1a: {  	s8 =	sadd.s32 $0xFFFFE003, lr  }
0x1b: {  	s9 =	sadd.s32 $0xFFFFFEF7, lr;
	s5 =	simm.s32 $0xFFFFFFFF;
	p2 =	slt.u32 s8, $0xFFFFF086  }
0x1c: {  	p1 =	slt.u32 s9, $0xF7A;
	s5 =	simm.s32 @!p2 $0x0  }
0x1d: {  	s5 =	simm.s32 @p1 $0x1;
	p0 =	seq.s32 s7, s2  }
0x1e: {  	s7 =	smul.u32 @!p0 $0xF7A, s2;
	p2 =	seq.s32 @!p0 s5, $0x0  }
0x1f: {  	s9 =	smul.u32 $0xF7A, s1;
	s8 =	simm.s32 @!p0 $0x1BF5;
	p2 =	por !p2, p0  }
0x20: {  	[sflag:s8] =	ssyncset.s32 @!p0 $0xFFFFF086;
	s6 =	sadd.s32 @!p0 s3, s7;
	s7 =	simm.s32 @!p0 $0x108  }
0x21: {  	s3 =	sadd.s32 s3, s9;
	s6 =	sadd.s32 @!p0 $0x88, s6;
	s7 =	simm.s32 @p2 $0x1082  }
0x22: {  	[simem:s7], [sflag:s8] =	dma.local @!p0 [hbm:s6], $0xF7A  }
0x23: {  	s9 =	sor.u32 $0xD0000000, s2;
	s6 =	simm.s32 $0x108;
	_ =	swait.ge @!p0 [sflag:s8], $0x0  }
0x24: {  	s3 =	sadd.s32 $0x88, s3;
	s6 =	simm.s32 @!p1 $0x1082;
	[sflag:s4] =	ssyncset.s32 $0xFFFFF086  }
0x25: {  	[simem:s6], [sflag:s4] =	dma.local [hbm:s3], $0xF7A  }
0x26: {  	[smem:$0x3F88] =	sst s1;
	(tag) =	ssettag s2;
	_ =	strace s9  }
0x27: {  	s1 =	sld [smem:$0x3F98]  }
0x28: {  	s2 =	sld [smem:$0x3F99]  }
0x29: {  	s4 =	sld [smem:$0x3F9B]  }
0x2a: {  	p0 =	seq.s32 s5, $0x0;
	s5 =	sld [smem:$0x3F9C]  }
0x2b: {  	s6 =	sld [smem:$0x3F9D]  }
0x2c: {  	s7 =	sld [smem:$0x3F9E]  }
0x2d: {  	s3 =	simm.s32 $0x108;
	s8 =	sld [smem:$0x3F9F]  }
0x2e: {  	s3 =	simm.s32 @!p0 $0x1082;
	s9 =	sld [smem:$0x3FA0]  }
0x2f: {  	lr =	sadd.s32 s0, s3;
	s0 =	sld [smem:$0x3F97]  }
0x30: {  	s3 =	sld [smem:$0x3F9A]  }
0x31: {  	[smem:$0x3FA3] =	sst s10  }
0x32: {  	s10 =	sld [smem:$0x3FA1];
	_ =	sdelay $0x3  }
0x33: {  	p0 =	seq.s32 s10, $0x1;
	s10 =	sld [smem:$0x3FA3];
	_ =	sdelay $0x3  }
0x34: {  	[smem:$0x3FA3] =	sst s10  }
0x35: {  	s10 =	sld [smem:$0x3FA2];
	_ =	sdelay $0x3  }
0x36: {  	p1 =	seq.s32 s10, $0x1;
	s10 =	sld [smem:$0x3FA3];
	_ =	sdelay $0x3  }
0x37: {  	[smem:$0x3FA3] =	sst s10  }
0x38: {  	s10 =	sld [smem:$0x3FA4]  }
0x39: {  	_ = 	snop;
	(pc) =	sbr.ind lr, $3  }
0x3a: {  	_ = 	snop  }
0x3b: {  	_ = 	snop  }
0x3c: {  	p2 =	seq.s32 s10, $0x1;
	s10 =	sld [smem:$0x3FA3]  }
0x3d: {  	_ =	shalt  }
0x3e: {  	_ =	shalt  }
0x3f: {  	_ =	shalt  }
0x40: {  	_ =	shalt  }
0x41: {  	_ =	shalt  }
0x42: {  	_ =	shalt  }
0x43: {  	_ =	shalt  }
0x44: {  	_ =	shalt  }
0x45: {  	_ =	shalt  }
0x46: {  	_ =	shalt  }
0x47: {  	_ =	shalt  }
0x48: {  	_ =	shalt  }
0x49: {  	_ =	shalt  }
0x4a: {  	_ =	shalt  }
0x4b: {  	_ =	shalt  }
0x4c: {  	_ =	shalt  }
0x4d: {  	_ =	shalt  }
0x4e: {  	_ =	shalt  }
0x4f: {  	_ =	shalt  }
0x50: {  	_ =	shalt  }
0x51: {  	_ =	shalt  }
0x52: {  	_ =	shalt  }
0x53: {  	_ =	shalt  }
0x54: {  	_ =	shalt  }
0x55: {  	_ =	shalt  }
0x56: {  	_ =	shalt  }
0x57: {  	_ =	shalt  }
0x58: {  	_ =	shalt  }
0x59: {  	_ =	shalt  }
0x5a: {  	_ =	shalt  }
0x5b: {  	_ =	shalt  }
0x5c: {  	_ =	shalt  }
0x5d: {  	_ =	shalt  }
0x5e: {  	_ =	shalt  }
0x5f: {  	_ =	shalt  }
0x60: {  	_ =	shalt  }
0x61: {  	_ =	shalt  }
0x62: {  	_ =	shalt  }
0x63: {  	_ =	shalt  }
0x64: {  	_ =	shalt  }
0x65: {  	_ =	shalt  }
0x66: {  	_ =	shalt  }
0x67: {  	_ =	shalt  }
0x68: {  	_ =	shalt  }
0x69: {  	_ =	shalt  }
0x6a: {  	_ =	shalt  }
0x6b: {  	_ =	shalt  }
0x6c: {  	_ =	shalt  }
0x6d: {  	_ =	shalt  }
0x6e: {  	_ =	shalt  }
0x6f: {  	_ =	shalt  }
0x70: {  	_ =	shalt  }
0x71: {  	_ =	shalt  }
0x72: {  	_ =	shalt  }
0x73: {  	_ =	shalt  }
0x74: {  	_ =	shalt  }
0x75: {  	_ =	shalt  }
0x76: {  	_ =	shalt  }
0x77: {  	_ =	shalt  }
0x78: {  	_ =	shalt  }
0x79: {  	_ =	shalt  }
0x7a: {  	_ =	shalt  }
0x7b: {  	_ =	shalt  }
0x7c: {  	_ =	shalt  }
0x7d: {  	_ =	shalt  }
0x7e: {  	_ =	shalt  }
0x7f: {  	_ =	shalt  }
0x80: {  	_ =	shalt  }
0x81: {  	_ =	shalt  }
0x82: {  	_ =	shalt  }
0x83: {  	_ =	shalt  }
0x84: {  	_ =	shalt  }
0x85: {  	_ =	shalt  }
0x86: {  	_ =	shalt  }
0x87: {  	_ =	shalt  }
.Lfunc_end0:
.L_simem_size_0:
called_computation.12_lowered:
.L_overlay_start_0:
0x88: {  	s2 =	sld [smem:$0x3FD9]  }
0x89: {  	s3 =	sld [smem:$0x3FFE];
	_ =	sdelay $0x1  }
0x8a: {  	s1 =	srdreg.scid  }
0x8b: {  	s0 =	sand.u32 $0x1, s1  }
0x8c: {  	s17 =	sshll.u32 s0, $0xA;
	s2 =	sadd.s32 s3, s2  }
0x8d: {  	s2 =	sadd.s32 s2, s17  }
0x8e: {  	[smem:$0x3FAF] =	sst s2  }
0x8f: {  	_ = 	snop  }
0x90: {  	(tm) =	ssettm $0x1  }
0x91: {  	s18 =	sld [smem:$0x3FFB];
	_ =	sdelay $0x3  }
0x92: {  	_ =	strace s18  }
0x93: {  	s2 =	sld [smem:$0x3FFC];
	_ =	sdelay $0x3  }
0x94: {  	_ =	strace s2  }
0x95: {  	s2 =	sld [smem:$0x3FFD];
	_ =	sdelay $0x3  }
0x96: {  	_ =	strace s2  }
0x97: {  	_ =	strace $0x8FFFFFFF  }
0x98: {  	s19 =	sld [smem:$0x3FDB];
	_ =	sdelay $0x1  }
0x99: {  	s20 =	simm.s32 $_scs_section_size  }
0x9a: {  	s4 =	simm.s32 $_size__tile_overlayer_lowered;
	s5 =	simm.s32 $_tile_overlayer_lowered  }
0x9b: {  	s6 =	simm.s32 $0x1BFF;
	s21 =	sshll.u32 s5, $0x1;
	s3 =	sadd.s32 s20, s19  }
0x9c: {  	s22 =	simm.s32 $0x0;
	s4 =	sshll.u32 s4, $0x1;
	s5 =	sadd.s32 s21, s3  }
0x9d: {  	[timem:s22], [sflag:s6] =	dma.local [hbm:s5], s4  }
0x9e: {  	_ =	swait.ge [sflag:s6], s4  }
0x9f: {  	s4 =	ssub.s32 $0x0, s4;
	[sflag:s6] =	ssyncset.done $0x0  }
0xa0: {  	[sflag:s6] =	ssyncadd.s32 s4;
	_ =	sdelay $0x1  }
0xa1: {  	s23 =	simm.s32 $0x1B8B  }
0xa2: {  	_ =	swait.ge [sflag:s23], $0x1  }
0xa3: {  	[sflag:s23] =	ssyncset.done $0x0  }
0xa4: {  	[sflag:s23] =	ssyncadd.s32 $0xFFFFFFFF  }
0xa5: {  	s4 =	sld [smem:$0x0]  }
0xa6: {  	s5 =	sand.u32 $0xFFFFFFFE, s1  }
0xa7: {  	p0 =	sne.s32 s1, s5  }
0xa8: {  	s5 =	sshll.u32 @p0 s5, $0xE  }
0xa9: {  	s5 =	sadd.s32 @p0 $0x11B8D, s5;
	s6 =	sshll.u32 @p0 s4, $0x11  }
0xaa: {  	s5 =	sor.u32 @p0 s6, s5  }
0xab: {  	[sflag:s5] =	ssyncadd.remote.s32 @p0 $0x1;
	_ =	sdelay $0x1  }
0xac: {  	s5 =	simm.s32 @p0 $0x1B8D  }
0xad: {  	_ =	swait.eq @p0 [sflag:s5], $0x1  }
0xae: {  	[sflag:s5] =	ssyncadd.s32 @p0 $0xFFFFFFFF  }
0xaf: {  	s6 =	sshll.u32 @!p0 s1, $0xE  }
0xb0: {  	s6 =	sor.u32 @!p0 $0x4000, s6;
	s5 =	simm.s32 @!p0 $0x1B8D  }
0xb1: {  	s4 =	sshll.u32 @!p0 s4, $0x11;
	s6 =	sadd.s32 @!p0 $0x11B8D, s6;
	_ =	swait.eq @!p0 [sflag:s5], $0x1  }
0xb2: {  	s4 =	sor.u32 @!p0 s4, s6;
	[sflag:s5] =	ssyncadd.s32 @!p0 $0xFFFFFFFF  }
0xb3: {  	s25 =	simm.s32 $0x1B8E;
	s24 =	sld [smem:$0x3FFE];
	[sflag:s4] =	ssyncadd.remote.s32 @!p0 $0x1  }
0xb4: {  	s26 =	simm.s32 $execute0_lowered;
	[smem:$0x3FD2] =	sst s25  }
0xb5: {  	s5 =	sshll.u32 s26, $0x1;
	_ =	strace $0x80000067;
	[dreg:$0x1] =	wrdreg $0xFFFFFFFF  }
0xb6: {  	s28 =	simm.s32 $_size_execute0_lowered;
	s3 =	sadd.s32 s3, s5;
	[dreg:$0x0] =	wrdreg $0x0  }
0xb7: {  	s5 =	sshll.u32 s28, $0x1;
	[dreg:$0x2] =	wrdreg s3  }
0xb8: {  	[dreg:$0x3] =	wrdreg s5  }
0xb9: {  	[dreg:$0x4] =	wrdreg $0xC0  }
0xba: {  	_ =	task [dreg:s22], $0x5FFFF  }
0xbb: {  	[dreg:$0x1] =	wrdreg $0xFFFFFFFF  }
0xbc: {  	[dreg:$0x0] =	wrdreg $0x60  }
0xbd: {  	[dreg:$0x2] =	wrdreg s24  }
0xbe: {  	[dreg:$0x3] =	wrdreg $0x68B00  }
0xbf: {  	[dreg:$0x4] =	wrdreg $0xB  }
0xc0: {  	_ =	task.clear_ibuf [dreg:s22], $0x5FFFF;
	_ =	strace $0x90000067  }
0xc1: {  	s29 =	simm.s32 $0xB;
	_ =	strace $0x80000069  }
0xc2: {  	_ =	swait.ge [sflag:s29], $0x1  }
0xc3: {  	[sflag:s29] =	ssyncadd.s32 $0xFFFFFFFF  }
0xc4: {  	_ =	strace $0x90000069  }
0xc5: {  	_ =	sfence  }
0xc6: {  	s30 =	sld [smem:$0x0];
	_ =	sdelay $0x2  }
0xc7: {  	s31 =	sshll.u32 s1, $0xD;
	s1 =	sshrl.u32 s1, $0x2  }
0xc8: {  	s4 =	sand.u32 $0x4000, s31;
	s1 =	sadd.s32 s1, s30  }
0xc9: {  	s0 =	sor.u32 s4, s0;
	s1 =	sshll.u32 s1, $0x11  }
0xca: {  	s0 =	sor.u32 s1, s0  }
0xcb: {  	s0 =	sadd.s32 $0x8F2B, s0  }
0xcc: {  	[sflag:s0] =	ssyncadd.remote.s32 $0x1  }
0xcd: {  	_ =	sfence.sel $0xFFFF  }
0xce: {  	[dreg:$0x0] =	wrdreg $0xFFFFFFFF;
	(pc) =	sbr.abs _section_cstart, $3  }
0xcf: {  	[dreg:$0x1] =	wrdreg $0xFFFFFFFF  }
0xd0: {  	_ =	task.clear_ibuf [dreg:s22], $0x2FFFF;
	_ =	strace $0x9FFFFFFF  }
0xd1: {  	(tm) =	ssettm $0x7FFFFFFF  }
tec
execute0_lowered:
.L_overlay_start_1:
0x0: {  	(tag) =	ssettag $0x1  }
0x1: {  	s8 =	rddreg [dreg:$0x0]  }
0x2: {  	s1 =	rddreg [dreg:$0x1]  }
0x3: {  	s0 =	rddreg [dreg:$0x2];
	s2 =	simm.s32 $0x0  }
0x4: {  	s7 =	srdreg.scid;
	s11 =	stileid.u32;
	s15 =	simm.s32 $0x4B0  }
0x5: {  	s16 =	simm.s32 $0x1;
	[smem:$0x7FF] =	sst s2;
	s3 =	sadd.s32 $0x74E00, s8  }
0x6: {  	s4 =	sadd.s32 $0x30400, s8;
	s5 =	sadd.s32 $0x12000, s8;
	s6 =	sadd.s32 $0x8200, s8  }
0x7: {  	s9 =	sand.u32 $0x1, s7;
	s13 =	sshll.u32 s11, $0x1;
	s7 =	sadd.s32 $0x1C400, s8  }
0x8: {  	p0 =	sne.s32 s11, $0x0;
	_ =	strace $0x80000068;
	s10 =	smul.u32 $0x13880, s9  }
0x9: {  	s12 =	ssub.s32 $0x2, s9;
	s9 =	sor.u32 s9, s13;
	s11 =	sshrl.u32 @!p0 s1, $0x3  }
0xa: {  	s13 =	simm.s32 $0x190;
	s14 =	sshrl.u32 s12, $0x1;
	s10 =	sadd.s32 s10, s8  }
0xb: {  	s12 =	ssub.s32 s12, s14;
	s8 =	smul.u32 $0x2710, s9;
	s14 =	simm.s32 $0x320  }
0xc: {  	s9 =	sadd.s32 $0x88800, s10;
	s10 =	smax.u32 s12, $0x1;
	s12 =	simm.s32 $0x2  }
.LBB2_1:
0xd: {  	s17 =	simm.s32 @!p0 $0x1C02  }
0xe: {  	[spmem:s11], [sflag:s17] =	dma.local @!p0 [hbm:s7], $0x13880  }
0xf: {  	s17 =	simm.s32 @!p0 $0x2  }
0x10: {  	_ =	swait.ge @!p0 [sflag:s17], $0x13880  }
0x11: {  	[sflag:s17] =	ssyncset.done @!p0 $0x0  }
0x12: {  	[sflag:s17] =	ssyncadd.s32 @!p0 $0xFFFEC780  }
0x13: {  	s17 =	simm.s32 $0x0;
	[bflag:$0x0] =	sbarrier.arrive $0xFFFF  }
.LBB2_2:
0x14: {  	s18 =	smul.u32 $0x190, s17;
	_ =	sdelay $0x1  }
0x15: {  	s18 =	sadd.s32 s8, s18  }
0x16: {  	s18 =	sshrl.u32 s18, $0x3  }
0x17: {  	s20 =	simm.s32 $0x0;
	s19 =	sadd.s32 s5, s18  }
0x18: {  	[tilespmem:s20], [sflag:$0x2] =	stream.linear.gather [hbm4b:s19+s20], $0x190, $0x38;
	[tilespmem:$0x104F0] =	vst v63  }
0x19: {  	_ =	swait.ge [sflag:s12], $0x190  }
0x1a: {  	[sflag:s12] =	ssyncset.done $0x0  }
0x1b: {  	s30 =	sadd.s32 s6, s18;
	[sflag:s12] =	ssyncadd.s32 $0xFFFFFE70  }
0x1c: {  	[tilespmem:s13], [sflag:$0x2] =	stream.linear.gather [hbm4b:s30+s20], $0x190, $0x38;
	[tilespmem:$0x104F0] =	vst v63  }
0x1d: {  	_ =	swait.ge [sflag:s12], $0x190  }
0x1e: {  	[sflag:s12] =	ssyncset.done $0x0  }
0x1f: {  	s18 =	sadd.s32 s4, s18;
	[sflag:s12] =	ssyncadd.s32 $0xFFFFFE70  }
0x20: {  	[tilespmem:s14], [sflag:$0x2] =	stream.linear.gather [hbm4b:s18+s20], $0x190, $0x38;
	[tilespmem:$0x104F0] =	vst v63  }
0x21: {  	_ =	swait.ge [sflag:s12], $0x190  }
0x22: {  	[sflag:s12] =	ssyncset.done $0x0  }
0x23: {  	[sflag:s12] =	ssyncadd.s32 $0xFFFFFE70  }
0x24: {  	[tilespmem:s15], [sflag:$0x1] =	stream.indirect.gather [hbm4b:s3+s13], $0x40, s20, s13, $0xb8;
	[tilespmem:$0x104F0] =	vst v63  }
0x25: {  	v0 =	vmov s20;
	_ =	swait.ge [sflag:s16], $0x6400  }
0x26: {  	[sflag:s16] =	ssyncset.done $0x0  }
0x27: {  	s18 =	simm.s32 $0x4D0;
	[sflag:s16] =	ssyncadd.s32 $0xFFFF9C00  }
0x28: {  	v2 =	vld [tilespmem:s18+$0xFFFFFFF0]  }
0x29: {  	v3 =	vld [tilespmem:s18+$0x10]  }
0x2a: {  	v5 =	vld.idx.msk [tilespmem:v0+s14+$0x0], $0xffff  }
0x2b: {  	v0 =	vld [tilespmem:s18+$0xFFFFFFE0]  }
0x2c: {  	v6 =	vld [tilespmem:s18+$0x0];
	_ =	sdelay $0x3  }
0x2d: {  	s31 =	simm.s32 $0x1;
	v1 =	vmul.f32 v0, v5;
	v4 =	vmul.f32 v3, v5  }
0x2e: {  	s19 =	simm.s32 $0x2;
	s20 =	simm.s32 $0x4D0;
	v0 =	vmov s31;
	v3 =	vmul.f32 v2, v5;
	v2 =	vmul.f32 v6, v5  }
.LBB2_3:
0x2f: {  	p1 =	sne.s32 s19, $0x18F  }
0x30: {  	[tilespmem:s18+$0x10] =	vst v4;
	s20 =	sadd.s32 $0x40, s20;
	s21 =	smov.u32 s19;
	s19 =	sadd.s32 $0x1, s19  }
0x31: {  	[tilespmem:s18+$0xFFFFFFE0] =	vst v1  }
0x32: {  	v5 =	vld [tilespmem:s20+$0xFFFFFFF0];
	[tilespmem:s18+$0xFFFFFFF0] =	vst v3  }
0x33: {  	v3 =	vld [tilespmem:s20+$0x10];
	[tilespmem:s18+$0x0] =	vst v2;
	s18 =	smov.u32 s20  }
0x34: {  	v2 =	vld.idx.msk [tilespmem:v0+s14+$0x0], $0xffff  }
0x35: {  	v0 =	vld [tilespmem:s20+$0xFFFFFFE0]  }
0x36: {  	v6 =	vld [tilespmem:s20+$0x0]  }
.Ltmp0:
0x37: {  	(pc) =	sbr.rel @p1 .LBB2_3-.Ltmp0, $3  }
0x38: {  	_ =	sdelay $0x1  }
0x39: {  	v4 =	vmul.f32 v3, v2;
	v1 =	vmul.f32 v0, v2  }
0x3a: {  	v3 =	vmul.f32 v5, v2;
	v0 =	vmov s21;
	v2 =	vmul.f32 v6, v2  }
0x3b: {  	[tilespmem:s18+$0x10] =	vst v4  }
0x3c: {  	s19 =	sadd.s32 $0x40, s20;
	[tilespmem:s18+$0xFFFFFFE0] =	vst v1  }
0x3d: {  	v1 =	vld [tilespmem:s19+$0xFFFFFFF0];
	[tilespmem:s18+$0xFFFFFFF0] =	vst v3  }
0x3e: {  	v3 =	vld [tilespmem:s19+$0x10];
	[tilespmem:s18+$0x0] =	vst v2  }
0x3f: {  	v0 =	vld.idx.msk [tilespmem:v0+s14+$0x0], $0xffff  }
0x40: {  	v2 =	vld [tilespmem:s19+$0xFFFFFFE0];
	_ =	sdelay $0x1  }
0x41: {  	v4 =	vld [tilespmem:s19+$0x0];
	_ =	sdelay $0x1  }
0x42: {  	v3 =	vmul.f32 v3, v0  }
0x43: {  	v2 =	vmul.f32 v2, v0  }
0x44: {  	v1 =	vmul.f32 v1, v0;
	[tilespmem:s19+$0x10] =	vst v3  }
0x45: {  	s17 =	sadd.s32 $0x1, s17;
	v0 =	vmul.f32 v4, v0;
	[tilespmem:s19+$0xFFFFFFE0] =	vst v2  }
0x46: {  	p1 =	sne.s32 s17, $0x19;
	[tilespmem:s19+$0xFFFFFFF0] =	vst v1  }
.Ltmp1:
0x47: {  	[tilespmem:s19+$0x0] =	vst v0;
	(pc) =	sbr.rel @p1 .LBB2_2-.Ltmp1, $4  }
0x48: {  	[spmem:s1] =	stream.indirect.scatter.add.f32 [tilespmem:s15], [sflag:$0x2], $0x40, s13, s13, $0xb8;
	[tilespmem:$0x104F0] =	vst v63  }
0x49: {  	_ =	swait.ge [sflag:s12], $0x6400  }
0x4a: {  	[sflag:s12] =	ssyncset.done $0x0  }
0x4b: {  	[sflag:s12] =	ssyncadd.s32 $0xFFFF9C00  }
0x4c: {  	[bflag:$0x0] =	sbarrier.arrive $0xFFFF;
	s17 =	simm.s32 @!p0 $0x1C02;
	s2 =	sadd.s32 $0x1, s2  }
0x4d: {  	[hbm:s9], [sflag:s17] =	dma.local @!p0 [spmem:s11], $0x13880  }
0x4e: {  	p1 =	sne.s32 s2, s10  }
.Ltmp2:
0x4f: {  	_ = 	snop;
	(pc) =	sbr.rel @p1 .LBB2_1-.Ltmp2, $4  }
0x50: {  	s17 =	simm.s32 @!p0 $0x2  }
0x51: {  	_ =	swait.ge @!p0 [sflag:s17], $0x13880  }
0x52: {  	[sflag:s17] =	ssyncset.done @!p0 $0x0  }
0x53: {  	[sflag:s17] =	ssyncadd.s32 @!p0 $0xFFFEC780  }
0x54: {  	_ =	sfence.sel $0x180000  }
0x55: {  	[bflag:$0x0] =	sbarrier.arrive $0xFFFF  }
0x56: {  	_ =	strace $0x90000068  }
0x57: {  	s0 =	sadd.s32 @!p0 $0x100000, s0;
	[bflag:$0x2] =	sbarrier.arrive $0xFFFF  }
0x58: {  	[sflag:s0] =	ssyncadd.tile.s32 @!p0 $0x1;
	_ =	shalt  }
.Lfunc_end2:
_tile_overlayer_lowered:
.L_overlay_start_2:
0x59: {  	(tag) =	ssettag $0x2  }
0x5a: {  	s0 =	rddreg [dreg:$0x0];
	s2 =	stileid.u32  }
0x5b: {  	s1 =	rddreg [dreg:$0x1];
	p0 =	sne.s32 s2, $0x0  }
0x5c: {  	s3 =	rddreg [dreg:$0x2];
	[bflag:$0x3] =	sbarrier.arrive $0xFFFF;
	s2 =	simm.s32 @!p0 $0x1C02  }
0x5d: {  	[timem:s3], [sflag:s2] =	dma.local @!p0 [hbm:s0], s1  }
0x5e: {  	s0 =	simm.s32 @!p0 $0x2  }
0x5f: {  	_ =	swait.ge @!p0 [sflag:s0], s1  }
0x60: {  	s1 =	ssub.s32 @!p0 $0x0, s1;
	[sflag:s0] =	ssyncset.done @!p0 $0x0  }
0x61: {  	[sflag:s0] =	ssyncadd.s32 @!p0 s1  }
0x62: {  	[bflag:$0x3] =	sbarrier.arrive $0xFFFF  }
0x63: {  	_ =	shalt  }

// kernel: kernel.60.cloned.1.call-start
scs
__scs_entry_jumppad:
0x0: {  	(pc) =	sbr.rel $0x88, $3  }
0x1: {  	(tag) =	ssettag $0x0;
	lr =	simm.s32 $0x1  }
0x2: {  	[smem:$0x3F88] =	sst lr;
	_ =	strace $0xD0000000  }
0x3: {  	_ = 	snop  }
0x4: {  	_ = 	snop  }
0x5: {  	_ = 	snop  }
0x6: {  	_ = 	snop  }
0x7: {  	_ = 	snop  }
__scs_overlays_trampoline_lowered:
0x8: {  	[smem:$0x3F97] =	sst s0  }
0x9: {  	[smem:$0x3F98] =	sst s1  }
0xa: {  	[smem:$0x3F99] =	sst s2  }
0xb: {  	[smem:$0x3F9A] =	sst s3  }
0xc: {  	[smem:$0x3F9B] =	sst s4  }
0xd: {  	[smem:$0x3F9C] =	sst s5  }
0xe: {  	[smem:$0x3F9D] =	sst s6  }
0xf: {  	[smem:$0x3F9E] =	sst s7  }
0x10: {  	[smem:$0x3F9F] =	sst s8  }
0x11: {  	[smem:$0x3FA0] =	sst s9;
	s0 =	simm.s32 @!p0 $0x0  }
0x12: {  	s1 =	sld [smem:$0x3F86];
	s0 =	simm.s32 @p0 $0x1  }
0x13: {  	[smem:$0x3FA1] =	sst s0;
	s0 =	simm.s32 @!p1 $0x0  }
0x14: {  	s2 =	sld [smem:$0x3F85];
	s0 =	simm.s32 @p1 $0x1  }
0x15: {  	[smem:$0x3FA2] =	sst s0;
	s0 =	simm.s32 @!p2 $0x0  }
0x16: {  	s3 =	sld [smem:$0x3FDB];
	s0 =	simm.s32 @p2 $0x1  }
0x17: {  	s4 =	simm.s32 $0x1BF5;
	[smem:$0x3FA4] =	sst s0  }
0x18: {  	s0 =	sld [smem:$0x3F87];
	_ =	swait.ge [sflag:s4], $0x0  }
0x19: {  	s7 =	sld [smem:$0x3F88]  }
0x1a: {  	s8 =	sadd.s32 $0xFFFFE003, lr  }
0x1b: {  	s9 =	sadd.s32 $0xFFFFFEF7, lr;
	s5 =	simm.s32 $0xFFFFFFFF;
	p2 =	slt.u32 s8, $0xFFFFF086  }
0x1c: {  	p1 =	slt.u32 s9, $0xF7A;
	s5 =	simm.s32 @!p2 $0x0  }
0x1d: {  	s5 =	simm.s32 @p1 $0x1;
	p0 =	seq.s32 s7, s2  }
0x1e: {  	s7 =	smul.u32 @!p0 $0xF7A, s2;
	p2 =	seq.s32 @!p0 s5, $0x0  }
0x1f: {  	s9 =	smul.u32 $0xF7A, s1;
	s8 =	simm.s32 @!p0 $0x1BF5;
	p2 =	por !p2, p0  }
0x20: {  	[sflag:s8] =	ssyncset.s32 @!p0 $0xFFFFF086;
	s6 =	sadd.s32 @!p0 s3, s7;
	s7 =	simm.s32 @!p0 $0x108  }
0x21: {  	s3 =	sadd.s32 s3, s9;
	s6 =	sadd.s32 @!p0 $0x88, s6;
	s7 =	simm.s32 @p2 $0x1082  }
0x22: {  	[simem:s7], [sflag:s8] =	dma.local @!p0 [hbm:s6], $0xF7A  }
0x23: {  	s9 =	sor.u32 $0xD0000000, s2;
	s6 =	simm.s32 $0x108;
	_ =	swait.ge @!p0 [sflag:s8], $0x0  }
0x24: {  	s3 =	sadd.s32 $0x88, s3;
	s6 =	simm.s32 @!p1 $0x1082;
	[sflag:s4] =	ssyncset.s32 $0xFFFFF086  }
0x25: {  	[simem:s6], [sflag:s4] =	dma.local [hbm:s3], $0xF7A  }
0x26: {  	[smem:$0x3F88] =	sst s1;
	(tag) =	ssettag s2;
	_ =	strace s9  }
0x27: {  	s1 =	sld [smem:$0x3F98]  }
0x28: {  	s2 =	sld [smem:$0x3F99]  }
0x29: {  	s4 =	sld [smem:$0x3F9B]  }
0x2a: {  	p0 =	seq.s32 s5, $0x0;
	s5 =	sld [smem:$0x3F9C]  }
0x2b: {  	s6 =	sld [smem:$0x3F9D]  }
0x2c: {  	s7 =	sld [smem:$0x3F9E]  }
0x2d: {  	s3 =	simm.s32 $0x108;
	s8 =	sld [smem:$0x3F9F]  }
0x2e: {  	s3 =	simm.s32 @!p0 $0x1082;
	s9 =	sld [smem:$0x3FA0]  }
0x2f: {  	lr =	sadd.s32 s0, s3;
	s0 =	sld [smem:$0x3F97]  }
0x30: {  	s3 =	sld [smem:$0x3F9A]  }
0x31: {  	[smem:$0x3FA3] =	sst s10  }
0x32: {  	s10 =	sld [smem:$0x3FA1];
	_ =	sdelay $0x3  }
0x33: {  	p0 =	seq.s32 s10, $0x1;
	s10 =	sld [smem:$0x3FA3];
	_ =	sdelay $0x3  }
0x34: {  	[smem:$0x3FA3] =	sst s10  }
0x35: {  	s10 =	sld [smem:$0x3FA2];
	_ =	sdelay $0x3  }
0x36: {  	p1 =	seq.s32 s10, $0x1;
	s10 =	sld [smem:$0x3FA3];
	_ =	sdelay $0x3  }
0x37: {  	[smem:$0x3FA3] =	sst s10  }
0x38: {  	s10 =	sld [smem:$0x3FA4]  }
0x39: {  	_ = 	snop;
	(pc) =	sbr.ind lr, $3  }
0x3a: {  	_ = 	snop  }
0x3b: {  	_ = 	snop  }
0x3c: {  	p2 =	seq.s32 s10, $0x1;
	s10 =	sld [smem:$0x3FA3]  }
0x3d: {  	_ =	shalt  }
0x3e: {  	_ =	shalt  }
0x3f: {  	_ =	shalt  }
0x40: {  	_ =	shalt  }
0x41: {  	_ =	shalt  }
0x42: {  	_ =	shalt  }
0x43: {  	_ =	shalt  }
0x44: {  	_ =	shalt  }
0x45: {  	_ =	shalt  }
0x46: {  	_ =	shalt  }
0x47: {  	_ =	shalt  }
0x48: {  	_ =	shalt  }
0x49: {  	_ =	shalt  }
0x4a: {  	_ =	shalt  }
0x4b: {  	_ =	shalt  }
0x4c: {  	_ =	shalt  }
0x4d: {  	_ =	shalt  }
0x4e: {  	_ =	shalt  }
0x4f: {  	_ =	shalt  }
0x50: {  	_ =	shalt  }
0x51: {  	_ =	shalt  }
0x52: {  	_ =	shalt  }
0x53: {  	_ =	shalt  }
0x54: {  	_ =	shalt  }
0x55: {  	_ =	shalt  }
0x56: {  	_ =	shalt  }
0x57: {  	_ =	shalt  }
0x58: {  	_ =	shalt  }
0x59: {  	_ =	shalt  }
0x5a: {  	_ =	shalt  }
0x5b: {  	_ =	shalt  }
0x5c: {  	_ =	shalt  }
0x5d: {  	_ =	shalt  }
0x5e: {  	_ =	shalt  }
0x5f: {  	_ =	shalt  }
0x60: {  	_ =	shalt  }
0x61: {  	_ =	shalt  }
0x62: {  	_ =	shalt  }
0x63: {  	_ =	shalt  }
0x64: {  	_ =	shalt  }
0x65: {  	_ =	shalt  }
0x66: {  	_ =	shalt  }
0x67: {  	_ =	shalt  }
0x68: {  	_ =	shalt  }
0x69: {  	_ =	shalt  }
0x6a: {  	_ =	shalt  }
0x6b: {  	_ =	shalt  }
0x6c: {  	_ =	shalt  }
0x6d: {  	_ =	shalt  }
0x6e: {  	_ =	shalt  }
0x6f: {  	_ =	shalt  }
0x70: {  	_ =	shalt  }
0x71: {  	_ =	shalt  }
0x72: {  	_ =	shalt  }
0x73: {  	_ =	shalt  }
0x74: {  	_ =	shalt  }
0x75: {  	_ =	shalt  }
0x76: {  	_ =	shalt  }
0x77: {  	_ =	shalt  }
0x78: {  	_ =	shalt  }
0x79: {  	_ =	shalt  }
0x7a: {  	_ =	shalt  }
0x7b: {  	_ =	shalt  }
0x7c: {  	_ =	shalt  }
0x7d: {  	_ =	shalt  }
0x7e: {  	_ =	shalt  }
0x7f: {  	_ =	shalt  }
0x80: {  	_ =	shalt  }
0x81: {  	_ =	shalt  }
0x82: {  	_ =	shalt  }
0x83: {  	_ =	shalt  }
0x84: {  	_ =	shalt  }
0x85: {  	_ =	shalt  }
0x86: {  	_ =	shalt  }
0x87: {  	_ =	shalt  }
.Lfunc_end0:
.L_simem_size_0:
called_computation.13_lowered:
.L_overlay_start_0:
0x88: {  	s2 =	sld [smem:$0x3FD9]  }
0x89: {  	s3 =	sld [smem:$0x3FFE];
	_ =	sdelay $0x1  }
0x8a: {  	s1 =	srdreg.scid  }
0x8b: {  	s0 =	sand.u32 $0x1, s1  }
0x8c: {  	s16 =	sshll.u32 s0, $0xA;
	s2 =	sadd.s32 s3, s2  }
0x8d: {  	s2 =	sadd.s32 s2, s16  }
0x8e: {  	[smem:$0x3FAF] =	sst s2  }
0x8f: {  	_ = 	snop  }
0x90: {  	(tm) =	ssettm $0x1  }
0x91: {  	s17 =	sld [smem:$0x3FFB];
	_ =	sdelay $0x3  }
0x92: {  	_ =	strace s17  }
0x93: {  	s2 =	sld [smem:$0x3FFC];
	_ =	sdelay $0x3  }
0x94: {  	_ =	strace s2  }
0x95: {  	s2 =	sld [smem:$0x3FFD];
	_ =	sdelay $0x3  }
0x96: {  	_ =	strace s2  }
0x97: {  	_ =	strace $0x8FFFFFFF  }
0x98: {  	s18 =	sld [smem:$0x3FDB];
	_ =	sdelay $0x1  }
0x99: {  	s19 =	simm.s32 $_scs_section_size  }
0x9a: {  	s4 =	simm.s32 $_size__tile_overlayer_lowered;
	s5 =	simm.s32 $_tile_overlayer_lowered  }
0x9b: {  	s22 =	simm.s32 $0x1BFF;
	s21 =	sshll.u32 s5, $0x1;
	s2 =	sadd.s32 s19, s18  }
0x9c: {  	s6 =	simm.s32 $0x0;
	s20 =	sshll.u32 s4, $0x1;
	s4 =	sadd.s32 s21, s2  }
0x9d: {  	[timem:s6], [sflag:s22] =	dma.local [hbm:s4], s20  }
0x9e: {  	_ =	swait.ge [sflag:s22], s20  }
0x9f: {  	s3 =	ssub.s32 $0x0, s20;
	[sflag:s22] =	ssyncset.done $0x0  }
0xa0: {  	[sflag:s22] =	ssyncadd.s32 s3;
	_ =	sdelay $0x1  }
0xa1: {  	s23 =	simm.s32 $0x1B8B  }
0xa2: {  	_ =	swait.ge [sflag:s23], $0x1  }
0xa3: {  	[sflag:s23] =	ssyncset.done $0x0  }
0xa4: {  	s25 =	simm.s32 $0x1B8E;
	s24 =	sld [smem:$0x3FFE];
	[sflag:s23] =	ssyncadd.s32 $0xFFFFFFFF  }
0xa5: {  	s26 =	simm.s32 $execute0_lowered;
	[smem:$0x3FD2] =	sst s25  }
0xa6: {  	s4 =	sshll.u32 s26, $0x1;
	_ =	strace $0x80000064;
	[dreg:$0x1] =	wrdreg $0xFFFFFFFF  }
0xa7: {  	s28 =	simm.s32 $_size_execute0_lowered;
	s2 =	sadd.s32 s2, s4;
	[dreg:$0x0] =	wrdreg $0x0  }
0xa8: {  	s4 =	sshll.u32 s28, $0x1;
	[dreg:$0x2] =	wrdreg s2  }
0xa9: {  	[dreg:$0x3] =	wrdreg s4  }
0xaa: {  	[dreg:$0x4] =	wrdreg $0xC0  }
0xab: {  	_ =	task [dreg:s6], $0x5FFFF  }
0xac: {  	[dreg:$0x1] =	wrdreg $0xFFFFFFFF  }
0xad: {  	[dreg:$0x0] =	wrdreg $0x60  }
0xae: {  	[dreg:$0x2] =	wrdreg s24  }
0xaf: {  	[dreg:$0x3] =	wrdreg $0x68B00  }
0xb0: {  	[dreg:$0x4] =	wrdreg $0xC  }
0xb1: {  	_ =	task.clear_ibuf [dreg:s6], $0x5FFFF;
	_ =	strace $0x90000064  }
0xb2: {  	s29 =	simm.s32 $0xC;
	_ =	strace $0x80000066  }
0xb3: {  	_ =	swait.ge [sflag:s29], $0x1  }
0xb4: {  	[sflag:s29] =	ssyncadd.s32 $0xFFFFFFFF  }
0xb5: {  	_ =	strace $0x90000066  }
0xb6: {  	_ =	sfence  }
0xb7: {  	s30 =	sld [smem:$0x0];
	_ =	sdelay $0x2  }
0xb8: {  	s31 =	sshll.u32 s1, $0xD;
	s1 =	sshrl.u32 s1, $0x2  }
0xb9: {  	s3 =	sand.u32 $0x4000, s31;
	s1 =	sadd.s32 s1, s30  }
0xba: {  	s0 =	sor.u32 s3, s0;
	s1 =	sshll.u32 s1, $0x11  }
0xbb: {  	s0 =	sor.u32 s1, s0  }
0xbc: {  	s0 =	sadd.s32 $0x8F2B, s0  }
0xbd: {  	[sflag:s0] =	ssyncadd.remote.s32 $0x1  }
0xbe: {  	_ =	sfence.sel $0xFFFF  }
0xbf: {  	[dreg:$0x0] =	wrdreg $0xFFFFFFFF;
	(pc) =	sbr.abs _section_cstart, $3  }
0xc0: {  	[dreg:$0x1] =	wrdreg $0xFFFFFFFF  }
0xc1: {  	_ =	task.clear_ibuf [dreg:s6], $0x2FFFF;
	_ =	strace $0x9FFFFFFF  }
0xc2: {  	(tm) =	ssettm $0x7FFFFFFF  }
0xc3: {  	_ =	shalt  }
tec
execute0_lowered:
.L_overlay_start_1:
0x0: {  	(tag) =	ssettag $0x1  }
0x1: {  	s8 =	rddreg [dreg:$0x0]  }
0x2: {  	s1 =	rddreg [dreg:$0x1]  }
0x3: {  	s0 =	rddreg [dreg:$0x2];
	s2 =	simm.s32 $0x0  }
0x4: {  	s7 =	srdreg.scid;
	s11 =	stileid.u32;
	s15 =	simm.s32 $0x4B0  }
0x5: {  	s16 =	simm.s32 $0x1;
	[smem:$0x7FF] =	sst s2;
	s3 =	sadd.s32 $0x3A200, s8  }
0x6: {  	s4 =	sadd.s32 $0x30400, s8;
	s5 =	sadd.s32 $0x12000, s8;
	s6 =	sadd.s32 $0x8200, s8  }
0x7: {  	s9 =	sand.u32 $0x1, s7;
	s13 =	sshll.u32 s11, $0x1;
	s7 =	sadd.s32 $0x1C400, s8  }
0x8: {  	p0 =	sne.s32 s11, $0x0;
	_ =	strace $0x80000065;
	s10 =	smul.u32 $0x13880, s9  }
0x9: {  	s12 =	ssub.s32 $0x2, s9;
	s9 =	sor.u32 s9, s13;
	s11 =	sshrl.u32 @!p0 s1, $0x3  }
0xa: {  	s13 =	simm.s32 $0x190;
	s14 =	sshrl.u32 s12, $0x1;
	s10 =	sadd.s32 s10, s8  }
0xb: {  	s12 =	ssub.s32 s12, s14;
	s8 =	smul.u32 $0x2710, s9;
	s14 =	simm.s32 $0x320  }
0xc: {  	s9 =	sadd.s32 $0x4DC00, s10;
	s10 =	smax.u32 s12, $0x1;
	s12 =	simm.s32 $0x2  }
.LBB2_1:
0xd: {  	s17 =	simm.s32 @!p0 $0x1C02  }
0xe: {  	[spmem:s11], [sflag:s17] =	dma.local @!p0 [hbm:s7], $0x13880  }
0xf: {  	s17 =	simm.s32 @!p0 $0x2  }
0x10: {  	_ =	swait.ge @!p0 [sflag:s17], $0x13880  }
0x11: {  	[sflag:s17] =	ssyncset.done @!p0 $0x0  }
0x12: {  	[sflag:s17] =	ssyncadd.s32 @!p0 $0xFFFEC780  }
0x13: {  	s17 =	simm.s32 $0x0;
	[bflag:$0x0] =	sbarrier.arrive $0xFFFF  }
.LBB2_2:
0x14: {  	s18 =	smul.u32 $0x190, s17;
	_ =	sdelay $0x1  }
0x15: {  	s18 =	sadd.s32 s8, s18  }
0x16: {  	s18 =	sshrl.u32 s18, $0x3  }
0x17: {  	s20 =	simm.s32 $0x0;
	s19 =	sadd.s32 s5, s18  }
0x18: {  	[tilespmem:s20], [sflag:$0x2] =	stream.linear.gather [hbm4b:s19+s20], $0x190, $0x38;
	[tilespmem:$0x104F0] =	vst v63  }
0x19: {  	_ =	swait.ge [sflag:s12], $0x190  }
0x1a: {  	[sflag:s12] =	ssyncset.done $0x0  }
0x1b: {  	s30 =	sadd.s32 s6, s18;
	[sflag:s12] =	ssyncadd.s32 $0xFFFFFE70  }
0x1c: {  	[tilespmem:s13], [sflag:$0x2] =	stream.linear.gather [hbm4b:s30+s20], $0x190, $0x38;
	[tilespmem:$0x104F0] =	vst v63  }
0x1d: {  	_ =	swait.ge [sflag:s12], $0x190  }
0x1e: {  	[sflag:s12] =	ssyncset.done $0x0  }
0x1f: {  	s18 =	sadd.s32 s4, s18;
	[sflag:s12] =	ssyncadd.s32 $0xFFFFFE70  }
0x20: {  	[tilespmem:s14], [sflag:$0x2] =	stream.linear.gather [hbm4b:s18+s20], $0x190, $0x38;
	[tilespmem:$0x104F0] =	vst v63  }
0x21: {  	_ =	swait.ge [sflag:s12], $0x190  }
0x22: {  	[sflag:s12] =	ssyncset.done $0x0  }
0x23: {  	[sflag:s12] =	ssyncadd.s32 $0xFFFFFE70  }
0x24: {  	[tilespmem:s15], [sflag:$0x1] =	stream.indirect.gather [hbm4b:s3+s13], $0x40, s20, s13, $0xb8;
	[tilespmem:$0x104F0] =	vst v63  }
0x25: {  	v0 =	vmov s20;
	_ =	swait.ge [sflag:s16], $0x6400  }
0x26: {  	[sflag:s16] =	ssyncset.done $0x0  }
0x27: {  	s18 =	simm.s32 $0x4D0;
	[sflag:s16] =	ssyncadd.s32 $0xFFFF9C00  }
0x28: {  	v2 =	vld [tilespmem:s18+$0xFFFFFFF0]  }
0x29: {  	v3 =	vld [tilespmem:s18+$0x10]  }
0x2a: {  	v5 =	vld.idx.msk [tilespmem:v0+s14+$0x0], $0xffff  }
0x2b: {  	v0 =	vld [tilespmem:s18+$0xFFFFFFE0]  }
0x2c: {  	v6 =	vld [tilespmem:s18+$0x0];
	_ =	sdelay $0x3  }
0x2d: {  	s31 =	simm.s32 $0x1;
	v1 =	vmul.f32 v0, v5;
	v4 =	vmul.f32 v3, v5  }
0x2e: {  	s19 =	simm.s32 $0x2;
	s20 =	simm.s32 $0x4D0;
	v0 =	vmov s31;
	v3 =	vmul.f32 v2, v5;
	v2 =	vmul.f32 v6, v5  }
.LBB2_3:
0x2f: {  	p1 =	sne.s32 s19, $0x18F  }
0x30: {  	[tilespmem:s18+$0x10] =	vst v4;
	s20 =	sadd.s32 $0x40, s20;
	s21 =	smov.u32 s19;
	s19 =	sadd.s32 $0x1, s19  }
0x31: {  	[tilespmem:s18+$0xFFFFFFE0] =	vst v1  }
0x32: {  	v5 =	vld [tilespmem:s20+$0xFFFFFFF0];
	[tilespmem:s18+$0xFFFFFFF0] =	vst v3  }
0x33: {  	v3 =	vld [tilespmem:s20+$0x10];
	[tilespmem:s18+$0x0] =	vst v2;
	s18 =	smov.u32 s20  }
0x34: {  	v2 =	vld.idx.msk [tilespmem:v0+s14+$0x0], $0xffff  }
0x35: {  	v0 =	vld [tilespmem:s20+$0xFFFFFFE0]  }
0x36: {  	v6 =	vld [tilespmem:s20+$0x0]  }
.Ltmp0:
0x37: {  	(pc) =	sbr.rel @p1 .LBB2_3-.Ltmp0, $3  }
0x38: {  	_ =	sdelay $0x1  }
0x39: {  	v4 =	vmul.f32 v3, v2;
	v1 =	vmul.f32 v0, v2  }
0x3a: {  	v3 =	vmul.f32 v5, v2;
	v0 =	vmov s21;
	v2 =	vmul.f32 v6, v2  }
0x3b: {  	[tilespmem:s18+$0x10] =	vst v4  }
0x3c: {  	s19 =	sadd.s32 $0x40, s20;
	[tilespmem:s18+$0xFFFFFFE0] =	vst v1  }
0x3d: {  	v1 =	vld [tilespmem:s19+$0xFFFFFFF0];
	[tilespmem:s18+$0xFFFFFFF0] =	vst v3  }
0x3e: {  	v3 =	vld [tilespmem:s19+$0x10];
	[tilespmem:s18+$0x0] =	vst v2  }
0x3f: {  	v0 =	vld.idx.msk [tilespmem:v0+s14+$0x0], $0xffff  }
0x40: {  	v2 =	vld [tilespmem:s19+$0xFFFFFFE0];
	_ =	sdelay $0x1  }
0x41: {  	v4 =	vld [tilespmem:s19+$0x0];
	_ =	sdelay $0x1  }
0x42: {  	v3 =	vmul.f32 v3, v0  }
0x43: {  	v2 =	vmul.f32 v2, v0  }
0x44: {  	v1 =	vmul.f32 v1, v0;
	[tilespmem:s19+$0x10] =	vst v3  }
0x45: {  	s17 =	sadd.s32 $0x1, s17;
	v0 =	vmul.f32 v4, v0;
	[tilespmem:s19+$0xFFFFFFE0] =	vst v2  }
0x46: {  	p1 =	sne.s32 s17, $0x19;
	[tilespmem:s19+$0xFFFFFFF0] =	vst v1  }
.Ltmp1:
0x47: {  	[tilespmem:s19+$0x0] =	vst v0;
	(pc) =	sbr.rel @p1 .LBB2_2-.Ltmp1, $4  }
0x48: {  	[spmem:s1] =	stream.indirect.scatter.add.f32 [tilespmem:s15], [sflag:$0x2], $0x40, s13, s13, $0xb8;
	[tilespmem:$0x104F0] =	vst v63  }
0x49: {  	_ =	swait.ge [sflag:s12], $0x6400  }
0x4a: {  	[sflag:s12] =	ssyncset.done $0x0  }
0x4b: {  	[sflag:s12] =	ssyncadd.s32 $0xFFFF9C00  }
0x4c: {  	[bflag:$0x0] =	sbarrier.arrive $0xFFFF;
	s17 =	simm.s32 @!p0 $0x1C02;
	s2 =	sadd.s32 $0x1, s2  }
0x4d: {  	[hbm:s9], [sflag:s17] =	dma.local @!p0 [spmem:s11], $0x13880  }
0x4e: {  	p1 =	sne.s32 s2, s10  }
.Ltmp2:
0x4f: {  	_ = 	snop;
	(pc) =	sbr.rel @p1 .LBB2_1-.Ltmp2, $4  }
0x50: {  	s17 =	simm.s32 @!p0 $0x2  }
0x51: {  	_ =	swait.ge @!p0 [sflag:s17], $0x13880  }
0x52: {  	[sflag:s17] =	ssyncset.done @!p0 $0x0  }
0x53: {  	[sflag:s17] =	ssyncadd.s32 @!p0 $0xFFFEC780  }
0x54: {  	_ =	sfence.sel $0x180000  }
0x55: {  	[bflag:$0x0] =	sbarrier.arrive $0xFFFF  }
0x56: {  	_ =	strace $0x90000065  }
0x57: {  	s0 =	sadd.s32 @!p0 $0x100000, s0;
	[bflag:$0x2] =	sbarrier.arrive $0xFFFF  }
0x58: {  	[sflag:s0] =	ssyncadd.tile.s32 @!p0 $0x1;
	_ =	shalt  }
.Lfunc_end2:
_tile_overlayer_lowered:
.L_overlay_start_2:
0x59: {  	(tag) =	ssettag $0x2  }
0x5a: {  	s0 =	rddreg [dreg:$0x0];
	s2 =	stileid.u32  }
0x5b: {  	s1 =	rddreg [dreg:$0x1];
	p0 =	sne.s32 s2, $0x0  }
0x5c: {  	s3 =	rddreg [dreg:$0x2];
	[bflag:$0x3] =	sbarrier.arrive $0xFFFF;
	s2 =	simm.s32 @!p0 $0x1C02  }
0x5d: {  	[timem:s3], [sflag:s2] =	dma.local @!p0 [hbm:s0], s1  }
0x5e: {  	s0 =	simm.s32 @!p0 $0x2  }
0x5f: {  	_ =	swait.ge @!p0 [sflag:s0], s1  }
0x60: {  	s1 =	ssub.s32 @!p0 $0x0, s1;
	[sflag:s0] =	ssyncset.done @!p0 $0x0  }
0x61: {  	[sflag:s0] =	ssyncadd.s32 @!p0 s1  }
0x62: {  	[bflag:$0x3] =	sbarrier.arrive $0xFFFF  }
0x63: {  	_ =	shalt  }

// kernel: sparse-core-data-format-call.cloned.1.call-start
scs
called_computation_lowered:
.L_overlay_start_0:
0x0: {  	s1 =	sld [smem:$0x3FD9]  }
0x1: {  	s2 =	sld [smem:$0x3FFE];
	_ =	sdelay $0x1  }
0x2: {  	s3 =	srdreg.scid  }
0x3: {  	s0 =	sand.u32 $0x1, s3  }
0x4: {  	s17 =	sshll.u32 s0, $0xA;
	s1 =	sadd.s32 s2, s1  }
0x5: {  	s1 =	sadd.s32 s1, s17  }
0x6: {  	[smem:$0x3FAF] =	sst s1  }
0x7: {  	_ = 	snop  }
0x8: {  	(tm) =	ssettm $0x1  }
0x9: {  	s18 =	sld [smem:$0x3FFB];
	_ =	sdelay $0x3  }
0xa: {  	_ =	strace s18  }
0xb: {  	s1 =	sld [smem:$0x3FFC];
	_ =	sdelay $0x3  }
0xc: {  	_ =	strace s1  }
0xd: {  	s1 =	sld [smem:$0x3FFD];
	_ =	sdelay $0x3  }
0xe: {  	_ =	strace s1  }
0xf: {  	_ =	strace $0x8FFFFFFF  }
0x10: {  	s19 =	sld [smem:$0x3FDB];
	_ =	sdelay $0x1  }
0x11: {  	s20 =	simm.s32 $_scs_section_size  }
0x12: {  	s4 =	simm.s32 $_size__tile_overlayer_lowered;
	s5 =	simm.s32 $_tile_overlayer_lowered  }
0x13: {  	s23 =	simm.s32 $0x1BFF;
	s22 =	sshll.u32 s5, $0x1;
	s1 =	sadd.s32 s20, s19  }
0x14: {  	s6 =	simm.s32 $0x0;
	s21 =	sshll.u32 s4, $0x1;
	s4 =	sadd.s32 s22, s1  }
0x15: {  	[timem:s6], [sflag:s23] =	dma.local [hbm:s4], s21  }
0x16: {  	_ =	swait.ge [sflag:s23], s21  }
0x17: {  	s2 =	ssub.s32 $0x0, s21;
	[sflag:s23] =	ssyncset.done $0x0  }
0x18: {  	[sflag:s23] =	ssyncadd.s32 s2;
	_ =	sdelay $0x1  }
0x19: {  	s24 =	simm.s32 $0x1B8B  }
0x1a: {  	_ =	swait.ge [sflag:s24], $0x1  }
0x1b: {  	[sflag:s24] =	ssyncset.done $0x0  }
0x1c: {  	s26 =	simm.s32 $0x1B8E;
	s25 =	sld [smem:$0x3FFE];
	[sflag:s24] =	ssyncadd.s32 $0xFFFFFFFF  }
0x1d: {  	s27 =	simm.s32 $execute0_lowered;
	[smem:$0x3FD2] =	sst s26  }
0x1e: {  	s4 =	sshll.u32 s27, $0x1;
	_ =	strace $0x8000004F;
	[dreg:$0x1] =	wrdreg $0xFFFFFFFF  }
0x1f: {  	s28 =	simm.s32 $_size_execute0_lowered;
	s1 =	sadd.s32 s1, s4;
	[dreg:$0x0] =	wrdreg $0x0  }
0x20: {  	s4 =	sshll.u32 s28, $0x1;
	[dreg:$0x2] =	wrdreg s1  }
0x21: {  	[dreg:$0x3] =	wrdreg s4  }
0x22: {  	[dreg:$0x4] =	wrdreg $0xC0  }
0x23: {  	_ =	task [dreg:s6], $0x5FFFF  }
0x24: {  	[dreg:$0x1] =	wrdreg $0xFFFFFFFF  }
0x25: {  	[dreg:$0x0] =	wrdreg $0x60  }
0x26: {  	[dreg:$0x2] =	wrdreg s25  }
0x27: {  	[dreg:$0x3] =	wrdreg $0x9  }
0x28: {  	_ =	task.clear_ibuf [dreg:s6], $0x4FFFF;
	_ =	strace $0x9000004F  }
0x29: {  	s29 =	simm.s32 $0x9;
	_ =	strace $0x80000051  }
0x2a: {  	_ =	swait.ge [sflag:s29], $0x1  }
0x2b: {  	[sflag:s29] =	ssyncadd.s32 $0xFFFFFFFF  }
0x2c: {  	_ =	strace $0x90000051  }
0x2d: {  	_ =	sfence  }
0x2e: {  	s30 =	sld [smem:$0x0];
	_ =	sdelay $0x2  }
0x2f: {  	s31 =	sshll.u32 s3, $0xD;
	s3 =	sshrl.u32 s3, $0x2  }
0x30: {  	s2 =	sand.u32 $0x4000, s31;
	s1 =	sadd.s32 s3, s30  }
0x31: {  	s0 =	sor.u32 s2, s0;
	s1 =	sshll.u32 s1, $0x11  }
0x32: {  	s0 =	sor.u32 s1, s0  }
0x33: {  	s0 =	sadd.s32 $0x8F2B, s0  }
0x34: {  	[sflag:s0] =	ssyncadd.remote.s32 $0x1  }
0x35: {  	_ =	sfence.sel $0xFFFF  }
0x36: {  	[dreg:$0x0] =	wrdreg $0xFFFFFFFF;
	(pc) =	sbr.abs _section_cstart, $3  }
0x37: {  	[dreg:$0x1] =	wrdreg $0xFFFFFFFF  }
0x38: {  	_ =	task.clear_ibuf [dreg:s6], $0x2FFFF;
	_ =	strace $0x9FFFFFFF  }
0x39: {  	(tm) =	ssettm $0x7FFFFFFF  }
tec
execute0_lowered:
.L_overlay_start_1:
0x0: {  	(tag) =	ssettag $0x1  }
0x1: {  	s0 =	srdreg.scid  }
0x2: {  	s1 =	sshll.u32 s0, $0x4  }
0x3: {  	s4 =	rddreg [dreg:$0x0];
	s0 =	stileid.u32;
	s1 =	sand.u32 $0x10, s1  }
0x4: {  	s7 =	simm.s32 $0x1;
	s8 =	simm.s32 $0x2;
	s2 =	sor.u32 s0, s1  }
0x5: {  	s9 =	simm.s32 $0x0;
	s12 =	simm.s32 $0x0;
	s2 =	sshll.u32 s2, $0x3  }
0x6: {  	s11 =	simm.s32 $0x0;
	s3 =	sadd.s32 $0xF4A600, s4;
	s6 =	ssub.s32 $0x9C40, s2  }
.Ltmp0:
0x7: {  	s4 =	sadd.s32 $0xA4600, s4;
	s5 =	sand.u32 $0xF8, s6;
	(pc) =	sbr.rel .LBB1_1-.Ltmp0, $4  }
0x8: {  	s1 =	rddreg [dreg:$0x1];
	_ =	strace $0x80000050;
	p0 =	sne.s32 s5, $0x0  }
0x9: {  	s6 =	sshrl.u32 s6, $0x8;
	s5 =	simm.s32 $0x1;
	s7 =	simm.s32 @!p0 $0x0  }
0xa: {  	s10 =	smov.u32 s2;
	[sflag:s5] =	ssyncpa.u1 $0x0;
	s6 =	sadd.s32 s7, s6  }
0xb: {  	[sflag:s8] =	ssyncpa.u1 $0x0;
	s8 =	simm.s32 $0x0;
	s7 =	sadd.s32 $0x1, s6  }
.LBB1_9:
0xc: {  	s14 =	sadd.s32 $0x100, s10  }
0xd: {  	p1 =	sgt.s32 s14, $0x9C3F  }
0xe: {  	s14 =	smov.u32 @p1 s2;
	p1 =	sne.s32 s11, s7  }
.Ltmp1:
0xf: {  	p0 =	slt.u32 s11, $0x2;
	(pc) =	sbr.rel @!p1 .LBB1_10-.Ltmp1, $4  }
0x10: {  	s13 =	simm.s32 @!p0 $0x2  }
0x11: {  	s15 =	sadd.s32 $0x1, s11;
	_ =	swait.ge @!p0 [sflag:s13], $0x4000  }
0x12: {  	s12 =	smov.u32 s10;
	s9 =	sadd.s32 $0x4000, s9;
	[sflag:s13] =	ssyncset.done @!p0 $0x0  }
0x13: {  	s11 =	smov.u32 s15;
	s10 =	smov.u32 s14;
	[sflag:s13] =	ssyncadd.s32 @!p0 $0xFFFFC000  }
.LBB1_1:
0x14: {  	p0 =	sge.u32 s11, s6  }
0x15: {  	s13 =	sxor.u32 @!p0 $0xFFFFFFFF, s11  }
0x16: {  	s31 =	sadd.s32 $0xFFFFFFFF, s11;
	s14 =	sshll.u32 @!p0 s10, $0x8;
	s13 =	sshll.u32 @!p0 s13, $0xE  }
0x17: {  	s15 =	simm.s32 @!p0 $0x0;
	s14 =	sadd.s32 @!p0 s3, s14;
	s13 =	sand.u32 @!p0 $0x4000, s13  }
0x18: {  	[tilespmem:s13], [sflag:$0x1] =	stream.linear.gather @!p0 [hbm4b:s14+s15], $0x4000, $0x38;
	[tilespmem:$0x10000] =	vst v63  }
0x19: {  	p0 =	sge.u32 s31, s6  }
.Ltmp2:
0x1a: {  	_ = 	snop;
	(pc) =	sbr.rel @p0 .LBB1_9-.Ltmp2, $1  }
0x1b: {  	_ =	sdelay $0x3  }
0x1c: {  	s13 =	sshll.u32 s9, $0x2;
	_ =	swait.ge [sflag:s5], $0x4000;
	s14 =	sshll.u32 s11, $0xE  }
0x1d: {  	s16 =	simm.s32 $0x0;
	s17 =	simm.s32 $0x0;
	s15 =	sand.u32 $0x10000, s13  }
0x1e: {  	[sflag:s5] =	ssyncset.done $0x0;
	s31 =	sand.u32 $0x4000, s14;
	s14 =	sshrl.u32 s15, $0x2  }
0x1f: {  	[sflag:s5] =	ssyncadd.s32 $0xFFFFC000;
	s13 =	sor.u32 $0x8000, s31;
	s15 =	sor.u32 $0x8000, s14  }
.LBB1_3:
0x20: {  	s18 =	sshra.s32 s16, $0x2  }
0x21: {  	v0 =	vmov s18;
	_ =	sdelay $0x3  }
0x22: {  	p1 =	por $0x1, $0x1;
	s18 =	simm.s32 $0x0  }
.LBB1_4:
0x23: {  	_ = 	snop  }
0x24: {  	s19 =	sshll.u32 s18, $0xA  }
0x25: {  	s19 =	sand.u32 $0x3FFFFC00, s19  }
0x26: {  	s19 =	sadd.s32 s19, s14  }
0x27: {  	v5 =	vld.idx.msk [tilespmem:v0+s19+$0x70 ss:$0x1], $0xffff  }
0x28: {  	v6 =	vld.idx.msk [tilespmem:v0+s19+$0x10 ss:$0x1], $0xffff  }
0x29: {  	v7 =	vld.idx.msk [tilespmem:v0+s19+$0x20 ss:$0x1], $0xffff  }
0x2a: {  	s31 =	sshll.u32 s18, $0x7;
	v1 =	vld.idx.msk [tilespmem:v0+s19+$0x30 ss:$0x1], $0xffff  }
0x2b: {  	s18 =	sand.u32 $0x3FFFFF80, s31;
	v2 =	vld.idx.msk [tilespmem:v0+s19+$0x40 ss:$0x1], $0xffff  }
0x2c: {  	s18 =	sadd.s32 s18, s15;
	v3 =	vld.idx.msk [tilespmem:v0+s19+$0x50 ss:$0x1], $0xffff  }
0x2d: {  	v4 =	vld.idx.msk [tilespmem:v0+s19+$0x60 ss:$0x1], $0xffff;
	[tilespmem:v0+s18+$0x70 ss:$0x1] =	vst.idx.msk $0xffff, v5  }
0x2e: {  	v5 =	vld.idx.msk [tilespmem:v0+s19+$0x0 ss:$0x1], $0xffff;
	[tilespmem:v0+s18+$0x10 ss:$0x1] =	vst.idx.msk $0xffff, v6;
	s19 =	sadd.s32 $0x80, s19  }
0x2f: {  	p0 =	por p1, p1;
	s20 =	simm.s32 $0x6;
	[tilespmem:v0+s18+$0x20 ss:$0x1] =	vst.idx.msk $0xffff, v7;
	v6 =	vld.idx.msk [tilespmem:v0+s19+$0x70 ss:$0x1], $0xffff  }
.LBB1_5:
0x30: {  	p1 =	sne.s32 s20, $0x1;
	v7 =	vld.idx.msk [tilespmem:v0+s19+$0x10 ss:$0x1], $0xffff;
	[tilespmem:v0+s18+$0x30 ss:$0x1] =	vst.idx.msk $0xffff, v1  }
0x31: {  	v8 =	vld.idx.msk [tilespmem:v0+s19+$0x20 ss:$0x1], $0xffff;
	[tilespmem:v0+s18+$0x40 ss:$0x1] =	vst.idx.msk $0xffff, v2  }
0x32: {  	v1 =	vld.idx.msk [tilespmem:v0+s19+$0x30 ss:$0x1], $0xffff;
	[tilespmem:v0+s18+$0x50 ss:$0x1] =	vst.idx.msk $0xffff, v3  }
.Ltmp3:
0x33: {  	v2 =	vld.idx.msk [tilespmem:v0+s19+$0x40 ss:$0x1], $0xffff;
	[tilespmem:v0+s18+$0x60 ss:$0x1] =	vst.idx.msk $0xffff, v4;
	(pc) =	sbr.rel @p1 .LBB1_5-.Ltmp3, $4  }
0x34: {  	v3 =	vld.idx.msk [tilespmem:v0+s19+$0x50 ss:$0x1], $0xffff;
	[tilespmem:v0+s18+$0x0 ss:$0x1] =	vst.idx.msk $0xffff, v5;
	s18 =	sadd.s32 $0x100, s18  }
0x35: {  	v4 =	vld.idx.msk [tilespmem:v0+s19+$0x60 ss:$0x1], $0xffff;
	[tilespmem:v0+s18+$0x70 ss:$0x1] =	vst.idx.msk $0xffff, v6  }
0x36: {  	v5 =	vld.idx.msk [tilespmem:v0+s19+$0x0 ss:$0x1], $0xffff;
	[tilespmem:v0+s18+$0x10 ss:$0x1] =	vst.idx.msk $0xffff, v7;
	s19 =	sadd.s32 $0x80, s19  }
0x37: {  	s20 =	sadd.s32 $0xFFFFFFFF, s20;
	v6 =	vld.idx.msk [tilespmem:v0+s19+$0x70 ss:$0x1], $0xffff;
	[tilespmem:v0+s18+$0x20 ss:$0x1] =	vst.idx.msk $0xffff, v8  }
0x38: {  	_ =	sdelay $0x3  }
0x39: {  	[tilespmem:v0+s18+$0x30 ss:$0x1] =	vst.idx.msk $0xffff, v1  }
0x3a: {  	v1 =	vld.idx.msk [tilespmem:v0+s19+$0x10 ss:$0x1], $0xffff;
	[tilespmem:v0+s18+$0x40 ss:$0x1] =	vst.idx.msk $0xffff, v2  }
0x3b: {  	v2 =	vld.idx.msk [tilespmem:v0+s19+$0x20 ss:$0x1], $0xffff;
	[tilespmem:v0+s18+$0x50 ss:$0x1] =	vst.idx.msk $0xffff, v3  }
0x3c: {  	v61 =	vld.idx.msk [tilespmem:v0+s19+$0x40 ss:$0x1], $0xffff;
	[tilespmem:v0+s18+$0x60 ss:$0x1] =	vst.idx.msk $0xffff, v4  }
0x3d: {  	s31 =	sadd.s32 $0x100, s18;
	v62 =	vld.idx.msk [tilespmem:v0+s19+$0x50 ss:$0x1], $0xffff;
	[tilespmem:v0+s18+$0x0 ss:$0x1] =	vst.idx.msk $0xffff, v5  }
0x3e: {  	v63 =	vld.idx.msk [tilespmem:v0+s19+$0x60 ss:$0x1], $0xffff;
	[tilespmem:v0+s31+$0x70 ss:$0x1] =	vst.idx.msk $0xffff, v6  }
0x3f: {  	v3 =	vld.idx.msk [tilespmem:v0+s19+$0x30 ss:$0x1], $0xffff;
	[tilespmem:v0+s31+$0x10 ss:$0x1] =	vst.idx.msk $0xffff, v1  }
0x40: {  	v1 =	vld.idx.msk [tilespmem:v0+s19+$0x0 ss:$0x1], $0xffff;
	[tilespmem:v0+s31+$0x20 ss:$0x1] =	vst.idx.msk $0xffff, v2  }
.Ltmp4:
0x41: {  	[tilespmem:v0+s31+$0x40 ss:$0x1] =	vst.idx.msk $0xffff, v61;
	(pc) =	sbr.rel @p0 .LBB1_4-.Ltmp4, $4  }
0x42: {  	[tilespmem:v0+s31+$0x50 ss:$0x1] =	vst.idx.msk $0xffff, v62  }
0x43: {  	[tilespmem:v0+s31+$0x60 ss:$0x1] =	vst.idx.msk $0xffff, v63  }
0x44: {  	[tilespmem:v0+s31+$0x30 ss:$0x1] =	vst.idx.msk $0xffff, v3  }
0x45: {  	p1 =	por $0x0, $0x0;
	s18 =	simm.s32 $0x1;
	[tilespmem:v0+s31+$0x0 ss:$0x1] =	vst.idx.msk $0xffff, v1  }
0x46: {  	s17 =	sadd.s32 $0x1, s17  }
0x47: {  	p0 =	sne.s32 s17, $0x8  }
.Ltmp5:
0x48: {  	_ = 	snop;
	(pc) =	sbr.rel @p0 .LBB1_3-.Ltmp5, $2  }
0x49: {  	_ =	sdelay $0x2  }
0x4a: {  	s16 =	sadd.s32 $0x2000, s16  }
.Ltmp6:
0x4b: {  	(pc) =	sbr.rel .LBB1_9-.Ltmp6, $4  }
0x4c: {  	_ = 	snop  }
0x4d: {  	s12 =	sshll.u32 s12, $0x8  }
0x4e: {  	s12 =	sadd.s32 s4, s12  }
0x4f: {  	[hbm4b:s12+s8] =	stream.linear.scatter [tilespmem:s13], [sflag:$0x2], $0x4000, $0x38;
	[tilespmem:$0x10000] =	vst v63  }
.LBB1_10:
0x50: {  	_ =	sfence.sel $0x180000  }
0x51: {  	s2 =	simm.s32 $0x1;
	[bflag:$0x0] =	sbarrier.arrive $0xFFFF  }
0x52: {  	s31 =	simm.s32 $0x2;
	[sflag:s2] =	ssyncpa.u1 $0x1  }
0x53: {  	[sflag:s31] =	ssyncpa.u1 $0x1  }
0x54: {  	p0 =	sne.s32 s0, $0x0;
	_ =	strace $0x90000050  }
0x55: {  	s0 =	sadd.s32 @!p0 $0x100000, s1;
	[bflag:$0x2] =	sbarrier.arrive $0xFFFF  }
0x56: {  	[sflag:s0] =	ssyncadd.tile.s32 @!p0 $0x1;
	_ =	shalt  }
.Lfunc_end1:
_tile_overlayer_lowered:
.L_overlay_start_2:
0x57: {  	(tag) =	ssettag $0x2  }
0x58: {  	s0 =	rddreg [dreg:$0x0];
	s2 =	stileid.u32  }
0x59: {  	s1 =	rddreg [dreg:$0x1];
	p0 =	sne.s32 s2, $0x0  }
0x5a: {  	s3 =	rddreg [dreg:$0x2];
	[bflag:$0x3] =	sbarrier.arrive $0xFFFF;
	s2 =	simm.s32 @!p0 $0x1C01  }
0x5b: {  	[timem:s3], [sflag:s2] =	dma.local @!p0 [hbm:s0], s1  }
0x5c: {  	s0 =	simm.s32 @!p0 $0x1  }
0x5d: {  	_ =	swait.ge @!p0 [sflag:s0], s1  }
0x5e: {  	s1 =	ssub.s32 @!p0 $0x0, s1;
	[sflag:s0] =	ssyncset.done @!p0 $0x0  }
0x5f: {  	[sflag:s0] =	ssyncadd.s32 @!p0 s1  }
0x60: {  	[bflag:$0x3] =	sbarrier.arrive $0xFFFF  }
0x61: {  	_ =	shalt  }

</sc_bundles>
